<compile_context>
chip_gen: v7x
topology: tpu7x:2x2x1
jax: 0.10.2.dev20260603
libtpu: 0.0.44.dev20260713+nightly
codegen_flags: <defaults>
</compile_context>

<pallas_src>
import functools

import jax
import jax.numpy as jnp
from jax import lax
from jax.experimental import pallas as pl
from jax.experimental.pallas import tpu as pltpu
from jax.experimental.pallas import tpu_sc as plsc

BOARD_LEN = 10
N_OCC = 92
N_PIECE_ID = 82
N_CH = 96
N_OUT_CH = N_CH + N_PIECE_ID
L = 16
BC = 128
GPC = BC // L
CPJ_SHIFT = 5


def _cell_of(j):
    off = ((j >= 42).astype(jnp.int32) + (j >= 44).astype(jnp.int32)
           + (j >= 48).astype(jnp.int32) + (j >= 50).astype(jnp.int32))
    return j + 2 * off


def _rc_of(j):
    cell = _cell_of(j)
    return cell // BOARD_LEN, cell % BOARD_LEN


def _sc_kernel(x_hbm, p_hbm, out_hbm, p_t,
               cb0, cb1, cb2, cb3, o_t0, o_t1, sv0, sv1,
               si0, si1, si2, si3, sc0, sc1, sc2, sc3, so0, so1):
    batch = x_hbm.shape[3]
    cpj = batch // BC
    wid = lax.axis_index("s") * 2 + lax.axis_index("c")

    three = wid < 28
    nj = jnp.where(three, 3, 2)
    j0 = jnp.where(three, 3 * wid, 84 + 2 * (wid - 28))
    total = nj * cpj

    cbs = (cb0, cb1, cb2, cb3)
    sis, scs = (si0, si1, si2, si3), (sc0, sc1, sc2, sc3)
    os_, svs, sos = (o_t0, o_t1), (sv0, sv1), (so0, so1)
    lane = jnp.arange(L, dtype=jnp.int32)
    zeros = jnp.zeros((L,), jnp.float32)
    ones = jnp.ones((L,), jnp.float32)

    def chunk_coords(g):
        jj = lax.shift_right_logical(g, CPJ_SHIFT)
        k = lax.bitwise_and(g, cpj - 1)
        return j0 + jj, k

    def start_chan_in(g, buf, sem):
        j, k = chunk_coords(g)
        r, c = _rc_of(j)
        pltpu.async_copy(x_hbm.at[r, c, :, pl.ds(k * BC, BC)], buf, sem)

    for par in (0, 1):
        def zrow(rr, _, o_t=os_[par]):
            rows = jnp.full((L,), rr, jnp.int32)
            for g in range(GPC):
                plsc.store_scatter(o_t, [rows, lane + L * g], zeros)
            return 0
        lax.fori_loop(0, N_PIECE_ID, zrow, 0)

    for i in (0, 1):
        start_chan_in(i, cbs[i], sis[i])

    def quad(q, _):
        for i in range(4):
            g = 4 * q + i
            p2 = i & 1
            o_t, sv = os_[p2], svs[p2]
            j, k = chunk_coords(g)
            r, c = _rc_of(j)

            @pl.when(g < total)
            def _():
                @pl.when(k == 0)
                def _():
                    pltpu.sync_copy(p_hbm.at[r, c, :], p_t)

                nxt = (i + 2) & 3

                @pl.when(g + 2 < total)
                def _():
                    @pl.when(g >= 2)
                    def _():
                        pltpu.make_async_copy(
                            cbs[nxt], out_hbm.at[j, 0:N_CH, pl.ds(0, BC)],
                            scs[nxt]).wait()
                    start_chan_in(g + 2, cbs[nxt], sis[nxt])

                @pl.when(g >= 2)
                def _():
                    pltpu.make_async_copy(
                        o_t, out_hbm.at[j, N_CH:N_OUT_CH, pl.ds(0, BC)],
                        sos[p2]).wait()
                    for gg in range(GPC):
                        pv_old = sv[pl.ds(gg * L, L)]
                        plsc.store_scatter(o_t, [pv_old, lane + L * gg],
                                           zeros)

                for gg in range(GPC):
                    pv = p_t[pl.ds(k * BC + gg * L, L)]
                    sv[pl.ds(gg * L, L)] = pv
                    plsc.store_scatter(o_t, [pv, lane + L * gg], ones)

                pltpu.async_copy(
                    o_t, out_hbm.at[j, N_CH:N_OUT_CH, pl.ds(k * BC, BC)],
                    sos[p2])

                pltpu.make_async_copy(
                    x_hbm.at[r, c, :, pl.ds(k * BC, BC)], cbs[i],
                    sis[i]).wait()
                pltpu.async_copy(
                    cbs[i], out_hbm.at[j, 0:N_CH, pl.ds(k * BC, BC)], scs[i])
        return 0

    lax.fori_loop(0, (total + 3) // 4, quad, 0)

    for i in range(4):
        pltpu.make_async_copy(
            cbs[i], out_hbm.at[0, 0:N_CH, pl.ds(0, BC)], scs[i]).wait()
    for par in (0, 1):
        pltpu.make_async_copy(
            os_[par], out_hbm.at[0, N_CH:N_OUT_CH, pl.ds(0, BC)],
            sos[par]).wait()


def kernel(infostate_tensor, piece_ids, piece_id_onehot):
    del piece_id_onehot
    B = infostate_tensor.shape[0]
    xt = jnp.transpose(infostate_tensor, (2, 3, 1, 0))
    pt = jnp.transpose(piece_ids.astype(jnp.int32), (1, 2, 0))

    run = functools.partial(
        pl.kernel,
        out_type=jax.ShapeDtypeStruct((N_OCC, N_OUT_CH, B), jnp.float32),
        mesh=plsc.VectorSubcoreMesh(core_axis_name="c", subcore_axis_name="s"),
        compiler_params=pltpu.CompilerParams(
            use_tc_tiling_on_sc=True, needs_layout_passes=False
        ),
        scratch_types=[
            pltpu.VMEM((B,), jnp.int32),
            pltpu.VMEM((N_CH, BC), jnp.float32),
            pltpu.VMEM((N_CH, BC), jnp.float32),
            pltpu.VMEM((N_CH, BC), jnp.float32),
            pltpu.VMEM((N_CH, BC), jnp.float32),
            pltpu.VMEM((N_PIECE_ID, BC), jnp.float32),
            pltpu.VMEM((N_PIECE_ID, BC), jnp.float32),
            pltpu.VMEM((BC,), jnp.int32),
            pltpu.VMEM((BC,), jnp.int32),
            pltpu.SemaphoreType.DMA,
            pltpu.SemaphoreType.DMA,
            pltpu.SemaphoreType.DMA,
            pltpu.SemaphoreType.DMA,
            pltpu.SemaphoreType.DMA,
            pltpu.SemaphoreType.DMA,
            pltpu.SemaphoreType.DMA,
            pltpu.SemaphoreType.DMA,
            pltpu.SemaphoreType.DMA,
            pltpu.SemaphoreType.DMA,
        ],
    )(_sc_kernel)
    out = run(xt, pt)
    return jnp.transpose(out, (2, 0, 1))

# --- scband reference (transcript-rebuilt; emitter-appended) ---
"""Pipeline reference for scband-feature-orchestrator-85246510891614 (READ-ONLY COPY).

The authoritative reference and input builder live on the scoring server;
editing this copy changes nothing except your own understanding.
"""

import jax, jax.numpy as jnp
import numpy as np

BOARD_LEN = 10
N_BOARD_CELL = 100
LAKE_INDICES = np.array([42, 43, 46, 47, 52, 53, 56, 57])
N_OCCUPIABLE_CELL = 92
N_PIECE_ID = 82
NUM_BOARD_STATE_CHANNELS = 64
PLANE_HISTORY_LEN = 32
BATCH = 4096

PLANE_MASK = np.ones(NUM_BOARD_STATE_CHANNELS, dtype=bool)  # all feature flags enabled -> keep all planes
CELL_MASK = np.ones(N_BOARD_CELL, dtype=bool)
CELL_MASK[LAKE_INDICES] = False
assert CELL_MASK.sum() == N_OCCUPIABLE_CELL


def setup_inputs(seed: int = 0) -> dict:
    key = jax.random.key(seed)
    k1, k2 = jax.random.split(key)
    infostate_tensor = jax.random.uniform(
        k1, (BATCH, NUM_BOARD_STATE_CHANNELS + PLANE_HISTORY_LEN, BOARD_LEN, BOARD_LEN), dtype=jnp.float32
    )
    piece_ids = jax.random.randint(k2, (BATCH, BOARD_LEN, BOARD_LEN), 0, N_PIECE_ID)
    piece_id_onehot = jnp.eye(N_PIECE_ID, dtype=jnp.float32)  # registered buffer
    return {
        "infostate_tensor": infostate_tensor,
        "piece_ids": piece_ids,
        "piece_id_onehot": piece_id_onehot,
    }


def reference(infostate_tensor, piece_ids, piece_id_onehot):
    # boardstate planes, filtered by plane_mask (all True for default config)
    boardstate = infostate_tensor[..., :NUM_BOARD_STATE_CHANNELS, :, :]
    boardstate = boardstate[..., PLANE_MASK, :, :]
    # last plane_history_len move-history planes
    move_hist = infostate_tensor[..., NUM_BOARD_STATE_CHANNELS:, :, :][..., -PLANE_HISTORY_LEN:, :, :]
    x = jnp.concatenate([boardstate, move_hist], axis=-3)
    # piece-id one-hot embedding lookup: (B, 10, 10) -> (B, 10, 10, N_PIECE_ID)
    emb = jnp.take(piece_id_onehot, piece_ids.astype(jnp.int32), axis=0)
    # permute one-hot channel axis to -3: (B, N_PIECE_ID, 10, 10)
    emb = jnp.moveaxis(emb, -1, -3)
    x = jnp.concatenate([x, emb], axis=-3)
    # flatten spatial dims: (B, C, 100)
    x = x.reshape(x.shape[:-2] + (N_BOARD_CELL,))
    # (B, 100, C)
    x = jnp.swapaxes(x, -1, -2)
    # drop lake cells: (B, 92, C)
    x = x[..., CELL_MASK, :]
    return x


if False:  # reference __main__ guard neutralized (emitter)
    out = reference(**setup_inputs())
    print(out.shape)

if __name__ == "__main__":
    import jax
    _d = setup_inputs()
    print(jax.jit(kernel)(*tuple(_d.values())))

</pallas_src>

<mosaic_0001>
#map = affine_map<(d0, d1) -> (0, 0, 0, 0)>
#map1 = affine_map<(d0, d1) -> (0, 0, 0)>
module attributes {stable_mosaic.version = 14 : i64} {
  func.func @_sc_kernel(%arg0: i32, %arg1: i32, %arg2: memref<10x10x96x4096xf32, #tpu.memory_space<hbm>>, %arg3: memref<10x10x4096xi32, #tpu.memory_space<hbm>>, %arg4: memref<92x178x4096xf32, #tpu.memory_space<hbm>>, %arg5: memref<4096xi32, #tpu.memory_space<vmem>>, %arg6: memref<96x128xf32, #tpu.memory_space<vmem>>, %arg7: memref<96x128xf32, #tpu.memory_space<vmem>>, %arg8: memref<96x128xf32, #tpu.memory_space<vmem>>, %arg9: memref<96x128xf32, #tpu.memory_space<vmem>>, %arg10: memref<82x128xf32, #tpu.memory_space<vmem>>, %arg11: memref<82x128xf32, #tpu.memory_space<vmem>>, %arg12: memref<128xi32, #tpu.memory_space<vmem>>, %arg13: memref<128xi32, #tpu.memory_space<vmem>>, %arg14: memref<!tpu.dma_semaphore, #tpu.memory_space<semaphore_mem>>, %arg15: memref<!tpu.dma_semaphore, #tpu.memory_space<semaphore_mem>>, %arg16: memref<!tpu.dma_semaphore, #tpu.memory_space<semaphore_mem>>, %arg17: memref<!tpu.dma_semaphore, #tpu.memory_space<semaphore_mem>>, %arg18: memref<!tpu.dma_semaphore, #tpu.memory_space<semaphore_mem>>, %arg19: memref<!tpu.dma_semaphore, #tpu.memory_space<semaphore_mem>>, %arg20: memref<!tpu.dma_semaphore, #tpu.memory_space<semaphore_mem>>, %arg21: memref<!tpu.dma_semaphore, #tpu.memory_space<semaphore_mem>>, %arg22: memref<!tpu.dma_semaphore, #tpu.memory_space<semaphore_mem>>, %arg23: memref<!tpu.dma_semaphore, #tpu.memory_space<semaphore_mem>>) attributes {dimension_semantics = [#tpu.dimension_semantics<core_parallel>, #tpu.dimension_semantics<subcore_parallel>], iteration_bounds = array<i64: 2, 16>, scalar_prefetch = 0 : i64, scratch_operands = 19 : i64, tpu.core_type = #tpu.core_type<sc_vector_subcore>, window_params = [{transform_indices = #map}, {transform_indices = #map1}, {transform_indices = #map1}]} {
    %mul3A = arith.constant 2 : i32
    %mul3A_0 = arith.muli %arg1, %mul3A : i32
    %add3A = arith.addi %mul3A_0, %arg0 : i32
    %lt3A = arith.constant 28 : i32
    %lt3A_1 = arith.cmpi slt, %add3A, %lt3A : i32
    %jit3A = arith.constant 3 : i32
    %jit3A_2 = arith.constant 2 : i32
    %select_n3A = arith.select %lt3A_1, %jit3A, %jit3A_2 : i32
    %mul3A_3 = arith.constant 3 : i32
    %mul3A_4 = arith.muli %mul3A_3, %add3A : i32
    %sub3A = arith.constant 28 : i32
    %sub3A_5 = arith.subi %add3A, %sub3A : i32
    %mul3A_6 = arith.constant 2 : i32
    %mul3A_7 = arith.muli %mul3A_6, %sub3A_5 : i32
    %add3A_8 = arith.constant 84 : i32
    %add3A_9 = arith.addi %add3A_8, %mul3A_7 : i32
    %select_n3A_10 = arith.select %lt3A_1, %mul3A_4, %add3A_9 : i32
    %mul3A_11 = arith.constant 32 : i32
    %mul3A_12 = arith.muli %select_n3A, %mul3A_11 : i32
    %iota3A = tpu.iota {dimensions = array<i32: 0>} : vector<16xi32>
    %broadcast_in_dim3A = arith.constant 0.000000e+00 : f32
    %broadcast_in_dim3A_13 = vector.broadcast %broadcast_in_dim3A : f32 to vector<16xf32>
    %broadcast_in_dim3A_14 = arith.constant 1.000000e+00 : f32
    %broadcast_in_dim3A_15 = vector.broadcast %broadcast_in_dim3A_14 : f32 to vector<16xf32>
    %scan3A = arith.constant 0 : i32
    %scan3A_16 = arith.constant 0 : i32
    %scan3A_17 = arith.constant 82 : i32
    %scan3A_18 = arith.addi %scan3A_16, %scan3A_17 : i32
    %scan3A_19 = arith.constant 1 : i32
    %scan3A_20 = scf.for %scan3A_255 = %scan3A_16 to %scan3A_18 step %scan3A_19 iter_args(%scan3A_256 = %scan3A) -> (i32)  : i32 {
      %broadcast_in_dim3A_257 = vector.broadcast %scan3A_255 : i32 to vector<16xi32>
      %add3A_258 = arith.constant 0 : i32
      %add3A_259 = vector.broadcast %add3A_258 : i32 to vector<16xi32>
      %add3A_260 = arith.addi %iota3A, %add3A_259 : vector<16xi32>
      tpu.vector_store_idx %arg10[%broadcast_in_dim3A_257, %add3A_260], %broadcast_in_dim3A_13 : memref<82x128xf32, #tpu.memory_space<vmem>>[vector<16xi32>, vector<16xi32>], vector<16xf32>,
      %add3A_261 = arith.constant 16 : i32
      %add3A_262 = vector.broadcast %add3A_261 : i32 to vector<16xi32>
      %add3A_263 = arith.addi %iota3A, %add3A_262 : vector<16xi32>
      tpu.vector_store_idx %arg10[%broadcast_in_dim3A_257, %add3A_263], %broadcast_in_dim3A_13 : memref<82x128xf32, #tpu.memory_space<vmem>>[vector<16xi32>, vector<16xi32>], vector<16xf32>,
      %add3A_264 = arith.constant 32 : i32
      %add3A_265 = vector.broadcast %add3A_264 : i32 to vector<16xi32>
      %add3A_266 = arith.addi %iota3A, %add3A_265 : vector<16xi32>
      tpu.vector_store_idx %arg10[%broadcast_in_dim3A_257, %add3A_266], %broadcast_in_dim3A_13 : memref<82x128xf32, #tpu.memory_space<vmem>>[vector<16xi32>, vector<16xi32>], vector<16xf32>,
      %add3A_267 = arith.constant 48 : i32
      %add3A_268 = vector.broadcast %add3A_267 : i32 to vector<16xi32>
      %add3A_269 = arith.addi %iota3A, %add3A_268 : vector<16xi32>
      tpu.vector_store_idx %arg10[%broadcast_in_dim3A_257, %add3A_269], %broadcast_in_dim3A_13 : memref<82x128xf32, #tpu.memory_space<vmem>>[vector<16xi32>, vector<16xi32>], vector<16xf32>,
      %add3A_270 = arith.constant 64 : i32
      %add3A_271 = vector.broadcast %add3A_270 : i32 to vector<16xi32>
      %add3A_272 = arith.addi %iota3A, %add3A_271 : vector<16xi32>
      tpu.vector_store_idx %arg10[%broadcast_in_dim3A_257, %add3A_272], %broadcast_in_dim3A_13 : memref<82x128xf32, #tpu.memory_space<vmem>>[vector<16xi32>, vector<16xi32>], vector<16xf32>,
      %add3A_273 = arith.constant 80 : i32
      %add3A_274 = vector.broadcast %add3A_273 : i32 to vector<16xi32>
      %add3A_275 = arith.addi %iota3A, %add3A_274 : vector<16xi32>
      tpu.vector_store_idx %arg10[%broadcast_in_dim3A_257, %add3A_275], %broadcast_in_dim3A_13 : memref<82x128xf32, #tpu.memory_space<vmem>>[vector<16xi32>, vector<16xi32>], vector<16xf32>,
      %add3A_276 = arith.constant 96 : i32
      %add3A_277 = vector.broadcast %add3A_276 : i32 to vector<16xi32>
      %add3A_278 = arith.addi %iota3A, %add3A_277 : vector<16xi32>
      tpu.vector_store_idx %arg10[%broadcast_in_dim3A_257, %add3A_278], %broadcast_in_dim3A_13 : memref<82x128xf32, #tpu.memory_space<vmem>>[vector<16xi32>, vector<16xi32>], vector<16xf32>,
      %add3A_279 = arith.constant 112 : i32
      %add3A_280 = vector.broadcast %add3A_279 : i32 to vector<16xi32>
      %add3A_281 = arith.addi %iota3A, %add3A_280 : vector<16xi32>
      tpu.vector_store_idx %arg10[%broadcast_in_dim3A_257, %add3A_281], %broadcast_in_dim3A_13 : memref<82x128xf32, #tpu.memory_space<vmem>>[vector<16xi32>, vector<16xi32>], vector<16xf32>,
      %scan3A_282 = arith.constant 0 : i32
      scf.yield %scan3A_282 : i32
    }
    %scan3A_21 = arith.constant 82 : i32
    %scan3A_22 = arith.constant 0 : i32
    %scan3A_23 = arith.constant 0 : i32
    %scan3A_24 = arith.constant 82 : i32
    %scan3A_25 = arith.addi %scan3A_23, %scan3A_24 : i32
    %scan3A_26 = arith.constant 1 : i32
    %scan3A_27 = scf.for %scan3A_255 = %scan3A_23 to %scan3A_25 step %scan3A_26 iter_args(%scan3A_256 = %scan3A_22) -> (i32)  : i32 {
      %broadcast_in_dim3A_257 = vector.broadcast %scan3A_255 : i32 to vector<16xi32>
      %add3A_258 = arith.constant 0 : i32
      %add3A_259 = vector.broadcast %add3A_258 : i32 to vector<16xi32>
      %add3A_260 = arith.addi %iota3A, %add3A_259 : vector<16xi32>
      tpu.vector_store_idx %arg11[%broadcast_in_dim3A_257, %add3A_260], %broadcast_in_dim3A_13 : memref<82x128xf32, #tpu.memory_space<vmem>>[vector<16xi32>, vector<16xi32>], vector<16xf32>,
      %add3A_261 = arith.constant 16 : i32
      %add3A_262 = vector.broadcast %add3A_261 : i32 to vector<16xi32>
      %add3A_263 = arith.addi %iota3A, %add3A_262 : vector<16xi32>
      tpu.vector_store_idx %arg11[%broadcast_in_dim3A_257, %add3A_263], %broadcast_in_dim3A_13 : memref<82x128xf32, #tpu.memory_space<vmem>>[vector<16xi32>, vector<16xi32>], vector<16xf32>,
      %add3A_264 = arith.constant 32 : i32
      %add3A_265 = vector.broadcast %add3A_264 : i32 to vector<16xi32>
      %add3A_266 = arith.addi %iota3A, %add3A_265 : vector<16xi32>
      tpu.vector_store_idx %arg11[%broadcast_in_dim3A_257, %add3A_266], %broadcast_in_dim3A_13 : memref<82x128xf32, #tpu.memory_space<vmem>>[vector<16xi32>, vector<16xi32>], vector<16xf32>,
      %add3A_267 = arith.constant 48 : i32
      %add3A_268 = vector.broadcast %add3A_267 : i32 to vector<16xi32>
      %add3A_269 = arith.addi %iota3A, %add3A_268 : vector<16xi32>
      tpu.vector_store_idx %arg11[%broadcast_in_dim3A_257, %add3A_269], %broadcast_in_dim3A_13 : memref<82x128xf32, #tpu.memory_space<vmem>>[vector<16xi32>, vector<16xi32>], vector<16xf32>,
      %add3A_270 = arith.constant 64 : i32
      %add3A_271 = vector.broadcast %add3A_270 : i32 to vector<16xi32>
      %add3A_272 = arith.addi %iota3A, %add3A_271 : vector<16xi32>
      tpu.vector_store_idx %arg11[%broadcast_in_dim3A_257, %add3A_272], %broadcast_in_dim3A_13 : memref<82x128xf32, #tpu.memory_space<vmem>>[vector<16xi32>, vector<16xi32>], vector<16xf32>,
      %add3A_273 = arith.constant 80 : i32
      %add3A_274 = vector.broadcast %add3A_273 : i32 to vector<16xi32>
      %add3A_275 = arith.addi %iota3A, %add3A_274 : vector<16xi32>
      tpu.vector_store_idx %arg11[%broadcast_in_dim3A_257, %add3A_275], %broadcast_in_dim3A_13 : memref<82x128xf32, #tpu.memory_space<vmem>>[vector<16xi32>, vector<16xi32>], vector<16xf32>,
      %add3A_276 = arith.constant 96 : i32
      %add3A_277 = vector.broadcast %add3A_276 : i32 to vector<16xi32>
      %add3A_278 = arith.addi %iota3A, %add3A_277 : vector<16xi32>
      tpu.vector_store_idx %arg11[%broadcast_in_dim3A_257, %add3A_278], %broadcast_in_dim3A_13 : memref<82x128xf32, #tpu.memory_space<vmem>>[vector<16xi32>, vector<16xi32>], vector<16xf32>,
      %add3A_279 = arith.constant 112 : i32
      %add3A_280 = vector.broadcast %add3A_279 : i32 to vector<16xi32>
      %add3A_281 = arith.addi %iota3A, %add3A_280 : vector<16xi32>
      tpu.vector_store_idx %arg11[%broadcast_in_dim3A_257, %add3A_281], %broadcast_in_dim3A_13 : memref<82x128xf32, #tpu.memory_space<vmem>>[vector<16xi32>, vector<16xi32>], vector<16xf32>,
      %scan3A_282 = arith.constant 0 : i32
      scf.yield %scan3A_282 : i32
    }
    %scan3A_28 = arith.constant 82 : i32
    %shift_right_logical3A = arith.constant 0 : i32
    %shift_right_logical3A_29 = arith.constant 5 : i32
    %shift_right_logical3A_30 = arith.shrui %shift_right_logical3A, %shift_right_logical3A_29 : i32
    %and3A = arith.constant 0 : i32
    %and3A_31 = arith.constant 31 : i32
    %and3A_32 = arith.andi %and3A, %and3A_31 : i32
    %add3A_33 = arith.addi %select_n3A_10, %shift_right_logical3A_30 : i32
    %ge3A = arith.constant 42 : i32
    %ge3A_34 = arith.cmpi sge, %add3A_33, %ge3A : i32
    %convert_element_type3A = arith.extui %ge3A_34 : i1 to i32
    %ge3A_35 = arith.constant 44 : i32
    %ge3A_36 = arith.cmpi sge, %add3A_33, %ge3A_35 : i32
    %convert_element_type3A_37 = arith.extui %ge3A_36 : i1 to i32
    %add3A_38 = arith.addi %convert_element_type3A, %convert_element_type3A_37 : i32
    %ge3A_39 = arith.constant 48 : i32
    %ge3A_40 = arith.cmpi sge, %add3A_33, %ge3A_39 : i32
    %convert_element_type3A_41 = arith.extui %ge3A_40 : i1 to i32
    %add3A_42 = arith.addi %add3A_38, %convert_element_type3A_41 : i32
    %ge3A_43 = arith.constant 50 : i32
    %ge3A_44 = arith.cmpi sge, %add3A_33, %ge3A_43 : i32
    %convert_element_type3A_45 = arith.extui %ge3A_44 : i1 to i32
    %add3A_46 = arith.addi %add3A_42, %convert_element_type3A_45 : i32
    %mul3A_47 = arith.constant 2 : i32
    %mul3A_48 = arith.muli %mul3A_47, %add3A_46 : i32
    %add3A_49 = arith.addi %add3A_33, %mul3A_48 : i32
    %jit3A_50 = arith.constant 10 : i32
    %div3A = arith.divsi %add3A_49, %jit3A_50 : i32
    %sign3A = arith.constant 0 : i32
    %sign3A_51 = arith.cmpi sgt, %add3A_49, %sign3A : i32
    %sign3A_52 = arith.extui %sign3A_51 : i1 to i32
    %sign3A_53 = arith.constant 0 : i32
    %sign3A_54 = arith.cmpi slt, %add3A_49, %sign3A_53 : i32
    %sign3A_55 = arith.extui %sign3A_54 : i1 to i32
    %sign3A_56 = arith.subi %sign3A_52, %sign3A_55 : i32
    %sign3A_57 = arith.constant 0 : i32
    %sign3A_58 = arith.cmpi sgt, %jit3A_50, %sign3A_57 : i32
    %sign3A_59 = arith.extui %sign3A_58 : i1 to i32
    %sign3A_60 = arith.constant 0 : i32
    %sign3A_61 = arith.cmpi slt, %jit3A_50, %sign3A_60 : i32
    %sign3A_62 = arith.extui %sign3A_61 : i1 to i32
    %sign3A_63 = arith.subi %sign3A_59, %sign3A_62 : i32
    %ne3A = arith.cmpi ne, %sign3A_56, %sign3A_63 : i32
    %rem3A = arith.remsi %add3A_49, %jit3A_50 : i32
    %ne3A_64 = arith.constant 0 : i32
    %ne3A_65 = arith.cmpi ne, %rem3A, %ne3A_64 : i32
    %and3A_66 = arith.andi %ne3A, %ne3A_65 : i1
    %sub3A_67 = arith.constant 1 : i32
    %sub3A_68 = arith.subi %div3A, %sub3A_67 : i32
    %select_n3A_69 = arith.select %and3A_66, %sub3A_68, %div3A : i32
    %jit3A_70 = arith.constant 10 : i32
    %eq3A = arith.constant 0 : i32
    %eq3A_71 = arith.cmpi eq, %jit3A_70, %eq3A : i32
    %jit3A_72 = arith.constant 1 : i32
    %select_n3A_73 = arith.select %eq3A_71, %jit3A_72, %jit3A_70 : i32
    %rem3A_74 = arith.remsi %add3A_49, %select_n3A_73 : i32
    %ne3A_75 = arith.constant 0 : i32
    %ne3A_76 = arith.cmpi ne, %rem3A_74, %ne3A_75 : i32
    %lt3A_77 = arith.constant 0 : i32
    %lt3A_78 = arith.cmpi slt, %rem3A_74, %lt3A_77 : i32
    %lt3A_79 = arith.constant 0 : i32
    %lt3A_80 = arith.cmpi slt, %select_n3A_73, %lt3A_79 : i32
    %ne3A_81 = arith.xori %lt3A_78, %lt3A_80 : i1
    %and3A_82 = arith.andi %ne3A_81, %ne3A_76 : i1
    %add3A_83 = arith.addi %rem3A_74, %select_n3A_73 : i32
    %select_n3A_84 = arith.select %and3A_82, %add3A_83, %rem3A_74 : i32
    %mul3A_85 = arith.constant 128 : i32
    %mul3A_86 = arith.muli %and3A_32, %mul3A_85 : i32
    %dma_start3A = arith.constant 0 : i32
    %dma_start3A_87 = tpu.memref_slice %arg2[%select_n3A_69, %select_n3A_84, %dma_start3A, %mul3A_86] : memref<10x10x96x4096xf32, #tpu.memory_space<hbm>> -> memref<1x1x96x128xf32, #tpu.memory_space<hbm>>
    %dma_start3A_88 = tpu.memref_squeeze %dma_start3A_87 : memref<1x1x96x128xf32, #tpu.memory_space<hbm>> -> memref<96x128xf32, #tpu.memory_space<hbm>>
    %dma_start3A_89 = arith.constant 0 : i32
    %dma_start3A_90 = tpu.memref_slice %arg2[%select_n3A_69, %select_n3A_84, %dma_start3A_89, %mul3A_86] : memref<10x10x96x4096xf32, #tpu.memory_space<hbm>> -> memref<1x1x96x128xf32, #tpu.memory_space<hbm>>
    %dma_start3A_91 = tpu.memref_squeeze %dma_start3A_90 : memref<1x1x96x128xf32, #tpu.memory_space<hbm>> -> memref<96x128xf32, #tpu.memory_space<hbm>>
    tpu.enqueue_dma source(%dma_start3A_91 : memref<96x128xf32, #tpu.memory_space<hbm>>) target(%arg6 : memref<96x128xf32, #tpu.memory_space<vmem>>) target_semaphore(%arg14 : memref<!tpu.dma_semaphore, #tpu.memory_space<semaphore_mem>>)
    %shift_right_logical3A_92 = arith.constant 1 : i32
    %shift_right_logical3A_93 = arith.constant 5 : i32
    %shift_right_logical3A_94 = arith.shrui %shift_right_logical3A_92, %shift_right_logical3A_93 : i32
    %and3A_95 = arith.constant 1 : i32
    %and3A_96 = arith.constant 31 : i32
    %and3A_97 = arith.andi %and3A_95, %and3A_96 : i32
    %add3A_98 = arith.addi %select_n3A_10, %shift_right_logical3A_94 : i32
    %ge3A_99 = arith.constant 42 : i32
    %ge3A_100 = arith.cmpi sge, %add3A_98, %ge3A_99 : i32
    %convert_element_type3A_101 = arith.extui %ge3A_100 : i1 to i32
    %ge3A_102 = arith.constant 44 : i32
    %ge3A_103 = arith.cmpi sge, %add3A_98, %ge3A_102 : i32
    %convert_element_type3A_104 = arith.extui %ge3A_103 : i1 to i32
    %add3A_105 = arith.addi %convert_element_type3A_101, %convert_element_type3A_104 : i32
    %ge3A_106 = arith.constant 48 : i32
    %ge3A_107 = arith.cmpi sge, %add3A_98, %ge3A_106 : i32
    %convert_element_type3A_108 = arith.extui %ge3A_107 : i1 to i32
    %add3A_109 = arith.addi %add3A_105, %convert_element_type3A_108 : i32
    %ge3A_110 = arith.constant 50 : i32
    %ge3A_111 = arith.cmpi sge, %add3A_98, %ge3A_110 : i32
    %convert_element_type3A_112 = arith.extui %ge3A_111 : i1 to i32
    %add3A_113 = arith.addi %add3A_109, %convert_element_type3A_112 : i32
    %mul3A_114 = arith.constant 2 : i32
    %mul3A_115 = arith.muli %mul3A_114, %add3A_113 : i32
    %add3A_116 = arith.addi %add3A_98, %mul3A_115 : i32
    %jit3A_117 = arith.constant 10 : i32
    %div3A_118 = arith.divsi %add3A_116, %jit3A_117 : i32
    %sign3A_119 = arith.constant 0 : i32
    %sign3A_120 = arith.cmpi sgt, %add3A_116, %sign3A_119 : i32
    %sign3A_121 = arith.extui %sign3A_120 : i1 to i32
    %sign3A_122 = arith.constant 0 : i32
    %sign3A_123 = arith.cmpi slt, %add3A_116, %sign3A_122 : i32
    %sign3A_124 = arith.extui %sign3A_123 : i1 to i32
    %sign3A_125 = arith.subi %sign3A_121, %sign3A_124 : i32
    %sign3A_126 = arith.constant 0 : i32
    %sign3A_127 = arith.cmpi sgt, %jit3A_117, %sign3A_126 : i32
    %sign3A_128 = arith.extui %sign3A_127 : i1 to i32
    %sign3A_129 = arith.constant 0 : i32
    %sign3A_130 = arith.cmpi slt, %jit3A_117, %sign3A_129 : i32
    %sign3A_131 = arith.extui %sign3A_130 : i1 to i32
    %sign3A_132 = arith.subi %sign3A_128, %sign3A_131 : i32
    %ne3A_133 = arith.cmpi ne, %sign3A_125, %sign3A_132 : i32
    %rem3A_134 = arith.remsi %add3A_116, %jit3A_117 : i32
    %ne3A_135 = arith.constant 0 : i32
    %ne3A_136 = arith.cmpi ne, %rem3A_134, %ne3A_135 : i32
    %and3A_137 = arith.andi %ne3A_133, %ne3A_136 : i1
    %sub3A_138 = arith.constant 1 : i32
    %sub3A_139 = arith.subi %div3A_118, %sub3A_138 : i32
    %select_n3A_140 = arith.select %and3A_137, %sub3A_139, %div3A_118 : i32
    %jit3A_141 = arith.constant 10 : i32
    %eq3A_142 = arith.constant 0 : i32
    %eq3A_143 = arith.cmpi eq, %jit3A_141, %eq3A_142 : i32
    %jit3A_144 = arith.constant 1 : i32
    %select_n3A_145 = arith.select %eq3A_143, %jit3A_144, %jit3A_141 : i32
    %rem3A_146 = arith.remsi %add3A_116, %select_n3A_145 : i32
    %ne3A_147 = arith.constant 0 : i32
    %ne3A_148 = arith.cmpi ne, %rem3A_146, %ne3A_147 : i32
    %lt3A_149 = arith.constant 0 : i32
    %lt3A_150 = arith.cmpi slt, %rem3A_146, %lt3A_149 : i32
    %lt3A_151 = arith.constant 0 : i32
    %lt3A_152 = arith.cmpi slt, %select_n3A_145, %lt3A_151 : i32
    %ne3A_153 = arith.xori %lt3A_150, %lt3A_152 : i1
    %and3A_154 = arith.andi %ne3A_153, %ne3A_148 : i1
    %add3A_155 = arith.addi %rem3A_146, %select_n3A_145 : i32
    %select_n3A_156 = arith.select %and3A_154, %add3A_155, %rem3A_146 : i32
    %mul3A_157 = arith.constant 128 : i32
    %mul3A_158 = arith.muli %and3A_97, %mul3A_157 : i32
    %dma_start3A_159 = arith.constant 0 : i32
    %dma_start3A_160 = tpu.memref_slice %arg2[%select_n3A_140, %select_n3A_156, %dma_start3A_159, %mul3A_158] : memref<10x10x96x4096xf32, #tpu.memory_space<hbm>> -> memref<1x1x96x128xf32, #tpu.memory_space<hbm>>
    %dma_start3A_161 = tpu.memref_squeeze %dma_start3A_160 : memref<1x1x96x128xf32, #tpu.memory_space<hbm>> -> memref<96x128xf32, #tpu.memory_space<hbm>>
    %dma_start3A_162 = arith.constant 0 : i32
    %dma_start3A_163 = tpu.memref_slice %arg2[%select_n3A_140, %select_n3A_156, %dma_start3A_162, %mul3A_158] : memref<10x10x96x4096xf32, #tpu.memory_space<hbm>> -> memref<1x1x96x128xf32, #tpu.memory_space<hbm>>
    %dma_start3A_164 = tpu.memref_squeeze %dma_start3A_163 : memref<1x1x96x128xf32, #tpu.memory_space<hbm>> -> memref<96x128xf32, #tpu.memory_space<hbm>>
    tpu.enqueue_dma source(%dma_start3A_164 : memref<96x128xf32, #tpu.memory_space<hbm>>) target(%arg7 : memref<96x128xf32, #tpu.memory_space<vmem>>) target_semaphore(%arg15 : memref<!tpu.dma_semaphore, #tpu.memory_space<semaphore_mem>>)
    %add3A_165 = arith.constant 3 : i32
    %add3A_166 = arith.addi %mul3A_12, %add3A_165 : i32
    %jit3A_167 = arith.constant 4 : i32
    %div3A_168 = arith.divsi %add3A_166, %jit3A_167 : i32
    %sign3A_169 = arith.constant 0 : i32
    %sign3A_170 = arith.cmpi sgt, %add3A_166, %sign3A_169 : i32
    %sign3A_171 = arith.extui %sign3A_170 : i1 to i32
    %sign3A_172 = arith.constant 0 : i32
    %sign3A_173 = arith.cmpi slt, %add3A_166, %sign3A_172 : i32
    %sign3A_174 = arith.extui %sign3A_173 : i1 to i32
    %sign3A_175 = arith.subi %sign3A_171, %sign3A_174 : i32
    %sign3A_176 = arith.constant 0 : i32
    %sign3A_177 = arith.cmpi sgt, %jit3A_167, %sign3A_176 : i32
    %sign3A_178 = arith.extui %sign3A_177 : i1 to i32
    %sign3A_179 = arith.constant 0 : i32
    %sign3A_180 = arith.cmpi slt, %jit3A_167, %sign3A_179 : i32
    %sign3A_181 = arith.extui %sign3A_180 : i1 to i32
    %sign3A_182 = arith.subi %sign3A_178, %sign3A_181 : i32
    %ne3A_183 = arith.cmpi ne, %sign3A_175, %sign3A_182 : i32
    %rem3A_184 = arith.remsi %add3A_166, %jit3A_167 : i32
    %ne3A_185 = arith.constant 0 : i32
    %ne3A_186 = arith.cmpi ne, %rem3A_184, %ne3A_185 : i32
    %and3A_187 = arith.andi %ne3A_183, %ne3A_186 : i1
    %sub3A_188 = arith.constant 1 : i32
    %sub3A_189 = arith.subi %div3A_168, %sub3A_188 : i32
    %select_n3A_190 = arith.select %and3A_187, %sub3A_189, %div3A_168 : i32
    %while3A = arith.constant 0 : i32
    %while3A_191 = arith.constant 0 : i32
    %while3A_192 = arith.subi %select_n3A_190, %while3A : i32
    %while3A_193 = arith.addi %while3A, %while3A_192 : i32
    %while3A_194 = arith.constant 1 : i32
    %while3A_195 = arith.divsi %while3A_192, %while3A_194 : i32
    %while3A_196 = arith.muli %while3A_195, %while3A_194 : i32
    %while3A_197 = arith.addi %while3A, %while3A_196 : i32
    %while3A_198 = arith.constant 1 : i32
    %while3A_199 = scf.for %while3A_255 = %while3A to %while3A_197 step %while3A_198 iter_args(%while3A_256 = %while3A_191) -> (i32)  : i32 {
      %mul3A_257 = arith.constant 4 : i32
      %mul3A_258 = arith.muli %mul3A_257, %while3A_255 : i32
      %add3A_259 = arith.constant 0 : i32
      %add3A_260 = arith.addi %mul3A_258, %add3A_259 : i32
      %shift_right_logical3A_261 = arith.constant 5 : i32
      %shift_right_logical3A_262 = arith.shrui %add3A_260, %shift_right_logical3A_261 : i32
      %and3A_263 = arith.constant 31 : i32
      %and3A_264 = arith.andi %add3A_260, %and3A_263 : i32
      %add3A_265 = arith.addi %select_n3A_10, %shift_right_logical3A_262 : i32
      %ge3A_266 = arith.constant 42 : i32
      %ge3A_267 = arith.cmpi sge, %add3A_265, %ge3A_266 : i32
      %convert_element_type3A_268 = arith.extui %ge3A_267 : i1 to i32
      %ge3A_269 = arith.constant 44 : i32
      %ge3A_270 = arith.cmpi sge, %add3A_265, %ge3A_269 : i32
      %convert_element_type3A_271 = arith.extui %ge3A_270 : i1 to i32
      %add3A_272 = arith.addi %convert_element_type3A_268, %convert_element_type3A_271 : i32
      %ge3A_273 = arith.constant 48 : i32
      %ge3A_274 = arith.cmpi sge, %add3A_265, %ge3A_273 : i32
      %convert_element_type3A_275 = arith.extui %ge3A_274 : i1 to i32
      %add3A_276 = arith.addi %add3A_272, %convert_element_type3A_275 : i32
      %ge3A_277 = arith.constant 50 : i32
      %ge3A_278 = arith.cmpi sge, %add3A_265, %ge3A_277 : i32
      %convert_element_type3A_279 = arith.extui %ge3A_278 : i1 to i32
      %add3A_280 = arith.addi %add3A_276, %convert_element_type3A_279 : i32
      %mul3A_281 = arith.constant 2 : i32
      %mul3A_282 = arith.muli %mul3A_281, %add3A_280 : i32
      %add3A_283 = arith.addi %add3A_265, %mul3A_282 : i32
      %jit3A_284 = arith.constant 10 : i32
      %div3A_285 = arith.divsi %add3A_283, %jit3A_284 : i32
      %sign3A_286 = arith.constant 0 : i32
      %sign3A_287 = arith.cmpi sgt, %add3A_283, %sign3A_286 : i32
      %sign3A_288 = arith.extui %sign3A_287 : i1 to i32
      %sign3A_289 = arith.constant 0 : i32
      %sign3A_290 = arith.cmpi slt, %add3A_283, %sign3A_289 : i32
      %sign3A_291 = arith.extui %sign3A_290 : i1 to i32
      %sign3A_292 = arith.subi %sign3A_288, %sign3A_291 : i32
      %sign3A_293 = arith.constant 0 : i32
      %sign3A_294 = arith.cmpi sgt, %jit3A_284, %sign3A_293 : i32
      %sign3A_295 = arith.extui %sign3A_294 : i1 to i32
      %sign3A_296 = arith.constant 0 : i32
      %sign3A_297 = arith.cmpi slt, %jit3A_284, %sign3A_296 : i32
      %sign3A_298 = arith.extui %sign3A_297 : i1 to i32
      %sign3A_299 = arith.subi %sign3A_295, %sign3A_298 : i32
      %ne3A_300 = arith.cmpi ne, %sign3A_292, %sign3A_299 : i32
      %rem3A_301 = arith.remsi %add3A_283, %jit3A_284 : i32
      %ne3A_302 = arith.constant 0 : i32
      %ne3A_303 = arith.cmpi ne, %rem3A_301, %ne3A_302 : i32
      %and3A_304 = arith.andi %ne3A_300, %ne3A_303 : i1
      %sub3A_305 = arith.constant 1 : i32
      %sub3A_306 = arith.subi %div3A_285, %sub3A_305 : i32
      %select_n3A_307 = arith.select %and3A_304, %sub3A_306, %div3A_285 : i32
      %jit3A_308 = arith.constant 10 : i32
      %eq3A_309 = arith.constant 0 : i32
      %eq3A_310 = arith.cmpi eq, %jit3A_308, %eq3A_309 : i32
      %jit3A_311 = arith.constant 1 : i32
      %select_n3A_312 = arith.select %eq3A_310, %jit3A_311, %jit3A_308 : i32
      %rem3A_313 = arith.remsi %add3A_283, %select_n3A_312 : i32
      %ne3A_314 = arith.constant 0 : i32
      %ne3A_315 = arith.cmpi ne, %rem3A_313, %ne3A_314 : i32
      %lt3A_316 = arith.constant 0 : i32
      %lt3A_317 = arith.cmpi slt, %rem3A_313, %lt3A_316 : i32
      %lt3A_318 = arith.constant 0 : i32
      %lt3A_319 = arith.cmpi slt, %select_n3A_312, %lt3A_318 : i32
      %ne3A_320 = arith.xori %lt3A_317, %lt3A_319 : i1
      %and3A_321 = arith.andi %ne3A_320, %ne3A_315 : i1
      %add3A_322 = arith.addi %rem3A_313, %select_n3A_312 : i32
      %select_n3A_323 = arith.select %and3A_321, %add3A_322, %rem3A_313 : i32
      %lt3A_324 = arith.cmpi slt, %add3A_260, %mul3A_12 : i32
      %convert_element_type3A_325 = arith.extui %lt3A_324 : i1 to i32
      %cond3A = arith.constant 0 : i32
      %cond3A_326 = arith.cmpi ne, %convert_element_type3A_325, %cond3A : i32
      scf.if %cond3A_326 {
        %eq3A_541 = arith.constant 0 : i32
        %eq3A_542 = arith.cmpi eq, %and3A_264, %eq3A_541 : i32
        %convert_element_type3A_543 = arith.extui %eq3A_542 : i1 to i32
        %cond3A_544 = arith.constant 0 : i32
        %cond3A_545 = arith.cmpi ne, %convert_element_type3A_543, %cond3A_544 : i32
        scf.if %cond3A_545 {
          "tpu.region"() ({
            %run_scoped3A = tpu.sem_alloc : memref<!tpu.dma_semaphore, #tpu.memory_space<semaphore_mem>>
            %dma_start3A_667 = arith.constant 0 : i32
            %dma_start3A_668 = tpu.memref_slice %arg3[%select_n3A_307, %select_n3A_323, %dma_start3A_667] : memref<10x10x4096xi32, #tpu.memory_space<hbm>> -> memref<1x1x4096xi32, #tpu.memory_space<hbm>>
            %dma_start3A_669 = tpu.memref_squeeze %dma_start3A_668 : memref<1x1x4096xi32, #tpu.memory_space<hbm>> -> memref<4096xi32, #tpu.memory_space<hbm>>
            %dma_start3A_670 = arith.constant 0 : i32
            %dma_start3A_671 = tpu.memref_slice %arg3[%select_n3A_307, %select_n3A_323, %dma_start3A_670] : memref<10x10x4096xi32, #tpu.memory_space<hbm>> -> memref<1x1x4096xi32, #tpu.memory_space<hbm>>
            %dma_start3A_672 = tpu.memref_squeeze %dma_start3A_671 : memref<1x1x4096xi32, #tpu.memory_space<hbm>> -> memref<4096xi32, #tpu.memory_space<hbm>>
            tpu.enqueue_dma source(%dma_start3A_672 : memref<4096xi32, #tpu.memory_space<hbm>>) target(%arg5 : memref<4096xi32, #tpu.memory_space<vmem>>) target_semaphore(%run_scoped3A : memref<!tpu.dma_semaphore, #tpu.memory_space<semaphore_mem>>)
            %dma_wait3A_673 = arith.constant 0 : i32
            %dma_wait3A_674 = tpu.memref_slice %arg3[%select_n3A_307, %select_n3A_323, %dma_wait3A_673] : memref<10x10x4096xi32, #tpu.memory_space<hbm>> -> memref<1x1x4096xi32, #tpu.memory_space<hbm>>
            %dma_wait3A_675 = tpu.memref_squeeze %dma_wait3A_674 : memref<1x1x4096xi32, #tpu.memory_space<hbm>> -> memref<4096xi32, #tpu.memory_space<hbm>>
            %dma_wait3A_676 = arith.constant 0 : i32
            %dma_wait3A_677 = tpu.memref_slice %arg3[%select_n3A_307, %select_n3A_323, %dma_wait3A_676] : memref<10x10x4096xi32, #tpu.memory_space<hbm>> -> memref<1x1x4096xi32, #tpu.memory_space<hbm>>
            %dma_wait3A_678 = tpu.memref_squeeze %dma_wait3A_677 : memref<1x1x4096xi32, #tpu.memory_space<hbm>> -> memref<4096xi32, #tpu.memory_space<hbm>>
            tpu.wait_dma2 semaphore(%run_scoped3A : memref<!tpu.dma_semaphore, #tpu.memory_space<semaphore_mem>>) src(%dma_wait3A_678 : memref<4096xi32, #tpu.memory_space<hbm>>) dst(%arg5 : memref<4096xi32, #tpu.memory_space<vmem>>)
            tpu.yield
          }) : () -> ()
        } else {
        }
        %add3A_546 = arith.constant 2 : i32
        %add3A_547 = arith.addi %add3A_260, %add3A_546 : i32
        %lt3A_548 = arith.cmpi slt, %add3A_547, %mul3A_12 : i32
        %convert_element_type3A_549 = arith.extui %lt3A_548 : i1 to i32
        %cond3A_550 = arith.constant 0 : i32
        %cond3A_551 = arith.cmpi ne, %convert_element_type3A_549, %cond3A_550 : i32
        scf.if %cond3A_551 {
          %ge3A_667 = arith.constant 2 : i32
          %ge3A_668 = arith.cmpi sge, %add3A_260, %ge3A_667 : i32
          %convert_element_type3A_669 = arith.extui %ge3A_668 : i1 to i32
          %cond3A_670 = arith.constant 0 : i32
          %cond3A_671 = arith.cmpi ne, %convert_element_type3A_669, %cond3A_670 : i32
          scf.if %cond3A_671 {
            %dma_wait3A_745 = arith.constant 0 : i32
            %dma_wait3A_746 = arith.constant 0 : i32
            %dma_wait3A_747 = tpu.memref_slice %arg4[%add3A_265, %dma_wait3A_745, %dma_wait3A_746] : memref<92x178x4096xf32, #tpu.memory_space<hbm>> -> memref<1x96x128xf32, #tpu.memory_space<hbm>>
            %dma_wait3A_748 = tpu.memref_squeeze %dma_wait3A_747 : memref<1x96x128xf32, #tpu.memory_space<hbm>> -> memref<96x128xf32, #tpu.memory_space<hbm>>
            %dma_wait3A_749 = arith.constant 0 : i32
            %dma_wait3A_750 = arith.constant 0 : i32
            %dma_wait3A_751 = tpu.memref_slice %arg4[%add3A_265, %dma_wait3A_749, %dma_wait3A_750] : memref<92x178x4096xf32, #tpu.memory_space<hbm>> -> memref<1x96x128xf32, #tpu.memory_space<hbm>>
            %dma_wait3A_752 = tpu.memref_squeeze %dma_wait3A_751 : memref<1x96x128xf32, #tpu.memory_space<hbm>> -> memref<96x128xf32, #tpu.memory_space<hbm>>
            tpu.wait_dma2 semaphore(%arg20 : memref<!tpu.dma_semaphore, #tpu.memory_space<semaphore_mem>>) src(%arg8 : memref<96x128xf32, #tpu.memory_space<vmem>>) dst(%dma_wait3A_752 : memref<96x128xf32, #tpu.memory_space<hbm>>)
          } else {
          }
          %add3A_672 = arith.constant 2 : i32
          %add3A_673 = arith.addi %add3A_260, %add3A_672 : i32
          %shift_right_logical3A_674 = arith.constant 5 : i32
          %shift_right_logical3A_675 = arith.shrui %add3A_673, %shift_right_logical3A_674 : i32
          %and3A_676 = arith.constant 31 : i32
          %and3A_677 = arith.andi %add3A_673, %and3A_676 : i32
          %add3A_678 = arith.addi %select_n3A_10, %shift_right_logical3A_675 : i32
          %ge3A_679 = arith.constant 42 : i32
          %ge3A_680 = arith.cmpi sge, %add3A_678, %ge3A_679 : i32
          %convert_element_type3A_681 = arith.extui %ge3A_680 : i1 to i32
          %ge3A_682 = arith.constant 44 : i32
          %ge3A_683 = arith.cmpi sge, %add3A_678, %ge3A_682 : i32
          %convert_element_type3A_684 = arith.extui %ge3A_683 : i1 to i32
          %add3A_685 = arith.addi %convert_element_type3A_681, %convert_element_type3A_684 : i32
          %ge3A_686 = arith.constant 48 : i32
          %ge3A_687 = arith.cmpi sge, %add3A_678, %ge3A_686 : i32
          %convert_element_type3A_688 = arith.extui %ge3A_687 : i1 to i32
          %add3A_689 = arith.addi %add3A_685, %convert_element_type3A_688 : i32
          %ge3A_690 = arith.constant 50 : i32
          %ge3A_691 = arith.cmpi sge, %add3A_678, %ge3A_690 : i32
          %convert_element_type3A_692 = arith.extui %ge3A_691 : i1 to i32
          %add3A_693 = arith.addi %add3A_689, %convert_element_type3A_692 : i32
          %mul3A_694 = arith.constant 2 : i32
          %mul3A_695 = arith.muli %mul3A_694, %add3A_693 : i32
          %add3A_696 = arith.addi %add3A_678, %mul3A_695 : i32
          %jit3A_697 = arith.constant 10 : i32
          %div3A_698 = arith.divsi %add3A_696, %jit3A_697 : i32
          %sign3A_699 = arith.constant 0 : i32
          %sign3A_700 = arith.cmpi sgt, %add3A_696, %sign3A_699 : i32
          %sign3A_701 = arith.extui %sign3A_700 : i1 to i32
          %sign3A_702 = arith.constant 0 : i32
          %sign3A_703 = arith.cmpi slt, %add3A_696, %sign3A_702 : i32
          %sign3A_704 = arith.extui %sign3A_703 : i1 to i32
          %sign3A_705 = arith.subi %sign3A_701, %sign3A_704 : i32
          %sign3A_706 = arith.constant 0 : i32
          %sign3A_707 = arith.cmpi sgt, %jit3A_697, %sign3A_706 : i32
          %sign3A_708 = arith.extui %sign3A_707 : i1 to i32
          %sign3A_709 = arith.constant 0 : i32
          %sign3A_710 = arith.cmpi slt, %jit3A_697, %sign3A_709 : i32
          %sign3A_711 = arith.extui %sign3A_710 : i1 to i32
          %sign3A_712 = arith.subi %sign3A_708, %sign3A_711 : i32
          %ne3A_713 = arith.cmpi ne, %sign3A_705, %sign3A_712 : i32
          %rem3A_714 = arith.remsi %add3A_696, %jit3A_697 : i32
          %ne3A_715 = arith.constant 0 : i32
          %ne3A_716 = arith.cmpi ne, %rem3A_714, %ne3A_715 : i32
          %and3A_717 = arith.andi %ne3A_713, %ne3A_716 : i1
          %sub3A_718 = arith.constant 1 : i32
          %sub3A_719 = arith.subi %div3A_698, %sub3A_718 : i32
          %select_n3A_720 = arith.select %and3A_717, %sub3A_719, %div3A_698 : i32
          %jit3A_721 = arith.constant 10 : i32
          %eq3A_722 = arith.constant 0 : i32
          %eq3A_723 = arith.cmpi eq, %jit3A_721, %eq3A_722 : i32
          %jit3A_724 = arith.constant 1 : i32
          %select_n3A_725 = arith.select %eq3A_723, %jit3A_724, %jit3A_721 : i32
          %rem3A_726 = arith.remsi %add3A_696, %select_n3A_725 : i32
          %ne3A_727 = arith.constant 0 : i32
          %ne3A_728 = arith.cmpi ne, %rem3A_726, %ne3A_727 : i32
          %lt3A_729 = arith.constant 0 : i32
          %lt3A_730 = arith.cmpi slt, %rem3A_726, %lt3A_729 : i32
          %lt3A_731 = arith.constant 0 : i32
          %lt3A_732 = arith.cmpi slt, %select_n3A_725, %lt3A_731 : i32
          %ne3A_733 = arith.xori %lt3A_730, %lt3A_732 : i1
          %and3A_734 = arith.andi %ne3A_733, %ne3A_728 : i1
          %add3A_735 = arith.addi %rem3A_726, %select_n3A_725 : i32
          %select_n3A_736 = arith.select %and3A_734, %add3A_735, %rem3A_726 : i32
          %mul3A_737 = arith.constant 128 : i32
          %mul3A_738 = arith.muli %and3A_677, %mul3A_737 : i32
          %dma_start3A_739 = arith.constant 0 : i32
          %dma_start3A_740 = tpu.memref_slice %arg2[%select_n3A_720, %select_n3A_736, %dma_start3A_739, %mul3A_738] : memref<10x10x96x4096xf32, #tpu.memory_space<hbm>> -> memref<1x1x96x128xf32, #tpu.memory_space<hbm>>
          %dma_start3A_741 = tpu.memref_squeeze %dma_start3A_740 : memref<1x1x96x128xf32, #tpu.memory_space<hbm>> -> memref<96x128xf32, #tpu.memory_space<hbm>>
          %dma_start3A_742 = arith.constant 0 : i32
          %dma_start3A_743 = tpu.memref_slice %arg2[%select_n3A_720, %select_n3A_736, %dma_start3A_742, %mul3A_738] : memref<10x10x96x4096xf32, #tpu.memory_space<hbm>> -> memref<1x1x96x128xf32, #tpu.memory_space<hbm>>
          %dma_start3A_744 = tpu.memref_squeeze %dma_start3A_743 : memref<1x1x96x128xf32, #tpu.memory_space<hbm>> -> memref<96x128xf32, #tpu.memory_space<hbm>>
          tpu.enqueue_dma source(%dma_start3A_744 : memref<96x128xf32, #tpu.memory_space<hbm>>) target(%arg8 : memref<96x128xf32, #tpu.memory_space<vmem>>) target_semaphore(%arg16 : memref<!tpu.dma_semaphore, #tpu.memory_space<semaphore_mem>>)
        } else {
        }
        %ge3A_552 = arith.constant 2 : i32
        %ge3A_553 = arith.cmpi sge, %add3A_260, %ge3A_552 : i32
        %convert_element_type3A_554 = arith.extui %ge3A_553 : i1 to i32
        %cond3A_555 = arith.constant 0 : i32
        %cond3A_556 = arith.cmpi ne, %convert_element_type3A_554, %cond3A_555 : i32
        scf.if %cond3A_556 {
          %dma_wait3A_667 = arith.constant 96 : i32
          %dma_wait3A_668 = arith.constant 0 : i32
          %dma_wait3A_669 = tpu.memref_slice %arg4[%add3A_265, %dma_wait3A_667, %dma_wait3A_668] : memref<92x178x4096xf32, #tpu.memory_space<hbm>> -> memref<1x82x128xf32, #tpu.memory_space<hbm>>
          %dma_wait3A_670 = tpu.memref_squeeze %dma_wait3A_669 : memref<1x82x128xf32, #tpu.memory_space<hbm>> -> memref<82x128xf32, #tpu.memory_space<hbm>>
          %dma_wait3A_671 = arith.constant 96 : i32
          %dma_wait3A_672 = arith.constant 0 : i32
          %dma_wait3A_673 = tpu.memref_slice %arg4[%add3A_265, %dma_wait3A_671, %dma_wait3A_672] : memref<92x178x4096xf32, #tpu.memory_space<hbm>> -> memref<1x82x128xf32, #tpu.memory_space<hbm>>
          %dma_wait3A_674 = tpu.memref_squeeze %dma_wait3A_673 : memref<1x82x128xf32, #tpu.memory_space<hbm>> -> memref<82x128xf32, #tpu.memory_space<hbm>>
          tpu.wait_dma2 semaphore(%arg22 : memref<!tpu.dma_semaphore, #tpu.memory_space<semaphore_mem>>) src(%arg10 : memref<82x128xf32, #tpu.memory_space<vmem>>) dst(%dma_wait3A_674 : memref<82x128xf32, #tpu.memory_space<hbm>>)
          %get3A_675 = arith.constant 0 : index
          %get3A_676 = tpu.vector_load %arg12[%get3A_675] {strides = array<i32>} : memref<128xi32, #tpu.memory_space<vmem>>, vector<16xi32>,
          %add3A_677 = arith.constant 0 : i32
          %add3A_678 = vector.broadcast %add3A_677 : i32 to vector<16xi32>
          %add3A_679 = arith.addi %iota3A, %add3A_678 : vector<16xi32>
          tpu.vector_store_idx %arg10[%get3A_676, %add3A_679], %broadcast_in_dim3A_13 : memref<82x128xf32, #tpu.memory_space<vmem>>[vector<16xi32>, vector<16xi32>], vector<16xf32>,
          %get3A_680 = arith.constant 16 : index
          %get3A_681 = tpu.vector_load %arg12[%get3A_680] {strides = array<i32>} : memref<128xi32, #tpu.memory_space<vmem>>, vector<16xi32>,
          %add3A_682 = arith.constant 16 : i32
          %add3A_683 = vector.broadcast %add3A_682 : i32 to vector<16xi32>
          %add3A_684 = arith.addi %iota3A, %add3A_683 : vector<16xi32>
          tpu.vector_store_idx %arg10[%get3A_681, %add3A_684], %broadcast_in_dim3A_13 : memref<82x128xf32, #tpu.memory_space<vmem>>[vector<16xi32>, vector<16xi32>], vector<16xf32>,
          %get3A_685 = arith.constant 32 : index
          %get3A_686 = tpu.vector_load %arg12[%get3A_685] {strides = array<i32>} : memref<128xi32, #tpu.memory_space<vmem>>, vector<16xi32>,
          %add3A_687 = arith.constant 32 : i32
          %add3A_688 = vector.broadcast %add3A_687 : i32 to vector<16xi32>
          %add3A_689 = arith.addi %iota3A, %add3A_688 : vector<16xi32>
          tpu.vector_store_idx %arg10[%get3A_686, %add3A_689], %broadcast_in_dim3A_13 : memref<82x128xf32, #tpu.memory_space<vmem>>[vector<16xi32>, vector<16xi32>], vector<16xf32>,
          %get3A_690 = arith.constant 48 : index
          %get3A_691 = tpu.vector_load %arg12[%get3A_690] {strides = array<i32>} : memref<128xi32, #tpu.memory_space<vmem>>, vector<16xi32>,
          %add3A_692 = arith.constant 48 : i32
          %add3A_693 = vector.broadcast %add3A_692 : i32 to vector<16xi32>
          %add3A_694 = arith.addi %iota3A, %add3A_693 : vector<16xi32>
          tpu.vector_store_idx %arg10[%get3A_691, %add3A_694], %broadcast_in_dim3A_13 : memref<82x128xf32, #tpu.memory_space<vmem>>[vector<16xi32>, vector<16xi32>], vector<16xf32>,
          %get3A_695 = arith.constant 64 : index
          %get3A_696 = tpu.vector_load %arg12[%get3A_695] {strides = array<i32>} : memref<128xi32, #tpu.memory_space<vmem>>, vector<16xi32>,
          %add3A_697 = arith.constant 64 : i32
          %add3A_698 = vector.broadcast %add3A_697 : i32 to vector<16xi32>
          %add3A_699 = arith.addi %iota3A, %add3A_698 : vector<16xi32>
          tpu.vector_store_idx %arg10[%get3A_696, %add3A_699], %broadcast_in_dim3A_13 : memref<82x128xf32, #tpu.memory_space<vmem>>[vector<16xi32>, vector<16xi32>], vector<16xf32>,
          %get3A_700 = arith.constant 80 : index
          %get3A_701 = tpu.vector_load %arg12[%get3A_700] {strides = array<i32>} : memref<128xi32, #tpu.memory_space<vmem>>, vector<16xi32>,
          %add3A_702 = arith.constant 80 : i32
          %add3A_703 = vector.broadcast %add3A_702 : i32 to vector<16xi32>
          %add3A_704 = arith.addi %iota3A, %add3A_703 : vector<16xi32>
          tpu.vector_store_idx %arg10[%get3A_701, %add3A_704], %broadcast_in_dim3A_13 : memref<82x128xf32, #tpu.memory_space<vmem>>[vector<16xi32>, vector<16xi32>], vector<16xf32>,
          %get3A_705 = arith.constant 96 : index
          %get3A_706 = tpu.vector_load %arg12[%get3A_705] {strides = array<i32>} : memref<128xi32, #tpu.memory_space<vmem>>, vector<16xi32>,
          %add3A_707 = arith.constant 96 : i32
          %add3A_708 = vector.broadcast %add3A_707 : i32 to vector<16xi32>
          %add3A_709 = arith.addi %iota3A, %add3A_708 : vector<16xi32>
          tpu.vector_store_idx %arg10[%get3A_706, %add3A_709], %broadcast_in_dim3A_13 : memref<82x128xf32, #tpu.memory_space<vmem>>[vector<16xi32>, vector<16xi32>], vector<16xf32>,
          %get3A_710 = arith.constant 112 : index
          %get3A_711 = tpu.vector_load %arg12[%get3A_710] {strides = array<i32>} : memref<128xi32, #tpu.memory_space<vmem>>, vector<16xi32>,
          %add3A_712 = arith.constant 112 : i32
          %add3A_713 = vector.broadcast %add3A_712 : i32 to vector<16xi32>
          %add3A_714 = arith.addi %iota3A, %add3A_713 : vector<16xi32>
          tpu.vector_store_idx %arg10[%get3A_711, %add3A_714], %broadcast_in_dim3A_13 : memref<82x128xf32, #tpu.memory_space<vmem>>[vector<16xi32>, vector<16xi32>], vector<16xf32>,
        } else {
        }
        %mul3A_557 = arith.constant 128 : i32
        %mul3A_558 = arith.muli %and3A_264, %mul3A_557 : i32
        %add3A_559 = arith.constant 0 : i32
        %add3A_560 = arith.addi %mul3A_558, %add3A_559 : i32
        %get3A = arith.index_cast %add3A_560 : i32 to index
        %get3A_561 = tpu.vector_load %arg5[%get3A] {strides = array<i32>} : memref<4096xi32, #tpu.memory_space<vmem>>, vector<16xi32>,
        %swap3A = arith.constant 0 : index
        %swap3A_562 = tpu.vector_load %arg12[%swap3A] {strides = array<i32>} : memref<128xi32, #tpu.memory_space<vmem>>, vector<16xi32>,
        tpu.vector_store %arg12[%swap3A], %get3A_561 {strides = array<i32>} : memref<128xi32, #tpu.memory_space<vmem>>, vector<16xi32>,
        %add3A_563 = arith.constant 0 : i32
        %add3A_564 = vector.broadcast %add3A_563 : i32 to vector<16xi32>
        %add3A_565 = arith.addi %iota3A, %add3A_564 : vector<16xi32>
        tpu.vector_store_idx %arg10[%get3A_561, %add3A_565], %broadcast_in_dim3A_15 : memref<82x128xf32, #tpu.memory_space<vmem>>[vector<16xi32>, vector<16xi32>], vector<16xf32>,
        %mul3A_566 = arith.constant 128 : i32
        %mul3A_567 = arith.muli %and3A_264, %mul3A_566 : i32
        %add3A_568 = arith.constant 16 : i32
        %add3A_569 = arith.addi %mul3A_567, %add3A_568 : i32
        %get3A_570 = arith.index_cast %add3A_569 : i32 to index
        %get3A_571 = tpu.vector_load %arg5[%get3A_570] {strides = array<i32>} : memref<4096xi32, #tpu.memory_space<vmem>>, vector<16xi32>,
        %swap3A_572 = arith.constant 16 : index
        %swap3A_573 = tpu.vector_load %arg12[%swap3A_572] {strides = array<i32>} : memref<128xi32, #tpu.memory_space<vmem>>, vector<16xi32>,
        tpu.vector_store %arg12[%swap3A_572], %get3A_571 {strides = array<i32>} : memref<128xi32, #tpu.memory_space<vmem>>, vector<16xi32>,
        %add3A_574 = arith.constant 16 : i32
        %add3A_575 = vector.broadcast %add3A_574 : i32 to vector<16xi32>
        %add3A_576 = arith.addi %iota3A, %add3A_575 : vector<16xi32>
        tpu.vector_store_idx %arg10[%get3A_571, %add3A_576], %broadcast_in_dim3A_15 : memref<82x128xf32, #tpu.memory_space<vmem>>[vector<16xi32>, vector<16xi32>], vector<16xf32>,
        %mul3A_577 = arith.constant 128 : i32
        %mul3A_578 = arith.muli %and3A_264, %mul3A_577 : i32
        %add3A_579 = arith.constant 32 : i32
        %add3A_580 = arith.addi %mul3A_578, %add3A_579 : i32
        %get3A_581 = arith.index_cast %add3A_580 : i32 to index
        %get3A_582 = tpu.vector_load %arg5[%get3A_581] {strides = array<i32>} : memref<4096xi32, #tpu.memory_space<vmem>>, vector<16xi32>,
        %swap3A_583 = arith.constant 32 : index
        %swap3A_584 = tpu.vector_load %arg12[%swap3A_583] {strides = array<i32>} : memref<128xi32, #tpu.memory_space<vmem>>, vector<16xi32>,
        tpu.vector_store %arg12[%swap3A_583], %get3A_582 {strides = array<i32>} : memref<128xi32, #tpu.memory_space<vmem>>, vector<16xi32>,
        %add3A_585 = arith.constant 32 : i32
        %add3A_586 = vector.broadcast %add3A_585 : i32 to vector<16xi32>
        %add3A_587 = arith.addi %iota3A, %add3A_586 : vector<16xi32>
        tpu.vector_store_idx %arg10[%get3A_582, %add3A_587], %broadcast_in_dim3A_15 : memref<82x128xf32, #tpu.memory_space<vmem>>[vector<16xi32>, vector<16xi32>], vector<16xf32>,
        %mul3A_588 = arith.constant 128 : i32
        %mul3A_589 = arith.muli %and3A_264, %mul3A_588 : i32
        %add3A_590 = arith.constant 48 : i32
        %add3A_591 = arith.addi %mul3A_589, %add3A_590 : i32
        %get3A_592 = arith.index_cast %add3A_591 : i32 to index
        %get3A_593 = tpu.vector_load %arg5[%get3A_592] {strides = array<i32>} : memref<4096xi32, #tpu.memory_space<vmem>>, vector<16xi32>,
        %swap3A_594 = arith.constant 48 : index
        %swap3A_595 = tpu.vector_load %arg12[%swap3A_594] {strides = array<i32>} : memref<128xi32, #tpu.memory_space<vmem>>, vector<16xi32>,
        tpu.vector_store %arg12[%swap3A_594], %get3A_593 {strides = array<i32>} : memref<128xi32, #tpu.memory_space<vmem>>, vector<16xi32>,
        %add3A_596 = arith.constant 48 : i32
        %add3A_597 = vector.broadcast %add3A_596 : i32 to vector<16xi32>
        %add3A_598 = arith.addi %iota3A, %add3A_597 : vector<16xi32>
        tpu.vector_store_idx %arg10[%get3A_593, %add3A_598], %broadcast_in_dim3A_15 : memref<82x128xf32, #tpu.memory_space<vmem>>[vector<16xi32>, vector<16xi32>], vector<16xf32>,
        %mul3A_599 = arith.constant 128 : i32
        %mul3A_600 = arith.muli %and3A_264, %mul3A_599 : i32
        %add3A_601 = arith.constant 64 : i32
        %add3A_602 = arith.addi %mul3A_600, %add3A_601 : i32
        %get3A_603 = arith.index_cast %add3A_602 : i32 to index
        %get3A_604 = tpu.vector_load %arg5[%get3A_603] {strides = array<i32>} : memref<4096xi32, #tpu.memory_space<vmem>>, vector<16xi32>,
        %swap3A_605 = arith.constant 64 : index
        %swap3A_606 = tpu.vector_load %arg12[%swap3A_605] {strides = array<i32>} : memref<128xi32, #tpu.memory_space<vmem>>, vector<16xi32>,
        tpu.vector_store %arg12[%swap3A_605], %get3A_604 {strides = array<i32>} : memref<128xi32, #tpu.memory_space<vmem>>, vector<16xi32>,
        %add3A_607 = arith.constant 64 : i32
        %add3A_608 = vector.broadcast %add3A_607 : i32 to vector<16xi32>
        %add3A_609 = arith.addi %iota3A, %add3A_608 : vector<16xi32>
        tpu.vector_store_idx %arg10[%get3A_604, %add3A_609], %broadcast_in_dim3A_15 : memref<82x128xf32, #tpu.memory_space<vmem>>[vector<16xi32>, vector<16xi32>], vector<16xf32>,
        %mul3A_610 = arith.constant 128 : i32
        %mul3A_611 = arith.muli %and3A_264, %mul3A_610 : i32
        %add3A_612 = arith.constant 80 : i32
        %add3A_613 = arith.addi %mul3A_611, %add3A_612 : i32
        %get3A_614 = arith.index_cast %add3A_613 : i32 to index
        %get3A_615 = tpu.vector_load %arg5[%get3A_614] {strides = array<i32>} : memref<4096xi32, #tpu.memory_space<vmem>>, vector<16xi32>,
        %swap3A_616 = arith.constant 80 : index
        %swap3A_617 = tpu.vector_load %arg12[%swap3A_616] {strides = array<i32>} : memref<128xi32, #tpu.memory_space<vmem>>, vector<16xi32>,
        tpu.vector_store %arg12[%swap3A_616], %get3A_615 {strides = array<i32>} : memref<128xi32, #tpu.memory_space<vmem>>, vector<16xi32>,
        %add3A_618 = arith.constant 80 : i32
        %add3A_619 = vector.broadcast %add3A_618 : i32 to vector<16xi32>
        %add3A_620 = arith.addi %iota3A, %add3A_619 : vector<16xi32>
        tpu.vector_store_idx %arg10[%get3A_615, %add3A_620], %broadcast_in_dim3A_15 : memref<82x128xf32, #tpu.memory_space<vmem>>[vector<16xi32>, vector<16xi32>], vector<16xf32>,
        %mul3A_621 = arith.constant 128 : i32
        %mul3A_622 = arith.muli %and3A_264, %mul3A_621 : i32
        %add3A_623 = arith.constant 96 : i32
        %add3A_624 = arith.addi %mul3A_622, %add3A_623 : i32
        %get3A_625 = arith.index_cast %add3A_624 : i32 to index
        %get3A_626 = tpu.vector_load %arg5[%get3A_625] {strides = array<i32>} : memref<4096xi32, #tpu.memory_space<vmem>>, vector<16xi32>,
        %swap3A_627 = arith.constant 96 : index
        %swap3A_628 = tpu.vector_load %arg12[%swap3A_627] {strides = array<i32>} : memref<128xi32, #tpu.memory_space<vmem>>, vector<16xi32>,
        tpu.vector_store %arg12[%swap3A_627], %get3A_626 {strides = array<i32>} : memref<128xi32, #tpu.memory_space<vmem>>, vector<16xi32>,
        %add3A_629 = arith.constant 96 : i32
        %add3A_630 = vector.broadcast %add3A_629 : i32 to vector<16xi32>
        %add3A_631 = arith.addi %iota3A, %add3A_630 : vector<16xi32>
        tpu.vector_store_idx %arg10[%get3A_626, %add3A_631], %broadcast_in_dim3A_15 : memref<82x128xf32, #tpu.memory_space<vmem>>[vector<16xi32>, vector<16xi32>], vector<16xf32>,
        %mul3A_632 = arith.constant 128 : i32
        %mul3A_633 = arith.muli %and3A_264, %mul3A_632 : i32
        %add3A_634 = arith.constant 112 : i32
        %add3A_635 = arith.addi %mul3A_633, %add3A_634 : i32
        %get3A_636 = arith.index_cast %add3A_635 : i32 to index
        %get3A_637 = tpu.vector_load %arg5[%get3A_636] {strides = array<i32>} : memref<4096xi32, #tpu.memory_space<vmem>>, vector<16xi32>,
        %swap3A_638 = arith.constant 112 : index
        %swap3A_639 = tpu.vector_load %arg12[%swap3A_638] {strides = array<i32>} : memref<128xi32, #tpu.memory_space<vmem>>, vector<16xi32>,
        tpu.vector_store %arg12[%swap3A_638], %get3A_637 {strides = array<i32>} : memref<128xi32, #tpu.memory_space<vmem>>, vector<16xi32>,
        %add3A_640 = arith.constant 112 : i32
        %add3A_641 = vector.broadcast %add3A_640 : i32 to vector<16xi32>
        %add3A_642 = arith.addi %iota3A, %add3A_641 : vector<16xi32>
        tpu.vector_store_idx %arg10[%get3A_637, %add3A_642], %broadcast_in_dim3A_15 : memref<82x128xf32, #tpu.memory_space<vmem>>[vector<16xi32>, vector<16xi32>], vector<16xf32>,
        %mul3A_643 = arith.constant 128 : i32
        %mul3A_644 = arith.muli %and3A_264, %mul3A_643 : i32
        %dma_start3A_645 = arith.constant 96 : i32
        %dma_start3A_646 = tpu.memref_slice %arg4[%add3A_265, %dma_start3A_645, %mul3A_644] : memref<92x178x4096xf32, #tpu.memory_space<hbm>> -> memref<1x82x128xf32, #tpu.memory_space<hbm>>
        %dma_start3A_647 = tpu.memref_squeeze %dma_start3A_646 : memref<1x82x128xf32, #tpu.memory_space<hbm>> -> memref<82x128xf32, #tpu.memory_space<hbm>>
        %dma_start3A_648 = arith.constant 96 : i32
        %dma_start3A_649 = tpu.memref_slice %arg4[%add3A_265, %dma_start3A_648, %mul3A_644] : memref<92x178x4096xf32, #tpu.memory_space<hbm>> -> memref<1x82x128xf32, #tpu.memory_space<hbm>>
        %dma_start3A_650 = tpu.memref_squeeze %dma_start3A_649 : memref<1x82x128xf32, #tpu.memory_space<hbm>> -> memref<82x128xf32, #tpu.memory_space<hbm>>
        tpu.enqueue_dma source(%arg10 : memref<82x128xf32, #tpu.memory_space<vmem>>) target(%dma_start3A_650 : memref<82x128xf32, #tpu.memory_space<hbm>>) target_semaphore(%arg22 : memref<!tpu.dma_semaphore, #tpu.memory_space<semaphore_mem>>)
        %mul3A_651 = arith.constant 128 : i32
        %mul3A_652 = arith.muli %and3A_264, %mul3A_651 : i32
        %dma_wait3A_653 = arith.constant 0 : i32
        %dma_wait3A_654 = tpu.memref_slice %arg2[%select_n3A_307, %select_n3A_323, %dma_wait3A_653, %mul3A_652] : memref<10x10x96x4096xf32, #tpu.memory_space<hbm>> -> memref<1x1x96x128xf32, #tpu.memory_space<hbm>>
        %dma_wait3A_655 = tpu.memref_squeeze %dma_wait3A_654 : memref<1x1x96x128xf32, #tpu.memory_space<hbm>> -> memref<96x128xf32, #tpu.memory_space<hbm>>
        %dma_wait3A_656 = arith.constant 0 : i32
        %dma_wait3A_657 = tpu.memref_slice %arg2[%select_n3A_307, %select_n3A_323, %dma_wait3A_656, %mul3A_652] : memref<10x10x96x4096xf32, #tpu.memory_space<hbm>> -> memref<1x1x96x128xf32, #tpu.memory_space<hbm>>
        %dma_wait3A_658 = tpu.memref_squeeze %dma_wait3A_657 : memref<1x1x96x128xf32, #tpu.memory_space<hbm>> -> memref<96x128xf32, #tpu.memory_space<hbm>>
        tpu.wait_dma2 semaphore(%arg14 : memref<!tpu.dma_semaphore, #tpu.memory_space<semaphore_mem>>) src(%dma_wait3A_658 : memref<96x128xf32, #tpu.memory_space<hbm>>) dst(%arg6 : memref<96x128xf32, #tpu.memory_space<vmem>>)
        %mul3A_659 = arith.constant 128 : i32
        %mul3A_660 = arith.muli %and3A_264, %mul3A_659 : i32
        %dma_start3A_661 = arith.constant 0 : i32
        %dma_start3A_662 = tpu.memref_slice %arg4[%add3A_265, %dma_start3A_661, %mul3A_660] : memref<92x178x4096xf32, #tpu.memory_space<hbm>> -> memref<1x96x128xf32, #tpu.memory_space<hbm>>
        %dma_start3A_663 = tpu.memref_squeeze %dma_start3A_662 : memref<1x96x128xf32, #tpu.memory_space<hbm>> -> memref<96x128xf32, #tpu.memory_space<hbm>>
        %dma_start3A_664 = arith.constant 0 : i32
        %dma_start3A_665 = tpu.memref_slice %arg4[%add3A_265, %dma_start3A_664, %mul3A_660] : memref<92x178x4096xf32, #tpu.memory_space<hbm>> -> memref<1x96x128xf32, #tpu.memory_space<hbm>>
        %dma_start3A_666 = tpu.memref_squeeze %dma_start3A_665 : memref<1x96x128xf32, #tpu.memory_space<hbm>> -> memref<96x128xf32, #tpu.memory_space<hbm>>
        tpu.enqueue_dma source(%arg6 : memref<96x128xf32, #tpu.memory_space<vmem>>) target(%dma_start3A_666 : memref<96x128xf32, #tpu.memory_space<hbm>>) target_semaphore(%arg18 : memref<!tpu.dma_semaphore, #tpu.memory_space<semaphore_mem>>)
      } else {
      }
      %mul3A_327 = arith.constant 4 : i32
      %mul3A_328 = arith.muli %mul3A_327, %while3A_255 : i32
      %add3A_329 = arith.constant 1 : i32
      %add3A_330 = arith.addi %mul3A_328, %add3A_329 : i32
      %shift_right_logical3A_331 = arith.constant 5 : i32
      %shift_right_logical3A_332 = arith.shrui %add3A_330, %shift_right_logical3A_331 : i32
      %and3A_333 = arith.constant 31 : i32
      %and3A_334 = arith.andi %add3A_330, %and3A_333 : i32
      %add3A_335 = arith.addi %select_n3A_10, %shift_right_logical3A_332 : i32
      %ge3A_336 = arith.constant 42 : i32
      %ge3A_337 = arith.cmpi sge, %add3A_335, %ge3A_336 : i32
      %convert_element_type3A_338 = arith.extui %ge3A_337 : i1 to i32
      %ge3A_339 = arith.constant 44 : i32
      %ge3A_340 = arith.cmpi sge, %add3A_335, %ge3A_339 : i32
      %convert_element_type3A_341 = arith.extui %ge3A_340 : i1 to i32
      %add3A_342 = arith.addi %convert_element_type3A_338, %convert_element_type3A_341 : i32
      %ge3A_343 = arith.constant 48 : i32
      %ge3A_344 = arith.cmpi sge, %add3A_335, %ge3A_343 : i32
      %convert_element_type3A_345 = arith.extui %ge3A_344 : i1 to i32
      %add3A_346 = arith.addi %add3A_342, %convert_element_type3A_345 : i32
      %ge3A_347 = arith.constant 50 : i32
      %ge3A_348 = arith.cmpi sge, %add3A_335, %ge3A_347 : i32
      %convert_element_type3A_349 = arith.extui %ge3A_348 : i1 to i32
      %add3A_350 = arith.addi %add3A_346, %convert_element_type3A_349 : i32
      %mul3A_351 = arith.constant 2 : i32
      %mul3A_352 = arith.muli %mul3A_351, %add3A_350 : i32
      %add3A_353 = arith.addi %add3A_335, %mul3A_352 : i32
      %jit3A_354 = arith.constant 10 : i32
      %div3A_355 = arith.divsi %add3A_353, %jit3A_354 : i32
      %sign3A_356 = arith.constant 0 : i32
      %sign3A_357 = arith.cmpi sgt, %add3A_353, %sign3A_356 : i32
      %sign3A_358 = arith.extui %sign3A_357 : i1 to i32
      %sign3A_359 = arith.constant 0 : i32
      %sign3A_360 = arith.cmpi slt, %add3A_353, %sign3A_359 : i32
      %sign3A_361 = arith.extui %sign3A_360 : i1 to i32
      %sign3A_362 = arith.subi %sign3A_358, %sign3A_361 : i32
      %sign3A_363 = arith.constant 0 : i32
      %sign3A_364 = arith.cmpi sgt, %jit3A_354, %sign3A_363 : i32
      %sign3A_365 = arith.extui %sign3A_364 : i1 to i32
      %sign3A_366 = arith.constant 0 : i32
      %sign3A_367 = arith.cmpi slt, %jit3A_354, %sign3A_366 : i32
      %sign3A_368 = arith.extui %sign3A_367 : i1 to i32
      %sign3A_369 = arith.subi %sign3A_365, %sign3A_368 : i32
      %ne3A_370 = arith.cmpi ne, %sign3A_362, %sign3A_369 : i32
      %rem3A_371 = arith.remsi %add3A_353, %jit3A_354 : i32
      %ne3A_372 = arith.constant 0 : i32
      %ne3A_373 = arith.cmpi ne, %rem3A_371, %ne3A_372 : i32
      %and3A_374 = arith.andi %ne3A_370, %ne3A_373 : i1
      %sub3A_375 = arith.constant 1 : i32
      %sub3A_376 = arith.subi %div3A_355, %sub3A_375 : i32
      %select_n3A_377 = arith.select %and3A_374, %sub3A_376, %div3A_355 : i32
      %jit3A_378 = arith.constant 10 : i32
      %eq3A_379 = arith.constant 0 : i32
      %eq3A_380 = arith.cmpi eq, %jit3A_378, %eq3A_379 : i32
      %jit3A_381 = arith.constant 1 : i32
      %select_n3A_382 = arith.select %eq3A_380, %jit3A_381, %jit3A_378 : i32
      %rem3A_383 = arith.remsi %add3A_353, %select_n3A_382 : i32
      %ne3A_384 = arith.constant 0 : i32
      %ne3A_385 = arith.cmpi ne, %rem3A_383, %ne3A_384 : i32
      %lt3A_386 = arith.constant 0 : i32
      %lt3A_387 = arith.cmpi slt, %rem3A_383, %lt3A_386 : i32
      %lt3A_388 = arith.constant 0 : i32
      %lt3A_389 = arith.cmpi slt, %select_n3A_382, %lt3A_388 : i32
      %ne3A_390 = arith.xori %lt3A_387, %lt3A_389 : i1
      %and3A_391 = arith.andi %ne3A_390, %ne3A_385 : i1
      %add3A_392 = arith.addi %rem3A_383, %select_n3A_382 : i32
      %select_n3A_393 = arith.select %and3A_391, %add3A_392, %rem3A_383 : i32
      %lt3A_394 = arith.cmpi slt, %add3A_330, %mul3A_12 : i32
      %convert_element_type3A_395 = arith.extui %lt3A_394 : i1 to i32
      %cond3A_396 = arith.constant 0 : i32
      %cond3A_397 = arith.cmpi ne, %convert_element_type3A_395, %cond3A_396 : i32
      scf.if %cond3A_397 {
        %eq3A_541 = arith.constant 0 : i32
        %eq3A_542 = arith.cmpi eq, %and3A_334, %eq3A_541 : i32
        %convert_element_type3A_543 = arith.extui %eq3A_542 : i1 to i32
        %cond3A_544 = arith.constant 0 : i32
        %cond3A_545 = arith.cmpi ne, %convert_element_type3A_543, %cond3A_544 : i32
        scf.if %cond3A_545 {
          "tpu.region"() ({
            %run_scoped3A = tpu.sem_alloc : memref<!tpu.dma_semaphore, #tpu.memory_space<semaphore_mem>>
            %dma_start3A_667 = arith.constant 0 : i32
            %dma_start3A_668 = tpu.memref_slice %arg3[%select_n3A_377, %select_n3A_393, %dma_start3A_667] : memref<10x10x4096xi32, #tpu.memory_space<hbm>> -> memref<1x1x4096xi32, #tpu.memory_space<hbm>>
            %dma_start3A_669 = tpu.memref_squeeze %dma_start3A_668 : memref<1x1x4096xi32, #tpu.memory_space<hbm>> -> memref<4096xi32, #tpu.memory_space<hbm>>
            %dma_start3A_670 = arith.constant 0 : i32
            %dma_start3A_671 = tpu.memref_slice %arg3[%select_n3A_377, %select_n3A_393, %dma_start3A_670] : memref<10x10x4096xi32, #tpu.memory_space<hbm>> -> memref<1x1x4096xi32, #tpu.memory_space<hbm>>
            %dma_start3A_672 = tpu.memref_squeeze %dma_start3A_671 : memref<1x1x4096xi32, #tpu.memory_space<hbm>> -> memref<4096xi32, #tpu.memory_space<hbm>>
            tpu.enqueue_dma source(%dma_start3A_672 : memref<4096xi32, #tpu.memory_space<hbm>>) target(%arg5 : memref<4096xi32, #tpu.memory_space<vmem>>) target_semaphore(%run_scoped3A : memref<!tpu.dma_semaphore, #tpu.memory_space<semaphore_mem>>)
            %dma_wait3A_673 = arith.constant 0 : i32
            %dma_wait3A_674 = tpu.memref_slice %arg3[%select_n3A_377, %select_n3A_393, %dma_wait3A_673] : memref<10x10x4096xi32, #tpu.memory_space<hbm>> -> memref<1x1x4096xi32, #tpu.memory_space<hbm>>
            %dma_wait3A_675 = tpu.memref_squeeze %dma_wait3A_674 : memref<1x1x4096xi32, #tpu.memory_space<hbm>> -> memref<4096xi32, #tpu.memory_space<hbm>>
            %dma_wait3A_676 = arith.constant 0 : i32
            %dma_wait3A_677 = tpu.memref_slice %arg3[%select_n3A_377, %select_n3A_393, %dma_wait3A_676] : memref<10x10x4096xi32, #tpu.memory_space<hbm>> -> memref<1x1x4096xi32, #tpu.memory_space<hbm>>
            %dma_wait3A_678 = tpu.memref_squeeze %dma_wait3A_677 : memref<1x1x4096xi32, #tpu.memory_space<hbm>> -> memref<4096xi32, #tpu.memory_space<hbm>>
            tpu.wait_dma2 semaphore(%run_scoped3A : memref<!tpu.dma_semaphore, #tpu.memory_space<semaphore_mem>>) src(%dma_wait3A_678 : memref<4096xi32, #tpu.memory_space<hbm>>) dst(%arg5 : memref<4096xi32, #tpu.memory_space<vmem>>)
            tpu.yield
          }) : () -> ()
        } else {
        }
        %add3A_546 = arith.constant 2 : i32
        %add3A_547 = arith.addi %add3A_330, %add3A_546 : i32
        %lt3A_548 = arith.cmpi slt, %add3A_547, %mul3A_12 : i32
        %convert_element_type3A_549 = arith.extui %lt3A_548 : i1 to i32
        %cond3A_550 = arith.constant 0 : i32
        %cond3A_551 = arith.cmpi ne, %convert_element_type3A_549, %cond3A_550 : i32
        scf.if %cond3A_551 {
          %ge3A_667 = arith.constant 2 : i32
          %ge3A_668 = arith.cmpi sge, %add3A_330, %ge3A_667 : i32
          %convert_element_type3A_669 = arith.extui %ge3A_668 : i1 to i32
          %cond3A_670 = arith.constant 0 : i32
          %cond3A_671 = arith.cmpi ne, %convert_element_type3A_669, %cond3A_670 : i32
          scf.if %cond3A_671 {
            %dma_wait3A_745 = arith.constant 0 : i32
            %dma_wait3A_746 = arith.constant 0 : i32
            %dma_wait3A_747 = tpu.memref_slice %arg4[%add3A_335, %dma_wait3A_745, %dma_wait3A_746] : memref<92x178x4096xf32, #tpu.memory_space<hbm>> -> memref<1x96x128xf32, #tpu.memory_space<hbm>>
            %dma_wait3A_748 = tpu.memref_squeeze %dma_wait3A_747 : memref<1x96x128xf32, #tpu.memory_space<hbm>> -> memref<96x128xf32, #tpu.memory_space<hbm>>
            %dma_wait3A_749 = arith.constant 0 : i32
            %dma_wait3A_750 = arith.constant 0 : i32
            %dma_wait3A_751 = tpu.memref_slice %arg4[%add3A_335, %dma_wait3A_749, %dma_wait3A_750] : memref<92x178x4096xf32, #tpu.memory_space<hbm>> -> memref<1x96x128xf32, #tpu.memory_space<hbm>>
            %dma_wait3A_752 = tpu.memref_squeeze %dma_wait3A_751 : memref<1x96x128xf32, #tpu.memory_space<hbm>> -> memref<96x128xf32, #tpu.memory_space<hbm>>
            tpu.wait_dma2 semaphore(%arg21 : memref<!tpu.dma_semaphore, #tpu.memory_space<semaphore_mem>>) src(%arg9 : memref<96x128xf32, #tpu.memory_space<vmem>>) dst(%dma_wait3A_752 : memref<96x128xf32, #tpu.memory_space<hbm>>)
          } else {
          }
          %add3A_672 = arith.constant 2 : i32
          %add3A_673 = arith.addi %add3A_330, %add3A_672 : i32
          %shift_right_logical3A_674 = arith.constant 5 : i32
          %shift_right_logical3A_675 = arith.shrui %add3A_673, %shift_right_logical3A_674 : i32
          %and3A_676 = arith.constant 31 : i32
          %and3A_677 = arith.andi %add3A_673, %and3A_676 : i32
          %add3A_678 = arith.addi %select_n3A_10, %shift_right_logical3A_675 : i32
          %ge3A_679 = arith.constant 42 : i32
          %ge3A_680 = arith.cmpi sge, %add3A_678, %ge3A_679 : i32
          %convert_element_type3A_681 = arith.extui %ge3A_680 : i1 to i32
          %ge3A_682 = arith.constant 44 : i32
          %ge3A_683 = arith.cmpi sge, %add3A_678, %ge3A_682 : i32
          %convert_element_type3A_684 = arith.extui %ge3A_683 : i1 to i32
          %add3A_685 = arith.addi %convert_element_type3A_681, %convert_element_type3A_684 : i32
          %ge3A_686 = arith.constant 48 : i32
          %ge3A_687 = arith.cmpi sge, %add3A_678, %ge3A_686 : i32
          %convert_element_type3A_688 = arith.extui %ge3A_687 : i1 to i32
          %add3A_689 = arith.addi %add3A_685, %convert_element_type3A_688 : i32
          %ge3A_690 = arith.constant 50 : i32
          %ge3A_691 = arith.cmpi sge, %add3A_678, %ge3A_690 : i32
          %convert_element_type3A_692 = arith.extui %ge3A_691 : i1 to i32
          %add3A_693 = arith.addi %add3A_689, %convert_element_type3A_692 : i32
          %mul3A_694 = arith.constant 2 : i32
          %mul3A_695 = arith.muli %mul3A_694, %add3A_693 : i32
          %add3A_696 = arith.addi %add3A_678, %mul3A_695 : i32
          %jit3A_697 = arith.constant 10 : i32
          %div3A_698 = arith.divsi %add3A_696, %jit3A_697 : i32
          %sign3A_699 = arith.constant 0 : i32
          %sign3A_700 = arith.cmpi sgt, %add3A_696, %sign3A_699 : i32
          %sign3A_701 = arith.extui %sign3A_700 : i1 to i32
          %sign3A_702 = arith.constant 0 : i32
          %sign3A_703 = arith.cmpi slt, %add3A_696, %sign3A_702 : i32
          %sign3A_704 = arith.extui %sign3A_703 : i1 to i32
          %sign3A_705 = arith.subi %sign3A_701, %sign3A_704 : i32
          %sign3A_706 = arith.constant 0 : i32
          %sign3A_707 = arith.cmpi sgt, %jit3A_697, %sign3A_706 : i32
          %sign3A_708 = arith.extui %sign3A_707 : i1 to i32
          %sign3A_709 = arith.constant 0 : i32
          %sign3A_710 = arith.cmpi slt, %jit3A_697, %sign3A_709 : i32
          %sign3A_711 = arith.extui %sign3A_710 : i1 to i32
          %sign3A_712 = arith.subi %sign3A_708, %sign3A_711 : i32
          %ne3A_713 = arith.cmpi ne, %sign3A_705, %sign3A_712 : i32
          %rem3A_714 = arith.remsi %add3A_696, %jit3A_697 : i32
          %ne3A_715 = arith.constant 0 : i32
          %ne3A_716 = arith.cmpi ne, %rem3A_714, %ne3A_715 : i32
          %and3A_717 = arith.andi %ne3A_713, %ne3A_716 : i1
          %sub3A_718 = arith.constant 1 : i32
          %sub3A_719 = arith.subi %div3A_698, %sub3A_718 : i32
          %select_n3A_720 = arith.select %and3A_717, %sub3A_719, %div3A_698 : i32
          %jit3A_721 = arith.constant 10 : i32
          %eq3A_722 = arith.constant 0 : i32
          %eq3A_723 = arith.cmpi eq, %jit3A_721, %eq3A_722 : i32
          %jit3A_724 = arith.constant 1 : i32
          %select_n3A_725 = arith.select %eq3A_723, %jit3A_724, %jit3A_721 : i32
          %rem3A_726 = arith.remsi %add3A_696, %select_n3A_725 : i32
          %ne3A_727 = arith.constant 0 : i32
          %ne3A_728 = arith.cmpi ne, %rem3A_726, %ne3A_727 : i32
          %lt3A_729 = arith.constant 0 : i32
          %lt3A_730 = arith.cmpi slt, %rem3A_726, %lt3A_729 : i32
          %lt3A_731 = arith.constant 0 : i32
          %lt3A_732 = arith.cmpi slt, %select_n3A_725, %lt3A_731 : i32
          %ne3A_733 = arith.xori %lt3A_730, %lt3A_732 : i1
          %and3A_734 = arith.andi %ne3A_733, %ne3A_728 : i1
          %add3A_735 = arith.addi %rem3A_726, %select_n3A_725 : i32
          %select_n3A_736 = arith.select %and3A_734, %add3A_735, %rem3A_726 : i32
          %mul3A_737 = arith.constant 128 : i32
          %mul3A_738 = arith.muli %and3A_677, %mul3A_737 : i32
          %dma_start3A_739 = arith.constant 0 : i32
          %dma_start3A_740 = tpu.memref_slice %arg2[%select_n3A_720, %select_n3A_736, %dma_start3A_739, %mul3A_738] : memref<10x10x96x4096xf32, #tpu.memory_space<hbm>> -> memref<1x1x96x128xf32, #tpu.memory_space<hbm>>
          %dma_start3A_741 = tpu.memref_squeeze %dma_start3A_740 : memref<1x1x96x128xf32, #tpu.memory_space<hbm>> -> memref<96x128xf32, #tpu.memory_space<hbm>>
          %dma_start3A_742 = arith.constant 0 : i32
          %dma_start3A_743 = tpu.memref_slice %arg2[%select_n3A_720, %select_n3A_736, %dma_start3A_742, %mul3A_738] : memref<10x10x96x4096xf32, #tpu.memory_space<hbm>> -> memref<1x1x96x128xf32, #tpu.memory_space<hbm>>
          %dma_start3A_744 = tpu.memref_squeeze %dma_start3A_743 : memref<1x1x96x128xf32, #tpu.memory_space<hbm>> -> memref<96x128xf32, #tpu.memory_space<hbm>>
          tpu.enqueue_dma source(%dma_start3A_744 : memref<96x128xf32, #tpu.memory_space<hbm>>) target(%arg9 : memref<96x128xf32, #tpu.memory_space<vmem>>) target_semaphore(%arg17 : memref<!tpu.dma_semaphore, #tpu.memory_space<semaphore_mem>>)
        } else {
        }
        %ge3A_552 = arith.constant 2 : i32
        %ge3A_553 = arith.cmpi sge, %add3A_330, %ge3A_552 : i32
        %convert_element_type3A_554 = arith.extui %ge3A_553 : i1 to i32
        %cond3A_555 = arith.constant 0 : i32
        %cond3A_556 = arith.cmpi ne, %convert_element_type3A_554, %cond3A_555 : i32
        scf.if %cond3A_556 {
          %dma_wait3A_667 = arith.constant 96 : i32
          %dma_wait3A_668 = arith.constant 0 : i32
          %dma_wait3A_669 = tpu.memref_slice %arg4[%add3A_335, %dma_wait3A_667, %dma_wait3A_668] : memref<92x178x4096xf32, #tpu.memory_space<hbm>> -> memref<1x82x128xf32, #tpu.memory_space<hbm>>
          %dma_wait3A_670 = tpu.memref_squeeze %dma_wait3A_669 : memref<1x82x128xf32, #tpu.memory_space<hbm>> -> memref<82x128xf32, #tpu.memory_space<hbm>>
          %dma_wait3A_671 = arith.constant 96 : i32
          %dma_wait3A_672 = arith.constant 0 : i32
          %dma_wait3A_673 = tpu.memref_slice %arg4[%add3A_335, %dma_wait3A_671, %dma_wait3A_672] : memref<92x178x4096xf32, #tpu.memory_space<hbm>> -> memref<1x82x128xf32, #tpu.memory_space<hbm>>
          %dma_wait3A_674 = tpu.memref_squeeze %dma_wait3A_673 : memref<1x82x128xf32, #tpu.memory_space<hbm>> -> memref<82x128xf32, #tpu.memory_space<hbm>>
          tpu.wait_dma2 semaphore(%arg23 : memref<!tpu.dma_semaphore, #tpu.memory_space<semaphore_mem>>) src(%arg11 : memref<82x128xf32, #tpu.memory_space<vmem>>) dst(%dma_wait3A_674 : memref<82x128xf32, #tpu.memory_space<hbm>>)
          %get3A_675 = arith.constant 0 : index
          %get3A_676 = tpu.vector_load %arg13[%get3A_675] {strides = array<i32>} : memref<128xi32, #tpu.memory_space<vmem>>, vector<16xi32>,
          %add3A_677 = arith.constant 0 : i32
          %add3A_678 = vector.broadcast %add3A_677 : i32 to vector<16xi32>
          %add3A_679 = arith.addi %iota3A, %add3A_678 : vector<16xi32>
          tpu.vector_store_idx %arg11[%get3A_676, %add3A_679], %broadcast_in_dim3A_13 : memref<82x128xf32, #tpu.memory_space<vmem>>[vector<16xi32>, vector<16xi32>], vector<16xf32>,
          %get3A_680 = arith.constant 16 : index
          %get3A_681 = tpu.vector_load %arg13[%get3A_680] {strides = array<i32>} : memref<128xi32, #tpu.memory_space<vmem>>, vector<16xi32>,
          %add3A_682 = arith.constant 16 : i32
          %add3A_683 = vector.broadcast %add3A_682 : i32 to vector<16xi32>
          %add3A_684 = arith.addi %iota3A, %add3A_683 : vector<16xi32>
          tpu.vector_store_idx %arg11[%get3A_681, %add3A_684], %broadcast_in_dim3A_13 : memref<82x128xf32, #tpu.memory_space<vmem>>[vector<16xi32>, vector<16xi32>], vector<16xf32>,
          %get3A_685 = arith.constant 32 : index
          %get3A_686 = tpu.vector_load %arg13[%get3A_685] {strides = array<i32>} : memref<128xi32, #tpu.memory_space<vmem>>, vector<16xi32>,
          %add3A_687 = arith.constant 32 : i32
          %add3A_688 = vector.broadcast %add3A_687 : i32 to vector<16xi32>
          %add3A_689 = arith.addi %iota3A, %add3A_688 : vector<16xi32>
          tpu.vector_store_idx %arg11[%get3A_686, %add3A_689], %broadcast_in_dim3A_13 : memref<82x128xf32, #tpu.memory_space<vmem>>[vector<16xi32>, vector<16xi32>], vector<16xf32>,
          %get3A_690 = arith.constant 48 : index
          %get3A_691 = tpu.vector_load %arg13[%get3A_690] {strides = array<i32>} : memref<128xi32, #tpu.memory_space<vmem>>, vector<16xi32>,
          %add3A_692 = arith.constant 48 : i32
          %add3A_693 = vector.broadcast %add3A_692 : i32 to vector<16xi32>
          %add3A_694 = arith.addi %iota3A, %add3A_693 : vector<16xi32>
          tpu.vector_store_idx %arg11[%get3A_691, %add3A_694], %broadcast_in_dim3A_13 : memref<82x128xf32, #tpu.memory_space<vmem>>[vector<16xi32>, vector<16xi32>], vector<16xf32>,
          %get3A_695 = arith.constant 64 : index
          %get3A_696 = tpu.vector_load %arg13[%get3A_695] {strides = array<i32>} : memref<128xi32, #tpu.memory_space<vmem>>, vector<16xi32>,
          %add3A_697 = arith.constant 64 : i32
          %add3A_698 = vector.broadcast %add3A_697 : i32 to vector<16xi32>
          %add3A_699 = arith.addi %iota3A, %add3A_698 : vector<16xi32>
          tpu.vector_store_idx %arg11[%get3A_696, %add3A_699], %broadcast_in_dim3A_13 : memref<82x128xf32, #tpu.memory_space<vmem>>[vector<16xi32>, vector<16xi32>], vector<16xf32>,
          %get3A_700 = arith.constant 80 : index
          %get3A_701 = tpu.vector_load %arg13[%get3A_700] {strides = array<i32>} : memref<128xi32, #tpu.memory_space<vmem>>, vector<16xi32>,
          %add3A_702 = arith.constant 80 : i32
          %add3A_703 = vector.broadcast %add3A_702 : i32 to vector<16xi32>
          %add3A_704 = arith.addi %iota3A, %add3A_703 : vector<16xi32>
          tpu.vector_store_idx %arg11[%get3A_701, %add3A_704], %broadcast_in_dim3A_13 : memref<82x128xf32, #tpu.memory_space<vmem>>[vector<16xi32>, vector<16xi32>], vector<16xf32>,
          %get3A_705 = arith.constant 96 : index
          %get3A_706 = tpu.vector_load %arg13[%get3A_705] {strides = array<i32>} : memref<128xi32, #tpu.memory_space<vmem>>, vector<16xi32>,
          %add3A_707 = arith.constant 96 : i32
          %add3A_708 = vector.broadcast %add3A_707 : i32 to vector<16xi32>
          %add3A_709 = arith.addi %iota3A, %add3A_708 : vector<16xi32>
          tpu.vector_store_idx %arg11[%get3A_706, %add3A_709], %broadcast_in_dim3A_13 : memref<82x128xf32, #tpu.memory_space<vmem>>[vector<16xi32>, vector<16xi32>], vector<16xf32>,
          %get3A_710 = arith.constant 112 : index
          %get3A_711 = tpu.vector_load %arg13[%get3A_710] {strides = array<i32>} : memref<128xi32, #tpu.memory_space<vmem>>, vector<16xi32>,
          %add3A_712 = arith.constant 112 : i32
          %add3A_713 = vector.broadcast %add3A_712 : i32 to vector<16xi32>
          %add3A_714 = arith.addi %iota3A, %add3A_713 : vector<16xi32>
          tpu.vector_store_idx %arg11[%get3A_711, %add3A_714], %broadcast_in_dim3A_13 : memref<82x128xf32, #tpu.memory_space<vmem>>[vector<16xi32>, vector<16xi32>], vector<16xf32>,
        } else {
        }
        %mul3A_557 = arith.constant 128 : i32
        %mul3A_558 = arith.muli %and3A_334, %mul3A_557 : i32
        %add3A_559 = arith.constant 0 : i32
        %add3A_560 = arith.addi %mul3A_558, %add3A_559 : i32
        %get3A = arith.index_cast %add3A_560 : i32 to index
        %get3A_561 = tpu.vector_load %arg5[%get3A] {strides = array<i32>} : memref<4096xi32, #tpu.memory_space<vmem>>, vector<16xi32>,
        %swap3A = arith.constant 0 : index
        %swap3A_562 = tpu.vector_load %arg13[%swap3A] {strides = array<i32>} : memref<128xi32, #tpu.memory_space<vmem>>, vector<16xi32>,
        tpu.vector_store %arg13[%swap3A], %get3A_561 {strides = array<i32>} : memref<128xi32, #tpu.memory_space<vmem>>, vector<16xi32>,
        %add3A_563 = arith.constant 0 : i32
        %add3A_564 = vector.broadcast %add3A_563 : i32 to vector<16xi32>
        %add3A_565 = arith.addi %iota3A, %add3A_564 : vector<16xi32>
        tpu.vector_store_idx %arg11[%get3A_561, %add3A_565], %broadcast_in_dim3A_15 : memref<82x128xf32, #tpu.memory_space<vmem>>[vector<16xi32>, vector<16xi32>], vector<16xf32>,
        %mul3A_566 = arith.constant 128 : i32
        %mul3A_567 = arith.muli %and3A_334, %mul3A_566 : i32
        %add3A_568 = arith.constant 16 : i32
        %add3A_569 = arith.addi %mul3A_567, %add3A_568 : i32
        %get3A_570 = arith.index_cast %add3A_569 : i32 to index
        %get3A_571 = tpu.vector_load %arg5[%get3A_570] {strides = array<i32>} : memref<4096xi32, #tpu.memory_space<vmem>>, vector<16xi32>,
        %swap3A_572 = arith.constant 16 : index
        %swap3A_573 = tpu.vector_load %arg13[%swap3A_572] {strides = array<i32>} : memref<128xi32, #tpu.memory_space<vmem>>, vector<16xi32>,
        tpu.vector_store %arg13[%swap3A_572], %get3A_571 {strides = array<i32>} : memref<128xi32, #tpu.memory_space<vmem>>, vector<16xi32>,
        %add3A_574 = arith.constant 16 : i32
        %add3A_575 = vector.broadcast %add3A_574 : i32 to vector<16xi32>
        %add3A_576 = arith.addi %iota3A, %add3A_575 : vector<16xi32>
        tpu.vector_store_idx %arg11[%get3A_571, %add3A_576], %broadcast_in_dim3A_15 : memref<82x128xf32, #tpu.memory_space<vmem>>[vector<16xi32>, vector<16xi32>], vector<16xf32>,
        %mul3A_577 = arith.constant 128 : i32
        %mul3A_578 = arith.muli %and3A_334, %mul3A_577 : i32
        %add3A_579 = arith.constant 32 : i32
        %add3A_580 = arith.addi %mul3A_578, %add3A_579 : i32
        %get3A_581 = arith.index_cast %add3A_580 : i32 to index
        %get3A_582 = tpu.vector_load %arg5[%get3A_581] {strides = array<i32>} : memref<4096xi32, #tpu.memory_space<vmem>>, vector<16xi32>,
        %swap3A_583 = arith.constant 32 : index
        %swap3A_584 = tpu.vector_load %arg13[%swap3A_583] {strides = array<i32>} : memref<128xi32, #tpu.memory_space<vmem>>, vector<16xi32>,
        tpu.vector_store %arg13[%swap3A_583], %get3A_582 {strides = array<i32>} : memref<128xi32, #tpu.memory_space<vmem>>, vector<16xi32>,
        %add3A_585 = arith.constant 32 : i32
        %add3A_586 = vector.broadcast %add3A_585 : i32 to vector<16xi32>
        %add3A_587 = arith.addi %iota3A, %add3A_586 : vector<16xi32>
        tpu.vector_store_idx %arg11[%get3A_582, %add3A_587], %broadcast_in_dim3A_15 : memref<82x128xf32, #tpu.memory_space<vmem>>[vector<16xi32>, vector<16xi32>], vector<16xf32>,
        %mul3A_588 = arith.constant 128 : i32
        %mul3A_589 = arith.muli %and3A_334, %mul3A_588 : i32
        %add3A_590 = arith.constant 48 : i32
        %add3A_591 = arith.addi %mul3A_589, %add3A_590 : i32
        %get3A_592 = arith.index_cast %add3A_591 : i32 to index
        %get3A_593 = tpu.vector_load %arg5[%get3A_592] {strides = array<i32>} : memref<4096xi32, #tpu.memory_space<vmem>>, vector<16xi32>,
        %swap3A_594 = arith.constant 48 : index
        %swap3A_595 = tpu.vector_load %arg13[%swap3A_594] {strides = array<i32>} : memref<128xi32, #tpu.memory_space<vmem>>, vector<16xi32>,
        tpu.vector_store %arg13[%swap3A_594], %get3A_593 {strides = array<i32>} : memref<128xi32, #tpu.memory_space<vmem>>, vector<16xi32>,
        %add3A_596 = arith.constant 48 : i32
        %add3A_597 = vector.broadcast %add3A_596 : i32 to vector<16xi32>
        %add3A_598 = arith.addi %iota3A, %add3A_597 : vector<16xi32>
        tpu.vector_store_idx %arg11[%get3A_593, %add3A_598], %broadcast_in_dim3A_15 : memref<82x128xf32, #tpu.memory_space<vmem>>[vector<16xi32>, vector<16xi32>], vector<16xf32>,
        %mul3A_599 = arith.constant 128 : i32
        %mul3A_600 = arith.muli %and3A_334, %mul3A_599 : i32
        %add3A_601 = arith.constant 64 : i32
        %add3A_602 = arith.addi %mul3A_600, %add3A_601 : i32
        %get3A_603 = arith.index_cast %add3A_602 : i32 to index
        %get3A_604 = tpu.vector_load %arg5[%get3A_603] {strides = array<i32>} : memref<4096xi32, #tpu.memory_space<vmem>>, vector<16xi32>,
        %swap3A_605 = arith.constant 64 : index
        %swap3A_606 = tpu.vector_load %arg13[%swap3A_605] {strides = array<i32>} : memref<128xi32, #tpu.memory_space<vmem>>, vector<16xi32>,
        tpu.vector_store %arg13[%swap3A_605], %get3A_604 {strides = array<i32>} : memref<128xi32, #tpu.memory_space<vmem>>, vector<16xi32>,
        %add3A_607 = arith.constant 64 : i32
        %add3A_608 = vector.broadcast %add3A_607 : i32 to vector<16xi32>
        %add3A_609 = arith.addi %iota3A, %add3A_608 : vector<16xi32>
        tpu.vector_store_idx %arg11[%get3A_604, %add3A_609], %broadcast_in_dim3A_15 : memref<82x128xf32, #tpu.memory_space<vmem>>[vector<16xi32>, vector<16xi32>], vector<16xf32>,
        %mul3A_610 = arith.constant 128 : i32
        %mul3A_611 = arith.muli %and3A_334, %mul3A_610 : i32
        %add3A_612 = arith.constant 80 : i32
        %add3A_613 = arith.addi %mul3A_611, %add3A_612 : i32
        %get3A_614 = arith.index_cast %add3A_613 : i32 to index
        %get3A_615 = tpu.vector_load %arg5[%get3A_614] {strides = array<i32>} : memref<4096xi32, #tpu.memory_space<vmem>>, vector<16xi32>,
        %swap3A_616 = arith.constant 80 : index
        %swap3A_617 = tpu.vector_load %arg13[%swap3A_616] {strides = array<i32>} : memref<128xi32, #tpu.memory_space<vmem>>, vector<16xi32>,
        tpu.vector_store %arg13[%swap3A_616], %get3A_615 {strides = array<i32>} : memref<128xi32, #tpu.memory_space<vmem>>, vector<16xi32>,
        %add3A_618 = arith.constant 80 : i32
        %add3A_619 = vector.broadcast %add3A_618 : i32 to vector<16xi32>
        %add3A_620 = arith.addi %iota3A, %add3A_619 : vector<16xi32>
        tpu.vector_store_idx %arg11[%get3A_615, %add3A_620], %broadcast_in_dim3A_15 : memref<82x128xf32, #tpu.memory_space<vmem>>[vector<16xi32>, vector<16xi32>], vector<16xf32>,
        %mul3A_621 = arith.constant 128 : i32
        %mul3A_622 = arith.muli %and3A_334, %mul3A_621 : i32
        %add3A_623 = arith.constant 96 : i32
        %add3A_624 = arith.addi %mul3A_622, %add3A_623 : i32
        %get3A_625 = arith.index_cast %add3A_624 : i32 to index
        %get3A_626 = tpu.vector_load %arg5[%get3A_625] {strides = array<i32>} : memref<4096xi32, #tpu.memory_space<vmem>>, vector<16xi32>,
        %swap3A_627 = arith.constant 96 : index
        %swap3A_628 = tpu.vector_load %arg13[%swap3A_627] {strides = array<i32>} : memref<128xi32, #tpu.memory_space<vmem>>, vector<16xi32>,
        tpu.vector_store %arg13[%swap3A_627], %get3A_626 {strides = array<i32>} : memref<128xi32, #tpu.memory_space<vmem>>, vector<16xi32>,
        %add3A_629 = arith.constant 96 : i32
        %add3A_630 = vector.broadcast %add3A_629 : i32 to vector<16xi32>
        %add3A_631 = arith.addi %iota3A, %add3A_630 : vector<16xi32>
        tpu.vector_store_idx %arg11[%get3A_626, %add3A_631], %broadcast_in_dim3A_15 : memref<82x128xf32, #tpu.memory_space<vmem>>[vector<16xi32>, vector<16xi32>], vector<16xf32>,
        %mul3A_632 = arith.constant 128 : i32
        %mul3A_633 = arith.muli %and3A_334, %mul3A_632 : i32
        %add3A_634 = arith.constant 112 : i32
        %add3A_635 = arith.addi %mul3A_633, %add3A_634 : i32
        %get3A_636 = arith.index_cast %add3A_635 : i32 to index
        %get3A_637 = tpu.vector_load %arg5[%get3A_636] {strides = array<i32>} : memref<4096xi32, #tpu.memory_space<vmem>>, vector<16xi32>,
        %swap3A_638 = arith.constant 112 : index
        %swap3A_639 = tpu.vector_load %arg13[%swap3A_638] {strides = array<i32>} : memref<128xi32, #tpu.memory_space<vmem>>, vector<16xi32>,
        tpu.vector_store %arg13[%swap3A_638], %get3A_637 {strides = array<i32>} : memref<128xi32, #tpu.memory_space<vmem>>, vector<16xi32>,
        %add3A_640 = arith.constant 112 : i32
        %add3A_641 = vector.broadcast %add3A_640 : i32 to vector<16xi32>
        %add3A_642 = arith.addi %iota3A, %add3A_641 : vector<16xi32>
        tpu.vector_store_idx %arg11[%get3A_637, %add3A_642], %broadcast_in_dim3A_15 : memref<82x128xf32, #tpu.memory_space<vmem>>[vector<16xi32>, vector<16xi32>], vector<16xf32>,
        %mul3A_643 = arith.constant 128 : i32
        %mul3A_644 = arith.muli %and3A_334, %mul3A_643 : i32
        %dma_start3A_645 = arith.constant 96 : i32
        %dma_start3A_646 = tpu.memref_slice %arg4[%add3A_335, %dma_start3A_645, %mul3A_644] : memref<92x178x4096xf32, #tpu.memory_space<hbm>> -> memref<1x82x128xf32, #tpu.memory_space<hbm>>
        %dma_start3A_647 = tpu.memref_squeeze %dma_start3A_646 : memref<1x82x128xf32, #tpu.memory_space<hbm>> -> memref<82x128xf32, #tpu.memory_space<hbm>>
        %dma_start3A_648 = arith.constant 96 : i32
        %dma_start3A_649 = tpu.memref_slice %arg4[%add3A_335, %dma_start3A_648, %mul3A_644] : memref<92x178x4096xf32, #tpu.memory_space<hbm>> -> memref<1x82x128xf32, #tpu.memory_space<hbm>>
        %dma_start3A_650 = tpu.memref_squeeze %dma_start3A_649 : memref<1x82x128xf32, #tpu.memory_space<hbm>> -> memref<82x128xf32, #tpu.memory_space<hbm>>
        tpu.enqueue_dma source(%arg11 : memref<82x128xf32, #tpu.memory_space<vmem>>) target(%dma_start3A_650 : memref<82x128xf32, #tpu.memory_space<hbm>>) target_semaphore(%arg23 : memref<!tpu.dma_semaphore, #tpu.memory_space<semaphore_mem>>)
        %mul3A_651 = arith.constant 128 : i32
        %mul3A_652 = arith.muli %and3A_334, %mul3A_651 : i32
        %dma_wait3A_653 = arith.constant 0 : i32
        %dma_wait3A_654 = tpu.memref_slice %arg2[%select_n3A_377, %select_n3A_393, %dma_wait3A_653, %mul3A_652] : memref<10x10x96x4096xf32, #tpu.memory_space<hbm>> -> memref<1x1x96x128xf32, #tpu.memory_space<hbm>>
        %dma_wait3A_655 = tpu.memref_squeeze %dma_wait3A_654 : memref<1x1x96x128xf32, #tpu.memory_space<hbm>> -> memref<96x128xf32, #tpu.memory_space<hbm>>
        %dma_wait3A_656 = arith.constant 0 : i32
        %dma_wait3A_657 = tpu.memref_slice %arg2[%select_n3A_377, %select_n3A_393, %dma_wait3A_656, %mul3A_652] : memref<10x10x96x4096xf32, #tpu.memory_space<hbm>> -> memref<1x1x96x128xf32, #tpu.memory_space<hbm>>
        %dma_wait3A_658 = tpu.memref_squeeze %dma_wait3A_657 : memref<1x1x96x128xf32, #tpu.memory_space<hbm>> -> memref<96x128xf32, #tpu.memory_space<hbm>>
        tpu.wait_dma2 semaphore(%arg15 : memref<!tpu.dma_semaphore, #tpu.memory_space<semaphore_mem>>) src(%dma_wait3A_658 : memref<96x128xf32, #tpu.memory_space<hbm>>) dst(%arg7 : memref<96x128xf32, #tpu.memory_space<vmem>>)
        %mul3A_659 = arith.constant 128 : i32
        %mul3A_660 = arith.muli %and3A_334, %mul3A_659 : i32
        %dma_start3A_661 = arith.constant 0 : i32
        %dma_start3A_662 = tpu.memref_slice %arg4[%add3A_335, %dma_start3A_661, %mul3A_660] : memref<92x178x4096xf32, #tpu.memory_space<hbm>> -> memref<1x96x128xf32, #tpu.memory_space<hbm>>
        %dma_start3A_663 = tpu.memref_squeeze %dma_start3A_662 : memref<1x96x128xf32, #tpu.memory_space<hbm>> -> memref<96x128xf32, #tpu.memory_space<hbm>>
        %dma_start3A_664 = arith.constant 0 : i32
        %dma_start3A_665 = tpu.memref_slice %arg4[%add3A_335, %dma_start3A_664, %mul3A_660] : memref<92x178x4096xf32, #tpu.memory_space<hbm>> -> memref<1x96x128xf32, #tpu.memory_space<hbm>>
        %dma_start3A_666 = tpu.memref_squeeze %dma_start3A_665 : memref<1x96x128xf32, #tpu.memory_space<hbm>> -> memref<96x128xf32, #tpu.memory_space<hbm>>
        tpu.enqueue_dma source(%arg7 : memref<96x128xf32, #tpu.memory_space<vmem>>) target(%dma_start3A_666 : memref<96x128xf32, #tpu.memory_space<hbm>>) target_semaphore(%arg19 : memref<!tpu.dma_semaphore, #tpu.memory_space<semaphore_mem>>)
      } else {
      }
      %mul3A_398 = arith.constant 4 : i32
      %mul3A_399 = arith.muli %mul3A_398, %while3A_255 : i32
      %add3A_400 = arith.constant 2 : i32
      %add3A_401 = arith.addi %mul3A_399, %add3A_400 : i32
      %shift_right_logical3A_402 = arith.constant 5 : i32
      %shift_right_logical3A_403 = arith.shrui %add3A_401, %shift_right_logical3A_402 : i32
      %and3A_404 = arith.constant 31 : i32
      %and3A_405 = arith.andi %add3A_401, %and3A_404 : i32
      %add3A_406 = arith.addi %select_n3A_10, %shift_right_logical3A_403 : i32
      %ge3A_407 = arith.constant 42 : i32
      %ge3A_408 = arith.cmpi sge, %add3A_406, %ge3A_407 : i32
      %convert_element_type3A_409 = arith.extui %ge3A_408 : i1 to i32
      %ge3A_410 = arith.constant 44 : i32
      %ge3A_411 = arith.cmpi sge, %add3A_406, %ge3A_410 : i32
      %convert_element_type3A_412 = arith.extui %ge3A_411 : i1 to i32
      %add3A_413 = arith.addi %convert_element_type3A_409, %convert_element_type3A_412 : i32
      %ge3A_414 = arith.constant 48 : i32
      %ge3A_415 = arith.cmpi sge, %add3A_406, %ge3A_414 : i32
      %convert_element_type3A_416 = arith.extui %ge3A_415 : i1 to i32
      %add3A_417 = arith.addi %add3A_413, %convert_element_type3A_416 : i32
      %ge3A_418 = arith.constant 50 : i32
      %ge3A_419 = arith.cmpi sge, %add3A_406, %ge3A_418 : i32
      %convert_element_type3A_420 = arith.extui %ge3A_419 : i1 to i32
      %add3A_421 = arith.addi %add3A_417, %convert_element_type3A_420 : i32
      %mul3A_422 = arith.constant 2 : i32
      %mul3A_423 = arith.muli %mul3A_422, %add3A_421 : i32
      %add3A_424 = arith.addi %add3A_406, %mul3A_423 : i32
      %jit3A_425 = arith.constant 10 : i32
      %div3A_426 = arith.divsi %add3A_424, %jit3A_425 : i32
      %sign3A_427 = arith.constant 0 : i32
      %sign3A_428 = arith.cmpi sgt, %add3A_424, %sign3A_427 : i32
      %sign3A_429 = arith.extui %sign3A_428 : i1 to i32
      %sign3A_430 = arith.constant 0 : i32
      %sign3A_431 = arith.cmpi slt, %add3A_424, %sign3A_430 : i32
      %sign3A_432 = arith.extui %sign3A_431 : i1 to i32
      %sign3A_433 = arith.subi %sign3A_429, %sign3A_432 : i32
      %sign3A_434 = arith.constant 0 : i32
      %sign3A_435 = arith.cmpi sgt, %jit3A_425, %sign3A_434 : i32
      %sign3A_436 = arith.extui %sign3A_435 : i1 to i32
      %sign3A_437 = arith.constant 0 : i32
      %sign3A_438 = arith.cmpi slt, %jit3A_425, %sign3A_437 : i32
      %sign3A_439 = arith.extui %sign3A_438 : i1 to i32
      %sign3A_440 = arith.subi %sign3A_436, %sign3A_439 : i32
      %ne3A_441 = arith.cmpi ne, %sign3A_433, %sign3A_440 : i32
      %rem3A_442 = arith.remsi %add3A_424, %jit3A_425 : i32
      %ne3A_443 = arith.constant 0 : i32
      %ne3A_444 = arith.cmpi ne, %rem3A_442, %ne3A_443 : i32
      %and3A_445 = arith.andi %ne3A_441, %ne3A_444 : i1
      %sub3A_446 = arith.constant 1 : i32
      %sub3A_447 = arith.subi %div3A_426, %sub3A_446 : i32
      %select_n3A_448 = arith.select %and3A_445, %sub3A_447, %div3A_426 : i32
      %jit3A_449 = arith.constant 10 : i32
      %eq3A_450 = arith.constant 0 : i32
      %eq3A_451 = arith.cmpi eq, %jit3A_449, %eq3A_450 : i32
      %jit3A_452 = arith.constant 1 : i32
      %select_n3A_453 = arith.select %eq3A_451, %jit3A_452, %jit3A_449 : i32
      %rem3A_454 = arith.remsi %add3A_424, %select_n3A_453 : i32
      %ne3A_455 = arith.constant 0 : i32
      %ne3A_456 = arith.cmpi ne, %rem3A_454, %ne3A_455 : i32
      %lt3A_457 = arith.constant 0 : i32
      %lt3A_458 = arith.cmpi slt, %rem3A_454, %lt3A_457 : i32
      %lt3A_459 = arith.constant 0 : i32
      %lt3A_460 = arith.cmpi slt, %select_n3A_453, %lt3A_459 : i32
      %ne3A_461 = arith.xori %lt3A_458, %lt3A_460 : i1
      %and3A_462 = arith.andi %ne3A_461, %ne3A_456 : i1
      %add3A_463 = arith.addi %rem3A_454, %select_n3A_453 : i32
      %select_n3A_464 = arith.select %and3A_462, %add3A_463, %rem3A_454 : i32
      %lt3A_465 = arith.cmpi slt, %add3A_401, %mul3A_12 : i32
      %convert_element_type3A_466 = arith.extui %lt3A_465 : i1 to i32
      %cond3A_467 = arith.constant 0 : i32
      %cond3A_468 = arith.cmpi ne, %convert_element_type3A_466, %cond3A_467 : i32
      scf.if %cond3A_468 {
        %eq3A_541 = arith.constant 0 : i32
        %eq3A_542 = arith.cmpi eq, %and3A_405, %eq3A_541 : i32
        %convert_element_type3A_543 = arith.extui %eq3A_542 : i1 to i32
        %cond3A_544 = arith.constant 0 : i32
        %cond3A_545 = arith.cmpi ne, %convert_element_type3A_543, %cond3A_544 : i32
        scf.if %cond3A_545 {
          "tpu.region"() ({
            %run_scoped3A = tpu.sem_alloc : memref<!tpu.dma_semaphore, #tpu.memory_space<semaphore_mem>>
            %dma_start3A_667 = arith.constant 0 : i32
            %dma_start3A_668 = tpu.memref_slice %arg3[%select_n3A_448, %select_n3A_464, %dma_start3A_667] : memref<10x10x4096xi32, #tpu.memory_space<hbm>> -> memref<1x1x4096xi32, #tpu.memory_space<hbm>>
            %dma_start3A_669 = tpu.memref_squeeze %dma_start3A_668 : memref<1x1x4096xi32, #tpu.memory_space<hbm>> -> memref<4096xi32, #tpu.memory_space<hbm>>
            %dma_start3A_670 = arith.constant 0 : i32
            %dma_start3A_671 = tpu.memref_slice %arg3[%select_n3A_448, %select_n3A_464, %dma_start3A_670] : memref<10x10x4096xi32, #tpu.memory_space<hbm>> -> memref<1x1x4096xi32, #tpu.memory_space<hbm>>
            %dma_start3A_672 = tpu.memref_squeeze %dma_start3A_671 : memref<1x1x4096xi32, #tpu.memory_space<hbm>> -> memref<4096xi32, #tpu.memory_space<hbm>>
            tpu.enqueue_dma source(%dma_start3A_672 : memref<4096xi32, #tpu.memory_space<hbm>>) target(%arg5 : memref<4096xi32, #tpu.memory_space<vmem>>) target_semaphore(%run_scoped3A : memref<!tpu.dma_semaphore, #tpu.memory_space<semaphore_mem>>)
            %dma_wait3A_673 = arith.constant 0 : i32
            %dma_wait3A_674 = tpu.memref_slice %arg3[%select_n3A_448, %select_n3A_464, %dma_wait3A_673] : memref<10x10x4096xi32, #tpu.memory_space<hbm>> -> memref<1x1x4096xi32, #tpu.memory_space<hbm>>
            %dma_wait3A_675 = tpu.memref_squeeze %dma_wait3A_674 : memref<1x1x4096xi32, #tpu.memory_space<hbm>> -> memref<4096xi32, #tpu.memory_space<hbm>>
            %dma_wait3A_676 = arith.constant 0 : i32
            %dma_wait3A_677 = tpu.memref_slice %arg3[%select_n3A_448, %select_n3A_464, %dma_wait3A_676] : memref<10x10x4096xi32, #tpu.memory_space<hbm>> -> memref<1x1x4096xi32, #tpu.memory_space<hbm>>
            %dma_wait3A_678 = tpu.memref_squeeze %dma_wait3A_677 : memref<1x1x4096xi32, #tpu.memory_space<hbm>> -> memref<4096xi32, #tpu.memory_space<hbm>>
            tpu.wait_dma2 semaphore(%run_scoped3A : memref<!tpu.dma_semaphore, #tpu.memory_space<semaphore_mem>>) src(%dma_wait3A_678 : memref<4096xi32, #tpu.memory_space<hbm>>) dst(%arg5 : memref<4096xi32, #tpu.memory_space<vmem>>)
            tpu.yield
          }) : () -> ()
        } else {
        }
        %add3A_546 = arith.constant 2 : i32
        %add3A_547 = arith.addi %add3A_401, %add3A_546 : i32
        %lt3A_548 = arith.cmpi slt, %add3A_547, %mul3A_12 : i32
        %convert_element_type3A_549 = arith.extui %lt3A_548 : i1 to i32
        %cond3A_550 = arith.constant 0 : i32
        %cond3A_551 = arith.cmpi ne, %convert_element_type3A_549, %cond3A_550 : i32
        scf.if %cond3A_551 {
          %ge3A_667 = arith.constant 2 : i32
          %ge3A_668 = arith.cmpi sge, %add3A_401, %ge3A_667 : i32
          %convert_element_type3A_669 = arith.extui %ge3A_668 : i1 to i32
          %cond3A_670 = arith.constant 0 : i32
          %cond3A_671 = arith.cmpi ne, %convert_element_type3A_669, %cond3A_670 : i32
          scf.if %cond3A_671 {
            %dma_wait3A_745 = arith.constant 0 : i32
            %dma_wait3A_746 = arith.constant 0 : i32
            %dma_wait3A_747 = tpu.memref_slice %arg4[%add3A_406, %dma_wait3A_745, %dma_wait3A_746] : memref<92x178x4096xf32, #tpu.memory_space<hbm>> -> memref<1x96x128xf32, #tpu.memory_space<hbm>>
            %dma_wait3A_748 = tpu.memref_squeeze %dma_wait3A_747 : memref<1x96x128xf32, #tpu.memory_space<hbm>> -> memref<96x128xf32, #tpu.memory_space<hbm>>
            %dma_wait3A_749 = arith.constant 0 : i32
            %dma_wait3A_750 = arith.constant 0 : i32
            %dma_wait3A_751 = tpu.memref_slice %arg4[%add3A_406, %dma_wait3A_749, %dma_wait3A_750] : memref<92x178x4096xf32, #tpu.memory_space<hbm>> -> memref<1x96x128xf32, #tpu.memory_space<hbm>>
            %dma_wait3A_752 = tpu.memref_squeeze %dma_wait3A_751 : memref<1x96x128xf32, #tpu.memory_space<hbm>> -> memref<96x128xf32, #tpu.memory_space<hbm>>
            tpu.wait_dma2 semaphore(%arg18 : memref<!tpu.dma_semaphore, #tpu.memory_space<semaphore_mem>>) src(%arg6 : memref<96x128xf32, #tpu.memory_space<vmem>>) dst(%dma_wait3A_752 : memref<96x128xf32, #tpu.memory_space<hbm>>)
          } else {
          }
          %add3A_672 = arith.constant 2 : i32
          %add3A_673 = arith.addi %add3A_401, %add3A_672 : i32
          %shift_right_logical3A_674 = arith.constant 5 : i32
          %shift_right_logical3A_675 = arith.shrui %add3A_673, %shift_right_logical3A_674 : i32
          %and3A_676 = arith.constant 31 : i32
          %and3A_677 = arith.andi %add3A_673, %and3A_676 : i32
          %add3A_678 = arith.addi %select_n3A_10, %shift_right_logical3A_675 : i32
          %ge3A_679 = arith.constant 42 : i32
          %ge3A_680 = arith.cmpi sge, %add3A_678, %ge3A_679 : i32
          %convert_element_type3A_681 = arith.extui %ge3A_680 : i1 to i32
          %ge3A_682 = arith.constant 44 : i32
          %ge3A_683 = arith.cmpi sge, %add3A_678, %ge3A_682 : i32
          %convert_element_type3A_684 = arith.extui %ge3A_683 : i1 to i32
          %add3A_685 = arith.addi %convert_element_type3A_681, %convert_element_type3A_684 : i32
          %ge3A_686 = arith.constant 48 : i32
          %ge3A_687 = arith.cmpi sge, %add3A_678, %ge3A_686 : i32
          %convert_element_type3A_688 = arith.extui %ge3A_687 : i1 to i32
          %add3A_689 = arith.addi %add3A_685, %convert_element_type3A_688 : i32
          %ge3A_690 = arith.constant 50 : i32
          %ge3A_691 = arith.cmpi sge, %add3A_678, %ge3A_690 : i32
          %convert_element_type3A_692 = arith.extui %ge3A_691 : i1 to i32
          %add3A_693 = arith.addi %add3A_689, %convert_element_type3A_692 : i32
          %mul3A_694 = arith.constant 2 : i32
          %mul3A_695 = arith.muli %mul3A_694, %add3A_693 : i32
          %add3A_696 = arith.addi %add3A_678, %mul3A_695 : i32
          %jit3A_697 = arith.constant 10 : i32
          %div3A_698 = arith.divsi %add3A_696, %jit3A_697 : i32
          %sign3A_699 = arith.constant 0 : i32
          %sign3A_700 = arith.cmpi sgt, %add3A_696, %sign3A_699 : i32
          %sign3A_701 = arith.extui %sign3A_700 : i1 to i32
          %sign3A_702 = arith.constant 0 : i32
          %sign3A_703 = arith.cmpi slt, %add3A_696, %sign3A_702 : i32
          %sign3A_704 = arith.extui %sign3A_703 : i1 to i32
          %sign3A_705 = arith.subi %sign3A_701, %sign3A_704 : i32
          %sign3A_706 = arith.constant 0 : i32
          %sign3A_707 = arith.cmpi sgt, %jit3A_697, %sign3A_706 : i32
          %sign3A_708 = arith.extui %sign3A_707 : i1 to i32
          %sign3A_709 = arith.constant 0 : i32
          %sign3A_710 = arith.cmpi slt, %jit3A_697, %sign3A_709 : i32
          %sign3A_711 = arith.extui %sign3A_710 : i1 to i32
          %sign3A_712 = arith.subi %sign3A_708, %sign3A_711 : i32
          %ne3A_713 = arith.cmpi ne, %sign3A_705, %sign3A_712 : i32
          %rem3A_714 = arith.remsi %add3A_696, %jit3A_697 : i32
          %ne3A_715 = arith.constant 0 : i32
          %ne3A_716 = arith.cmpi ne, %rem3A_714, %ne3A_715 : i32
          %and3A_717 = arith.andi %ne3A_713, %ne3A_716 : i1
          %sub3A_718 = arith.constant 1 : i32
          %sub3A_719 = arith.subi %div3A_698, %sub3A_718 : i32
          %select_n3A_720 = arith.select %and3A_717, %sub3A_719, %div3A_698 : i32
          %jit3A_721 = arith.constant 10 : i32
          %eq3A_722 = arith.constant 0 : i32
          %eq3A_723 = arith.cmpi eq, %jit3A_721, %eq3A_722 : i32
          %jit3A_724 = arith.constant 1 : i32
          %select_n3A_725 = arith.select %eq3A_723, %jit3A_724, %jit3A_721 : i32
          %rem3A_726 = arith.remsi %add3A_696, %select_n3A_725 : i32
          %ne3A_727 = arith.constant 0 : i32
          %ne3A_728 = arith.cmpi ne, %rem3A_726, %ne3A_727 : i32
          %lt3A_729 = arith.constant 0 : i32
          %lt3A_730 = arith.cmpi slt, %rem3A_726, %lt3A_729 : i32
          %lt3A_731 = arith.constant 0 : i32
          %lt3A_732 = arith.cmpi slt, %select_n3A_725, %lt3A_731 : i32
          %ne3A_733 = arith.xori %lt3A_730, %lt3A_732 : i1
          %and3A_734 = arith.andi %ne3A_733, %ne3A_728 : i1
          %add3A_735 = arith.addi %rem3A_726, %select_n3A_725 : i32
          %select_n3A_736 = arith.select %and3A_734, %add3A_735, %rem3A_726 : i32
          %mul3A_737 = arith.constant 128 : i32
          %mul3A_738 = arith.muli %and3A_677, %mul3A_737 : i32
          %dma_start3A_739 = arith.constant 0 : i32
          %dma_start3A_740 = tpu.memref_slice %arg2[%select_n3A_720, %select_n3A_736, %dma_start3A_739, %mul3A_738] : memref<10x10x96x4096xf32, #tpu.memory_space<hbm>> -> memref<1x1x96x128xf32, #tpu.memory_space<hbm>>
          %dma_start3A_741 = tpu.memref_squeeze %dma_start3A_740 : memref<1x1x96x128xf32, #tpu.memory_space<hbm>> -> memref<96x128xf32, #tpu.memory_space<hbm>>
          %dma_start3A_742 = arith.constant 0 : i32
          %dma_start3A_743 = tpu.memref_slice %arg2[%select_n3A_720, %select_n3A_736, %dma_start3A_742, %mul3A_738] : memref<10x10x96x4096xf32, #tpu.memory_space<hbm>> -> memref<1x1x96x128xf32, #tpu.memory_space<hbm>>
          %dma_start3A_744 = tpu.memref_squeeze %dma_start3A_743 : memref<1x1x96x128xf32, #tpu.memory_space<hbm>> -> memref<96x128xf32, #tpu.memory_space<hbm>>
          tpu.enqueue_dma source(%dma_start3A_744 : memref<96x128xf32, #tpu.memory_space<hbm>>) target(%arg6 : memref<96x128xf32, #tpu.memory_space<vmem>>) target_semaphore(%arg14 : memref<!tpu.dma_semaphore, #tpu.memory_space<semaphore_mem>>)
        } else {
        }
        %ge3A_552 = arith.constant 2 : i32
        %ge3A_553 = arith.cmpi sge, %add3A_401, %ge3A_552 : i32
        %convert_element_type3A_554 = arith.extui %ge3A_553 : i1 to i32
        %cond3A_555 = arith.constant 0 : i32
        %cond3A_556 = arith.cmpi ne, %convert_element_type3A_554, %cond3A_555 : i32
        scf.if %cond3A_556 {
          %dma_wait3A_667 = arith.constant 96 : i32
          %dma_wait3A_668 = arith.constant 0 : i32
          %dma_wait3A_669 = tpu.memref_slice %arg4[%add3A_406, %dma_wait3A_667, %dma_wait3A_668] : memref<92x178x4096xf32, #tpu.memory_space<hbm>> -> memref<1x82x128xf32, #tpu.memory_space<hbm>>
          %dma_wait3A_670 = tpu.memref_squeeze %dma_wait3A_669 : memref<1x82x128xf32, #tpu.memory_space<hbm>> -> memref<82x128xf32, #tpu.memory_space<hbm>>
          %dma_wait3A_671 = arith.constant 96 : i32
          %dma_wait3A_672 = arith.constant 0 : i32
          %dma_wait3A_673 = tpu.memref_slice %arg4[%add3A_406, %dma_wait3A_671, %dma_wait3A_672] : memref<92x178x4096xf32, #tpu.memory_space<hbm>> -> memref<1x82x128xf32, #tpu.memory_space<hbm>>
          %dma_wait3A_674 = tpu.memref_squeeze %dma_wait3A_673 : memref<1x82x128xf32, #tpu.memory_space<hbm>> -> memref<82x128xf32, #tpu.memory_space<hbm>>
          tpu.wait_dma2 semaphore(%arg22 : memref<!tpu.dma_semaphore, #tpu.memory_space<semaphore_mem>>) src(%arg10 : memref<82x128xf32, #tpu.memory_space<vmem>>) dst(%dma_wait3A_674 : memref<82x128xf32, #tpu.memory_space<hbm>>)
          %get3A_675 = arith.constant 0 : index
          %get3A_676 = tpu.vector_load %arg12[%get3A_675] {strides = array<i32>} : memref<128xi32, #tpu.memory_space<vmem>>, vector<16xi32>,
          %add3A_677 = arith.constant 0 : i32
          %add3A_678 = vector.broadcast %add3A_677 : i32 to vector<16xi32>
          %add3A_679 = arith.addi %iota3A, %add3A_678 : vector<16xi32>
          tpu.vector_store_idx %arg10[%get3A_676, %add3A_679], %broadcast_in_dim3A_13 : memref<82x128xf32, #tpu.memory_space<vmem>>[vector<16xi32>, vector<16xi32>], vector<16xf32>,
          %get3A_680 = arith.constant 16 : index
          %get3A_681 = tpu.vector_load %arg12[%get3A_680] {strides = array<i32>} : memref<128xi32, #tpu.memory_space<vmem>>, vector<16xi32>,
          %add3A_682 = arith.constant 16 : i32
          %add3A_683 = vector.broadcast %add3A_682 : i32 to vector<16xi32>
          %add3A_684 = arith.addi %iota3A, %add3A_683 : vector<16xi32>
          tpu.vector_store_idx %arg10[%get3A_681, %add3A_684], %broadcast_in_dim3A_13 : memref<82x128xf32, #tpu.memory_space<vmem>>[vector<16xi32>, vector<16xi32>], vector<16xf32>,
          %get3A_685 = arith.constant 32 : index
          %get3A_686 = tpu.vector_load %arg12[%get3A_685] {strides = array<i32>} : memref<128xi32, #tpu.memory_space<vmem>>, vector<16xi32>,
          %add3A_687 = arith.constant 32 : i32
          %add3A_688 = vector.broadcast %add3A_687 : i32 to vector<16xi32>
          %add3A_689 = arith.addi %iota3A, %add3A_688 : vector<16xi32>
          tpu.vector_store_idx %arg10[%get3A_686, %add3A_689], %broadcast_in_dim3A_13 : memref<82x128xf32, #tpu.memory_space<vmem>>[vector<16xi32>, vector<16xi32>], vector<16xf32>,
          %get3A_690 = arith.constant 48 : index
          %get3A_691 = tpu.vector_load %arg12[%get3A_690] {strides = array<i32>} : memref<128xi32, #tpu.memory_space<vmem>>, vector<16xi32>,
          %add3A_692 = arith.constant 48 : i32
          %add3A_693 = vector.broadcast %add3A_692 : i32 to vector<16xi32>
          %add3A_694 = arith.addi %iota3A, %add3A_693 : vector<16xi32>
          tpu.vector_store_idx %arg10[%get3A_691, %add3A_694], %broadcast_in_dim3A_13 : memref<82x128xf32, #tpu.memory_space<vmem>>[vector<16xi32>, vector<16xi32>], vector<16xf32>,
          %get3A_695 = arith.constant 64 : index
          %get3A_696 = tpu.vector_load %arg12[%get3A_695] {strides = array<i32>} : memref<128xi32, #tpu.memory_space<vmem>>, vector<16xi32>,
          %add3A_697 = arith.constant 64 : i32
          %add3A_698 = vector.broadcast %add3A_697 : i32 to vector<16xi32>
          %add3A_699 = arith.addi %iota3A, %add3A_698 : vector<16xi32>
          tpu.vector_store_idx %arg10[%get3A_696, %add3A_699], %broadcast_in_dim3A_13 : memref<82x128xf32, #tpu.memory_space<vmem>>[vector<16xi32>, vector<16xi32>], vector<16xf32>,
          %get3A_700 = arith.constant 80 : index
          %get3A_701 = tpu.vector_load %arg12[%get3A_700] {strides = array<i32>} : memref<128xi32, #tpu.memory_space<vmem>>, vector<16xi32>,
          %add3A_702 = arith.constant 80 : i32
          %add3A_703 = vector.broadcast %add3A_702 : i32 to vector<16xi32>
          %add3A_704 = arith.addi %iota3A, %add3A_703 : vector<16xi32>
          tpu.vector_store_idx %arg10[%get3A_701, %add3A_704], %broadcast_in_dim3A_13 : memref<82x128xf32, #tpu.memory_space<vmem>>[vector<16xi32>, vector<16xi32>], vector<16xf32>,
          %get3A_705 = arith.constant 96 : index
          %get3A_706 = tpu.vector_load %arg12[%get3A_705] {strides = array<i32>} : memref<128xi32, #tpu.memory_space<vmem>>, vector<16xi32>,
          %add3A_707 = arith.constant 96 : i32
          %add3A_708 = vector.broadcast %add3A_707 : i32 to vector<16xi32>
          %add3A_709 = arith.addi %iota3A, %add3A_708 : vector<16xi32>
          tpu.vector_store_idx %arg10[%get3A_706, %add3A_709], %broadcast_in_dim3A_13 : memref<82x128xf32, #tpu.memory_space<vmem>>[vector<16xi32>, vector<16xi32>], vector<16xf32>,
          %get3A_710 = arith.constant 112 : index
          %get3A_711 = tpu.vector_load %arg12[%get3A_710] {strides = array<i32>} : memref<128xi32, #tpu.memory_space<vmem>>, vector<16xi32>,
          %add3A_712 = arith.constant 112 : i32
          %add3A_713 = vector.broadcast %add3A_712 : i32 to vector<16xi32>
          %add3A_714 = arith.addi %iota3A, %add3A_713 : vector<16xi32>
          tpu.vector_store_idx %arg10[%get3A_711, %add3A_714], %broadcast_in_dim3A_13 : memref<82x128xf32, #tpu.memory_space<vmem>>[vector<16xi32>, vector<16xi32>], vector<16xf32>,
        } else {
        }
        %mul3A_557 = arith.constant 128 : i32
        %mul3A_558 = arith.muli %and3A_405, %mul3A_557 : i32
        %add3A_559 = arith.constant 0 : i32
        %add3A_560 = arith.addi %mul3A_558, %add3A_559 : i32
        %get3A = arith.index_cast %add3A_560 : i32 to index
        %get3A_561 = tpu.vector_load %arg5[%get3A] {strides = array<i32>} : memref<4096xi32, #tpu.memory_space<vmem>>, vector<16xi32>,
        %swap3A = arith.constant 0 : index
        %swap3A_562 = tpu.vector_load %arg12[%swap3A] {strides = array<i32>} : memref<128xi32, #tpu.memory_space<vmem>>, vector<16xi32>,
        tpu.vector_store %arg12[%swap3A], %get3A_561 {strides = array<i32>} : memref<128xi32, #tpu.memory_space<vmem>>, vector<16xi32>,
        %add3A_563 = arith.constant 0 : i32
        %add3A_564 = vector.broadcast %add3A_563 : i32 to vector<16xi32>
        %add3A_565 = arith.addi %iota3A, %add3A_564 : vector<16xi32>
        tpu.vector_store_idx %arg10[%get3A_561, %add3A_565], %broadcast_in_dim3A_15 : memref<82x128xf32, #tpu.memory_space<vmem>>[vector<16xi32>, vector<16xi32>], vector<16xf32>,
        %mul3A_566 = arith.constant 128 : i32
        %mul3A_567 = arith.muli %and3A_405, %mul3A_566 : i32
        %add3A_568 = arith.constant 16 : i32
        %add3A_569 = arith.addi %mul3A_567, %add3A_568 : i32
        %get3A_570 = arith.index_cast %add3A_569 : i32 to index
        %get3A_571 = tpu.vector_load %arg5[%get3A_570] {strides = array<i32>} : memref<4096xi32, #tpu.memory_space<vmem>>, vector<16xi32>,
        %swap3A_572 = arith.constant 16 : index
        %swap3A_573 = tpu.vector_load %arg12[%swap3A_572] {strides = array<i32>} : memref<128xi32, #tpu.memory_space<vmem>>, vector<16xi32>,
        tpu.vector_store %arg12[%swap3A_572], %get3A_571 {strides = array<i32>} : memref<128xi32, #tpu.memory_space<vmem>>, vector<16xi32>,
        %add3A_574 = arith.constant 16 : i32
        %add3A_575 = vector.broadcast %add3A_574 : i32 to vector<16xi32>
        %add3A_576 = arith.addi %iota3A, %add3A_575 : vector<16xi32>
        tpu.vector_store_idx %arg10[%get3A_571, %add3A_576], %broadcast_in_dim3A_15 : memref<82x128xf32, #tpu.memory_space<vmem>>[vector<16xi32>, vector<16xi32>], vector<16xf32>,
        %mul3A_577 = arith.constant 128 : i32
        %mul3A_578 = arith.muli %and3A_405, %mul3A_577 : i32
        %add3A_579 = arith.constant 32 : i32
        %add3A_580 = arith.addi %mul3A_578, %add3A_579 : i32
        %get3A_581 = arith.index_cast %add3A_580 : i32 to index
        %get3A_582 = tpu.vector_load %arg5[%get3A_581] {strides = array<i32>} : memref<4096xi32, #tpu.memory_space<vmem>>, vector<16xi32>,
        %swap3A_583 = arith.constant 32 : index
        %swap3A_584 = tpu.vector_load %arg12[%swap3A_583] {strides = array<i32>} : memref<128xi32, #tpu.memory_space<vmem>>, vector<16xi32>,
        tpu.vector_store %arg12[%swap3A_583], %get3A_582 {strides = array<i32>} : memref<128xi32, #tpu.memory_space<vmem>>, vector<16xi32>,
        %add3A_585 = arith.constant 32 : i32
        %add3A_586 = vector.broadcast %add3A_585 : i32 to vector<16xi32>
        %add3A_587 = arith.addi %iota3A, %add3A_586 : vector<16xi32>
        tpu.vector_store_idx %arg10[%get3A_582, %add3A_587], %broadcast_in_dim3A_15 : memref<82x128xf32, #tpu.memory_space<vmem>>[vector<16xi32>, vector<16xi32>], vector<16xf32>,
        %mul3A_588 = arith.constant 128 : i32
        %mul3A_589 = arith.muli %and3A_405, %mul3A_588 : i32
        %add3A_590 = arith.constant 48 : i32
        %add3A_591 = arith.addi %mul3A_589, %add3A_590 : i32
        %get3A_592 = arith.index_cast %add3A_591 : i32 to index
        %get3A_593 = tpu.vector_load %arg5[%get3A_592] {strides = array<i32>} : memref<4096xi32, #tpu.memory_space<vmem>>, vector<16xi32>,
        %swap3A_594 = arith.constant 48 : index
        %swap3A_595 = tpu.vector_load %arg12[%swap3A_594] {strides = array<i32>} : memref<128xi32, #tpu.memory_space<vmem>>, vector<16xi32>,
        tpu.vector_store %arg12[%swap3A_594], %get3A_593 {strides = array<i32>} : memref<128xi32, #tpu.memory_space<vmem>>, vector<16xi32>,
        %add3A_596 = arith.constant 48 : i32
        %add3A_597 = vector.broadcast %add3A_596 : i32 to vector<16xi32>
        %add3A_598 = arith.addi %iota3A, %add3A_597 : vector<16xi32>
        tpu.vector_store_idx %arg10[%get3A_593, %add3A_598], %broadcast_in_dim3A_15 : memref<82x128xf32, #tpu.memory_space<vmem>>[vector<16xi32>, vector<16xi32>], vector<16xf32>,
        %mul3A_599 = arith.constant 128 : i32
        %mul3A_600 = arith.muli %and3A_405, %mul3A_599 : i32
        %add3A_601 = arith.constant 64 : i32
        %add3A_602 = arith.addi %mul3A_600, %add3A_601 : i32
        %get3A_603 = arith.index_cast %add3A_602 : i32 to index
        %get3A_604 = tpu.vector_load %arg5[%get3A_603] {strides = array<i32>} : memref<4096xi32, #tpu.memory_space<vmem>>, vector<16xi32>,
        %swap3A_605 = arith.constant 64 : index
        %swap3A_606 = tpu.vector_load %arg12[%swap3A_605] {strides = array<i32>} : memref<128xi32, #tpu.memory_space<vmem>>, vector<16xi32>,
        tpu.vector_store %arg12[%swap3A_605], %get3A_604 {strides = array<i32>} : memref<128xi32, #tpu.memory_space<vmem>>, vector<16xi32>,
        %add3A_607 = arith.constant 64 : i32
        %add3A_608 = vector.broadcast %add3A_607 : i32 to vector<16xi32>
        %add3A_609 = arith.addi %iota3A, %add3A_608 : vector<16xi32>
        tpu.vector_store_idx %arg10[%get3A_604, %add3A_609], %broadcast_in_dim3A_15 : memref<82x128xf32, #tpu.memory_space<vmem>>[vector<16xi32>, vector<16xi32>], vector<16xf32>,
        %mul3A_610 = arith.constant 128 : i32
        %mul3A_611 = arith.muli %and3A_405, %mul3A_610 : i32
        %add3A_612 = arith.constant 80 : i32
        %add3A_613 = arith.addi %mul3A_611, %add3A_612 : i32
        %get3A_614 = arith.index_cast %add3A_613 : i32 to index
        %get3A_615 = tpu.vector_load %arg5[%get3A_614] {strides = array<i32>} : memref<4096xi32, #tpu.memory_space<vmem>>, vector<16xi32>,
        %swap3A_616 = arith.constant 80 : index
        %swap3A_617 = tpu.vector_load %arg12[%swap3A_616] {strides = array<i32>} : memref<128xi32, #tpu.memory_space<vmem>>, vector<16xi32>,
        tpu.vector_store %arg12[%swap3A_616], %get3A_615 {strides = array<i32>} : memref<128xi32, #tpu.memory_space<vmem>>, vector<16xi32>,
        %add3A_618 = arith.constant 80 : i32
        %add3A_619 = vector.broadcast %add3A_618 : i32 to vector<16xi32>
        %add3A_620 = arith.addi %iota3A, %add3A_619 : vector<16xi32>
        tpu.vector_store_idx %arg10[%get3A_615, %add3A_620], %broadcast_in_dim3A_15 : memref<82x128xf32, #tpu.memory_space<vmem>>[vector<16xi32>, vector<16xi32>], vector<16xf32>,
        %mul3A_621 = arith.constant 128 : i32
        %mul3A_622 = arith.muli %and3A_405, %mul3A_621 : i32
        %add3A_623 = arith.constant 96 : i32
        %add3A_624 = arith.addi %mul3A_622, %add3A_623 : i32
        %get3A_625 = arith.index_cast %add3A_624 : i32 to index
        %get3A_626 = tpu.vector_load %arg5[%get3A_625] {strides = array<i32>} : memref<4096xi32, #tpu.memory_space<vmem>>, vector<16xi32>,
        %swap3A_627 = arith.constant 96 : index
        %swap3A_628 = tpu.vector_load %arg12[%swap3A_627] {strides = array<i32>} : memref<128xi32, #tpu.memory_space<vmem>>, vector<16xi32>,
        tpu.vector_store %arg12[%swap3A_627], %get3A_626 {strides = array<i32>} : memref<128xi32, #tpu.memory_space<vmem>>, vector<16xi32>,
        %add3A_629 = arith.constant 96 : i32
        %add3A_630 = vector.broadcast %add3A_629 : i32 to vector<16xi32>
        %add3A_631 = arith.addi %iota3A, %add3A_630 : vector<16xi32>
        tpu.vector_store_idx %arg10[%get3A_626, %add3A_631], %broadcast_in_dim3A_15 : memref<82x128xf32, #tpu.memory_space<vmem>>[vector<16xi32>, vector<16xi32>], vector<16xf32>,
        %mul3A_632 = arith.constant 128 : i32
        %mul3A_633 = arith.muli %and3A_405, %mul3A_632 : i32
        %add3A_634 = arith.constant 112 : i32
        %add3A_635 = arith.addi %mul3A_633, %add3A_634 : i32
        %get3A_636 = arith.index_cast %add3A_635 : i32 to index
        %get3A_637 = tpu.vector_load %arg5[%get3A_636] {strides = array<i32>} : memref<4096xi32, #tpu.memory_space<vmem>>, vector<16xi32>,
        %swap3A_638 = arith.constant 112 : index
        %swap3A_639 = tpu.vector_load %arg12[%swap3A_638] {strides = array<i32>} : memref<128xi32, #tpu.memory_space<vmem>>, vector<16xi32>,
        tpu.vector_store %arg12[%swap3A_638], %get3A_637 {strides = array<i32>} : memref<128xi32, #tpu.memory_space<vmem>>, vector<16xi32>,
        %add3A_640 = arith.constant 112 : i32
        %add3A_641 = vector.broadcast %add3A_640 : i32 to vector<16xi32>
        %add3A_642 = arith.addi %iota3A, %add3A_641 : vector<16xi32>
        tpu.vector_store_idx %arg10[%get3A_637, %add3A_642], %broadcast_in_dim3A_15 : memref<82x128xf32, #tpu.memory_space<vmem>>[vector<16xi32>, vector<16xi32>], vector<16xf32>,
        %mul3A_643 = arith.constant 128 : i32
        %mul3A_644 = arith.muli %and3A_405, %mul3A_643 : i32
        %dma_start3A_645 = arith.constant 96 : i32
        %dma_start3A_646 = tpu.memref_slice %arg4[%add3A_406, %dma_start3A_645, %mul3A_644] : memref<92x178x4096xf32, #tpu.memory_space<hbm>> -> memref<1x82x128xf32, #tpu.memory_space<hbm>>
        %dma_start3A_647 = tpu.memref_squeeze %dma_start3A_646 : memref<1x82x128xf32, #tpu.memory_space<hbm>> -> memref<82x128xf32, #tpu.memory_space<hbm>>
        %dma_start3A_648 = arith.constant 96 : i32
        %dma_start3A_649 = tpu.memref_slice %arg4[%add3A_406, %dma_start3A_648, %mul3A_644] : memref<92x178x4096xf32, #tpu.memory_space<hbm>> -> memref<1x82x128xf32, #tpu.memory_space<hbm>>
        %dma_start3A_650 = tpu.memref_squeeze %dma_start3A_649 : memref<1x82x128xf32, #tpu.memory_space<hbm>> -> memref<82x128xf32, #tpu.memory_space<hbm>>
        tpu.enqueue_dma source(%arg10 : memref<82x128xf32, #tpu.memory_space<vmem>>) target(%dma_start3A_650 : memref<82x128xf32, #tpu.memory_space<hbm>>) target_semaphore(%arg22 : memref<!tpu.dma_semaphore, #tpu.memory_space<semaphore_mem>>)
        %mul3A_651 = arith.constant 128 : i32
        %mul3A_652 = arith.muli %and3A_405, %mul3A_651 : i32
        %dma_wait3A_653 = arith.constant 0 : i32
        %dma_wait3A_654 = tpu.memref_slice %arg2[%select_n3A_448, %select_n3A_464, %dma_wait3A_653, %mul3A_652] : memref<10x10x96x4096xf32, #tpu.memory_space<hbm>> -> memref<1x1x96x128xf32, #tpu.memory_space<hbm>>
        %dma_wait3A_655 = tpu.memref_squeeze %dma_wait3A_654 : memref<1x1x96x128xf32, #tpu.memory_space<hbm>> -> memref<96x128xf32, #tpu.memory_space<hbm>>
        %dma_wait3A_656 = arith.constant 0 : i32
        %dma_wait3A_657 = tpu.memref_slice %arg2[%select_n3A_448, %select_n3A_464, %dma_wait3A_656, %mul3A_652] : memref<10x10x96x4096xf32, #tpu.memory_space<hbm>> -> memref<1x1x96x128xf32, #tpu.memory_space<hbm>>
        %dma_wait3A_658 = tpu.memref_squeeze %dma_wait3A_657 : memref<1x1x96x128xf32, #tpu.memory_space<hbm>> -> memref<96x128xf32, #tpu.memory_space<hbm>>
        tpu.wait_dma2 semaphore(%arg16 : memref<!tpu.dma_semaphore, #tpu.memory_space<semaphore_mem>>) src(%dma_wait3A_658 : memref<96x128xf32, #tpu.memory_space<hbm>>) dst(%arg8 : memref<96x128xf32, #tpu.memory_space<vmem>>)
        %mul3A_659 = arith.constant 128 : i32
        %mul3A_660 = arith.muli %and3A_405, %mul3A_659 : i32
        %dma_start3A_661 = arith.constant 0 : i32
        %dma_start3A_662 = tpu.memref_slice %arg4[%add3A_406, %dma_start3A_661, %mul3A_660] : memref<92x178x4096xf32, #tpu.memory_space<hbm>> -> memref<1x96x128xf32, #tpu.memory_space<hbm>>
        %dma_start3A_663 = tpu.memref_squeeze %dma_start3A_662 : memref<1x96x128xf32, #tpu.memory_space<hbm>> -> memref<96x128xf32, #tpu.memory_space<hbm>>
        %dma_start3A_664 = arith.constant 0 : i32
        %dma_start3A_665 = tpu.memref_slice %arg4[%add3A_406, %dma_start3A_664, %mul3A_660] : memref<92x178x4096xf32, #tpu.memory_space<hbm>> -> memref<1x96x128xf32, #tpu.memory_space<hbm>>
        %dma_start3A_666 = tpu.memref_squeeze %dma_start3A_665 : memref<1x96x128xf32, #tpu.memory_space<hbm>> -> memref<96x128xf32, #tpu.memory_space<hbm>>
        tpu.enqueue_dma source(%arg8 : memref<96x128xf32, #tpu.memory_space<vmem>>) target(%dma_start3A_666 : memref<96x128xf32, #tpu.memory_space<hbm>>) target_semaphore(%arg20 : memref<!tpu.dma_semaphore, #tpu.memory_space<semaphore_mem>>)
      } else {
      }
      %mul3A_469 = arith.constant 4 : i32
      %mul3A_470 = arith.muli %mul3A_469, %while3A_255 : i32
      %add3A_471 = arith.constant 3 : i32
      %add3A_472 = arith.addi %mul3A_470, %add3A_471 : i32
      %shift_right_logical3A_473 = arith.constant 5 : i32
      %shift_right_logical3A_474 = arith.shrui %add3A_472, %shift_right_logical3A_473 : i32
      %and3A_475 = arith.constant 31 : i32
      %and3A_476 = arith.andi %add3A_472, %and3A_475 : i32
      %add3A_477 = arith.addi %select_n3A_10, %shift_right_logical3A_474 : i32
      %ge3A_478 = arith.constant 42 : i32
      %ge3A_479 = arith.cmpi sge, %add3A_477, %ge3A_478 : i32
      %convert_element_type3A_480 = arith.extui %ge3A_479 : i1 to i32
      %ge3A_481 = arith.constant 44 : i32
      %ge3A_482 = arith.cmpi sge, %add3A_477, %ge3A_481 : i32
      %convert_element_type3A_483 = arith.extui %ge3A_482 : i1 to i32
      %add3A_484 = arith.addi %convert_element_type3A_480, %convert_element_type3A_483 : i32
      %ge3A_485 = arith.constant 48 : i32
      %ge3A_486 = arith.cmpi sge, %add3A_477, %ge3A_485 : i32
      %convert_element_type3A_487 = arith.extui %ge3A_486 : i1 to i32
      %add3A_488 = arith.addi %add3A_484, %convert_element_type3A_487 : i32
      %ge3A_489 = arith.constant 50 : i32
      %ge3A_490 = arith.cmpi sge, %add3A_477, %ge3A_489 : i32
      %convert_element_type3A_491 = arith.extui %ge3A_490 : i1 to i32
      %add3A_492 = arith.addi %add3A_488, %convert_element_type3A_491 : i32
      %mul3A_493 = arith.constant 2 : i32
      %mul3A_494 = arith.muli %mul3A_493, %add3A_492 : i32
      %add3A_495 = arith.addi %add3A_477, %mul3A_494 : i32
      %jit3A_496 = arith.constant 10 : i32
      %div3A_497 = arith.divsi %add3A_495, %jit3A_496 : i32
      %sign3A_498 = arith.constant 0 : i32
      %sign3A_499 = arith.cmpi sgt, %add3A_495, %sign3A_498 : i32
      %sign3A_500 = arith.extui %sign3A_499 : i1 to i32
      %sign3A_501 = arith.constant 0 : i32
      %sign3A_502 = arith.cmpi slt, %add3A_495, %sign3A_501 : i32
      %sign3A_503 = arith.extui %sign3A_502 : i1 to i32
      %sign3A_504 = arith.subi %sign3A_500, %sign3A_503 : i32
      %sign3A_505 = arith.constant 0 : i32
      %sign3A_506 = arith.cmpi sgt, %jit3A_496, %sign3A_505 : i32
      %sign3A_507 = arith.extui %sign3A_506 : i1 to i32
      %sign3A_508 = arith.constant 0 : i32
      %sign3A_509 = arith.cmpi slt, %jit3A_496, %sign3A_508 : i32
      %sign3A_510 = arith.extui %sign3A_509 : i1 to i32
      %sign3A_511 = arith.subi %sign3A_507, %sign3A_510 : i32
      %ne3A_512 = arith.cmpi ne, %sign3A_504, %sign3A_511 : i32
      %rem3A_513 = arith.remsi %add3A_495, %jit3A_496 : i32
      %ne3A_514 = arith.constant 0 : i32
      %ne3A_515 = arith.cmpi ne, %rem3A_513, %ne3A_514 : i32
      %and3A_516 = arith.andi %ne3A_512, %ne3A_515 : i1
      %sub3A_517 = arith.constant 1 : i32
      %sub3A_518 = arith.subi %div3A_497, %sub3A_517 : i32
      %select_n3A_519 = arith.select %and3A_516, %sub3A_518, %div3A_497 : i32
      %jit3A_520 = arith.constant 10 : i32
      %eq3A_521 = arith.constant 0 : i32
      %eq3A_522 = arith.cmpi eq, %jit3A_520, %eq3A_521 : i32
      %jit3A_523 = arith.constant 1 : i32
      %select_n3A_524 = arith.select %eq3A_522, %jit3A_523, %jit3A_520 : i32
      %rem3A_525 = arith.remsi %add3A_495, %select_n3A_524 : i32
      %ne3A_526 = arith.constant 0 : i32
      %ne3A_527 = arith.cmpi ne, %rem3A_525, %ne3A_526 : i32
      %lt3A_528 = arith.constant 0 : i32
      %lt3A_529 = arith.cmpi slt, %rem3A_525, %lt3A_528 : i32
      %lt3A_530 = arith.constant 0 : i32
      %lt3A_531 = arith.cmpi slt, %select_n3A_524, %lt3A_530 : i32
      %ne3A_532 = arith.xori %lt3A_529, %lt3A_531 : i1
      %and3A_533 = arith.andi %ne3A_532, %ne3A_527 : i1
      %add3A_534 = arith.addi %rem3A_525, %select_n3A_524 : i32
      %select_n3A_535 = arith.select %and3A_533, %add3A_534, %rem3A_525 : i32
      %lt3A_536 = arith.cmpi slt, %add3A_472, %mul3A_12 : i32
      %convert_element_type3A_537 = arith.extui %lt3A_536 : i1 to i32
      %cond3A_538 = arith.constant 0 : i32
      %cond3A_539 = arith.cmpi ne, %convert_element_type3A_537, %cond3A_538 : i32
      scf.if %cond3A_539 {
        %eq3A_541 = arith.constant 0 : i32
        %eq3A_542 = arith.cmpi eq, %and3A_476, %eq3A_541 : i32
        %convert_element_type3A_543 = arith.extui %eq3A_542 : i1 to i32
        %cond3A_544 = arith.constant 0 : i32
        %cond3A_545 = arith.cmpi ne, %convert_element_type3A_543, %cond3A_544 : i32
        scf.if %cond3A_545 {
          "tpu.region"() ({
            %run_scoped3A = tpu.sem_alloc : memref<!tpu.dma_semaphore, #tpu.memory_space<semaphore_mem>>
            %dma_start3A_667 = arith.constant 0 : i32
            %dma_start3A_668 = tpu.memref_slice %arg3[%select_n3A_519, %select_n3A_535, %dma_start3A_667] : memref<10x10x4096xi32, #tpu.memory_space<hbm>> -> memref<1x1x4096xi32, #tpu.memory_space<hbm>>
            %dma_start3A_669 = tpu.memref_squeeze %dma_start3A_668 : memref<1x1x4096xi32, #tpu.memory_space<hbm>> -> memref<4096xi32, #tpu.memory_space<hbm>>
            %dma_start3A_670 = arith.constant 0 : i32
            %dma_start3A_671 = tpu.memref_slice %arg3[%select_n3A_519, %select_n3A_535, %dma_start3A_670] : memref<10x10x4096xi32, #tpu.memory_space<hbm>> -> memref<1x1x4096xi32, #tpu.memory_space<hbm>>
            %dma_start3A_672 = tpu.memref_squeeze %dma_start3A_671 : memref<1x1x4096xi32, #tpu.memory_space<hbm>> -> memref<4096xi32, #tpu.memory_space<hbm>>
            tpu.enqueue_dma source(%dma_start3A_672 : memref<4096xi32, #tpu.memory_space<hbm>>) target(%arg5 : memref<4096xi32, #tpu.memory_space<vmem>>) target_semaphore(%run_scoped3A : memref<!tpu.dma_semaphore, #tpu.memory_space<semaphore_mem>>)
            %dma_wait3A_673 = arith.constant 0 : i32
            %dma_wait3A_674 = tpu.memref_slice %arg3[%select_n3A_519, %select_n3A_535, %dma_wait3A_673] : memref<10x10x4096xi32, #tpu.memory_space<hbm>> -> memref<1x1x4096xi32, #tpu.memory_space<hbm>>
            %dma_wait3A_675 = tpu.memref_squeeze %dma_wait3A_674 : memref<1x1x4096xi32, #tpu.memory_space<hbm>> -> memref<4096xi32, #tpu.memory_space<hbm>>
            %dma_wait3A_676 = arith.constant 0 : i32
            %dma_wait3A_677 = tpu.memref_slice %arg3[%select_n3A_519, %select_n3A_535, %dma_wait3A_676] : memref<10x10x4096xi32, #tpu.memory_space<hbm>> -> memref<1x1x4096xi32, #tpu.memory_space<hbm>>
            %dma_wait3A_678 = tpu.memref_squeeze %dma_wait3A_677 : memref<1x1x4096xi32, #tpu.memory_space<hbm>> -> memref<4096xi32, #tpu.memory_space<hbm>>
            tpu.wait_dma2 semaphore(%run_scoped3A : memref<!tpu.dma_semaphore, #tpu.memory_space<semaphore_mem>>) src(%dma_wait3A_678 : memref<4096xi32, #tpu.memory_space<hbm>>) dst(%arg5 : memref<4096xi32, #tpu.memory_space<vmem>>)
            tpu.yield
          }) : () -> ()
        } else {
        }
        %add3A_546 = arith.constant 2 : i32
        %add3A_547 = arith.addi %add3A_472, %add3A_546 : i32
        %lt3A_548 = arith.cmpi slt, %add3A_547, %mul3A_12 : i32
        %convert_element_type3A_549 = arith.extui %lt3A_548 : i1 to i32
        %cond3A_550 = arith.constant 0 : i32
        %cond3A_551 = arith.cmpi ne, %convert_element_type3A_549, %cond3A_550 : i32
        scf.if %cond3A_551 {
          %ge3A_667 = arith.constant 2 : i32
          %ge3A_668 = arith.cmpi sge, %add3A_472, %ge3A_667 : i32
          %convert_element_type3A_669 = arith.extui %ge3A_668 : i1 to i32
          %cond3A_670 = arith.constant 0 : i32
          %cond3A_671 = arith.cmpi ne, %convert_element_type3A_669, %cond3A_670 : i32
          scf.if %cond3A_671 {
            %dma_wait3A_745 = arith.constant 0 : i32
            %dma_wait3A_746 = arith.constant 0 : i32
            %dma_wait3A_747 = tpu.memref_slice %arg4[%add3A_477, %dma_wait3A_745, %dma_wait3A_746] : memref<92x178x4096xf32, #tpu.memory_space<hbm>> -> memref<1x96x128xf32, #tpu.memory_space<hbm>>
            %dma_wait3A_748 = tpu.memref_squeeze %dma_wait3A_747 : memref<1x96x128xf32, #tpu.memory_space<hbm>> -> memref<96x128xf32, #tpu.memory_space<hbm>>
            %dma_wait3A_749 = arith.constant 0 : i32
            %dma_wait3A_750 = arith.constant 0 : i32
            %dma_wait3A_751 = tpu.memref_slice %arg4[%add3A_477, %dma_wait3A_749, %dma_wait3A_750] : memref<92x178x4096xf32, #tpu.memory_space<hbm>> -> memref<1x96x128xf32, #tpu.memory_space<hbm>>
            %dma_wait3A_752 = tpu.memref_squeeze %dma_wait3A_751 : memref<1x96x128xf32, #tpu.memory_space<hbm>> -> memref<96x128xf32, #tpu.memory_space<hbm>>
            tpu.wait_dma2 semaphore(%arg19 : memref<!tpu.dma_semaphore, #tpu.memory_space<semaphore_mem>>) src(%arg7 : memref<96x128xf32, #tpu.memory_space<vmem>>) dst(%dma_wait3A_752 : memref<96x128xf32, #tpu.memory_space<hbm>>)
          } else {
          }
          %add3A_672 = arith.constant 2 : i32
          %add3A_673 = arith.addi %add3A_472, %add3A_672 : i32
          %shift_right_logical3A_674 = arith.constant 5 : i32
          %shift_right_logical3A_675 = arith.shrui %add3A_673, %shift_right_logical3A_674 : i32
          %and3A_676 = arith.constant 31 : i32
          %and3A_677 = arith.andi %add3A_673, %and3A_676 : i32
          %add3A_678 = arith.addi %select_n3A_10, %shift_right_logical3A_675 : i32
          %ge3A_679 = arith.constant 42 : i32
          %ge3A_680 = arith.cmpi sge, %add3A_678, %ge3A_679 : i32
          %convert_element_type3A_681 = arith.extui %ge3A_680 : i1 to i32
          %ge3A_682 = arith.constant 44 : i32
          %ge3A_683 = arith.cmpi sge, %add3A_678, %ge3A_682 : i32
          %convert_element_type3A_684 = arith.extui %ge3A_683 : i1 to i32
          %add3A_685 = arith.addi %convert_element_type3A_681, %convert_element_type3A_684 : i32
          %ge3A_686 = arith.constant 48 : i32
          %ge3A_687 = arith.cmpi sge, %add3A_678, %ge3A_686 : i32
          %convert_element_type3A_688 = arith.extui %ge3A_687 : i1 to i32
          %add3A_689 = arith.addi %add3A_685, %convert_element_type3A_688 : i32
          %ge3A_690 = arith.constant 50 : i32
          %ge3A_691 = arith.cmpi sge, %add3A_678, %ge3A_690 : i32
          %convert_element_type3A_692 = arith.extui %ge3A_691 : i1 to i32
          %add3A_693 = arith.addi %add3A_689, %convert_element_type3A_692 : i32
          %mul3A_694 = arith.constant 2 : i32
          %mul3A_695 = arith.muli %mul3A_694, %add3A_693 : i32
          %add3A_696 = arith.addi %add3A_678, %mul3A_695 : i32
          %jit3A_697 = arith.constant 10 : i32
          %div3A_698 = arith.divsi %add3A_696, %jit3A_697 : i32
          %sign3A_699 = arith.constant 0 : i32
          %sign3A_700 = arith.cmpi sgt, %add3A_696, %sign3A_699 : i32
          %sign3A_701 = arith.extui %sign3A_700 : i1 to i32
          %sign3A_702 = arith.constant 0 : i32
          %sign3A_703 = arith.cmpi slt, %add3A_696, %sign3A_702 : i32
          %sign3A_704 = arith.extui %sign3A_703 : i1 to i32
          %sign3A_705 = arith.subi %sign3A_701, %sign3A_704 : i32
          %sign3A_706 = arith.constant 0 : i32
          %sign3A_707 = arith.cmpi sgt, %jit3A_697, %sign3A_706 : i32
          %sign3A_708 = arith.extui %sign3A_707 : i1 to i32
          %sign3A_709 = arith.constant 0 : i32
          %sign3A_710 = arith.cmpi slt, %jit3A_697, %sign3A_709 : i32
          %sign3A_711 = arith.extui %sign3A_710 : i1 to i32
          %sign3A_712 = arith.subi %sign3A_708, %sign3A_711 : i32
          %ne3A_713 = arith.cmpi ne, %sign3A_705, %sign3A_712 : i32
          %rem3A_714 = arith.remsi %add3A_696, %jit3A_697 : i32
          %ne3A_715 = arith.constant 0 : i32
          %ne3A_716 = arith.cmpi ne, %rem3A_714, %ne3A_715 : i32
          %and3A_717 = arith.andi %ne3A_713, %ne3A_716 : i1
          %sub3A_718 = arith.constant 1 : i32
          %sub3A_719 = arith.subi %div3A_698, %sub3A_718 : i32
          %select_n3A_720 = arith.select %and3A_717, %sub3A_719, %div3A_698 : i32
          %jit3A_721 = arith.constant 10 : i32
          %eq3A_722 = arith.constant 0 : i32
          %eq3A_723 = arith.cmpi eq, %jit3A_721, %eq3A_722 : i32
          %jit3A_724 = arith.constant 1 : i32
          %select_n3A_725 = arith.select %eq3A_723, %jit3A_724, %jit3A_721 : i32
          %rem3A_726 = arith.remsi %add3A_696, %select_n3A_725 : i32
          %ne3A_727 = arith.constant 0 : i32
          %ne3A_728 = arith.cmpi ne, %rem3A_726, %ne3A_727 : i32
          %lt3A_729 = arith.constant 0 : i32
          %lt3A_730 = arith.cmpi slt, %rem3A_726, %lt3A_729 : i32
          %lt3A_731 = arith.constant 0 : i32
          %lt3A_732 = arith.cmpi slt, %select_n3A_725, %lt3A_731 : i32
          %ne3A_733 = arith.xori %lt3A_730, %lt3A_732 : i1
          %and3A_734 = arith.andi %ne3A_733, %ne3A_728 : i1
          %add3A_735 = arith.addi %rem3A_726, %select_n3A_725 : i32
          %select_n3A_736 = arith.select %and3A_734, %add3A_735, %rem3A_726 : i32
          %mul3A_737 = arith.constant 128 : i32
          %mul3A_738 = arith.muli %and3A_677, %mul3A_737 : i32
          %dma_start3A_739 = arith.constant 0 : i32
          %dma_start3A_740 = tpu.memref_slice %arg2[%select_n3A_720, %select_n3A_736, %dma_start3A_739, %mul3A_738] : memref<10x10x96x4096xf32, #tpu.memory_space<hbm>> -> memref<1x1x96x128xf32, #tpu.memory_space<hbm>>
          %dma_start3A_741 = tpu.memref_squeeze %dma_start3A_740 : memref<1x1x96x128xf32, #tpu.memory_space<hbm>> -> memref<96x128xf32, #tpu.memory_space<hbm>>
          %dma_start3A_742 = arith.constant 0 : i32
          %dma_start3A_743 = tpu.memref_slice %arg2[%select_n3A_720, %select_n3A_736, %dma_start3A_742, %mul3A_738] : memref<10x10x96x4096xf32, #tpu.memory_space<hbm>> -> memref<1x1x96x128xf32, #tpu.memory_space<hbm>>
          %dma_start3A_744 = tpu.memref_squeeze %dma_start3A_743 : memref<1x1x96x128xf32, #tpu.memory_space<hbm>> -> memref<96x128xf32, #tpu.memory_space<hbm>>
          tpu.enqueue_dma source(%dma_start3A_744 : memref<96x128xf32, #tpu.memory_space<hbm>>) target(%arg7 : memref<96x128xf32, #tpu.memory_space<vmem>>) target_semaphore(%arg15 : memref<!tpu.dma_semaphore, #tpu.memory_space<semaphore_mem>>)
        } else {
        }
        %ge3A_552 = arith.constant 2 : i32
        %ge3A_553 = arith.cmpi sge, %add3A_472, %ge3A_552 : i32
        %convert_element_type3A_554 = arith.extui %ge3A_553 : i1 to i32
        %cond3A_555 = arith.constant 0 : i32
        %cond3A_556 = arith.cmpi ne, %convert_element_type3A_554, %cond3A_555 : i32
        scf.if %cond3A_556 {
          %dma_wait3A_667 = arith.constant 96 : i32
          %dma_wait3A_668 = arith.constant 0 : i32
          %dma_wait3A_669 = tpu.memref_slice %arg4[%add3A_477, %dma_wait3A_667, %dma_wait3A_668] : memref<92x178x4096xf32, #tpu.memory_space<hbm>> -> memref<1x82x128xf32, #tpu.memory_space<hbm>>
          %dma_wait3A_670 = tpu.memref_squeeze %dma_wait3A_669 : memref<1x82x128xf32, #tpu.memory_space<hbm>> -> memref<82x128xf32, #tpu.memory_space<hbm>>
          %dma_wait3A_671 = arith.constant 96 : i32
          %dma_wait3A_672 = arith.constant 0 : i32
          %dma_wait3A_673 = tpu.memref_slice %arg4[%add3A_477, %dma_wait3A_671, %dma_wait3A_672] : memref<92x178x4096xf32, #tpu.memory_space<hbm>> -> memref<1x82x128xf32, #tpu.memory_space<hbm>>
          %dma_wait3A_674 = tpu.memref_squeeze %dma_wait3A_673 : memref<1x82x128xf32, #tpu.memory_space<hbm>> -> memref<82x128xf32, #tpu.memory_space<hbm>>
          tpu.wait_dma2 semaphore(%arg23 : memref<!tpu.dma_semaphore, #tpu.memory_space<semaphore_mem>>) src(%arg11 : memref<82x128xf32, #tpu.memory_space<vmem>>) dst(%dma_wait3A_674 : memref<82x128xf32, #tpu.memory_space<hbm>>)
          %get3A_675 = arith.constant 0 : index
          %get3A_676 = tpu.vector_load %arg13[%get3A_675] {strides = array<i32>} : memref<128xi32, #tpu.memory_space<vmem>>, vector<16xi32>,
          %add3A_677 = arith.constant 0 : i32
          %add3A_678 = vector.broadcast %add3A_677 : i32 to vector<16xi32>
          %add3A_679 = arith.addi %iota3A, %add3A_678 : vector<16xi32>
          tpu.vector_store_idx %arg11[%get3A_676, %add3A_679], %broadcast_in_dim3A_13 : memref<82x128xf32, #tpu.memory_space<vmem>>[vector<16xi32>, vector<16xi32>], vector<16xf32>,
          %get3A_680 = arith.constant 16 : index
          %get3A_681 = tpu.vector_load %arg13[%get3A_680] {strides = array<i32>} : memref<128xi32, #tpu.memory_space<vmem>>, vector<16xi32>,
          %add3A_682 = arith.constant 16 : i32
          %add3A_683 = vector.broadcast %add3A_682 : i32 to vector<16xi32>
          %add3A_684 = arith.addi %iota3A, %add3A_683 : vector<16xi32>
          tpu.vector_store_idx %arg11[%get3A_681, %add3A_684], %broadcast_in_dim3A_13 : memref<82x128xf32, #tpu.memory_space<vmem>>[vector<16xi32>, vector<16xi32>], vector<16xf32>,
          %get3A_685 = arith.constant 32 : index
          %get3A_686 = tpu.vector_load %arg13[%get3A_685] {strides = array<i32>} : memref<128xi32, #tpu.memory_space<vmem>>, vector<16xi32>,
          %add3A_687 = arith.constant 32 : i32
          %add3A_688 = vector.broadcast %add3A_687 : i32 to vector<16xi32>
          %add3A_689 = arith.addi %iota3A, %add3A_688 : vector<16xi32>
          tpu.vector_store_idx %arg11[%get3A_686, %add3A_689], %broadcast_in_dim3A_13 : memref<82x128xf32, #tpu.memory_space<vmem>>[vector<16xi32>, vector<16xi32>], vector<16xf32>,
          %get3A_690 = arith.constant 48 : index
          %get3A_691 = tpu.vector_load %arg13[%get3A_690] {strides = array<i32>} : memref<128xi32, #tpu.memory_space<vmem>>, vector<16xi32>,
          %add3A_692 = arith.constant 48 : i32
          %add3A_693 = vector.broadcast %add3A_692 : i32 to vector<16xi32>
          %add3A_694 = arith.addi %iota3A, %add3A_693 : vector<16xi32>
          tpu.vector_store_idx %arg11[%get3A_691, %add3A_694], %broadcast_in_dim3A_13 : memref<82x128xf32, #tpu.memory_space<vmem>>[vector<16xi32>, vector<16xi32>], vector<16xf32>,
          %get3A_695 = arith.constant 64 : index
          %get3A_696 = tpu.vector_load %arg13[%get3A_695] {strides = array<i32>} : memref<128xi32, #tpu.memory_space<vmem>>, vector<16xi32>,
          %add3A_697 = arith.constant 64 : i32
          %add3A_698 = vector.broadcast %add3A_697 : i32 to vector<16xi32>
          %add3A_699 = arith.addi %iota3A, %add3A_698 : vector<16xi32>
          tpu.vector_store_idx %arg11[%get3A_696, %add3A_699], %broadcast_in_dim3A_13 : memref<82x128xf32, #tpu.memory_space<vmem>>[vector<16xi32>, vector<16xi32>], vector<16xf32>,
          %get3A_700 = arith.constant 80 : index
          %get3A_701 = tpu.vector_load %arg13[%get3A_700] {strides = array<i32>} : memref<128xi32, #tpu.memory_space<vmem>>, vector<16xi32>,
          %add3A_702 = arith.constant 80 : i32
          %add3A_703 = vector.broadcast %add3A_702 : i32 to vector<16xi32>
          %add3A_704 = arith.addi %iota3A, %add3A_703 : vector<16xi32>
          tpu.vector_store_idx %arg11[%get3A_701, %add3A_704], %broadcast_in_dim3A_13 : memref<82x128xf32, #tpu.memory_space<vmem>>[vector<16xi32>, vector<16xi32>], vector<16xf32>,
          %get3A_705 = arith.constant 96 : index
          %get3A_706 = tpu.vector_load %arg13[%get3A_705] {strides = array<i32>} : memref<128xi32, #tpu.memory_space<vmem>>, vector<16xi32>,
          %add3A_707 = arith.constant 96 : i32
          %add3A_708 = vector.broadcast %add3A_707 : i32 to vector<16xi32>
          %add3A_709 = arith.addi %iota3A, %add3A_708 : vector<16xi32>
          tpu.vector_store_idx %arg11[%get3A_706, %add3A_709], %broadcast_in_dim3A_13 : memref<82x128xf32, #tpu.memory_space<vmem>>[vector<16xi32>, vector<16xi32>], vector<16xf32>,
          %get3A_710 = arith.constant 112 : index
          %get3A_711 = tpu.vector_load %arg13[%get3A_710] {strides = array<i32>} : memref<128xi32, #tpu.memory_space<vmem>>, vector<16xi32>,
          %add3A_712 = arith.constant 112 : i32
          %add3A_713 = vector.broadcast %add3A_712 : i32 to vector<16xi32>
          %add3A_714 = arith.addi %iota3A, %add3A_713 : vector<16xi32>
          tpu.vector_store_idx %arg11[%get3A_711, %add3A_714], %broadcast_in_dim3A_13 : memref<82x128xf32, #tpu.memory_space<vmem>>[vector<16xi32>, vector<16xi32>], vector<16xf32>,
        } else {
        }
        %mul3A_557 = arith.constant 128 : i32
        %mul3A_558 = arith.muli %and3A_476, %mul3A_557 : i32
        %add3A_559 = arith.constant 0 : i32
        %add3A_560 = arith.addi %mul3A_558, %add3A_559 : i32
        %get3A = arith.index_cast %add3A_560 : i32 to index
        %get3A_561 = tpu.vector_load %arg5[%get3A] {strides = array<i32>} : memref<4096xi32, #tpu.memory_space<vmem>>, vector<16xi32>,
        %swap3A = arith.constant 0 : index
        %swap3A_562 = tpu.vector_load %arg13[%swap3A] {strides = array<i32>} : memref<128xi32, #tpu.memory_space<vmem>>, vector<16xi32>,
        tpu.vector_store %arg13[%swap3A], %get3A_561 {strides = array<i32>} : memref<128xi32, #tpu.memory_space<vmem>>, vector<16xi32>,
        %add3A_563 = arith.constant 0 : i32
        %add3A_564 = vector.broadcast %add3A_563 : i32 to vector<16xi32>
        %add3A_565 = arith.addi %iota3A, %add3A_564 : vector<16xi32>
        tpu.vector_store_idx %arg11[%get3A_561, %add3A_565], %broadcast_in_dim3A_15 : memref<82x128xf32, #tpu.memory_space<vmem>>[vector<16xi32>, vector<16xi32>], vector<16xf32>,
        %mul3A_566 = arith.constant 128 : i32
        %mul3A_567 = arith.muli %and3A_476, %mul3A_566 : i32
        %add3A_568 = arith.constant 16 : i32
        %add3A_569 = arith.addi %mul3A_567, %add3A_568 : i32
        %get3A_570 = arith.index_cast %add3A_569 : i32 to index
        %get3A_571 = tpu.vector_load %arg5[%get3A_570] {strides = array<i32>} : memref<4096xi32, #tpu.memory_space<vmem>>, vector<16xi32>,
        %swap3A_572 = arith.constant 16 : index
        %swap3A_573 = tpu.vector_load %arg13[%swap3A_572] {strides = array<i32>} : memref<128xi32, #tpu.memory_space<vmem>>, vector<16xi32>,
        tpu.vector_store %arg13[%swap3A_572], %get3A_571 {strides = array<i32>} : memref<128xi32, #tpu.memory_space<vmem>>, vector<16xi32>,
        %add3A_574 = arith.constant 16 : i32
        %add3A_575 = vector.broadcast %add3A_574 : i32 to vector<16xi32>
        %add3A_576 = arith.addi %iota3A, %add3A_575 : vector<16xi32>
        tpu.vector_store_idx %arg11[%get3A_571, %add3A_576], %broadcast_in_dim3A_15 : memref<82x128xf32, #tpu.memory_space<vmem>>[vector<16xi32>, vector<16xi32>], vector<16xf32>,
        %mul3A_577 = arith.constant 128 : i32
        %mul3A_578 = arith.muli %and3A_476, %mul3A_577 : i32
        %add3A_579 = arith.constant 32 : i32
        %add3A_580 = arith.addi %mul3A_578, %add3A_579 : i32
        %get3A_581 = arith.index_cast %add3A_580 : i32 to index
        %get3A_582 = tpu.vector_load %arg5[%get3A_581] {strides = array<i32>} : memref<4096xi32, #tpu.memory_space<vmem>>, vector<16xi32>,
        %swap3A_583 = arith.constant 32 : index
        %swap3A_584 = tpu.vector_load %arg13[%swap3A_583] {strides = array<i32>} : memref<128xi32, #tpu.memory_space<vmem>>, vector<16xi32>,
        tpu.vector_store %arg13[%swap3A_583], %get3A_582 {strides = array<i32>} : memref<128xi32, #tpu.memory_space<vmem>>, vector<16xi32>,
        %add3A_585 = arith.constant 32 : i32
        %add3A_586 = vector.broadcast %add3A_585 : i32 to vector<16xi32>
        %add3A_587 = arith.addi %iota3A, %add3A_586 : vector<16xi32>
        tpu.vector_store_idx %arg11[%get3A_582, %add3A_587], %broadcast_in_dim3A_15 : memref<82x128xf32, #tpu.memory_space<vmem>>[vector<16xi32>, vector<16xi32>], vector<16xf32>,
        %mul3A_588 = arith.constant 128 : i32
        %mul3A_589 = arith.muli %and3A_476, %mul3A_588 : i32
        %add3A_590 = arith.constant 48 : i32
        %add3A_591 = arith.addi %mul3A_589, %add3A_590 : i32
        %get3A_592 = arith.index_cast %add3A_591 : i32 to index
        %get3A_593 = tpu.vector_load %arg5[%get3A_592] {strides = array<i32>} : memref<4096xi32, #tpu.memory_space<vmem>>, vector<16xi32>,
        %swap3A_594 = arith.constant 48 : index
        %swap3A_595 = tpu.vector_load %arg13[%swap3A_594] {strides = array<i32>} : memref<128xi32, #tpu.memory_space<vmem>>, vector<16xi32>,
        tpu.vector_store %arg13[%swap3A_594], %get3A_593 {strides = array<i32>} : memref<128xi32, #tpu.memory_space<vmem>>, vector<16xi32>,
        %add3A_596 = arith.constant 48 : i32
        %add3A_597 = vector.broadcast %add3A_596 : i32 to vector<16xi32>
        %add3A_598 = arith.addi %iota3A, %add3A_597 : vector<16xi32>
        tpu.vector_store_idx %arg11[%get3A_593, %add3A_598], %broadcast_in_dim3A_15 : memref<82x128xf32, #tpu.memory_space<vmem>>[vector<16xi32>, vector<16xi32>], vector<16xf32>,
        %mul3A_599 = arith.constant 128 : i32
        %mul3A_600 = arith.muli %and3A_476, %mul3A_599 : i32
        %add3A_601 = arith.constant 64 : i32
        %add3A_602 = arith.addi %mul3A_600, %add3A_601 : i32
        %get3A_603 = arith.index_cast %add3A_602 : i32 to index
        %get3A_604 = tpu.vector_load %arg5[%get3A_603] {strides = array<i32>} : memref<4096xi32, #tpu.memory_space<vmem>>, vector<16xi32>,
        %swap3A_605 = arith.constant 64 : index
        %swap3A_606 = tpu.vector_load %arg13[%swap3A_605] {strides = array<i32>} : memref<128xi32, #tpu.memory_space<vmem>>, vector<16xi32>,
        tpu.vector_store %arg13[%swap3A_605], %get3A_604 {strides = array<i32>} : memref<128xi32, #tpu.memory_space<vmem>>, vector<16xi32>,
        %add3A_607 = arith.constant 64 : i32
        %add3A_608 = vector.broadcast %add3A_607 : i32 to vector<16xi32>
        %add3A_609 = arith.addi %iota3A, %add3A_608 : vector<16xi32>
        tpu.vector_store_idx %arg11[%get3A_604, %add3A_609], %broadcast_in_dim3A_15 : memref<82x128xf32, #tpu.memory_space<vmem>>[vector<16xi32>, vector<16xi32>], vector<16xf32>,
        %mul3A_610 = arith.constant 128 : i32
        %mul3A_611 = arith.muli %and3A_476, %mul3A_610 : i32
        %add3A_612 = arith.constant 80 : i32
        %add3A_613 = arith.addi %mul3A_611, %add3A_612 : i32
        %get3A_614 = arith.index_cast %add3A_613 : i32 to index
        %get3A_615 = tpu.vector_load %arg5[%get3A_614] {strides = array<i32>} : memref<4096xi32, #tpu.memory_space<vmem>>, vector<16xi32>,
        %swap3A_616 = arith.constant 80 : index
        %swap3A_617 = tpu.vector_load %arg13[%swap3A_616] {strides = array<i32>} : memref<128xi32, #tpu.memory_space<vmem>>, vector<16xi32>,
        tpu.vector_store %arg13[%swap3A_616], %get3A_615 {strides = array<i32>} : memref<128xi32, #tpu.memory_space<vmem>>, vector<16xi32>,
        %add3A_618 = arith.constant 80 : i32
        %add3A_619 = vector.broadcast %add3A_618 : i32 to vector<16xi32>
        %add3A_620 = arith.addi %iota3A, %add3A_619 : vector<16xi32>
        tpu.vector_store_idx %arg11[%get3A_615, %add3A_620], %broadcast_in_dim3A_15 : memref<82x128xf32, #tpu.memory_space<vmem>>[vector<16xi32>, vector<16xi32>], vector<16xf32>,
        %mul3A_621 = arith.constant 128 : i32
        %mul3A_622 = arith.muli %and3A_476, %mul3A_621 : i32
        %add3A_623 = arith.constant 96 : i32
        %add3A_624 = arith.addi %mul3A_622, %add3A_623 : i32
        %get3A_625 = arith.index_cast %add3A_624 : i32 to index
        %get3A_626 = tpu.vector_load %arg5[%get3A_625] {strides = array<i32>} : memref<4096xi32, #tpu.memory_space<vmem>>, vector<16xi32>,
        %swap3A_627 = arith.constant 96 : index
        %swap3A_628 = tpu.vector_load %arg13[%swap3A_627] {strides = array<i32>} : memref<128xi32, #tpu.memory_space<vmem>>, vector<16xi32>,
        tpu.vector_store %arg13[%swap3A_627], %get3A_626 {strides = array<i32>} : memref<128xi32, #tpu.memory_space<vmem>>, vector<16xi32>,
        %add3A_629 = arith.constant 96 : i32
        %add3A_630 = vector.broadcast %add3A_629 : i32 to vector<16xi32>
        %add3A_631 = arith.addi %iota3A, %add3A_630 : vector<16xi32>
        tpu.vector_store_idx %arg11[%get3A_626, %add3A_631], %broadcast_in_dim3A_15 : memref<82x128xf32, #tpu.memory_space<vmem>>[vector<16xi32>, vector<16xi32>], vector<16xf32>,
        %mul3A_632 = arith.constant 128 : i32
        %mul3A_633 = arith.muli %and3A_476, %mul3A_632 : i32
        %add3A_634 = arith.constant 112 : i32
        %add3A_635 = arith.addi %mul3A_633, %add3A_634 : i32
        %get3A_636 = arith.index_cast %add3A_635 : i32 to index
        %get3A_637 = tpu.vector_load %arg5[%get3A_636] {strides = array<i32>} : memref<4096xi32, #tpu.memory_space<vmem>>, vector<16xi32>,
        %swap3A_638 = arith.constant 112 : index
        %swap3A_639 = tpu.vector_load %arg13[%swap3A_638] {strides = array<i32>} : memref<128xi32, #tpu.memory_space<vmem>>, vector<16xi32>,
        tpu.vector_store %arg13[%swap3A_638], %get3A_637 {strides = array<i32>} : memref<128xi32, #tpu.memory_space<vmem>>, vector<16xi32>,
        %add3A_640 = arith.constant 112 : i32
        %add3A_641 = vector.broadcast %add3A_640 : i32 to vector<16xi32>
        %add3A_642 = arith.addi %iota3A, %add3A_641 : vector<16xi32>
        tpu.vector_store_idx %arg11[%get3A_637, %add3A_642], %broadcast_in_dim3A_15 : memref<82x128xf32, #tpu.memory_space<vmem>>[vector<16xi32>, vector<16xi32>], vector<16xf32>,
        %mul3A_643 = arith.constant 128 : i32
        %mul3A_644 = arith.muli %and3A_476, %mul3A_643 : i32
        %dma_start3A_645 = arith.constant 96 : i32
        %dma_start3A_646 = tpu.memref_slice %arg4[%add3A_477, %dma_start3A_645, %mul3A_644] : memref<92x178x4096xf32, #tpu.memory_space<hbm>> -> memref<1x82x128xf32, #tpu.memory_space<hbm>>
        %dma_start3A_647 = tpu.memref_squeeze %dma_start3A_646 : memref<1x82x128xf32, #tpu.memory_space<hbm>> -> memref<82x128xf32, #tpu.memory_space<hbm>>
        %dma_start3A_648 = arith.constant 96 : i32
        %dma_start3A_649 = tpu.memref_slice %arg4[%add3A_477, %dma_start3A_648, %mul3A_644] : memref<92x178x4096xf32, #tpu.memory_space<hbm>> -> memref<1x82x128xf32, #tpu.memory_space<hbm>>
        %dma_start3A_650 = tpu.memref_squeeze %dma_start3A_649 : memref<1x82x128xf32, #tpu.memory_space<hbm>> -> memref<82x128xf32, #tpu.memory_space<hbm>>
        tpu.enqueue_dma source(%arg11 : memref<82x128xf32, #tpu.memory_space<vmem>>) target(%dma_start3A_650 : memref<82x128xf32, #tpu.memory_space<hbm>>) target_semaphore(%arg23 : memref<!tpu.dma_semaphore, #tpu.memory_space<semaphore_mem>>)
        %mul3A_651 = arith.constant 128 : i32
        %mul3A_652 = arith.muli %and3A_476, %mul3A_651 : i32
        %dma_wait3A_653 = arith.constant 0 : i32
        %dma_wait3A_654 = tpu.memref_slice %arg2[%select_n3A_519, %select_n3A_535, %dma_wait3A_653, %mul3A_652] : memref<10x10x96x4096xf32, #tpu.memory_space<hbm>> -> memref<1x1x96x128xf32, #tpu.memory_space<hbm>>
        %dma_wait3A_655 = tpu.memref_squeeze %dma_wait3A_654 : memref<1x1x96x128xf32, #tpu.memory_space<hbm>> -> memref<96x128xf32, #tpu.memory_space<hbm>>
        %dma_wait3A_656 = arith.constant 0 : i32
        %dma_wait3A_657 = tpu.memref_slice %arg2[%select_n3A_519, %select_n3A_535, %dma_wait3A_656, %mul3A_652] : memref<10x10x96x4096xf32, #tpu.memory_space<hbm>> -> memref<1x1x96x128xf32, #tpu.memory_space<hbm>>
        %dma_wait3A_658 = tpu.memref_squeeze %dma_wait3A_657 : memref<1x1x96x128xf32, #tpu.memory_space<hbm>> -> memref<96x128xf32, #tpu.memory_space<hbm>>
        tpu.wait_dma2 semaphore(%arg17 : memref<!tpu.dma_semaphore, #tpu.memory_space<semaphore_mem>>) src(%dma_wait3A_658 : memref<96x128xf32, #tpu.memory_space<hbm>>) dst(%arg9 : memref<96x128xf32, #tpu.memory_space<vmem>>)
        %mul3A_659 = arith.constant 128 : i32
        %mul3A_660 = arith.muli %and3A_476, %mul3A_659 : i32
        %dma_start3A_661 = arith.constant 0 : i32
        %dma_start3A_662 = tpu.memref_slice %arg4[%add3A_477, %dma_start3A_661, %mul3A_660] : memref<92x178x4096xf32, #tpu.memory_space<hbm>> -> memref<1x96x128xf32, #tpu.memory_space<hbm>>
        %dma_start3A_663 = tpu.memref_squeeze %dma_start3A_662 : memref<1x96x128xf32, #tpu.memory_space<hbm>> -> memref<96x128xf32, #tpu.memory_space<hbm>>
        %dma_start3A_664 = arith.constant 0 : i32
        %dma_start3A_665 = tpu.memref_slice %arg4[%add3A_477, %dma_start3A_664, %mul3A_660] : memref<92x178x4096xf32, #tpu.memory_space<hbm>> -> memref<1x96x128xf32, #tpu.memory_space<hbm>>
        %dma_start3A_666 = tpu.memref_squeeze %dma_start3A_665 : memref<1x96x128xf32, #tpu.memory_space<hbm>> -> memref<96x128xf32, #tpu.memory_space<hbm>>
        tpu.enqueue_dma source(%arg9 : memref<96x128xf32, #tpu.memory_space<vmem>>) target(%dma_start3A_666 : memref<96x128xf32, #tpu.memory_space<hbm>>) target_semaphore(%arg21 : memref<!tpu.dma_semaphore, #tpu.memory_space<semaphore_mem>>)
      } else {
      }
      %while3A_540 = arith.constant 0 : i32
      scf.yield %while3A_540 : i32
    }
    %while3A_200 = arith.constant 1 : i32
    %while3A_201 = scf.for %while3A_255 = %while3A_197 to %while3A_193 step %while3A_200 iter_args(%while3A_256 = %while3A_199) -> (i32)  : i32 {
      %mul3A_257 = arith.constant 4 : i32
      %mul3A_258 = arith.muli %mul3A_257, %while3A_255 : i32
      %add3A_259 = arith.constant 0 : i32
      %add3A_260 = arith.addi %mul3A_258, %add3A_259 : i32
      %shift_right_logical3A_261 = arith.constant 5 : i32
      %shift_right_logical3A_262 = arith.shrui %add3A_260, %shift_right_logical3A_261 : i32
      %and3A_263 = arith.constant 31 : i32
      %and3A_264 = arith.andi %add3A_260, %and3A_263 : i32
      %add3A_265 = arith.addi %select_n3A_10, %shift_right_logical3A_262 : i32
      %ge3A_266 = arith.constant 42 : i32
      %ge3A_267 = arith.cmpi sge, %add3A_265, %ge3A_266 : i32
      %convert_element_type3A_268 = arith.extui %ge3A_267 : i1 to i32
      %ge3A_269 = arith.constant 44 : i32
      %ge3A_270 = arith.cmpi sge, %add3A_265, %ge3A_269 : i32
      %convert_element_type3A_271 = arith.extui %ge3A_270 : i1 to i32
      %add3A_272 = arith.addi %convert_element_type3A_268, %convert_element_type3A_271 : i32
      %ge3A_273 = arith.constant 48 : i32
      %ge3A_274 = arith.cmpi sge, %add3A_265, %ge3A_273 : i32
      %convert_element_type3A_275 = arith.extui %ge3A_274 : i1 to i32
      %add3A_276 = arith.addi %add3A_272, %convert_element_type3A_275 : i32
      %ge3A_277 = arith.constant 50 : i32
      %ge3A_278 = arith.cmpi sge, %add3A_265, %ge3A_277 : i32
      %convert_element_type3A_279 = arith.extui %ge3A_278 : i1 to i32
      %add3A_280 = arith.addi %add3A_276, %convert_element_type3A_279 : i32
      %mul3A_281 = arith.constant 2 : i32
      %mul3A_282 = arith.muli %mul3A_281, %add3A_280 : i32
      %add3A_283 = arith.addi %add3A_265, %mul3A_282 : i32
      %jit3A_284 = arith.constant 10 : i32
      %div3A_285 = arith.divsi %add3A_283, %jit3A_284 : i32
      %sign3A_286 = arith.constant 0 : i32
      %sign3A_287 = arith.cmpi sgt, %add3A_283, %sign3A_286 : i32
      %sign3A_288 = arith.extui %sign3A_287 : i1 to i32
      %sign3A_289 = arith.constant 0 : i32
      %sign3A_290 = arith.cmpi slt, %add3A_283, %sign3A_289 : i32
      %sign3A_291 = arith.extui %sign3A_290 : i1 to i32
      %sign3A_292 = arith.subi %sign3A_288, %sign3A_291 : i32
      %sign3A_293 = arith.constant 0 : i32
      %sign3A_294 = arith.cmpi sgt, %jit3A_284, %sign3A_293 : i32
      %sign3A_295 = arith.extui %sign3A_294 : i1 to i32
      %sign3A_296 = arith.constant 0 : i32
      %sign3A_297 = arith.cmpi slt, %jit3A_284, %sign3A_296 : i32
      %sign3A_298 = arith.extui %sign3A_297 : i1 to i32
      %sign3A_299 = arith.subi %sign3A_295, %sign3A_298 : i32
      %ne3A_300 = arith.cmpi ne, %sign3A_292, %sign3A_299 : i32
      %rem3A_301 = arith.remsi %add3A_283, %jit3A_284 : i32
      %ne3A_302 = arith.constant 0 : i32
      %ne3A_303 = arith.cmpi ne, %rem3A_301, %ne3A_302 : i32
      %and3A_304 = arith.andi %ne3A_300, %ne3A_303 : i1
      %sub3A_305 = arith.constant 1 : i32
      %sub3A_306 = arith.subi %div3A_285, %sub3A_305 : i32
      %select_n3A_307 = arith.select %and3A_304, %sub3A_306, %div3A_285 : i32
      %jit3A_308 = arith.constant 10 : i32
      %eq3A_309 = arith.constant 0 : i32
      %eq3A_310 = arith.cmpi eq, %jit3A_308, %eq3A_309 : i32
      %jit3A_311 = arith.constant 1 : i32
      %select_n3A_312 = arith.select %eq3A_310, %jit3A_311, %jit3A_308 : i32
      %rem3A_313 = arith.remsi %add3A_283, %select_n3A_312 : i32
      %ne3A_314 = arith.constant 0 : i32
      %ne3A_315 = arith.cmpi ne, %rem3A_313, %ne3A_314 : i32
      %lt3A_316 = arith.constant 0 : i32
      %lt3A_317 = arith.cmpi slt, %rem3A_313, %lt3A_316 : i32
      %lt3A_318 = arith.constant 0 : i32
      %lt3A_319 = arith.cmpi slt, %select_n3A_312, %lt3A_318 : i32
      %ne3A_320 = arith.xori %lt3A_317, %lt3A_319 : i1
      %and3A_321 = arith.andi %ne3A_320, %ne3A_315 : i1
      %add3A_322 = arith.addi %rem3A_313, %select_n3A_312 : i32
      %select_n3A_323 = arith.select %and3A_321, %add3A_322, %rem3A_313 : i32
      %lt3A_324 = arith.cmpi slt, %add3A_260, %mul3A_12 : i32
      %convert_element_type3A_325 = arith.extui %lt3A_324 : i1 to i32
      %cond3A = arith.constant 0 : i32
      %cond3A_326 = arith.cmpi ne, %convert_element_type3A_325, %cond3A : i32
      scf.if %cond3A_326 {
        %eq3A_541 = arith.constant 0 : i32
        %eq3A_542 = arith.cmpi eq, %and3A_264, %eq3A_541 : i32
        %convert_element_type3A_543 = arith.extui %eq3A_542 : i1 to i32
        %cond3A_544 = arith.constant 0 : i32
        %cond3A_545 = arith.cmpi ne, %convert_element_type3A_543, %cond3A_544 : i32
        scf.if %cond3A_545 {
          "tpu.region"() ({
            %run_scoped3A = tpu.sem_alloc : memref<!tpu.dma_semaphore, #tpu.memory_space<semaphore_mem>>
            %dma_start3A_667 = arith.constant 0 : i32
            %dma_start3A_668 = tpu.memref_slice %arg3[%select_n3A_307, %select_n3A_323, %dma_start3A_667] : memref<10x10x4096xi32, #tpu.memory_space<hbm>> -> memref<1x1x4096xi32, #tpu.memory_space<hbm>>
            %dma_start3A_669 = tpu.memref_squeeze %dma_start3A_668 : memref<1x1x4096xi32, #tpu.memory_space<hbm>> -> memref<4096xi32, #tpu.memory_space<hbm>>
            %dma_start3A_670 = arith.constant 0 : i32
            %dma_start3A_671 = tpu.memref_slice %arg3[%select_n3A_307, %select_n3A_323, %dma_start3A_670] : memref<10x10x4096xi32, #tpu.memory_space<hbm>> -> memref<1x1x4096xi32, #tpu.memory_space<hbm>>
            %dma_start3A_672 = tpu.memref_squeeze %dma_start3A_671 : memref<1x1x4096xi32, #tpu.memory_space<hbm>> -> memref<4096xi32, #tpu.memory_space<hbm>>
            tpu.enqueue_dma source(%dma_start3A_672 : memref<4096xi32, #tpu.memory_space<hbm>>) target(%arg5 : memref<4096xi32, #tpu.memory_space<vmem>>) target_semaphore(%run_scoped3A : memref<!tpu.dma_semaphore, #tpu.memory_space<semaphore_mem>>)
            %dma_wait3A_673 = arith.constant 0 : i32
            %dma_wait3A_674 = tpu.memref_slice %arg3[%select_n3A_307, %select_n3A_323, %dma_wait3A_673] : memref<10x10x4096xi32, #tpu.memory_space<hbm>> -> memref<1x1x4096xi32, #tpu.memory_space<hbm>>
            %dma_wait3A_675 = tpu.memref_squeeze %dma_wait3A_674 : memref<1x1x4096xi32, #tpu.memory_space<hbm>> -> memref<4096xi32, #tpu.memory_space<hbm>>
            %dma_wait3A_676 = arith.constant 0 : i32
            %dma_wait3A_677 = tpu.memref_slice %arg3[%select_n3A_307, %select_n3A_323, %dma_wait3A_676] : memref<10x10x4096xi32, #tpu.memory_space<hbm>> -> memref<1x1x4096xi32, #tpu.memory_space<hbm>>
            %dma_wait3A_678 = tpu.memref_squeeze %dma_wait3A_677 : memref<1x1x4096xi32, #tpu.memory_space<hbm>> -> memref<4096xi32, #tpu.memory_space<hbm>>
            tpu.wait_dma2 semaphore(%run_scoped3A : memref<!tpu.dma_semaphore, #tpu.memory_space<semaphore_mem>>) src(%dma_wait3A_678 : memref<4096xi32, #tpu.memory_space<hbm>>) dst(%arg5 : memref<4096xi32, #tpu.memory_space<vmem>>)
            tpu.yield
          }) : () -> ()
        } else {
        }
        %add3A_546 = arith.constant 2 : i32
        %add3A_547 = arith.addi %add3A_260, %add3A_546 : i32
        %lt3A_548 = arith.cmpi slt, %add3A_547, %mul3A_12 : i32
        %convert_element_type3A_549 = arith.extui %lt3A_548 : i1 to i32
        %cond3A_550 = arith.constant 0 : i32
        %cond3A_551 = arith.cmpi ne, %convert_element_type3A_549, %cond3A_550 : i32
        scf.if %cond3A_551 {
          %ge3A_667 = arith.constant 2 : i32
          %ge3A_668 = arith.cmpi sge, %add3A_260, %ge3A_667 : i32
          %convert_element_type3A_669 = arith.extui %ge3A_668 : i1 to i32
          %cond3A_670 = arith.constant 0 : i32
          %cond3A_671 = arith.cmpi ne, %convert_element_type3A_669, %cond3A_670 : i32
          scf.if %cond3A_671 {
            %dma_wait3A_745 = arith.constant 0 : i32
            %dma_wait3A_746 = arith.constant 0 : i32
            %dma_wait3A_747 = tpu.memref_slice %arg4[%add3A_265, %dma_wait3A_745, %dma_wait3A_746] : memref<92x178x4096xf32, #tpu.memory_space<hbm>> -> memref<1x96x128xf32, #tpu.memory_space<hbm>>
            %dma_wait3A_748 = tpu.memref_squeeze %dma_wait3A_747 : memref<1x96x128xf32, #tpu.memory_space<hbm>> -> memref<96x128xf32, #tpu.memory_space<hbm>>
            %dma_wait3A_749 = arith.constant 0 : i32
            %dma_wait3A_750 = arith.constant 0 : i32
            %dma_wait3A_751 = tpu.memref_slice %arg4[%add3A_265, %dma_wait3A_749, %dma_wait3A_750] : memref<92x178x4096xf32, #tpu.memory_space<hbm>> -> memref<1x96x128xf32, #tpu.memory_space<hbm>>
            %dma_wait3A_752 = tpu.memref_squeeze %dma_wait3A_751 : memref<1x96x128xf32, #tpu.memory_space<hbm>> -> memref<96x128xf32, #tpu.memory_space<hbm>>
            tpu.wait_dma2 semaphore(%arg20 : memref<!tpu.dma_semaphore, #tpu.memory_space<semaphore_mem>>) src(%arg8 : memref<96x128xf32, #tpu.memory_space<vmem>>) dst(%dma_wait3A_752 : memref<96x128xf32, #tpu.memory_space<hbm>>)
          } else {
          }
          %add3A_672 = arith.constant 2 : i32
          %add3A_673 = arith.addi %add3A_260, %add3A_672 : i32
          %shift_right_logical3A_674 = arith.constant 5 : i32
          %shift_right_logical3A_675 = arith.shrui %add3A_673, %shift_right_logical3A_674 : i32
          %and3A_676 = arith.constant 31 : i32
          %and3A_677 = arith.andi %add3A_673, %and3A_676 : i32
          %add3A_678 = arith.addi %select_n3A_10, %shift_right_logical3A_675 : i32
          %ge3A_679 = arith.constant 42 : i32
          %ge3A_680 = arith.cmpi sge, %add3A_678, %ge3A_679 : i32
          %convert_element_type3A_681 = arith.extui %ge3A_680 : i1 to i32
          %ge3A_682 = arith.constant 44 : i32
          %ge3A_683 = arith.cmpi sge, %add3A_678, %ge3A_682 : i32
          %convert_element_type3A_684 = arith.extui %ge3A_683 : i1 to i32
          %add3A_685 = arith.addi %convert_element_type3A_681, %convert_element_type3A_684 : i32
          %ge3A_686 = arith.constant 48 : i32
          %ge3A_687 = arith.cmpi sge, %add3A_678, %ge3A_686 : i32
          %convert_element_type3A_688 = arith.extui %ge3A_687 : i1 to i32
          %add3A_689 = arith.addi %add3A_685, %convert_element_type3A_688 : i32
          %ge3A_690 = arith.constant 50 : i32
          %ge3A_691 = arith.cmpi sge, %add3A_678, %ge3A_690 : i32
          %convert_element_type3A_692 = arith.extui %ge3A_691 : i1 to i32
          %add3A_693 = arith.addi %add3A_689, %convert_element_type3A_692 : i32
          %mul3A_694 = arith.constant 2 : i32
          %mul3A_695 = arith.muli %mul3A_694, %add3A_693 : i32
          %add3A_696 = arith.addi %add3A_678, %mul3A_695 : i32
          %jit3A_697 = arith.constant 10 : i32
          %div3A_698 = arith.divsi %add3A_696, %jit3A_697 : i32
          %sign3A_699 = arith.constant 0 : i32
          %sign3A_700 = arith.cmpi sgt, %add3A_696, %sign3A_699 : i32
          %sign3A_701 = arith.extui %sign3A_700 : i1 to i32
          %sign3A_702 = arith.constant 0 : i32
          %sign3A_703 = arith.cmpi slt, %add3A_696, %sign3A_702 : i32
          %sign3A_704 = arith.extui %sign3A_703 : i1 to i32
          %sign3A_705 = arith.subi %sign3A_701, %sign3A_704 : i32
          %sign3A_706 = arith.constant 0 : i32
          %sign3A_707 = arith.cmpi sgt, %jit3A_697, %sign3A_706 : i32
          %sign3A_708 = arith.extui %sign3A_707 : i1 to i32
          %sign3A_709 = arith.constant 0 : i32
          %sign3A_710 = arith.cmpi slt, %jit3A_697, %sign3A_709 : i32
          %sign3A_711 = arith.extui %sign3A_710 : i1 to i32
          %sign3A_712 = arith.subi %sign3A_708, %sign3A_711 : i32
          %ne3A_713 = arith.cmpi ne, %sign3A_705, %sign3A_712 : i32
          %rem3A_714 = arith.remsi %add3A_696, %jit3A_697 : i32
          %ne3A_715 = arith.constant 0 : i32
          %ne3A_716 = arith.cmpi ne, %rem3A_714, %ne3A_715 : i32
          %and3A_717 = arith.andi %ne3A_713, %ne3A_716 : i1
          %sub3A_718 = arith.constant 1 : i32
          %sub3A_719 = arith.subi %div3A_698, %sub3A_718 : i32
          %select_n3A_720 = arith.select %and3A_717, %sub3A_719, %div3A_698 : i32
          %jit3A_721 = arith.constant 10 : i32
          %eq3A_722 = arith.constant 0 : i32
          %eq3A_723 = arith.cmpi eq, %jit3A_721, %eq3A_722 : i32
          %jit3A_724 = arith.constant 1 : i32
          %select_n3A_725 = arith.select %eq3A_723, %jit3A_724, %jit3A_721 : i32
          %rem3A_726 = arith.remsi %add3A_696, %select_n3A_725 : i32
          %ne3A_727 = arith.constant 0 : i32
          %ne3A_728 = arith.cmpi ne, %rem3A_726, %ne3A_727 : i32
          %lt3A_729 = arith.constant 0 : i32
          %lt3A_730 = arith.cmpi slt, %rem3A_726, %lt3A_729 : i32
          %lt3A_731 = arith.constant 0 : i32
          %lt3A_732 = arith.cmpi slt, %select_n3A_725, %lt3A_731 : i32
          %ne3A_733 = arith.xori %lt3A_730, %lt3A_732 : i1
          %and3A_734 = arith.andi %ne3A_733, %ne3A_728 : i1
          %add3A_735 = arith.addi %rem3A_726, %select_n3A_725 : i32
          %select_n3A_736 = arith.select %and3A_734, %add3A_735, %rem3A_726 : i32
          %mul3A_737 = arith.constant 128 : i32
          %mul3A_738 = arith.muli %and3A_677, %mul3A_737 : i32
          %dma_start3A_739 = arith.constant 0 : i32
          %dma_start3A_740 = tpu.memref_slice %arg2[%select_n3A_720, %select_n3A_736, %dma_start3A_739, %mul3A_738] : memref<10x10x96x4096xf32, #tpu.memory_space<hbm>> -> memref<1x1x96x128xf32, #tpu.memory_space<hbm>>
          %dma_start3A_741 = tpu.memref_squeeze %dma_start3A_740 : memref<1x1x96x128xf32, #tpu.memory_space<hbm>> -> memref<96x128xf32, #tpu.memory_space<hbm>>
          %dma_start3A_742 = arith.constant 0 : i32
          %dma_start3A_743 = tpu.memref_slice %arg2[%select_n3A_720, %select_n3A_736, %dma_start3A_742, %mul3A_738] : memref<10x10x96x4096xf32, #tpu.memory_space<hbm>> -> memref<1x1x96x128xf32, #tpu.memory_space<hbm>>
          %dma_start3A_744 = tpu.memref_squeeze %dma_start3A_743 : memref<1x1x96x128xf32, #tpu.memory_space<hbm>> -> memref<96x128xf32, #tpu.memory_space<hbm>>
          tpu.enqueue_dma source(%dma_start3A_744 : memref<96x128xf32, #tpu.memory_space<hbm>>) target(%arg8 : memref<96x128xf32, #tpu.memory_space<vmem>>) target_semaphore(%arg16 : memref<!tpu.dma_semaphore, #tpu.memory_space<semaphore_mem>>)
        } else {
        }
        %ge3A_552 = arith.constant 2 : i32
        %ge3A_553 = arith.cmpi sge, %add3A_260, %ge3A_552 : i32
        %convert_element_type3A_554 = arith.extui %ge3A_553 : i1 to i32
        %cond3A_555 = arith.constant 0 : i32
        %cond3A_556 = arith.cmpi ne, %convert_element_type3A_554, %cond3A_555 : i32
        scf.if %cond3A_556 {
          %dma_wait3A_667 = arith.constant 96 : i32
          %dma_wait3A_668 = arith.constant 0 : i32
          %dma_wait3A_669 = tpu.memref_slice %arg4[%add3A_265, %dma_wait3A_667, %dma_wait3A_668] : memref<92x178x4096xf32, #tpu.memory_space<hbm>> -> memref<1x82x128xf32, #tpu.memory_space<hbm>>
          %dma_wait3A_670 = tpu.memref_squeeze %dma_wait3A_669 : memref<1x82x128xf32, #tpu.memory_space<hbm>> -> memref<82x128xf32, #tpu.memory_space<hbm>>
          %dma_wait3A_671 = arith.constant 96 : i32
          %dma_wait3A_672 = arith.constant 0 : i32
          %dma_wait3A_673 = tpu.memref_slice %arg4[%add3A_265, %dma_wait3A_671, %dma_wait3A_672] : memref<92x178x4096xf32, #tpu.memory_space<hbm>> -> memref<1x82x128xf32, #tpu.memory_space<hbm>>
          %dma_wait3A_674 = tpu.memref_squeeze %dma_wait3A_673 : memref<1x82x128xf32, #tpu.memory_space<hbm>> -> memref<82x128xf32, #tpu.memory_space<hbm>>
          tpu.wait_dma2 semaphore(%arg22 : memref<!tpu.dma_semaphore, #tpu.memory_space<semaphore_mem>>) src(%arg10 : memref<82x128xf32, #tpu.memory_space<vmem>>) dst(%dma_wait3A_674 : memref<82x128xf32, #tpu.memory_space<hbm>>)
          %get3A_675 = arith.constant 0 : index
          %get3A_676 = tpu.vector_load %arg12[%get3A_675] {strides = array<i32>} : memref<128xi32, #tpu.memory_space<vmem>>, vector<16xi32>,
          %add3A_677 = arith.constant 0 : i32
          %add3A_678 = vector.broadcast %add3A_677 : i32 to vector<16xi32>
          %add3A_679 = arith.addi %iota3A, %add3A_678 : vector<16xi32>
          tpu.vector_store_idx %arg10[%get3A_676, %add3A_679], %broadcast_in_dim3A_13 : memref<82x128xf32, #tpu.memory_space<vmem>>[vector<16xi32>, vector<16xi32>], vector<16xf32>,
          %get3A_680 = arith.constant 16 : index
          %get3A_681 = tpu.vector_load %arg12[%get3A_680] {strides = array<i32>} : memref<128xi32, #tpu.memory_space<vmem>>, vector<16xi32>,
          %add3A_682 = arith.constant 16 : i32
          %add3A_683 = vector.broadcast %add3A_682 : i32 to vector<16xi32>
          %add3A_684 = arith.addi %iota3A, %add3A_683 : vector<16xi32>
          tpu.vector_store_idx %arg10[%get3A_681, %add3A_684], %broadcast_in_dim3A_13 : memref<82x128xf32, #tpu.memory_space<vmem>>[vector<16xi32>, vector<16xi32>], vector<16xf32>,
          %get3A_685 = arith.constant 32 : index
          %get3A_686 = tpu.vector_load %arg12[%get3A_685] {strides = array<i32>} : memref<128xi32, #tpu.memory_space<vmem>>, vector<16xi32>,
          %add3A_687 = arith.constant 32 : i32
          %add3A_688 = vector.broadcast %add3A_687 : i32 to vector<16xi32>
          %add3A_689 = arith.addi %iota3A, %add3A_688 : vector<16xi32>
          tpu.vector_store_idx %arg10[%get3A_686, %add3A_689], %broadcast_in_dim3A_13 : memref<82x128xf32, #tpu.memory_space<vmem>>[vector<16xi32>, vector<16xi32>], vector<16xf32>,
          %get3A_690 = arith.constant 48 : index
          %get3A_691 = tpu.vector_load %arg12[%get3A_690] {strides = array<i32>} : memref<128xi32, #tpu.memory_space<vmem>>, vector<16xi32>,
          %add3A_692 = arith.constant 48 : i32
          %add3A_693 = vector.broadcast %add3A_692 : i32 to vector<16xi32>
          %add3A_694 = arith.addi %iota3A, %add3A_693 : vector<16xi32>
          tpu.vector_store_idx %arg10[%get3A_691, %add3A_694], %broadcast_in_dim3A_13 : memref<82x128xf32, #tpu.memory_space<vmem>>[vector<16xi32>, vector<16xi32>], vector<16xf32>,
          %get3A_695 = arith.constant 64 : index
          %get3A_696 = tpu.vector_load %arg12[%get3A_695] {strides = array<i32>} : memref<128xi32, #tpu.memory_space<vmem>>, vector<16xi32>,
          %add3A_697 = arith.constant 64 : i32
          %add3A_698 = vector.broadcast %add3A_697 : i32 to vector<16xi32>
          %add3A_699 = arith.addi %iota3A, %add3A_698 : vector<16xi32>
          tpu.vector_store_idx %arg10[%get3A_696, %add3A_699], %broadcast_in_dim3A_13 : memref<82x128xf32, #tpu.memory_space<vmem>>[vector<16xi32>, vector<16xi32>], vector<16xf32>,
          %get3A_700 = arith.constant 80 : index
          %get3A_701 = tpu.vector_load %arg12[%get3A_700] {strides = array<i32>} : memref<128xi32, #tpu.memory_space<vmem>>, vector<16xi32>,
          %add3A_702 = arith.constant 80 : i32
          %add3A_703 = vector.broadcast %add3A_702 : i32 to vector<16xi32>
          %add3A_704 = arith.addi %iota3A, %add3A_703 : vector<16xi32>
          tpu.vector_store_idx %arg10[%get3A_701, %add3A_704], %broadcast_in_dim3A_13 : memref<82x128xf32, #tpu.memory_space<vmem>>[vector<16xi32>, vector<16xi32>], vector<16xf32>,
          %get3A_705 = arith.constant 96 : index
          %get3A_706 = tpu.vector_load %arg12[%get3A_705] {strides = array<i32>} : memref<128xi32, #tpu.memory_space<vmem>>, vector<16xi32>,
          %add3A_707 = arith.constant 96 : i32
          %add3A_708 = vector.broadcast %add3A_707 : i32 to vector<16xi32>
          %add3A_709 = arith.addi %iota3A, %add3A_708 : vector<16xi32>
          tpu.vector_store_idx %arg10[%get3A_706, %add3A_709], %broadcast_in_dim3A_13 : memref<82x128xf32, #tpu.memory_space<vmem>>[vector<16xi32>, vector<16xi32>], vector<16xf32>,
          %get3A_710 = arith.constant 112 : index
          %get3A_711 = tpu.vector_load %arg12[%get3A_710] {strides = array<i32>} : memref<128xi32, #tpu.memory_space<vmem>>, vector<16xi32>,
          %add3A_712 = arith.constant 112 : i32
          %add3A_713 = vector.broadcast %add3A_712 : i32 to vector<16xi32>
          %add3A_714 = arith.addi %iota3A, %add3A_713 : vector<16xi32>
          tpu.vector_store_idx %arg10[%get3A_711, %add3A_714], %broadcast_in_dim3A_13 : memref<82x128xf32, #tpu.memory_space<vmem>>[vector<16xi32>, vector<16xi32>], vector<16xf32>,
        } else {
        }
        %mul3A_557 = arith.constant 128 : i32
        %mul3A_558 = arith.muli %and3A_264, %mul3A_557 : i32
        %add3A_559 = arith.constant 0 : i32
        %add3A_560 = arith.addi %mul3A_558, %add3A_559 : i32
        %get3A = arith.index_cast %add3A_560 : i32 to index
        %get3A_561 = tpu.vector_load %arg5[%get3A] {strides = array<i32>} : memref<4096xi32, #tpu.memory_space<vmem>>, vector<16xi32>,
        %swap3A = arith.constant 0 : index
        %swap3A_562 = tpu.vector_load %arg12[%swap3A] {strides = array<i32>} : memref<128xi32, #tpu.memory_space<vmem>>, vector<16xi32>,
        tpu.vector_store %arg12[%swap3A], %get3A_561 {strides = array<i32>} : memref<128xi32, #tpu.memory_space<vmem>>, vector<16xi32>,
        %add3A_563 = arith.constant 0 : i32
        %add3A_564 = vector.broadcast %add3A_563 : i32 to vector<16xi32>
        %add3A_565 = arith.addi %iota3A, %add3A_564 : vector<16xi32>
        tpu.vector_store_idx %arg10[%get3A_561, %add3A_565], %broadcast_in_dim3A_15 : memref<82x128xf32, #tpu.memory_space<vmem>>[vector<16xi32>, vector<16xi32>], vector<16xf32>,
        %mul3A_566 = arith.constant 128 : i32
        %mul3A_567 = arith.muli %and3A_264, %mul3A_566 : i32
        %add3A_568 = arith.constant 16 : i32
        %add3A_569 = arith.addi %mul3A_567, %add3A_568 : i32
        %get3A_570 = arith.index_cast %add3A_569 : i32 to index
        %get3A_571 = tpu.vector_load %arg5[%get3A_570] {strides = array<i32>} : memref<4096xi32, #tpu.memory_space<vmem>>, vector<16xi32>,
        %swap3A_572 = arith.constant 16 : index
        %swap3A_573 = tpu.vector_load %arg12[%swap3A_572] {strides = array<i32>} : memref<128xi32, #tpu.memory_space<vmem>>, vector<16xi32>,
        tpu.vector_store %arg12[%swap3A_572], %get3A_571 {strides = array<i32>} : memref<128xi32, #tpu.memory_space<vmem>>, vector<16xi32>,
        %add3A_574 = arith.constant 16 : i32
        %add3A_575 = vector.broadcast %add3A_574 : i32 to vector<16xi32>
        %add3A_576 = arith.addi %iota3A, %add3A_575 : vector<16xi32>
        tpu.vector_store_idx %arg10[%get3A_571, %add3A_576], %broadcast_in_dim3A_15 : memref<82x128xf32, #tpu.memory_space<vmem>>[vector<16xi32>, vector<16xi32>], vector<16xf32>,
        %mul3A_577 = arith.constant 128 : i32
        %mul3A_578 = arith.muli %and3A_264, %mul3A_577 : i32
        %add3A_579 = arith.constant 32 : i32
        %add3A_580 = arith.addi %mul3A_578, %add3A_579 : i32
        %get3A_581 = arith.index_cast %add3A_580 : i32 to index
        %get3A_582 = tpu.vector_load %arg5[%get3A_581] {strides = array<i32>} : memref<4096xi32, #tpu.memory_space<vmem>>, vector<16xi32>,
        %swap3A_583 = arith.constant 32 : index
        %swap3A_584 = tpu.vector_load %arg12[%swap3A_583] {strides = array<i32>} : memref<128xi32, #tpu.memory_space<vmem>>, vector<16xi32>,
        tpu.vector_store %arg12[%swap3A_583], %get3A_582 {strides = array<i32>} : memref<128xi32, #tpu.memory_space<vmem>>, vector<16xi32>,
        %add3A_585 = arith.constant 32 : i32
        %add3A_586 = vector.broadcast %add3A_585 : i32 to vector<16xi32>
        %add3A_587 = arith.addi %iota3A, %add3A_586 : vector<16xi32>
        tpu.vector_store_idx %arg10[%get3A_582, %add3A_587], %broadcast_in_dim3A_15 : memref<82x128xf32, #tpu.memory_space<vmem>>[vector<16xi32>, vector<16xi32>], vector<16xf32>,
        %mul3A_588 = arith.constant 128 : i32
        %mul3A_589 = arith.muli %and3A_264, %mul3A_588 : i32
        %add3A_590 = arith.constant 48 : i32
        %add3A_591 = arith.addi %mul3A_589, %add3A_590 : i32
        %get3A_592 = arith.index_cast %add3A_591 : i32 to index
        %get3A_593 = tpu.vector_load %arg5[%get3A_592] {strides = array<i32>} : memref<4096xi32, #tpu.memory_space<vmem>>, vector<16xi32>,
        %swap3A_594 = arith.constant 48 : index
        %swap3A_595 = tpu.vector_load %arg12[%swap3A_594] {strides = array<i32>} : memref<128xi32, #tpu.memory_space<vmem>>, vector<16xi32>,
        tpu.vector_store %arg12[%swap3A_594], %get3A_593 {strides = array<i32>} : memref<128xi32, #tpu.memory_space<vmem>>, vector<16xi32>,
        %add3A_596 = arith.constant 48 : i32
        %add3A_597 = vector.broadcast %add3A_596 : i32 to vector<16xi32>
        %add3A_598 = arith.addi %iota3A, %add3A_597 : vector<16xi32>
        tpu.vector_store_idx %arg10[%get3A_593, %add3A_598], %broadcast_in_dim3A_15 : memref<82x128xf32, #tpu.memory_space<vmem>>[vector<16xi32>, vector<16xi32>], vector<16xf32>,
        %mul3A_599 = arith.constant 128 : i32
        %mul3A_600 = arith.muli %and3A_264, %mul3A_599 : i32
        %add3A_601 = arith.constant 64 : i32
        %add3A_602 = arith.addi %mul3A_600, %add3A_601 : i32
        %get3A_603 = arith.index_cast %add3A_602 : i32 to index
        %get3A_604 = tpu.vector_load %arg5[%get3A_603] {strides = array<i32>} : memref<4096xi32, #tpu.memory_space<vmem>>, vector<16xi32>,
        %swap3A_605 = arith.constant 64 : index
        %swap3A_606 = tpu.vector_load %arg12[%swap3A_605] {strides = array<i32>} : memref<128xi32, #tpu.memory_space<vmem>>, vector<16xi32>,
        tpu.vector_store %arg12[%swap3A_605], %get3A_604 {strides = array<i32>} : memref<128xi32, #tpu.memory_space<vmem>>, vector<16xi32>,
        %add3A_607 = arith.constant 64 : i32
        %add3A_608 = vector.broadcast %add3A_607 : i32 to vector<16xi32>
        %add3A_609 = arith.addi %iota3A, %add3A_608 : vector<16xi32>
        tpu.vector_store_idx %arg10[%get3A_604, %add3A_609], %broadcast_in_dim3A_15 : memref<82x128xf32, #tpu.memory_space<vmem>>[vector<16xi32>, vector<16xi32>], vector<16xf32>,
        %mul3A_610 = arith.constant 128 : i32
        %mul3A_611 = arith.muli %and3A_264, %mul3A_610 : i32
        %add3A_612 = arith.constant 80 : i32
        %add3A_613 = arith.addi %mul3A_611, %add3A_612 : i32
        %get3A_614 = arith.index_cast %add3A_613 : i32 to index
        %get3A_615 = tpu.vector_load %arg5[%get3A_614] {strides = array<i32>} : memref<4096xi32, #tpu.memory_space<vmem>>, vector<16xi32>,
        %swap3A_616 = arith.constant 80 : index
        %swap3A_617 = tpu.vector_load %arg12[%swap3A_616] {strides = array<i32>} : memref<128xi32, #tpu.memory_space<vmem>>, vector<16xi32>,
        tpu.vector_store %arg12[%swap3A_616], %get3A_615 {strides = array<i32>} : memref<128xi32, #tpu.memory_space<vmem>>, vector<16xi32>,
        %add3A_618 = arith.constant 80 : i32
        %add3A_619 = vector.broadcast %add3A_618 : i32 to vector<16xi32>
        %add3A_620 = arith.addi %iota3A, %add3A_619 : vector<16xi32>
        tpu.vector_store_idx %arg10[%get3A_615, %add3A_620], %broadcast_in_dim3A_15 : memref<82x128xf32, #tpu.memory_space<vmem>>[vector<16xi32>, vector<16xi32>], vector<16xf32>,
        %mul3A_621 = arith.constant 128 : i32
        %mul3A_622 = arith.muli %and3A_264, %mul3A_621 : i32
        %add3A_623 = arith.constant 96 : i32
        %add3A_624 = arith.addi %mul3A_622, %add3A_623 : i32
        %get3A_625 = arith.index_cast %add3A_624 : i32 to index
        %get3A_626 = tpu.vector_load %arg5[%get3A_625] {strides = array<i32>} : memref<4096xi32, #tpu.memory_space<vmem>>, vector<16xi32>,
        %swap3A_627 = arith.constant 96 : index
        %swap3A_628 = tpu.vector_load %arg12[%swap3A_627] {strides = array<i32>} : memref<128xi32, #tpu.memory_space<vmem>>, vector<16xi32>,
        tpu.vector_store %arg12[%swap3A_627], %get3A_626 {strides = array<i32>} : memref<128xi32, #tpu.memory_space<vmem>>, vector<16xi32>,
        %add3A_629 = arith.constant 96 : i32
        %add3A_630 = vector.broadcast %add3A_629 : i32 to vector<16xi32>
        %add3A_631 = arith.addi %iota3A, %add3A_630 : vector<16xi32>
        tpu.vector_store_idx %arg10[%get3A_626, %add3A_631], %broadcast_in_dim3A_15 : memref<82x128xf32, #tpu.memory_space<vmem>>[vector<16xi32>, vector<16xi32>], vector<16xf32>,
        %mul3A_632 = arith.constant 128 : i32
        %mul3A_633 = arith.muli %and3A_264, %mul3A_632 : i32
        %add3A_634 = arith.constant 112 : i32
        %add3A_635 = arith.addi %mul3A_633, %add3A_634 : i32
        %get3A_636 = arith.index_cast %add3A_635 : i32 to index
        %get3A_637 = tpu.vector_load %arg5[%get3A_636] {strides = array<i32>} : memref<4096xi32, #tpu.memory_space<vmem>>, vector<16xi32>,
        %swap3A_638 = arith.constant 112 : index
        %swap3A_639 = tpu.vector_load %arg12[%swap3A_638] {strides = array<i32>} : memref<128xi32, #tpu.memory_space<vmem>>, vector<16xi32>,
        tpu.vector_store %arg12[%swap3A_638], %get3A_637 {strides = array<i32>} : memref<128xi32, #tpu.memory_space<vmem>>, vector<16xi32>,
        %add3A_640 = arith.constant 112 : i32
        %add3A_641 = vector.broadcast %add3A_640 : i32 to vector<16xi32>
        %add3A_642 = arith.addi %iota3A, %add3A_641 : vector<16xi32>
        tpu.vector_store_idx %arg10[%get3A_637, %add3A_642], %broadcast_in_dim3A_15 : memref<82x128xf32, #tpu.memory_space<vmem>>[vector<16xi32>, vector<16xi32>], vector<16xf32>,
        %mul3A_643 = arith.constant 128 : i32
        %mul3A_644 = arith.muli %and3A_264, %mul3A_643 : i32
        %dma_start3A_645 = arith.constant 96 : i32
        %dma_start3A_646 = tpu.memref_slice %arg4[%add3A_265, %dma_start3A_645, %mul3A_644] : memref<92x178x4096xf32, #tpu.memory_space<hbm>> -> memref<1x82x128xf32, #tpu.memory_space<hbm>>
        %dma_start3A_647 = tpu.memref_squeeze %dma_start3A_646 : memref<1x82x128xf32, #tpu.memory_space<hbm>> -> memref<82x128xf32, #tpu.memory_space<hbm>>
        %dma_start3A_648 = arith.constant 96 : i32
        %dma_start3A_649 = tpu.memref_slice %arg4[%add3A_265, %dma_start3A_648, %mul3A_644] : memref<92x178x4096xf32, #tpu.memory_space<hbm>> -> memref<1x82x128xf32, #tpu.memory_space<hbm>>
        %dma_start3A_650 = tpu.memref_squeeze %dma_start3A_649 : memref<1x82x128xf32, #tpu.memory_space<hbm>> -> memref<82x128xf32, #tpu.memory_space<hbm>>
        tpu.enqueue_dma source(%arg10 : memref<82x128xf32, #tpu.memory_space<vmem>>) target(%dma_start3A_650 : memref<82x128xf32, #tpu.memory_space<hbm>>) target_semaphore(%arg22 : memref<!tpu.dma_semaphore, #tpu.memory_space<semaphore_mem>>)
        %mul3A_651 = arith.constant 128 : i32
        %mul3A_652 = arith.muli %and3A_264, %mul3A_651 : i32
        %dma_wait3A_653 = arith.constant 0 : i32
        %dma_wait3A_654 = tpu.memref_slice %arg2[%select_n3A_307, %select_n3A_323, %dma_wait3A_653, %mul3A_652] : memref<10x10x96x4096xf32, #tpu.memory_space<hbm>> -> memref<1x1x96x128xf32, #tpu.memory_space<hbm>>
        %dma_wait3A_655 = tpu.memref_squeeze %dma_wait3A_654 : memref<1x1x96x128xf32, #tpu.memory_space<hbm>> -> memref<96x128xf32, #tpu.memory_space<hbm>>
        %dma_wait3A_656 = arith.constant 0 : i32
        %dma_wait3A_657 = tpu.memref_slice %arg2[%select_n3A_307, %select_n3A_323, %dma_wait3A_656, %mul3A_652] : memref<10x10x96x4096xf32, #tpu.memory_space<hbm>> -> memref<1x1x96x128xf32, #tpu.memory_space<hbm>>
        %dma_wait3A_658 = tpu.memref_squeeze %dma_wait3A_657 : memref<1x1x96x128xf32, #tpu.memory_space<hbm>> -> memref<96x128xf32, #tpu.memory_space<hbm>>
        tpu.wait_dma2 semaphore(%arg14 : memref<!tpu.dma_semaphore, #tpu.memory_space<semaphore_mem>>) src(%dma_wait3A_658 : memref<96x128xf32, #tpu.memory_space<hbm>>) dst(%arg6 : memref<96x128xf32, #tpu.memory_space<vmem>>)
        %mul3A_659 = arith.constant 128 : i32
        %mul3A_660 = arith.muli %and3A_264, %mul3A_659 : i32
        %dma_start3A_661 = arith.constant 0 : i32
        %dma_start3A_662 = tpu.memref_slice %arg4[%add3A_265, %dma_start3A_661, %mul3A_660] : memref<92x178x4096xf32, #tpu.memory_space<hbm>> -> memref<1x96x128xf32, #tpu.memory_space<hbm>>
        %dma_start3A_663 = tpu.memref_squeeze %dma_start3A_662 : memref<1x96x128xf32, #tpu.memory_space<hbm>> -> memref<96x128xf32, #tpu.memory_space<hbm>>
        %dma_start3A_664 = arith.constant 0 : i32
        %dma_start3A_665 = tpu.memref_slice %arg4[%add3A_265, %dma_start3A_664, %mul3A_660] : memref<92x178x4096xf32, #tpu.memory_space<hbm>> -> memref<1x96x128xf32, #tpu.memory_space<hbm>>
        %dma_start3A_666 = tpu.memref_squeeze %dma_start3A_665 : memref<1x96x128xf32, #tpu.memory_space<hbm>> -> memref<96x128xf32, #tpu.memory_space<hbm>>
        tpu.enqueue_dma source(%arg6 : memref<96x128xf32, #tpu.memory_space<vmem>>) target(%dma_start3A_666 : memref<96x128xf32, #tpu.memory_space<hbm>>) target_semaphore(%arg18 : memref<!tpu.dma_semaphore, #tpu.memory_space<semaphore_mem>>)
      } else {
      }
      %mul3A_327 = arith.constant 4 : i32
      %mul3A_328 = arith.muli %mul3A_327, %while3A_255 : i32
      %add3A_329 = arith.constant 1 : i32
      %add3A_330 = arith.addi %mul3A_328, %add3A_329 : i32
      %shift_right_logical3A_331 = arith.constant 5 : i32
      %shift_right_logical3A_332 = arith.shrui %add3A_330, %shift_right_logical3A_331 : i32
      %and3A_333 = arith.constant 31 : i32
      %and3A_334 = arith.andi %add3A_330, %and3A_333 : i32
      %add3A_335 = arith.addi %select_n3A_10, %shift_right_logical3A_332 : i32
      %ge3A_336 = arith.constant 42 : i32
      %ge3A_337 = arith.cmpi sge, %add3A_335, %ge3A_336 : i32
      %convert_element_type3A_338 = arith.extui %ge3A_337 : i1 to i32
      %ge3A_339 = arith.constant 44 : i32
      %ge3A_340 = arith.cmpi sge, %add3A_335, %ge3A_339 : i32
      %convert_element_type3A_341 = arith.extui %ge3A_340 : i1 to i32
      %add3A_342 = arith.addi %convert_element_type3A_338, %convert_element_type3A_341 : i32
      %ge3A_343 = arith.constant 48 : i32
      %ge3A_344 = arith.cmpi sge, %add3A_335, %ge3A_343 : i32
      %convert_element_type3A_345 = arith.extui %ge3A_344 : i1 to i32
      %add3A_346 = arith.addi %add3A_342, %convert_element_type3A_345 : i32
      %ge3A_347 = arith.constant 50 : i32
      %ge3A_348 = arith.cmpi sge, %add3A_335, %ge3A_347 : i32
      %convert_element_type3A_349 = arith.extui %ge3A_348 : i1 to i32
      %add3A_350 = arith.addi %add3A_346, %convert_element_type3A_349 : i32
      %mul3A_351 = arith.constant 2 : i32
      %mul3A_352 = arith.muli %mul3A_351, %add3A_350 : i32
      %add3A_353 = arith.addi %add3A_335, %mul3A_352 : i32
      %jit3A_354 = arith.constant 10 : i32
      %div3A_355 = arith.divsi %add3A_353, %jit3A_354 : i32
      %sign3A_356 = arith.constant 0 : i32
      %sign3A_357 = arith.cmpi sgt, %add3A_353, %sign3A_356 : i32
      %sign3A_358 = arith.extui %sign3A_357 : i1 to i32
      %sign3A_359 = arith.constant 0 : i32
      %sign3A_360 = arith.cmpi slt, %add3A_353, %sign3A_359 : i32
      %sign3A_361 = arith.extui %sign3A_360 : i1 to i32
      %sign3A_362 = arith.subi %sign3A_358, %sign3A_361 : i32
      %sign3A_363 = arith.constant 0 : i32
      %sign3A_364 = arith.cmpi sgt, %jit3A_354, %sign3A_363 : i32
      %sign3A_365 = arith.extui %sign3A_364 : i1 to i32
      %sign3A_366 = arith.constant 0 : i32
      %sign3A_367 = arith.cmpi slt, %jit3A_354, %sign3A_366 : i32
      %sign3A_368 = arith.extui %sign3A_367 : i1 to i32
      %sign3A_369 = arith.subi %sign3A_365, %sign3A_368 : i32
      %ne3A_370 = arith.cmpi ne, %sign3A_362, %sign3A_369 : i32
      %rem3A_371 = arith.remsi %add3A_353, %jit3A_354 : i32
      %ne3A_372 = arith.constant 0 : i32
      %ne3A_373 = arith.cmpi ne, %rem3A_371, %ne3A_372 : i32
      %and3A_374 = arith.andi %ne3A_370, %ne3A_373 : i1
      %sub3A_375 = arith.constant 1 : i32
      %sub3A_376 = arith.subi %div3A_355, %sub3A_375 : i32
      %select_n3A_377 = arith.select %and3A_374, %sub3A_376, %div3A_355 : i32
      %jit3A_378 = arith.constant 10 : i32
      %eq3A_379 = arith.constant 0 : i32
      %eq3A_380 = arith.cmpi eq, %jit3A_378, %eq3A_379 : i32
      %jit3A_381 = arith.constant 1 : i32
      %select_n3A_382 = arith.select %eq3A_380, %jit3A_381, %jit3A_378 : i32
      %rem3A_383 = arith.remsi %add3A_353, %select_n3A_382 : i32
      %ne3A_384 = arith.constant 0 : i32
      %ne3A_385 = arith.cmpi ne, %rem3A_383, %ne3A_384 : i32
      %lt3A_386 = arith.constant 0 : i32
      %lt3A_387 = arith.cmpi slt, %rem3A_383, %lt3A_386 : i32
      %lt3A_388 = arith.constant 0 : i32
      %lt3A_389 = arith.cmpi slt, %select_n3A_382, %lt3A_388 : i32
      %ne3A_390 = arith.xori %lt3A_387, %lt3A_389 : i1
      %and3A_391 = arith.andi %ne3A_390, %ne3A_385 : i1
      %add3A_392 = arith.addi %rem3A_383, %select_n3A_382 : i32
      %select_n3A_393 = arith.select %and3A_391, %add3A_392, %rem3A_383 : i32
      %lt3A_394 = arith.cmpi slt, %add3A_330, %mul3A_12 : i32
      %convert_element_type3A_395 = arith.extui %lt3A_394 : i1 to i32
      %cond3A_396 = arith.constant 0 : i32
      %cond3A_397 = arith.cmpi ne, %convert_element_type3A_395, %cond3A_396 : i32
      scf.if %cond3A_397 {
        %eq3A_541 = arith.constant 0 : i32
        %eq3A_542 = arith.cmpi eq, %and3A_334, %eq3A_541 : i32
        %convert_element_type3A_543 = arith.extui %eq3A_542 : i1 to i32
        %cond3A_544 = arith.constant 0 : i32
        %cond3A_545 = arith.cmpi ne, %convert_element_type3A_543, %cond3A_544 : i32
        scf.if %cond3A_545 {
          "tpu.region"() ({
            %run_scoped3A = tpu.sem_alloc : memref<!tpu.dma_semaphore, #tpu.memory_space<semaphore_mem>>
            %dma_start3A_667 = arith.constant 0 : i32
            %dma_start3A_668 = tpu.memref_slice %arg3[%select_n3A_377, %select_n3A_393, %dma_start3A_667] : memref<10x10x4096xi32, #tpu.memory_space<hbm>> -> memref<1x1x4096xi32, #tpu.memory_space<hbm>>
            %dma_start3A_669 = tpu.memref_squeeze %dma_start3A_668 : memref<1x1x4096xi32, #tpu.memory_space<hbm>> -> memref<4096xi32, #tpu.memory_space<hbm>>
            %dma_start3A_670 = arith.constant 0 : i32
            %dma_start3A_671 = tpu.memref_slice %arg3[%select_n3A_377, %select_n3A_393, %dma_start3A_670] : memref<10x10x4096xi32, #tpu.memory_space<hbm>> -> memref<1x1x4096xi32, #tpu.memory_space<hbm>>
            %dma_start3A_672 = tpu.memref_squeeze %dma_start3A_671 : memref<1x1x4096xi32, #tpu.memory_space<hbm>> -> memref<4096xi32, #tpu.memory_space<hbm>>
            tpu.enqueue_dma source(%dma_start3A_672 : memref<4096xi32, #tpu.memory_space<hbm>>) target(%arg5 : memref<4096xi32, #tpu.memory_space<vmem>>) target_semaphore(%run_scoped3A : memref<!tpu.dma_semaphore, #tpu.memory_space<semaphore_mem>>)
            %dma_wait3A_673 = arith.constant 0 : i32
            %dma_wait3A_674 = tpu.memref_slice %arg3[%select_n3A_377, %select_n3A_393, %dma_wait3A_673] : memref<10x10x4096xi32, #tpu.memory_space<hbm>> -> memref<1x1x4096xi32, #tpu.memory_space<hbm>>
            %dma_wait3A_675 = tpu.memref_squeeze %dma_wait3A_674 : memref<1x1x4096xi32, #tpu.memory_space<hbm>> -> memref<4096xi32, #tpu.memory_space<hbm>>
            %dma_wait3A_676 = arith.constant 0 : i32
            %dma_wait3A_677 = tpu.memref_slice %arg3[%select_n3A_377, %select_n3A_393, %dma_wait3A_676] : memref<10x10x4096xi32, #tpu.memory_space<hbm>> -> memref<1x1x4096xi32, #tpu.memory_space<hbm>>
            %dma_wait3A_678 = tpu.memref_squeeze %dma_wait3A_677 : memref<1x1x4096xi32, #tpu.memory_space<hbm>> -> memref<4096xi32, #tpu.memory_space<hbm>>
            tpu.wait_dma2 semaphore(%run_scoped3A : memref<!tpu.dma_semaphore, #tpu.memory_space<semaphore_mem>>) src(%dma_wait3A_678 : memref<4096xi32, #tpu.memory_space<hbm>>) dst(%arg5 : memref<4096xi32, #tpu.memory_space<vmem>>)
            tpu.yield
          }) : () -> ()
        } else {
        }
        %add3A_546 = arith.constant 2 : i32
        %add3A_547 = arith.addi %add3A_330, %add3A_546 : i32
        %lt3A_548 = arith.cmpi slt, %add3A_547, %mul3A_12 : i32
        %convert_element_type3A_549 = arith.extui %lt3A_548 : i1 to i32
        %cond3A_550 = arith.constant 0 : i32
        %cond3A_551 = arith.cmpi ne, %convert_element_type3A_549, %cond3A_550 : i32
        scf.if %cond3A_551 {
          %ge3A_667 = arith.constant 2 : i32
          %ge3A_668 = arith.cmpi sge, %add3A_330, %ge3A_667 : i32
          %convert_element_type3A_669 = arith.extui %ge3A_668 : i1 to i32
          %cond3A_670 = arith.constant 0 : i32
          %cond3A_671 = arith.cmpi ne, %convert_element_type3A_669, %cond3A_670 : i32
          scf.if %cond3A_671 {
            %dma_wait3A_745 = arith.constant 0 : i32
            %dma_wait3A_746 = arith.constant 0 : i32
            %dma_wait3A_747 = tpu.memref_slice %arg4[%add3A_335, %dma_wait3A_745, %dma_wait3A_746] : memref<92x178x4096xf32, #tpu.memory_space<hbm>> -> memref<1x96x128xf32, #tpu.memory_space<hbm>>
            %dma_wait3A_748 = tpu.memref_squeeze %dma_wait3A_747 : memref<1x96x128xf32, #tpu.memory_space<hbm>> -> memref<96x128xf32, #tpu.memory_space<hbm>>
            %dma_wait3A_749 = arith.constant 0 : i32
            %dma_wait3A_750 = arith.constant 0 : i32
            %dma_wait3A_751 = tpu.memref_slice %arg4[%add3A_335, %dma_wait3A_749, %dma_wait3A_750] : memref<92x178x4096xf32, #tpu.memory_space<hbm>> -> memref<1x96x128xf32, #tpu.memory_space<hbm>>
            %dma_wait3A_752 = tpu.memref_squeeze %dma_wait3A_751 : memref<1x96x128xf32, #tpu.memory_space<hbm>> -> memref<96x128xf32, #tpu.memory_space<hbm>>
            tpu.wait_dma2 semaphore(%arg21 : memref<!tpu.dma_semaphore, #tpu.memory_space<semaphore_mem>>) src(%arg9 : memref<96x128xf32, #tpu.memory_space<vmem>>) dst(%dma_wait3A_752 : memref<96x128xf32, #tpu.memory_space<hbm>>)
          } else {
          }
          %add3A_672 = arith.constant 2 : i32
          %add3A_673 = arith.addi %add3A_330, %add3A_672 : i32
          %shift_right_logical3A_674 = arith.constant 5 : i32
          %shift_right_logical3A_675 = arith.shrui %add3A_673, %shift_right_logical3A_674 : i32
          %and3A_676 = arith.constant 31 : i32
          %and3A_677 = arith.andi %add3A_673, %and3A_676 : i32
          %add3A_678 = arith.addi %select_n3A_10, %shift_right_logical3A_675 : i32
          %ge3A_679 = arith.constant 42 : i32
          %ge3A_680 = arith.cmpi sge, %add3A_678, %ge3A_679 : i32
          %convert_element_type3A_681 = arith.extui %ge3A_680 : i1 to i32
          %ge3A_682 = arith.constant 44 : i32
          %ge3A_683 = arith.cmpi sge, %add3A_678, %ge3A_682 : i32
          %convert_element_type3A_684 = arith.extui %ge3A_683 : i1 to i32
          %add3A_685 = arith.addi %convert_element_type3A_681, %convert_element_type3A_684 : i32
          %ge3A_686 = arith.constant 48 : i32
          %ge3A_687 = arith.cmpi sge, %add3A_678, %ge3A_686 : i32
          %convert_element_type3A_688 = arith.extui %ge3A_687 : i1 to i32
          %add3A_689 = arith.addi %add3A_685, %convert_element_type3A_688 : i32
          %ge3A_690 = arith.constant 50 : i32
          %ge3A_691 = arith.cmpi sge, %add3A_678, %ge3A_690 : i32
          %convert_element_type3A_692 = arith.extui %ge3A_691 : i1 to i32
          %add3A_693 = arith.addi %add3A_689, %convert_element_type3A_692 : i32
          %mul3A_694 = arith.constant 2 : i32
          %mul3A_695 = arith.muli %mul3A_694, %add3A_693 : i32
          %add3A_696 = arith.addi %add3A_678, %mul3A_695 : i32
          %jit3A_697 = arith.constant 10 : i32
          %div3A_698 = arith.divsi %add3A_696, %jit3A_697 : i32
          %sign3A_699 = arith.constant 0 : i32
          %sign3A_700 = arith.cmpi sgt, %add3A_696, %sign3A_699 : i32
          %sign3A_701 = arith.extui %sign3A_700 : i1 to i32
          %sign3A_702 = arith.constant 0 : i32
          %sign3A_703 = arith.cmpi slt, %add3A_696, %sign3A_702 : i32
          %sign3A_704 = arith.extui %sign3A_703 : i1 to i32
          %sign3A_705 = arith.subi %sign3A_701, %sign3A_704 : i32
          %sign3A_706 = arith.constant 0 : i32
          %sign3A_707 = arith.cmpi sgt, %jit3A_697, %sign3A_706 : i32
          %sign3A_708 = arith.extui %sign3A_707 : i1 to i32
          %sign3A_709 = arith.constant 0 : i32
          %sign3A_710 = arith.cmpi slt, %jit3A_697, %sign3A_709 : i32
          %sign3A_711 = arith.extui %sign3A_710 : i1 to i32
          %sign3A_712 = arith.subi %sign3A_708, %sign3A_711 : i32
          %ne3A_713 = arith.cmpi ne, %sign3A_705, %sign3A_712 : i32
          %rem3A_714 = arith.remsi %add3A_696, %jit3A_697 : i32
          %ne3A_715 = arith.constant 0 : i32
          %ne3A_716 = arith.cmpi ne, %rem3A_714, %ne3A_715 : i32
          %and3A_717 = arith.andi %ne3A_713, %ne3A_716 : i1
          %sub3A_718 = arith.constant 1 : i32
          %sub3A_719 = arith.subi %div3A_698, %sub3A_718 : i32
          %select_n3A_720 = arith.select %and3A_717, %sub3A_719, %div3A_698 : i32
          %jit3A_721 = arith.constant 10 : i32
          %eq3A_722 = arith.constant 0 : i32
          %eq3A_723 = arith.cmpi eq, %jit3A_721, %eq3A_722 : i32
          %jit3A_724 = arith.constant 1 : i32
          %select_n3A_725 = arith.select %eq3A_723, %jit3A_724, %jit3A_721 : i32
          %rem3A_726 = arith.remsi %add3A_696, %select_n3A_725 : i32
          %ne3A_727 = arith.constant 0 : i32
          %ne3A_728 = arith.cmpi ne, %rem3A_726, %ne3A_727 : i32
          %lt3A_729 = arith.constant 0 : i32
          %lt3A_730 = arith.cmpi slt, %rem3A_726, %lt3A_729 : i32
          %lt3A_731 = arith.constant 0 : i32
          %lt3A_732 = arith.cmpi slt, %select_n3A_725, %lt3A_731 : i32
          %ne3A_733 = arith.xori %lt3A_730, %lt3A_732 : i1
          %and3A_734 = arith.andi %ne3A_733, %ne3A_728 : i1
          %add3A_735 = arith.addi %rem3A_726, %select_n3A_725 : i32
          %select_n3A_736 = arith.select %and3A_734, %add3A_735, %rem3A_726 : i32
          %mul3A_737 = arith.constant 128 : i32
          %mul3A_738 = arith.muli %and3A_677, %mul3A_737 : i32
          %dma_start3A_739 = arith.constant 0 : i32
          %dma_start3A_740 = tpu.memref_slice %arg2[%select_n3A_720, %select_n3A_736, %dma_start3A_739, %mul3A_738] : memref<10x10x96x4096xf32, #tpu.memory_space<hbm>> -> memref<1x1x96x128xf32, #tpu.memory_space<hbm>>
          %dma_start3A_741 = tpu.memref_squeeze %dma_start3A_740 : memref<1x1x96x128xf32, #tpu.memory_space<hbm>> -> memref<96x128xf32, #tpu.memory_space<hbm>>
          %dma_start3A_742 = arith.constant 0 : i32
          %dma_start3A_743 = tpu.memref_slice %arg2[%select_n3A_720, %select_n3A_736, %dma_start3A_742, %mul3A_738] : memref<10x10x96x4096xf32, #tpu.memory_space<hbm>> -> memref<1x1x96x128xf32, #tpu.memory_space<hbm>>
          %dma_start3A_744 = tpu.memref_squeeze %dma_start3A_743 : memref<1x1x96x128xf32, #tpu.memory_space<hbm>> -> memref<96x128xf32, #tpu.memory_space<hbm>>
          tpu.enqueue_dma source(%dma_start3A_744 : memref<96x128xf32, #tpu.memory_space<hbm>>) target(%arg9 : memref<96x128xf32, #tpu.memory_space<vmem>>) target_semaphore(%arg17 : memref<!tpu.dma_semaphore, #tpu.memory_space<semaphore_mem>>)
        } else {
        }
        %ge3A_552 = arith.constant 2 : i32
        %ge3A_553 = arith.cmpi sge, %add3A_330, %ge3A_552 : i32
        %convert_element_type3A_554 = arith.extui %ge3A_553 : i1 to i32
        %cond3A_555 = arith.constant 0 : i32
        %cond3A_556 = arith.cmpi ne, %convert_element_type3A_554, %cond3A_555 : i32
        scf.if %cond3A_556 {
          %dma_wait3A_667 = arith.constant 96 : i32
          %dma_wait3A_668 = arith.constant 0 : i32
          %dma_wait3A_669 = tpu.memref_slice %arg4[%add3A_335, %dma_wait3A_667, %dma_wait3A_668] : memref<92x178x4096xf32, #tpu.memory_space<hbm>> -> memref<1x82x128xf32, #tpu.memory_space<hbm>>
          %dma_wait3A_670 = tpu.memref_squeeze %dma_wait3A_669 : memref<1x82x128xf32, #tpu.memory_space<hbm>> -> memref<82x128xf32, #tpu.memory_space<hbm>>
          %dma_wait3A_671 = arith.constant 96 : i32
          %dma_wait3A_672 = arith.constant 0 : i32
          %dma_wait3A_673 = tpu.memref_slice %arg4[%add3A_335, %dma_wait3A_671, %dma_wait3A_672] : memref<92x178x4096xf32, #tpu.memory_space<hbm>> -> memref<1x82x128xf32, #tpu.memory_space<hbm>>
          %dma_wait3A_674 = tpu.memref_squeeze %dma_wait3A_673 : memref<1x82x128xf32, #tpu.memory_space<hbm>> -> memref<82x128xf32, #tpu.memory_space<hbm>>
          tpu.wait_dma2 semaphore(%arg23 : memref<!tpu.dma_semaphore, #tpu.memory_space<semaphore_mem>>) src(%arg11 : memref<82x128xf32, #tpu.memory_space<vmem>>) dst(%dma_wait3A_674 : memref<82x128xf32, #tpu.memory_space<hbm>>)
          %get3A_675 = arith.constant 0 : index
          %get3A_676 = tpu.vector_load %arg13[%get3A_675] {strides = array<i32>} : memref<128xi32, #tpu.memory_space<vmem>>, vector<16xi32>,
          %add3A_677 = arith.constant 0 : i32
          %add3A_678 = vector.broadcast %add3A_677 : i32 to vector<16xi32>
          %add3A_679 = arith.addi %iota3A, %add3A_678 : vector<16xi32>
          tpu.vector_store_idx %arg11[%get3A_676, %add3A_679], %broadcast_in_dim3A_13 : memref<82x128xf32, #tpu.memory_space<vmem>>[vector<16xi32>, vector<16xi32>], vector<16xf32>,
          %get3A_680 = arith.constant 16 : index
          %get3A_681 = tpu.vector_load %arg13[%get3A_680] {strides = array<i32>} : memref<128xi32, #tpu.memory_space<vmem>>, vector<16xi32>,
          %add3A_682 = arith.constant 16 : i32
          %add3A_683 = vector.broadcast %add3A_682 : i32 to vector<16xi32>
          %add3A_684 = arith.addi %iota3A, %add3A_683 : vector<16xi32>
          tpu.vector_store_idx %arg11[%get3A_681, %add3A_684], %broadcast_in_dim3A_13 : memref<82x128xf32, #tpu.memory_space<vmem>>[vector<16xi32>, vector<16xi32>], vector<16xf32>,
          %get3A_685 = arith.constant 32 : index
          %get3A_686 = tpu.vector_load %arg13[%get3A_685] {strides = array<i32>} : memref<128xi32, #tpu.memory_space<vmem>>, vector<16xi32>,
          %add3A_687 = arith.constant 32 : i32
          %add3A_688 = vector.broadcast %add3A_687 : i32 to vector<16xi32>
          %add3A_689 = arith.addi %iota3A, %add3A_688 : vector<16xi32>
          tpu.vector_store_idx %arg11[%get3A_686, %add3A_689], %broadcast_in_dim3A_13 : memref<82x128xf32, #tpu.memory_space<vmem>>[vector<16xi32>, vector<16xi32>], vector<16xf32>,
          %get3A_690 = arith.constant 48 : index
          %get3A_691 = tpu.vector_load %arg13[%get3A_690] {strides = array<i32>} : memref<128xi32, #tpu.memory_space<vmem>>, vector<16xi32>,
          %add3A_692 = arith.constant 48 : i32
          %add3A_693 = vector.broadcast %add3A_692 : i32 to vector<16xi32>
          %add3A_694 = arith.addi %iota3A, %add3A_693 : vector<16xi32>
          tpu.vector_store_idx %arg11[%get3A_691, %add3A_694], %broadcast_in_dim3A_13 : memref<82x128xf32, #tpu.memory_space<vmem>>[vector<16xi32>, vector<16xi32>], vector<16xf32>,
          %get3A_695 = arith.constant 64 : index
          %get3A_696 = tpu.vector_load %arg13[%get3A_695] {strides = array<i32>} : memref<128xi32, #tpu.memory_space<vmem>>, vector<16xi32>,
          %add3A_697 = arith.constant 64 : i32
          %add3A_698 = vector.broadcast %add3A_697 : i32 to vector<16xi32>
          %add3A_699 = arith.addi %iota3A, %add3A_698 : vector<16xi32>
          tpu.vector_store_idx %arg11[%get3A_696, %add3A_699], %broadcast_in_dim3A_13 : memref<82x128xf32, #tpu.memory_space<vmem>>[vector<16xi32>, vector<16xi32>], vector<16xf32>,
          %get3A_700 = arith.constant 80 : index
          %get3A_701 = tpu.vector_load %arg13[%get3A_700] {strides = array<i32>} : memref<128xi32, #tpu.memory_space<vmem>>, vector<16xi32>,
          %add3A_702 = arith.constant 80 : i32
          %add3A_703 = vector.broadcast %add3A_702 : i32 to vector<16xi32>
          %add3A_704 = arith.addi %iota3A, %add3A_703 : vector<16xi32>
          tpu.vector_store_idx %arg11[%get3A_701, %add3A_704], %broadcast_in_dim3A_13 : memref<82x128xf32, #tpu.memory_space<vmem>>[vector<16xi32>, vector<16xi32>], vector<16xf32>,
          %get3A_705 = arith.constant 96 : index
          %get3A_706 = tpu.vector_load %arg13[%get3A_705] {strides = array<i32>} : memref<128xi32, #tpu.memory_space<vmem>>, vector<16xi32>,
          %add3A_707 = arith.constant 96 : i32
          %add3A_708 = vector.broadcast %add3A_707 : i32 to vector<16xi32>
          %add3A_709 = arith.addi %iota3A, %add3A_708 : vector<16xi32>
          tpu.vector_store_idx %arg11[%get3A_706, %add3A_709], %broadcast_in_dim3A_13 : memref<82x128xf32, #tpu.memory_space<vmem>>[vector<16xi32>, vector<16xi32>], vector<16xf32>,
          %get3A_710 = arith.constant 112 : index
          %get3A_711 = tpu.vector_load %arg13[%get3A_710] {strides = array<i32>} : memref<128xi32, #tpu.memory_space<vmem>>, vector<16xi32>,
          %add3A_712 = arith.constant 112 : i32
          %add3A_713 = vector.broadcast %add3A_712 : i32 to vector<16xi32>
          %add3A_714 = arith.addi %iota3A, %add3A_713 : vector<16xi32>
          tpu.vector_store_idx %arg11[%get3A_711, %add3A_714], %broadcast_in_dim3A_13 : memref<82x128xf32, #tpu.memory_space<vmem>>[vector<16xi32>, vector<16xi32>], vector<16xf32>,
        } else {
        }
        %mul3A_557 = arith.constant 128 : i32
        %mul3A_558 = arith.muli %and3A_334, %mul3A_557 : i32
        %add3A_559 = arith.constant 0 : i32
        %add3A_560 = arith.addi %mul3A_558, %add3A_559 : i32
        %get3A = arith.index_cast %add3A_560 : i32 to index
        %get3A_561 = tpu.vector_load %arg5[%get3A] {strides = array<i32>} : memref<4096xi32, #tpu.memory_space<vmem>>, vector<16xi32>,
        %swap3A = arith.constant 0 : index
        %swap3A_562 = tpu.vector_load %arg13[%swap3A] {strides = array<i32>} : memref<128xi32, #tpu.memory_space<vmem>>, vector<16xi32>,
        tpu.vector_store %arg13[%swap3A], %get3A_561 {strides = array<i32>} : memref<128xi32, #tpu.memory_space<vmem>>, vector<16xi32>,
        %add3A_563 = arith.constant 0 : i32
        %add3A_564 = vector.broadcast %add3A_563 : i32 to vector<16xi32>
        %add3A_565 = arith.addi %iota3A, %add3A_564 : vector<16xi32>
        tpu.vector_store_idx %arg11[%get3A_561, %add3A_565], %broadcast_in_dim3A_15 : memref<82x128xf32, #tpu.memory_space<vmem>>[vector<16xi32>, vector<16xi32>], vector<16xf32>,
        %mul3A_566 = arith.constant 128 : i32
        %mul3A_567 = arith.muli %and3A_334, %mul3A_566 : i32
        %add3A_568 = arith.constant 16 : i32
        %add3A_569 = arith.addi %mul3A_567, %add3A_568 : i32
        %get3A_570 = arith.index_cast %add3A_569 : i32 to index
        %get3A_571 = tpu.vector_load %arg5[%get3A_570] {strides = array<i32>} : memref<4096xi32, #tpu.memory_space<vmem>>, vector<16xi32>,
        %swap3A_572 = arith.constant 16 : index
        %swap3A_573 = tpu.vector_load %arg13[%swap3A_572] {strides = array<i32>} : memref<128xi32, #tpu.memory_space<vmem>>, vector<16xi32>,
        tpu.vector_store %arg13[%swap3A_572], %get3A_571 {strides = array<i32>} : memref<128xi32, #tpu.memory_space<vmem>>, vector<16xi32>,
        %add3A_574 = arith.constant 16 : i32
        %add3A_575 = vector.broadcast %add3A_574 : i32 to vector<16xi32>
        %add3A_576 = arith.addi %iota3A, %add3A_575 : vector<16xi32>
        tpu.vector_store_idx %arg11[%get3A_571, %add3A_576], %broadcast_in_dim3A_15 : memref<82x128xf32, #tpu.memory_space<vmem>>[vector<16xi32>, vector<16xi32>], vector<16xf32>,
        %mul3A_577 = arith.constant 128 : i32
        %mul3A_578 = arith.muli %and3A_334, %mul3A_577 : i32
        %add3A_579 = arith.constant 32 : i32
        %add3A_580 = arith.addi %mul3A_578, %add3A_579 : i32
        %get3A_581 = arith.index_cast %add3A_580 : i32 to index
        %get3A_582 = tpu.vector_load %arg5[%get3A_581] {strides = array<i32>} : memref<4096xi32, #tpu.memory_space<vmem>>, vector<16xi32>,
        %swap3A_583 = arith.constant 32 : index
        %swap3A_584 = tpu.vector_load %arg13[%swap3A_583] {strides = array<i32>} : memref<128xi32, #tpu.memory_space<vmem>>, vector<16xi32>,
        tpu.vector_store %arg13[%swap3A_583], %get3A_582 {strides = array<i32>} : memref<128xi32, #tpu.memory_space<vmem>>, vector<16xi32>,
        %add3A_585 = arith.constant 32 : i32
        %add3A_586 = vector.broadcast %add3A_585 : i32 to vector<16xi32>
        %add3A_587 = arith.addi %iota3A, %add3A_586 : vector<16xi32>
        tpu.vector_store_idx %arg11[%get3A_582, %add3A_587], %broadcast_in_dim3A_15 : memref<82x128xf32, #tpu.memory_space<vmem>>[vector<16xi32>, vector<16xi32>], vector<16xf32>,
        %mul3A_588 = arith.constant 128 : i32
        %mul3A_589 = arith.muli %and3A_334, %mul3A_588 : i32
        %add3A_590 = arith.constant 48 : i32
        %add3A_591 = arith.addi %mul3A_589, %add3A_590 : i32
        %get3A_592 = arith.index_cast %add3A_591 : i32 to index
        %get3A_593 = tpu.vector_load %arg5[%get3A_592] {strides = array<i32>} : memref<4096xi32, #tpu.memory_space<vmem>>, vector<16xi32>,
        %swap3A_594 = arith.constant 48 : index
        %swap3A_595 = tpu.vector_load %arg13[%swap3A_594] {strides = array<i32>} : memref<128xi32, #tpu.memory_space<vmem>>, vector<16xi32>,
        tpu.vector_store %arg13[%swap3A_594], %get3A_593 {strides = array<i32>} : memref<128xi32, #tpu.memory_space<vmem>>, vector<16xi32>,
        %add3A_596 = arith.constant 48 : i32
        %add3A_597 = vector.broadcast %add3A_596 : i32 to vector<16xi32>
        %add3A_598 = arith.addi %iota3A, %add3A_597 : vector<16xi32>
        tpu.vector_store_idx %arg11[%get3A_593, %add3A_598], %broadcast_in_dim3A_15 : memref<82x128xf32, #tpu.memory_space<vmem>>[vector<16xi32>, vector<16xi32>], vector<16xf32>,
        %mul3A_599 = arith.constant 128 : i32
        %mul3A_600 = arith.muli %and3A_334, %mul3A_599 : i32
        %add3A_601 = arith.constant 64 : i32
        %add3A_602 = arith.addi %mul3A_600, %add3A_601 : i32
        %get3A_603 = arith.index_cast %add3A_602 : i32 to index
        %get3A_604 = tpu.vector_load %arg5[%get3A_603] {strides = array<i32>} : memref<4096xi32, #tpu.memory_space<vmem>>, vector<16xi32>,
        %swap3A_605 = arith.constant 64 : index
        %swap3A_606 = tpu.vector_load %arg13[%swap3A_605] {strides = array<i32>} : memref<128xi32, #tpu.memory_space<vmem>>, vector<16xi32>,
        tpu.vector_store %arg13[%swap3A_605], %get3A_604 {strides = array<i32>} : memref<128xi32, #tpu.memory_space<vmem>>, vector<16xi32>,
        %add3A_607 = arith.constant 64 : i32
        %add3A_608 = vector.broadcast %add3A_607 : i32 to vector<16xi32>
        %add3A_609 = arith.addi %iota3A, %add3A_608 : vector<16xi32>
        tpu.vector_store_idx %arg11[%get3A_604, %add3A_609], %broadcast_in_dim3A_15 : memref<82x128xf32, #tpu.memory_space<vmem>>[vector<16xi32>, vector<16xi32>], vector<16xf32>,
        %mul3A_610 = arith.constant 128 : i32
        %mul3A_611 = arith.muli %and3A_334, %mul3A_610 : i32
        %add3A_612 = arith.constant 80 : i32
        %add3A_613 = arith.addi %mul3A_611, %add3A_612 : i32
        %get3A_614 = arith.index_cast %add3A_613 : i32 to index
        %get3A_615 = tpu.vector_load %arg5[%get3A_614] {strides = array<i32>} : memref<4096xi32, #tpu.memory_space<vmem>>, vector<16xi32>,
        %swap3A_616 = arith.constant 80 : index
        %swap3A_617 = tpu.vector_load %arg13[%swap3A_616] {strides = array<i32>} : memref<128xi32, #tpu.memory_space<vmem>>, vector<16xi32>,
        tpu.vector_store %arg13[%swap3A_616], %get3A_615 {strides = array<i32>} : memref<128xi32, #tpu.memory_space<vmem>>, vector<16xi32>,
        %add3A_618 = arith.constant 80 : i32
        %add3A_619 = vector.broadcast %add3A_618 : i32 to vector<16xi32>
        %add3A_620 = arith.addi %iota3A, %add3A_619 : vector<16xi32>
        tpu.vector_store_idx %arg11[%get3A_615, %add3A_620], %broadcast_in_dim3A_15 : memref<82x128xf32, #tpu.memory_space<vmem>>[vector<16xi32>, vector<16xi32>], vector<16xf32>,
        %mul3A_621 = arith.constant 128 : i32
        %mul3A_622 = arith.muli %and3A_334, %mul3A_621 : i32
        %add3A_623 = arith.constant 96 : i32
        %add3A_624 = arith.addi %mul3A_622, %add3A_623 : i32
        %get3A_625 = arith.index_cast %add3A_624 : i32 to index
        %get3A_626 = tpu.vector_load %arg5[%get3A_625] {strides = array<i32>} : memref<4096xi32, #tpu.memory_space<vmem>>, vector<16xi32>,
        %swap3A_627 = arith.constant 96 : index
        %swap3A_628 = tpu.vector_load %arg13[%swap3A_627] {strides = array<i32>} : memref<128xi32, #tpu.memory_space<vmem>>, vector<16xi32>,
        tpu.vector_store %arg13[%swap3A_627], %get3A_626 {strides = array<i32>} : memref<128xi32, #tpu.memory_space<vmem>>, vector<16xi32>,
        %add3A_629 = arith.constant 96 : i32
        %add3A_630 = vector.broadcast %add3A_629 : i32 to vector<16xi32>
        %add3A_631 = arith.addi %iota3A, %add3A_630 : vector<16xi32>
        tpu.vector_store_idx %arg11[%get3A_626, %add3A_631], %broadcast_in_dim3A_15 : memref<82x128xf32, #tpu.memory_space<vmem>>[vector<16xi32>, vector<16xi32>], vector<16xf32>,
        %mul3A_632 = arith.constant 128 : i32
        %mul3A_633 = arith.muli %and3A_334, %mul3A_632 : i32
        %add3A_634 = arith.constant 112 : i32
        %add3A_635 = arith.addi %mul3A_633, %add3A_634 : i32
        %get3A_636 = arith.index_cast %add3A_635 : i32 to index
        %get3A_637 = tpu.vector_load %arg5[%get3A_636] {strides = array<i32>} : memref<4096xi32, #tpu.memory_space<vmem>>, vector<16xi32>,
        %swap3A_638 = arith.constant 112 : index
        %swap3A_639 = tpu.vector_load %arg13[%swap3A_638] {strides = array<i32>} : memref<128xi32, #tpu.memory_space<vmem>>, vector<16xi32>,
        tpu.vector_store %arg13[%swap3A_638], %get3A_637 {strides = array<i32>} : memref<128xi32, #tpu.memory_space<vmem>>, vector<16xi32>,
        %add3A_640 = arith.constant 112 : i32
        %add3A_641 = vector.broadcast %add3A_640 : i32 to vector<16xi32>
        %add3A_642 = arith.addi %iota3A, %add3A_641 : vector<16xi32>
        tpu.vector_store_idx %arg11[%get3A_637, %add3A_642], %broadcast_in_dim3A_15 : memref<82x128xf32, #tpu.memory_space<vmem>>[vector<16xi32>, vector<16xi32>], vector<16xf32>,
        %mul3A_643 = arith.constant 128 : i32
        %mul3A_644 = arith.muli %and3A_334, %mul3A_643 : i32
        %dma_start3A_645 = arith.constant 96 : i32
        %dma_start3A_646 = tpu.memref_slice %arg4[%add3A_335, %dma_start3A_645, %mul3A_644] : memref<92x178x4096xf32, #tpu.memory_space<hbm>> -> memref<1x82x128xf32, #tpu.memory_space<hbm>>
        %dma_start3A_647 = tpu.memref_squeeze %dma_start3A_646 : memref<1x82x128xf32, #tpu.memory_space<hbm>> -> memref<82x128xf32, #tpu.memory_space<hbm>>
        %dma_start3A_648 = arith.constant 96 : i32
        %dma_start3A_649 = tpu.memref_slice %arg4[%add3A_335, %dma_start3A_648, %mul3A_644] : memref<92x178x4096xf32, #tpu.memory_space<hbm>> -> memref<1x82x128xf32, #tpu.memory_space<hbm>>
        %dma_start3A_650 = tpu.memref_squeeze %dma_start3A_649 : memref<1x82x128xf32, #tpu.memory_space<hbm>> -> memref<82x128xf32, #tpu.memory_space<hbm>>
        tpu.enqueue_dma source(%arg11 : memref<82x128xf32, #tpu.memory_space<vmem>>) target(%dma_start3A_650 : memref<82x128xf32, #tpu.memory_space<hbm>>) target_semaphore(%arg23 : memref<!tpu.dma_semaphore, #tpu.memory_space<semaphore_mem>>)
        %mul3A_651 = arith.constant 128 : i32
        %mul3A_652 = arith.muli %and3A_334, %mul3A_651 : i32
        %dma_wait3A_653 = arith.constant 0 : i32
        %dma_wait3A_654 = tpu.memref_slice %arg2[%select_n3A_377, %select_n3A_393, %dma_wait3A_653, %mul3A_652] : memref<10x10x96x4096xf32, #tpu.memory_space<hbm>> -> memref<1x1x96x128xf32, #tpu.memory_space<hbm>>
        %dma_wait3A_655 = tpu.memref_squeeze %dma_wait3A_654 : memref<1x1x96x128xf32, #tpu.memory_space<hbm>> -> memref<96x128xf32, #tpu.memory_space<hbm>>
        %dma_wait3A_656 = arith.constant 0 : i32
        %dma_wait3A_657 = tpu.memref_slice %arg2[%select_n3A_377, %select_n3A_393, %dma_wait3A_656, %mul3A_652] : memref<10x10x96x4096xf32, #tpu.memory_space<hbm>> -> memref<1x1x96x128xf32, #tpu.memory_space<hbm>>
        %dma_wait3A_658 = tpu.memref_squeeze %dma_wait3A_657 : memref<1x1x96x128xf32, #tpu.memory_space<hbm>> -> memref<96x128xf32, #tpu.memory_space<hbm>>
        tpu.wait_dma2 semaphore(%arg15 : memref<!tpu.dma_semaphore, #tpu.memory_space<semaphore_mem>>) src(%dma_wait3A_658 : memref<96x128xf32, #tpu.memory_space<hbm>>) dst(%arg7 : memref<96x128xf32, #tpu.memory_space<vmem>>)
        %mul3A_659 = arith.constant 128 : i32
        %mul3A_660 = arith.muli %and3A_334, %mul3A_659 : i32
        %dma_start3A_661 = arith.constant 0 : i32
        %dma_start3A_662 = tpu.memref_slice %arg4[%add3A_335, %dma_start3A_661, %mul3A_660] : memref<92x178x4096xf32, #tpu.memory_space<hbm>> -> memref<1x96x128xf32, #tpu.memory_space<hbm>>
        %dma_start3A_663 = tpu.memref_squeeze %dma_start3A_662 : memref<1x96x128xf32, #tpu.memory_space<hbm>> -> memref<96x128xf32, #tpu.memory_space<hbm>>
        %dma_start3A_664 = arith.constant 0 : i32
        %dma_start3A_665 = tpu.memref_slice %arg4[%add3A_335, %dma_start3A_664, %mul3A_660] : memref<92x178x4096xf32, #tpu.memory_space<hbm>> -> memref<1x96x128xf32, #tpu.memory_space<hbm>>
        %dma_start3A_666 = tpu.memref_squeeze %dma_start3A_665 : memref<1x96x128xf32, #tpu.memory_space<hbm>> -> memref<96x128xf32, #tpu.memory_space<hbm>>
        tpu.enqueue_dma source(%arg7 : memref<96x128xf32, #tpu.memory_space<vmem>>) target(%dma_start3A_666 : memref<96x128xf32, #tpu.memory_space<hbm>>) target_semaphore(%arg19 : memref<!tpu.dma_semaphore, #tpu.memory_space<semaphore_mem>>)
      } else {
      }
      %mul3A_398 = arith.constant 4 : i32
      %mul3A_399 = arith.muli %mul3A_398, %while3A_255 : i32
      %add3A_400 = arith.constant 2 : i32
      %add3A_401 = arith.addi %mul3A_399, %add3A_400 : i32
      %shift_right_logical3A_402 = arith.constant 5 : i32
      %shift_right_logical3A_403 = arith.shrui %add3A_401, %shift_right_logical3A_402 : i32
      %and3A_404 = arith.constant 31 : i32
      %and3A_405 = arith.andi %add3A_401, %and3A_404 : i32
      %add3A_406 = arith.addi %select_n3A_10, %shift_right_logical3A_403 : i32
      %ge3A_407 = arith.constant 42 : i32
      %ge3A_408 = arith.cmpi sge, %add3A_406, %ge3A_407 : i32
      %convert_element_type3A_409 = arith.extui %ge3A_408 : i1 to i32
      %ge3A_410 = arith.constant 44 : i32
      %ge3A_411 = arith.cmpi sge, %add3A_406, %ge3A_410 : i32
      %convert_element_type3A_412 = arith.extui %ge3A_411 : i1 to i32
      %add3A_413 = arith.addi %convert_element_type3A_409, %convert_element_type3A_412 : i32
      %ge3A_414 = arith.constant 48 : i32
      %ge3A_415 = arith.cmpi sge, %add3A_406, %ge3A_414 : i32
      %convert_element_type3A_416 = arith.extui %ge3A_415 : i1 to i32
      %add3A_417 = arith.addi %add3A_413, %convert_element_type3A_416 : i32
      %ge3A_418 = arith.constant 50 : i32
      %ge3A_419 = arith.cmpi sge, %add3A_406, %ge3A_418 : i32
      %convert_element_type3A_420 = arith.extui %ge3A_419 : i1 to i32
      %add3A_421 = arith.addi %add3A_417, %convert_element_type3A_420 : i32
      %mul3A_422 = arith.constant 2 : i32
      %mul3A_423 = arith.muli %mul3A_422, %add3A_421 : i32
      %add3A_424 = arith.addi %add3A_406, %mul3A_423 : i32
      %jit3A_425 = arith.constant 10 : i32
      %div3A_426 = arith.divsi %add3A_424, %jit3A_425 : i32
      %sign3A_427 = arith.constant 0 : i32
      %sign3A_428 = arith.cmpi sgt, %add3A_424, %sign3A_427 : i32
      %sign3A_429 = arith.extui %sign3A_428 : i1 to i32
      %sign3A_430 = arith.constant 0 : i32
      %sign3A_431 = arith.cmpi slt, %add3A_424, %sign3A_430 : i32
      %sign3A_432 = arith.extui %sign3A_431 : i1 to i32
      %sign3A_433 = arith.subi %sign3A_429, %sign3A_432 : i32
      %sign3A_434 = arith.constant 0 : i32
      %sign3A_435 = arith.cmpi sgt, %jit3A_425, %sign3A_434 : i32
      %sign3A_436 = arith.extui %sign3A_435 : i1 to i32
      %sign3A_437 = arith.constant 0 : i32
      %sign3A_438 = arith.cmpi slt, %jit3A_425, %sign3A_437 : i32
      %sign3A_439 = arith.extui %sign3A_438 : i1 to i32
      %sign3A_440 = arith.subi %sign3A_436, %sign3A_439 : i32
      %ne3A_441 = arith.cmpi ne, %sign3A_433, %sign3A_440 : i32
      %rem3A_442 = arith.remsi %add3A_424, %jit3A_425 : i32
      %ne3A_443 = arith.constant 0 : i32
      %ne3A_444 = arith.cmpi ne, %rem3A_442, %ne3A_443 : i32
      %and3A_445 = arith.andi %ne3A_441, %ne3A_444 : i1
      %sub3A_446 = arith.constant 1 : i32
      %sub3A_447 = arith.subi %div3A_426, %sub3A_446 : i32
      %select_n3A_448 = arith.select %and3A_445, %sub3A_447, %div3A_426 : i32
      %jit3A_449 = arith.constant 10 : i32
      %eq3A_450 = arith.constant 0 : i32
      %eq3A_451 = arith.cmpi eq, %jit3A_449, %eq3A_450 : i32
      %jit3A_452 = arith.constant 1 : i32
      %select_n3A_453 = arith.select %eq3A_451, %jit3A_452, %jit3A_449 : i32
      %rem3A_454 = arith.remsi %add3A_424, %select_n3A_453 : i32
      %ne3A_455 = arith.constant 0 : i32
      %ne3A_456 = arith.cmpi ne, %rem3A_454, %ne3A_455 : i32
      %lt3A_457 = arith.constant 0 : i32
      %lt3A_458 = arith.cmpi slt, %rem3A_454, %lt3A_457 : i32
      %lt3A_459 = arith.constant 0 : i32
      %lt3A_460 = arith.cmpi slt, %select_n3A_453, %lt3A_459 : i32
      %ne3A_461 = arith.xori %lt3A_458, %lt3A_460 : i1
      %and3A_462 = arith.andi %ne3A_461, %ne3A_456 : i1
      %add3A_463 = arith.addi %rem3A_454, %select_n3A_453 : i32
      %select_n3A_464 = arith.select %and3A_462, %add3A_463, %rem3A_454 : i32
      %lt3A_465 = arith.cmpi slt, %add3A_401, %mul3A_12 : i32
      %convert_element_type3A_466 = arith.extui %lt3A_465 : i1 to i32
      %cond3A_467 = arith.constant 0 : i32
      %cond3A_468 = arith.cmpi ne, %convert_element_type3A_466, %cond3A_467 : i32
      scf.if %cond3A_468 {
        %eq3A_541 = arith.constant 0 : i32
        %eq3A_542 = arith.cmpi eq, %and3A_405, %eq3A_541 : i32
        %convert_element_type3A_543 = arith.extui %eq3A_542 : i1 to i32
        %cond3A_544 = arith.constant 0 : i32
        %cond3A_545 = arith.cmpi ne, %convert_element_type3A_543, %cond3A_544 : i32
        scf.if %cond3A_545 {
          "tpu.region"() ({
            %run_scoped3A = tpu.sem_alloc : memref<!tpu.dma_semaphore, #tpu.memory_space<semaphore_mem>>
            %dma_start3A_667 = arith.constant 0 : i32
            %dma_start3A_668 = tpu.memref_slice %arg3[%select_n3A_448, %select_n3A_464, %dma_start3A_667] : memref<10x10x4096xi32, #tpu.memory_space<hbm>> -> memref<1x1x4096xi32, #tpu.memory_space<hbm>>
            %dma_start3A_669 = tpu.memref_squeeze %dma_start3A_668 : memref<1x1x4096xi32, #tpu.memory_space<hbm>> -> memref<4096xi32, #tpu.memory_space<hbm>>
            %dma_start3A_670 = arith.constant 0 : i32
            %dma_start3A_671 = tpu.memref_slice %arg3[%select_n3A_448, %select_n3A_464, %dma_start3A_670] : memref<10x10x4096xi32, #tpu.memory_space<hbm>> -> memref<1x1x4096xi32, #tpu.memory_space<hbm>>
            %dma_start3A_672 = tpu.memref_squeeze %dma_start3A_671 : memref<1x1x4096xi32, #tpu.memory_space<hbm>> -> memref<4096xi32, #tpu.memory_space<hbm>>
            tpu.enqueue_dma source(%dma_start3A_672 : memref<4096xi32, #tpu.memory_space<hbm>>) target(%arg5 : memref<4096xi32, #tpu.memory_space<vmem>>) target_semaphore(%run_scoped3A : memref<!tpu.dma_semaphore, #tpu.memory_space<semaphore_mem>>)
            %dma_wait3A_673 = arith.constant 0 : i32
            %dma_wait3A_674 = tpu.memref_slice %arg3[%select_n3A_448, %select_n3A_464, %dma_wait3A_673] : memref<10x10x4096xi32, #tpu.memory_space<hbm>> -> memref<1x1x4096xi32, #tpu.memory_space<hbm>>
            %dma_wait3A_675 = tpu.memref_squeeze %dma_wait3A_674 : memref<1x1x4096xi32, #tpu.memory_space<hbm>> -> memref<4096xi32, #tpu.memory_space<hbm>>
            %dma_wait3A_676 = arith.constant 0 : i32
            %dma_wait3A_677 = tpu.memref_slice %arg3[%select_n3A_448, %select_n3A_464, %dma_wait3A_676] : memref<10x10x4096xi32, #tpu.memory_space<hbm>> -> memref<1x1x4096xi32, #tpu.memory_space<hbm>>
            %dma_wait3A_678 = tpu.memref_squeeze %dma_wait3A_677 : memref<1x1x4096xi32, #tpu.memory_space<hbm>> -> memref<4096xi32, #tpu.memory_space<hbm>>
            tpu.wait_dma2 semaphore(%run_scoped3A : memref<!tpu.dma_semaphore, #tpu.memory_space<semaphore_mem>>) src(%dma_wait3A_678 : memref<4096xi32, #tpu.memory_space<hbm>>) dst(%arg5 : memref<4096xi32, #tpu.memory_space<vmem>>)
            tpu.yield
          }) : () -> ()
        } else {
        }
        %add3A_546 = arith.constant 2 : i32
        %add3A_547 = arith.addi %add3A_401, %add3A_546 : i32
        %lt3A_548 = arith.cmpi slt, %add3A_547, %mul3A_12 : i32
        %convert_element_type3A_549 = arith.extui %lt3A_548 : i1 to i32
        %cond3A_550 = arith.constant 0 : i32
        %cond3A_551 = arith.cmpi ne, %convert_element_type3A_549, %cond3A_550 : i32
        scf.if %cond3A_551 {
          %ge3A_667 = arith.constant 2 : i32
          %ge3A_668 = arith.cmpi sge, %add3A_401, %ge3A_667 : i32
          %convert_element_type3A_669 = arith.extui %ge3A_668 : i1 to i32
          %cond3A_670 = arith.constant 0 : i32
          %cond3A_671 = arith.cmpi ne, %convert_element_type3A_669, %cond3A_670 : i32
          scf.if %cond3A_671 {
            %dma_wait3A_745 = arith.constant 0 : i32
            %dma_wait3A_746 = arith.constant 0 : i32
            %dma_wait3A_747 = tpu.memref_slice %arg4[%add3A_406, %dma_wait3A_745, %dma_wait3A_746] : memref<92x178x4096xf32, #tpu.memory_space<hbm>> -> memref<1x96x128xf32, #tpu.memory_space<hbm>>
            %dma_wait3A_748 = tpu.memref_squeeze %dma_wait3A_747 : memref<1x96x128xf32, #tpu.memory_space<hbm>> -> memref<96x128xf32, #tpu.memory_space<hbm>>
            %dma_wait3A_749 = arith.constant 0 : i32
            %dma_wait3A_750 = arith.constant 0 : i32
            %dma_wait3A_751 = tpu.memref_slice %arg4[%add3A_406, %dma_wait3A_749, %dma_wait3A_750] : memref<92x178x4096xf32, #tpu.memory_space<hbm>> -> memref<1x96x128xf32, #tpu.memory_space<hbm>>
            %dma_wait3A_752 = tpu.memref_squeeze %dma_wait3A_751 : memref<1x96x128xf32, #tpu.memory_space<hbm>> -> memref<96x128xf32, #tpu.memory_space<hbm>>
            tpu.wait_dma2 semaphore(%arg18 : memref<!tpu.dma_semaphore, #tpu.memory_space<semaphore_mem>>) src(%arg6 : memref<96x128xf32, #tpu.memory_space<vmem>>) dst(%dma_wait3A_752 : memref<96x128xf32, #tpu.memory_space<hbm>>)
          } else {
          }
          %add3A_672 = arith.constant 2 : i32
          %add3A_673 = arith.addi %add3A_401, %add3A_672 : i32
          %shift_right_logical3A_674 = arith.constant 5 : i32
          %shift_right_logical3A_675 = arith.shrui %add3A_673, %shift_right_logical3A_674 : i32
          %and3A_676 = arith.constant 31 : i32
          %and3A_677 = arith.andi %add3A_673, %and3A_676 : i32
          %add3A_678 = arith.addi %select_n3A_10, %shift_right_logical3A_675 : i32
          %ge3A_679 = arith.constant 42 : i32
          %ge3A_680 = arith.cmpi sge, %add3A_678, %ge3A_679 : i32
          %convert_element_type3A_681 = arith.extui %ge3A_680 : i1 to i32
          %ge3A_682 = arith.constant 44 : i32
          %ge3A_683 = arith.cmpi sge, %add3A_678, %ge3A_682 : i32
          %convert_element_type3A_684 = arith.extui %ge3A_683 : i1 to i32
          %add3A_685 = arith.addi %convert_element_type3A_681, %convert_element_type3A_684 : i32
          %ge3A_686 = arith.constant 48 : i32
          %ge3A_687 = arith.cmpi sge, %add3A_678, %ge3A_686 : i32
          %convert_element_type3A_688 = arith.extui %ge3A_687 : i1 to i32
          %add3A_689 = arith.addi %add3A_685, %convert_element_type3A_688 : i32
          %ge3A_690 = arith.constant 50 : i32
          %ge3A_691 = arith.cmpi sge, %add3A_678, %ge3A_690 : i32
          %convert_element_type3A_692 = arith.extui %ge3A_691 : i1 to i32
          %add3A_693 = arith.addi %add3A_689, %convert_element_type3A_692 : i32
          %mul3A_694 = arith.constant 2 : i32
          %mul3A_695 = arith.muli %mul3A_694, %add3A_693 : i32
          %add3A_696 = arith.addi %add3A_678, %mul3A_695 : i32
          %jit3A_697 = arith.constant 10 : i32
          %div3A_698 = arith.divsi %add3A_696, %jit3A_697 : i32
          %sign3A_699 = arith.constant 0 : i32
          %sign3A_700 = arith.cmpi sgt, %add3A_696, %sign3A_699 : i32
          %sign3A_701 = arith.extui %sign3A_700 : i1 to i32
          %sign3A_702 = arith.constant 0 : i32
          %sign3A_703 = arith.cmpi slt, %add3A_696, %sign3A_702 : i32
          %sign3A_704 = arith.extui %sign3A_703 : i1 to i32
          %sign3A_705 = arith.subi %sign3A_701, %sign3A_704 : i32
          %sign3A_706 = arith.constant 0 : i32
          %sign3A_707 = arith.cmpi sgt, %jit3A_697, %sign3A_706 : i32
          %sign3A_708 = arith.extui %sign3A_707 : i1 to i32
          %sign3A_709 = arith.constant 0 : i32
          %sign3A_710 = arith.cmpi slt, %jit3A_697, %sign3A_709 : i32
          %sign3A_711 = arith.extui %sign3A_710 : i1 to i32
          %sign3A_712 = arith.subi %sign3A_708, %sign3A_711 : i32
          %ne3A_713 = arith.cmpi ne, %sign3A_705, %sign3A_712 : i32
          %rem3A_714 = arith.remsi %add3A_696, %jit3A_697 : i32
          %ne3A_715 = arith.constant 0 : i32
          %ne3A_716 = arith.cmpi ne, %rem3A_714, %ne3A_715 : i32
          %and3A_717 = arith.andi %ne3A_713, %ne3A_716 : i1
          %sub3A_718 = arith.constant 1 : i32
          %sub3A_719 = arith.subi %div3A_698, %sub3A_718 : i32
          %select_n3A_720 = arith.select %and3A_717, %sub3A_719, %div3A_698 : i32
          %jit3A_721 = arith.constant 10 : i32
          %eq3A_722 = arith.constant 0 : i32
          %eq3A_723 = arith.cmpi eq, %jit3A_721, %eq3A_722 : i32
          %jit3A_724 = arith.constant 1 : i32
          %select_n3A_725 = arith.select %eq3A_723, %jit3A_724, %jit3A_721 : i32
          %rem3A_726 = arith.remsi %add3A_696, %select_n3A_725 : i32
          %ne3A_727 = arith.constant 0 : i32
          %ne3A_728 = arith.cmpi ne, %rem3A_726, %ne3A_727 : i32
          %lt3A_729 = arith.constant 0 : i32
          %lt3A_730 = arith.cmpi slt, %rem3A_726, %lt3A_729 : i32
          %lt3A_731 = arith.constant 0 : i32
          %lt3A_732 = arith.cmpi slt, %select_n3A_725, %lt3A_731 : i32
          %ne3A_733 = arith.xori %lt3A_730, %lt3A_732 : i1
          %and3A_734 = arith.andi %ne3A_733, %ne3A_728 : i1
          %add3A_735 = arith.addi %rem3A_726, %select_n3A_725 : i32
          %select_n3A_736 = arith.select %and3A_734, %add3A_735, %rem3A_726 : i32
          %mul3A_737 = arith.constant 128 : i32
          %mul3A_738 = arith.muli %and3A_677, %mul3A_737 : i32
          %dma_start3A_739 = arith.constant 0 : i32
          %dma_start3A_740 = tpu.memref_slice %arg2[%select_n3A_720, %select_n3A_736, %dma_start3A_739, %mul3A_738] : memref<10x10x96x4096xf32, #tpu.memory_space<hbm>> -> memref<1x1x96x128xf32, #tpu.memory_space<hbm>>
          %dma_start3A_741 = tpu.memref_squeeze %dma_start3A_740 : memref<1x1x96x128xf32, #tpu.memory_space<hbm>> -> memref<96x128xf32, #tpu.memory_space<hbm>>
          %dma_start3A_742 = arith.constant 0 : i32
          %dma_start3A_743 = tpu.memref_slice %arg2[%select_n3A_720, %select_n3A_736, %dma_start3A_742, %mul3A_738] : memref<10x10x96x4096xf32, #tpu.memory_space<hbm>> -> memref<1x1x96x128xf32, #tpu.memory_space<hbm>>
          %dma_start3A_744 = tpu.memref_squeeze %dma_start3A_743 : memref<1x1x96x128xf32, #tpu.memory_space<hbm>> -> memref<96x128xf32, #tpu.memory_space<hbm>>
          tpu.enqueue_dma source(%dma_start3A_744 : memref<96x128xf32, #tpu.memory_space<hbm>>) target(%arg6 : memref<96x128xf32, #tpu.memory_space<vmem>>) target_semaphore(%arg14 : memref<!tpu.dma_semaphore, #tpu.memory_space<semaphore_mem>>)
        } else {
        }
        %ge3A_552 = arith.constant 2 : i32
        %ge3A_553 = arith.cmpi sge, %add3A_401, %ge3A_552 : i32
        %convert_element_type3A_554 = arith.extui %ge3A_553 : i1 to i32
        %cond3A_555 = arith.constant 0 : i32
        %cond3A_556 = arith.cmpi ne, %convert_element_type3A_554, %cond3A_555 : i32
        scf.if %cond3A_556 {
          %dma_wait3A_667 = arith.constant 96 : i32
          %dma_wait3A_668 = arith.constant 0 : i32
          %dma_wait3A_669 = tpu.memref_slice %arg4[%add3A_406, %dma_wait3A_667, %dma_wait3A_668] : memref<92x178x4096xf32, #tpu.memory_space<hbm>> -> memref<1x82x128xf32, #tpu.memory_space<hbm>>
          %dma_wait3A_670 = tpu.memref_squeeze %dma_wait3A_669 : memref<1x82x128xf32, #tpu.memory_space<hbm>> -> memref<82x128xf32, #tpu.memory_space<hbm>>
          %dma_wait3A_671 = arith.constant 96 : i32
          %dma_wait3A_672 = arith.constant 0 : i32
          %dma_wait3A_673 = tpu.memref_slice %arg4[%add3A_406, %dma_wait3A_671, %dma_wait3A_672] : memref<92x178x4096xf32, #tpu.memory_space<hbm>> -> memref<1x82x128xf32, #tpu.memory_space<hbm>>
          %dma_wait3A_674 = tpu.memref_squeeze %dma_wait3A_673 : memref<1x82x128xf32, #tpu.memory_space<hbm>> -> memref<82x128xf32, #tpu.memory_space<hbm>>
          tpu.wait_dma2 semaphore(%arg22 : memref<!tpu.dma_semaphore, #tpu.memory_space<semaphore_mem>>) src(%arg10 : memref<82x128xf32, #tpu.memory_space<vmem>>) dst(%dma_wait3A_674 : memref<82x128xf32, #tpu.memory_space<hbm>>)
          %get3A_675 = arith.constant 0 : index
          %get3A_676 = tpu.vector_load %arg12[%get3A_675] {strides = array<i32>} : memref<128xi32, #tpu.memory_space<vmem>>, vector<16xi32>,
          %add3A_677 = arith.constant 0 : i32
          %add3A_678 = vector.broadcast %add3A_677 : i32 to vector<16xi32>
          %add3A_679 = arith.addi %iota3A, %add3A_678 : vector<16xi32>
          tpu.vector_store_idx %arg10[%get3A_676, %add3A_679], %broadcast_in_dim3A_13 : memref<82x128xf32, #tpu.memory_space<vmem>>[vector<16xi32>, vector<16xi32>], vector<16xf32>,
          %get3A_680 = arith.constant 16 : index
          %get3A_681 = tpu.vector_load %arg12[%get3A_680] {strides = array<i32>} : memref<128xi32, #tpu.memory_space<vmem>>, vector<16xi32>,
          %add3A_682 = arith.constant 16 : i32
          %add3A_683 = vector.broadcast %add3A_682 : i32 to vector<16xi32>
          %add3A_684 = arith.addi %iota3A, %add3A_683 : vector<16xi32>
          tpu.vector_store_idx %arg10[%get3A_681, %add3A_684], %broadcast_in_dim3A_13 : memref<82x128xf32, #tpu.memory_space<vmem>>[vector<16xi32>, vector<16xi32>], vector<16xf32>,
          %get3A_685 = arith.constant 32 : index
          %get3A_686 = tpu.vector_load %arg12[%get3A_685] {strides = array<i32>} : memref<128xi32, #tpu.memory_space<vmem>>, vector<16xi32>,
          %add3A_687 = arith.constant 32 : i32
          %add3A_688 = vector.broadcast %add3A_687 : i32 to vector<16xi32>
          %add3A_689 = arith.addi %iota3A, %add3A_688 : vector<16xi32>
          tpu.vector_store_idx %arg10[%get3A_686, %add3A_689], %broadcast_in_dim3A_13 : memref<82x128xf32, #tpu.memory_space<vmem>>[vector<16xi32>, vector<16xi32>], vector<16xf32>,
          %get3A_690 = arith.constant 48 : index
          %get3A_691 = tpu.vector_load %arg12[%get3A_690] {strides = array<i32>} : memref<128xi32, #tpu.memory_space<vmem>>, vector<16xi32>,
          %add3A_692 = arith.constant 48 : i32
          %add3A_693 = vector.broadcast %add3A_692 : i32 to vector<16xi32>
          %add3A_694 = arith.addi %iota3A, %add3A_693 : vector<16xi32>
          tpu.vector_store_idx %arg10[%get3A_691, %add3A_694], %broadcast_in_dim3A_13 : memref<82x128xf32, #tpu.memory_space<vmem>>[vector<16xi32>, vector<16xi32>], vector<16xf32>,
          %get3A_695 = arith.constant 64 : index
          %get3A_696 = tpu.vector_load %arg12[%get3A_695] {strides = array<i32>} : memref<128xi32, #tpu.memory_space<vmem>>, vector<16xi32>,
          %add3A_697 = arith.constant 64 : i32
          %add3A_698 = vector.broadcast %add3A_697 : i32 to vector<16xi32>
          %add3A_699 = arith.addi %iota3A, %add3A_698 : vector<16xi32>
          tpu.vector_store_idx %arg10[%get3A_696, %add3A_699], %broadcast_in_dim3A_13 : memref<82x128xf32, #tpu.memory_space<vmem>>[vector<16xi32>, vector<16xi32>], vector<16xf32>,
          %get3A_700 = arith.constant 80 : index
          %get3A_701 = tpu.vector_load %arg12[%get3A_700] {strides = array<i32>} : memref<128xi32, #tpu.memory_space<vmem>>, vector<16xi32>,
          %add3A_702 = arith.constant 80 : i32
          %add3A_703 = vector.broadcast %add3A_702 : i32 to vector<16xi32>
          %add3A_704 = arith.addi %iota3A, %add3A_703 : vector<16xi32>
          tpu.vector_store_idx %arg10[%get3A_701, %add3A_704], %broadcast_in_dim3A_13 : memref<82x128xf32, #tpu.memory_space<vmem>>[vector<16xi32>, vector<16xi32>], vector<16xf32>,
          %get3A_705 = arith.constant 96 : index
          %get3A_706 = tpu.vector_load %arg12[%get3A_705] {strides = array<i32>} : memref<128xi32, #tpu.memory_space<vmem>>, vector<16xi32>,
          %add3A_707 = arith.constant 96 : i32
          %add3A_708 = vector.broadcast %add3A_707 : i32 to vector<16xi32>
          %add3A_709 = arith.addi %iota3A, %add3A_708 : vector<16xi32>
          tpu.vector_store_idx %arg10[%get3A_706, %add3A_709], %broadcast_in_dim3A_13 : memref<82x128xf32, #tpu.memory_space<vmem>>[vector<16xi32>, vector<16xi32>], vector<16xf32>,
          %get3A_710 = arith.constant 112 : index
          %get3A_711 = tpu.vector_load %arg12[%get3A_710] {strides = array<i32>} : memref<128xi32, #tpu.memory_space<vmem>>, vector<16xi32>,
          %add3A_712 = arith.constant 112 : i32
          %add3A_713 = vector.broadcast %add3A_712 : i32 to vector<16xi32>
          %add3A_714 = arith.addi %iota3A, %add3A_713 : vector<16xi32>
          tpu.vector_store_idx %arg10[%get3A_711, %add3A_714], %broadcast_in_dim3A_13 : memref<82x128xf32, #tpu.memory_space<vmem>>[vector<16xi32>, vector<16xi32>], vector<16xf32>,
        } else {
        }
        %mul3A_557 = arith.constant 128 : i32
        %mul3A_558 = arith.muli %and3A_405, %mul3A_557 : i32
        %add3A_559 = arith.constant 0 : i32
        %add3A_560 = arith.addi %mul3A_558, %add3A_559 : i32
        %get3A = arith.index_cast %add3A_560 : i32 to index
        %get3A_561 = tpu.vector_load %arg5[%get3A] {strides = array<i32>} : memref<4096xi32, #tpu.memory_space<vmem>>, vector<16xi32>,
        %swap3A = arith.constant 0 : index
        %swap3A_562 = tpu.vector_load %arg12[%swap3A] {strides = array<i32>} : memref<128xi32, #tpu.memory_space<vmem>>, vector<16xi32>,
        tpu.vector_store %arg12[%swap3A], %get3A_561 {strides = array<i32>} : memref<128xi32, #tpu.memory_space<vmem>>, vector<16xi32>,
        %add3A_563 = arith.constant 0 : i32
        %add3A_564 = vector.broadcast %add3A_563 : i32 to vector<16xi32>
        %add3A_565 = arith.addi %iota3A, %add3A_564 : vector<16xi32>
        tpu.vector_store_idx %arg10[%get3A_561, %add3A_565], %broadcast_in_dim3A_15 : memref<82x128xf32, #tpu.memory_space<vmem>>[vector<16xi32>, vector<16xi32>], vector<16xf32>,
        %mul3A_566 = arith.constant 128 : i32
        %mul3A_567 = arith.muli %and3A_405, %mul3A_566 : i32
        %add3A_568 = arith.constant 16 : i32
        %add3A_569 = arith.addi %mul3A_567, %add3A_568 : i32
        %get3A_570 = arith.index_cast %add3A_569 : i32 to index
        %get3A_571 = tpu.vector_load %arg5[%get3A_570] {strides = array<i32>} : memref<4096xi32, #tpu.memory_space<vmem>>, vector<16xi32>,
        %swap3A_572 = arith.constant 16 : index
        %swap3A_573 = tpu.vector_load %arg12[%swap3A_572] {strides = array<i32>} : memref<128xi32, #tpu.memory_space<vmem>>, vector<16xi32>,
        tpu.vector_store %arg12[%swap3A_572], %get3A_571 {strides = array<i32>} : memref<128xi32, #tpu.memory_space<vmem>>, vector<16xi32>,
        %add3A_574 = arith.constant 16 : i32
        %add3A_575 = vector.broadcast %add3A_574 : i32 to vector<16xi32>
        %add3A_576 = arith.addi %iota3A, %add3A_575 : vector<16xi32>
        tpu.vector_store_idx %arg10[%get3A_571, %add3A_576], %broadcast_in_dim3A_15 : memref<82x128xf32, #tpu.memory_space<vmem>>[vector<16xi32>, vector<16xi32>], vector<16xf32>,
        %mul3A_577 = arith.constant 128 : i32
        %mul3A_578 = arith.muli %and3A_405, %mul3A_577 : i32
        %add3A_579 = arith.constant 32 : i32
        %add3A_580 = arith.addi %mul3A_578, %add3A_579 : i32
        %get3A_581 = arith.index_cast %add3A_580 : i32 to index
        %get3A_582 = tpu.vector_load %arg5[%get3A_581] {strides = array<i32>} : memref<4096xi32, #tpu.memory_space<vmem>>, vector<16xi32>,
        %swap3A_583 = arith.constant 32 : index
        %swap3A_584 = tpu.vector_load %arg12[%swap3A_583] {strides = array<i32>} : memref<128xi32, #tpu.memory_space<vmem>>, vector<16xi32>,
        tpu.vector_store %arg12[%swap3A_583], %get3A_582 {strides = array<i32>} : memref<128xi32, #tpu.memory_space<vmem>>, vector<16xi32>,
        %add3A_585 = arith.constant 32 : i32
        %add3A_586 = vector.broadcast %add3A_585 : i32 to vector<16xi32>
        %add3A_587 = arith.addi %iota3A, %add3A_586 : vector<16xi32>
        tpu.vector_store_idx %arg10[%get3A_582, %add3A_587], %broadcast_in_dim3A_15 : memref<82x128xf32, #tpu.memory_space<vmem>>[vector<16xi32>, vector<16xi32>], vector<16xf32>,
        %mul3A_588 = arith.constant 128 : i32
        %mul3A_589 = arith.muli %and3A_405, %mul3A_588 : i32
        %add3A_590 = arith.constant 48 : i32
        %add3A_591 = arith.addi %mul3A_589, %add3A_590 : i32
        %get3A_592 = arith.index_cast %add3A_591 : i32 to index
        %get3A_593 = tpu.vector_load %arg5[%get3A_592] {strides = array<i32>} : memref<4096xi32, #tpu.memory_space<vmem>>, vector<16xi32>,
        %swap3A_594 = arith.constant 48 : index
        %swap3A_595 = tpu.vector_load %arg12[%swap3A_594] {strides = array<i32>} : memref<128xi32, #tpu.memory_space<vmem>>, vector<16xi32>,
        tpu.vector_store %arg12[%swap3A_594], %get3A_593 {strides = array<i32>} : memref<128xi32, #tpu.memory_space<vmem>>, vector<16xi32>,
        %add3A_596 = arith.constant 48 : i32
        %add3A_597 = vector.broadcast %add3A_596 : i32 to vector<16xi32>
        %add3A_598 = arith.addi %iota3A, %add3A_597 : vector<16xi32>
        tpu.vector_store_idx %arg10[%get3A_593, %add3A_598], %broadcast_in_dim3A_15 : memref<82x128xf32, #tpu.memory_space<vmem>>[vector<16xi32>, vector<16xi32>], vector<16xf32>,
        %mul3A_599 = arith.constant 128 : i32
        %mul3A_600 = arith.muli %and3A_405, %mul3A_599 : i32
        %add3A_601 = arith.constant 64 : i32
        %add3A_602 = arith.addi %mul3A_600, %add3A_601 : i32
        %get3A_603 = arith.index_cast %add3A_602 : i32 to index
        %get3A_604 = tpu.vector_load %arg5[%get3A_603] {strides = array<i32>} : memref<4096xi32, #tpu.memory_space<vmem>>, vector<16xi32>,
        %swap3A_605 = arith.constant 64 : index
        %swap3A_606 = tpu.vector_load %arg12[%swap3A_605] {strides = array<i32>} : memref<128xi32, #tpu.memory_space<vmem>>, vector<16xi32>,
        tpu.vector_store %arg12[%swap3A_605], %get3A_604 {strides = array<i32>} : memref<128xi32, #tpu.memory_space<vmem>>, vector<16xi32>,
        %add3A_607 = arith.constant 64 : i32
        %add3A_608 = vector.broadcast %add3A_607 : i32 to vector<16xi32>
        %add3A_609 = arith.addi %iota3A, %add3A_608 : vector<16xi32>
        tpu.vector_store_idx %arg10[%get3A_604, %add3A_609], %broadcast_in_dim3A_15 : memref<82x128xf32, #tpu.memory_space<vmem>>[vector<16xi32>, vector<16xi32>], vector<16xf32>,
        %mul3A_610 = arith.constant 128 : i32
        %mul3A_611 = arith.muli %and3A_405, %mul3A_610 : i32
        %add3A_612 = arith.constant 80 : i32
        %add3A_613 = arith.addi %mul3A_611, %add3A_612 : i32
        %get3A_614 = arith.index_cast %add3A_613 : i32 to index
        %get3A_615 = tpu.vector_load %arg5[%get3A_614] {strides = array<i32>} : memref<4096xi32, #tpu.memory_space<vmem>>, vector<16xi32>,
        %swap3A_616 = arith.constant 80 : index
        %swap3A_617 = tpu.vector_load %arg12[%swap3A_616] {strides = array<i32>} : memref<128xi32, #tpu.memory_space<vmem>>, vector<16xi32>,
        tpu.vector_store %arg12[%swap3A_616], %get3A_615 {strides = array<i32>} : memref<128xi32, #tpu.memory_space<vmem>>, vector<16xi32>,
        %add3A_618 = arith.constant 80 : i32
        %add3A_619 = vector.broadcast %add3A_618 : i32 to vector<16xi32>
        %add3A_620 = arith.addi %iota3A, %add3A_619 : vector<16xi32>
        tpu.vector_store_idx %arg10[%get3A_615, %add3A_620], %broadcast_in_dim3A_15 : memref<82x128xf32, #tpu.memory_space<vmem>>[vector<16xi32>, vector<16xi32>], vector<16xf32>,
        %mul3A_621 = arith.constant 128 : i32
        %mul3A_622 = arith.muli %and3A_405, %mul3A_621 : i32
        %add3A_623 = arith.constant 96 : i32
        %add3A_624 = arith.addi %mul3A_622, %add3A_623 : i32
        %get3A_625 = arith.index_cast %add3A_624 : i32 to index
        %get3A_626 = tpu.vector_load %arg5[%get3A_625] {strides = array<i32>} : memref<4096xi32, #tpu.memory_space<vmem>>, vector<16xi32>,
        %swap3A_627 = arith.constant 96 : index
        %swap3A_628 = tpu.vector_load %arg12[%swap3A_627] {strides = array<i32>} : memref<128xi32, #tpu.memory_space<vmem>>, vector<16xi32>,
        tpu.vector_store %arg12[%swap3A_627], %get3A_626 {strides = array<i32>} : memref<128xi32, #tpu.memory_space<vmem>>, vector<16xi32>,
        %add3A_629 = arith.constant 96 : i32
        %add3A_630 = vector.broadcast %add3A_629 : i32 to vector<16xi32>
        %add3A_631 = arith.addi %iota3A, %add3A_630 : vector<16xi32>
        tpu.vector_store_idx %arg10[%get3A_626, %add3A_631], %broadcast_in_dim3A_15 : memref<82x128xf32, #tpu.memory_space<vmem>>[vector<16xi32>, vector<16xi32>], vector<16xf32>,
        %mul3A_632 = arith.constant 128 : i32
        %mul3A_633 = arith.muli %and3A_405, %mul3A_632 : i32
        %add3A_634 = arith.constant 112 : i32
        %add3A_635 = arith.addi %mul3A_633, %add3A_634 : i32
        %get3A_636 = arith.index_cast %add3A_635 : i32 to index
        %get3A_637 = tpu.vector_load %arg5[%get3A_636] {strides = array<i32>} : memref<4096xi32, #tpu.memory_space<vmem>>, vector<16xi32>,
        %swap3A_638 = arith.constant 112 : index
        %swap3A_639 = tpu.vector_load %arg12[%swap3A_638] {strides = array<i32>} : memref<128xi32, #tpu.memory_space<vmem>>, vector<16xi32>,
        tpu.vector_store %arg12[%swap3A_638], %get3A_637 {strides = array<i32>} : memref<128xi32, #tpu.memory_space<vmem>>, vector<16xi32>,
        %add3A_640 = arith.constant 112 : i32
        %add3A_641 = vector.broadcast %add3A_640 : i32 to vector<16xi32>
        %add3A_642 = arith.addi %iota3A, %add3A_641 : vector<16xi32>
        tpu.vector_store_idx %arg10[%get3A_637, %add3A_642], %broadcast_in_dim3A_15 : memref<82x128xf32, #tpu.memory_space<vmem>>[vector<16xi32>, vector<16xi32>], vector<16xf32>,
        %mul3A_643 = arith.constant 128 : i32
        %mul3A_644 = arith.muli %and3A_405, %mul3A_643 : i32
        %dma_start3A_645 = arith.constant 96 : i32
        %dma_start3A_646 = tpu.memref_slice %arg4[%add3A_406, %dma_start3A_645, %mul3A_644] : memref<92x178x4096xf32, #tpu.memory_space<hbm>> -> memref<1x82x128xf32, #tpu.memory_space<hbm>>
        %dma_start3A_647 = tpu.memref_squeeze %dma_start3A_646 : memref<1x82x128xf32, #tpu.memory_space<hbm>> -> memref<82x128xf32, #tpu.memory_space<hbm>>
        %dma_start3A_648 = arith.constant 96 : i32
        %dma_start3A_649 = tpu.memref_slice %arg4[%add3A_406, %dma_start3A_648, %mul3A_644] : memref<92x178x4096xf32, #tpu.memory_space<hbm>> -> memref<1x82x128xf32, #tpu.memory_space<hbm>>
        %dma_start3A_650 = tpu.memref_squeeze %dma_start3A_649 : memref<1x82x128xf32, #tpu.memory_space<hbm>> -> memref<82x128xf32, #tpu.memory_space<hbm>>
        tpu.enqueue_dma source(%arg10 : memref<82x128xf32, #tpu.memory_space<vmem>>) target(%dma_start3A_650 : memref<82x128xf32, #tpu.memory_space<hbm>>) target_semaphore(%arg22 : memref<!tpu.dma_semaphore, #tpu.memory_space<semaphore_mem>>)
        %mul3A_651 = arith.constant 128 : i32
        %mul3A_652 = arith.muli %and3A_405, %mul3A_651 : i32
        %dma_wait3A_653 = arith.constant 0 : i32
        %dma_wait3A_654 = tpu.memref_slice %arg2[%select_n3A_448, %select_n3A_464, %dma_wait3A_653, %mul3A_652] : memref<10x10x96x4096xf32, #tpu.memory_space<hbm>> -> memref<1x1x96x128xf32, #tpu.memory_space<hbm>>
        %dma_wait3A_655 = tpu.memref_squeeze %dma_wait3A_654 : memref<1x1x96x128xf32, #tpu.memory_space<hbm>> -> memref<96x128xf32, #tpu.memory_space<hbm>>
        %dma_wait3A_656 = arith.constant 0 : i32
        %dma_wait3A_657 = tpu.memref_slice %arg2[%select_n3A_448, %select_n3A_464, %dma_wait3A_656, %mul3A_652] : memref<10x10x96x4096xf32, #tpu.memory_space<hbm>> -> memref<1x1x96x128xf32, #tpu.memory_space<hbm>>
        %dma_wait3A_658 = tpu.memref_squeeze %dma_wait3A_657 : memref<1x1x96x128xf32, #tpu.memory_space<hbm>> -> memref<96x128xf32, #tpu.memory_space<hbm>>
        tpu.wait_dma2 semaphore(%arg16 : memref<!tpu.dma_semaphore, #tpu.memory_space<semaphore_mem>>) src(%dma_wait3A_658 : memref<96x128xf32, #tpu.memory_space<hbm>>) dst(%arg8 : memref<96x128xf32, #tpu.memory_space<vmem>>)
        %mul3A_659 = arith.constant 128 : i32
        %mul3A_660 = arith.muli %and3A_405, %mul3A_659 : i32
        %dma_start3A_661 = arith.constant 0 : i32
        %dma_start3A_662 = tpu.memref_slice %arg4[%add3A_406, %dma_start3A_661, %mul3A_660] : memref<92x178x4096xf32, #tpu.memory_space<hbm>> -> memref<1x96x128xf32, #tpu.memory_space<hbm>>
        %dma_start3A_663 = tpu.memref_squeeze %dma_start3A_662 : memref<1x96x128xf32, #tpu.memory_space<hbm>> -> memref<96x128xf32, #tpu.memory_space<hbm>>
        %dma_start3A_664 = arith.constant 0 : i32
        %dma_start3A_665 = tpu.memref_slice %arg4[%add3A_406, %dma_start3A_664, %mul3A_660] : memref<92x178x4096xf32, #tpu.memory_space<hbm>> -> memref<1x96x128xf32, #tpu.memory_space<hbm>>
        %dma_start3A_666 = tpu.memref_squeeze %dma_start3A_665 : memref<1x96x128xf32, #tpu.memory_space<hbm>> -> memref<96x128xf32, #tpu.memory_space<hbm>>
        tpu.enqueue_dma source(%arg8 : memref<96x128xf32, #tpu.memory_space<vmem>>) target(%dma_start3A_666 : memref<96x128xf32, #tpu.memory_space<hbm>>) target_semaphore(%arg20 : memref<!tpu.dma_semaphore, #tpu.memory_space<semaphore_mem>>)
      } else {
      }
      %mul3A_469 = arith.constant 4 : i32
      %mul3A_470 = arith.muli %mul3A_469, %while3A_255 : i32
      %add3A_471 = arith.constant 3 : i32
      %add3A_472 = arith.addi %mul3A_470, %add3A_471 : i32
      %shift_right_logical3A_473 = arith.constant 5 : i32
      %shift_right_logical3A_474 = arith.shrui %add3A_472, %shift_right_logical3A_473 : i32
      %and3A_475 = arith.constant 31 : i32
      %and3A_476 = arith.andi %add3A_472, %and3A_475 : i32
      %add3A_477 = arith.addi %select_n3A_10, %shift_right_logical3A_474 : i32
      %ge3A_478 = arith.constant 42 : i32
      %ge3A_479 = arith.cmpi sge, %add3A_477, %ge3A_478 : i32
      %convert_element_type3A_480 = arith.extui %ge3A_479 : i1 to i32
      %ge3A_481 = arith.constant 44 : i32
      %ge3A_482 = arith.cmpi sge, %add3A_477, %ge3A_481 : i32
      %convert_element_type3A_483 = arith.extui %ge3A_482 : i1 to i32
      %add3A_484 = arith.addi %convert_element_type3A_480, %convert_element_type3A_483 : i32
      %ge3A_485 = arith.constant 48 : i32
      %ge3A_486 = arith.cmpi sge, %add3A_477, %ge3A_485 : i32
      %convert_element_type3A_487 = arith.extui %ge3A_486 : i1 to i32
      %add3A_488 = arith.addi %add3A_484, %convert_element_type3A_487 : i32
      %ge3A_489 = arith.constant 50 : i32
      %ge3A_490 = arith.cmpi sge, %add3A_477, %ge3A_489 : i32
      %convert_element_type3A_491 = arith.extui %ge3A_490 : i1 to i32
      %add3A_492 = arith.addi %add3A_488, %convert_element_type3A_491 : i32
      %mul3A_493 = arith.constant 2 : i32
      %mul3A_494 = arith.muli %mul3A_493, %add3A_492 : i32
      %add3A_495 = arith.addi %add3A_477, %mul3A_494 : i32
      %jit3A_496 = arith.constant 10 : i32
      %div3A_497 = arith.divsi %add3A_495, %jit3A_496 : i32
      %sign3A_498 = arith.constant 0 : i32
      %sign3A_499 = arith.cmpi sgt, %add3A_495, %sign3A_498 : i32
      %sign3A_500 = arith.extui %sign3A_499 : i1 to i32
      %sign3A_501 = arith.constant 0 : i32
      %sign3A_502 = arith.cmpi slt, %add3A_495, %sign3A_501 : i32
      %sign3A_503 = arith.extui %sign3A_502 : i1 to i32
      %sign3A_504 = arith.subi %sign3A_500, %sign3A_503 : i32
      %sign3A_505 = arith.constant 0 : i32
      %sign3A_506 = arith.cmpi sgt, %jit3A_496, %sign3A_505 : i32
      %sign3A_507 = arith.extui %sign3A_506 : i1 to i32
      %sign3A_508 = arith.constant 0 : i32
      %sign3A_509 = arith.cmpi slt, %jit3A_496, %sign3A_508 : i32
      %sign3A_510 = arith.extui %sign3A_509 : i1 to i32
      %sign3A_511 = arith.subi %sign3A_507, %sign3A_510 : i32
      %ne3A_512 = arith.cmpi ne, %sign3A_504, %sign3A_511 : i32
      %rem3A_513 = arith.remsi %add3A_495, %jit3A_496 : i32
      %ne3A_514 = arith.constant 0 : i32
      %ne3A_515 = arith.cmpi ne, %rem3A_513, %ne3A_514 : i32
      %and3A_516 = arith.andi %ne3A_512, %ne3A_515 : i1
      %sub3A_517 = arith.constant 1 : i32
      %sub3A_518 = arith.subi %div3A_497, %sub3A_517 : i32
      %select_n3A_519 = arith.select %and3A_516, %sub3A_518, %div3A_497 : i32
      %jit3A_520 = arith.constant 10 : i32
      %eq3A_521 = arith.constant 0 : i32
      %eq3A_522 = arith.cmpi eq, %jit3A_520, %eq3A_521 : i32
      %jit3A_523 = arith.constant 1 : i32
      %select_n3A_524 = arith.select %eq3A_522, %jit3A_523, %jit3A_520 : i32
      %rem3A_525 = arith.remsi %add3A_495, %select_n3A_524 : i32
      %ne3A_526 = arith.constant 0 : i32
      %ne3A_527 = arith.cmpi ne, %rem3A_525, %ne3A_526 : i32
      %lt3A_528 = arith.constant 0 : i32
      %lt3A_529 = arith.cmpi slt, %rem3A_525, %lt3A_528 : i32
      %lt3A_530 = arith.constant 0 : i32
      %lt3A_531 = arith.cmpi slt, %select_n3A_524, %lt3A_530 : i32
      %ne3A_532 = arith.xori %lt3A_529, %lt3A_531 : i1
      %and3A_533 = arith.andi %ne3A_532, %ne3A_527 : i1
      %add3A_534 = arith.addi %rem3A_525, %select_n3A_524 : i32
      %select_n3A_535 = arith.select %and3A_533, %add3A_534, %rem3A_525 : i32
      %lt3A_536 = arith.cmpi slt, %add3A_472, %mul3A_12 : i32
      %convert_element_type3A_537 = arith.extui %lt3A_536 : i1 to i32
      %cond3A_538 = arith.constant 0 : i32
      %cond3A_539 = arith.cmpi ne, %convert_element_type3A_537, %cond3A_538 : i32
      scf.if %cond3A_539 {
        %eq3A_541 = arith.constant 0 : i32
        %eq3A_542 = arith.cmpi eq, %and3A_476, %eq3A_541 : i32
        %convert_element_type3A_543 = arith.extui %eq3A_542 : i1 to i32
        %cond3A_544 = arith.constant 0 : i32
        %cond3A_545 = arith.cmpi ne, %convert_element_type3A_543, %cond3A_544 : i32
        scf.if %cond3A_545 {
          "tpu.region"() ({
            %run_scoped3A = tpu.sem_alloc : memref<!tpu.dma_semaphore, #tpu.memory_space<semaphore_mem>>
            %dma_start3A_667 = arith.constant 0 : i32
            %dma_start3A_668 = tpu.memref_slice %arg3[%select_n3A_519, %select_n3A_535, %dma_start3A_667] : memref<10x10x4096xi32, #tpu.memory_space<hbm>> -> memref<1x1x4096xi32, #tpu.memory_space<hbm>>
            %dma_start3A_669 = tpu.memref_squeeze %dma_start3A_668 : memref<1x1x4096xi32, #tpu.memory_space<hbm>> -> memref<4096xi32, #tpu.memory_space<hbm>>
            %dma_start3A_670 = arith.constant 0 : i32
            %dma_start3A_671 = tpu.memref_slice %arg3[%select_n3A_519, %select_n3A_535, %dma_start3A_670] : memref<10x10x4096xi32, #tpu.memory_space<hbm>> -> memref<1x1x4096xi32, #tpu.memory_space<hbm>>
            %dma_start3A_672 = tpu.memref_squeeze %dma_start3A_671 : memref<1x1x4096xi32, #tpu.memory_space<hbm>> -> memref<4096xi32, #tpu.memory_space<hbm>>
            tpu.enqueue_dma source(%dma_start3A_672 : memref<4096xi32, #tpu.memory_space<hbm>>) target(%arg5 : memref<4096xi32, #tpu.memory_space<vmem>>) target_semaphore(%run_scoped3A : memref<!tpu.dma_semaphore, #tpu.memory_space<semaphore_mem>>)
            %dma_wait3A_673 = arith.constant 0 : i32
            %dma_wait3A_674 = tpu.memref_slice %arg3[%select_n3A_519, %select_n3A_535, %dma_wait3A_673] : memref<10x10x4096xi32, #tpu.memory_space<hbm>> -> memref<1x1x4096xi32, #tpu.memory_space<hbm>>
            %dma_wait3A_675 = tpu.memref_squeeze %dma_wait3A_674 : memref<1x1x4096xi32, #tpu.memory_space<hbm>> -> memref<4096xi32, #tpu.memory_space<hbm>>
            %dma_wait3A_676 = arith.constant 0 : i32
            %dma_wait3A_677 = tpu.memref_slice %arg3[%select_n3A_519, %select_n3A_535, %dma_wait3A_676] : memref<10x10x4096xi32, #tpu.memory_space<hbm>> -> memref<1x1x4096xi32, #tpu.memory_space<hbm>>
            %dma_wait3A_678 = tpu.memref_squeeze %dma_wait3A_677 : memref<1x1x4096xi32, #tpu.memory_space<hbm>> -> memref<4096xi32, #tpu.memory_space<hbm>>
            tpu.wait_dma2 semaphore(%run_scoped3A : memref<!tpu.dma_semaphore, #tpu.memory_space<semaphore_mem>>) src(%dma_wait3A_678 : memref<4096xi32, #tpu.memory_space<hbm>>) dst(%arg5 : memref<4096xi32, #tpu.memory_space<vmem>>)
            tpu.yield
          }) : () -> ()
        } else {
        }
        %add3A_546 = arith.constant 2 : i32
        %add3A_547 = arith.addi %add3A_472, %add3A_546 : i32
        %lt3A_548 = arith.cmpi slt, %add3A_547, %mul3A_12 : i32
        %convert_element_type3A_549 = arith.extui %lt3A_548 : i1 to i32
        %cond3A_550 = arith.constant 0 : i32
        %cond3A_551 = arith.cmpi ne, %convert_element_type3A_549, %cond3A_550 : i32
        scf.if %cond3A_551 {
          %ge3A_667 = arith.constant 2 : i32
          %ge3A_668 = arith.cmpi sge, %add3A_472, %ge3A_667 : i32
          %convert_element_type3A_669 = arith.extui %ge3A_668 : i1 to i32
          %cond3A_670 = arith.constant 0 : i32
          %cond3A_671 = arith.cmpi ne, %convert_element_type3A_669, %cond3A_670 : i32
          scf.if %cond3A_671 {
            %dma_wait3A_745 = arith.constant 0 : i32
            %dma_wait3A_746 = arith.constant 0 : i32
            %dma_wait3A_747 = tpu.memref_slice %arg4[%add3A_477, %dma_wait3A_745, %dma_wait3A_746] : memref<92x178x4096xf32, #tpu.memory_space<hbm>> -> memref<1x96x128xf32, #tpu.memory_space<hbm>>
            %dma_wait3A_748 = tpu.memref_squeeze %dma_wait3A_747 : memref<1x96x128xf32, #tpu.memory_space<hbm>> -> memref<96x128xf32, #tpu.memory_space<hbm>>
            %dma_wait3A_749 = arith.constant 0 : i32
            %dma_wait3A_750 = arith.constant 0 : i32
            %dma_wait3A_751 = tpu.memref_slice %arg4[%add3A_477, %dma_wait3A_749, %dma_wait3A_750] : memref<92x178x4096xf32, #tpu.memory_space<hbm>> -> memref<1x96x128xf32, #tpu.memory_space<hbm>>
            %dma_wait3A_752 = tpu.memref_squeeze %dma_wait3A_751 : memref<1x96x128xf32, #tpu.memory_space<hbm>> -> memref<96x128xf32, #tpu.memory_space<hbm>>
            tpu.wait_dma2 semaphore(%arg19 : memref<!tpu.dma_semaphore, #tpu.memory_space<semaphore_mem>>) src(%arg7 : memref<96x128xf32, #tpu.memory_space<vmem>>) dst(%dma_wait3A_752 : memref<96x128xf32, #tpu.memory_space<hbm>>)
          } else {
          }
          %add3A_672 = arith.constant 2 : i32
          %add3A_673 = arith.addi %add3A_472, %add3A_672 : i32
          %shift_right_logical3A_674 = arith.constant 5 : i32
          %shift_right_logical3A_675 = arith.shrui %add3A_673, %shift_right_logical3A_674 : i32
          %and3A_676 = arith.constant 31 : i32
          %and3A_677 = arith.andi %add3A_673, %and3A_676 : i32
          %add3A_678 = arith.addi %select_n3A_10, %shift_right_logical3A_675 : i32
          %ge3A_679 = arith.constant 42 : i32
          %ge3A_680 = arith.cmpi sge, %add3A_678, %ge3A_679 : i32
          %convert_element_type3A_681 = arith.extui %ge3A_680 : i1 to i32
          %ge3A_682 = arith.constant 44 : i32
          %ge3A_683 = arith.cmpi sge, %add3A_678, %ge3A_682 : i32
          %convert_element_type3A_684 = arith.extui %ge3A_683 : i1 to i32
          %add3A_685 = arith.addi %convert_element_type3A_681, %convert_element_type3A_684 : i32
          %ge3A_686 = arith.constant 48 : i32
          %ge3A_687 = arith.cmpi sge, %add3A_678, %ge3A_686 : i32
          %convert_element_type3A_688 = arith.extui %ge3A_687 : i1 to i32
          %add3A_689 = arith.addi %add3A_685, %convert_element_type3A_688 : i32
          %ge3A_690 = arith.constant 50 : i32
          %ge3A_691 = arith.cmpi sge, %add3A_678, %ge3A_690 : i32
          %convert_element_type3A_692 = arith.extui %ge3A_691 : i1 to i32
          %add3A_693 = arith.addi %add3A_689, %convert_element_type3A_692 : i32
          %mul3A_694 = arith.constant 2 : i32
          %mul3A_695 = arith.muli %mul3A_694, %add3A_693 : i32
          %add3A_696 = arith.addi %add3A_678, %mul3A_695 : i32
          %jit3A_697 = arith.constant 10 : i32
          %div3A_698 = arith.divsi %add3A_696, %jit3A_697 : i32
          %sign3A_699 = arith.constant 0 : i32
          %sign3A_700 = arith.cmpi sgt, %add3A_696, %sign3A_699 : i32
          %sign3A_701 = arith.extui %sign3A_700 : i1 to i32
          %sign3A_702 = arith.constant 0 : i32
          %sign3A_703 = arith.cmpi slt, %add3A_696, %sign3A_702 : i32
          %sign3A_704 = arith.extui %sign3A_703 : i1 to i32
          %sign3A_705 = arith.subi %sign3A_701, %sign3A_704 : i32
          %sign3A_706 = arith.constant 0 : i32
          %sign3A_707 = arith.cmpi sgt, %jit3A_697, %sign3A_706 : i32
          %sign3A_708 = arith.extui %sign3A_707 : i1 to i32
          %sign3A_709 = arith.constant 0 : i32
          %sign3A_710 = arith.cmpi slt, %jit3A_697, %sign3A_709 : i32
          %sign3A_711 = arith.extui %sign3A_710 : i1 to i32
          %sign3A_712 = arith.subi %sign3A_708, %sign3A_711 : i32
          %ne3A_713 = arith.cmpi ne, %sign3A_705, %sign3A_712 : i32
          %rem3A_714 = arith.remsi %add3A_696, %jit3A_697 : i32
          %ne3A_715 = arith.constant 0 : i32
          %ne3A_716 = arith.cmpi ne, %rem3A_714, %ne3A_715 : i32
          %and3A_717 = arith.andi %ne3A_713, %ne3A_716 : i1
          %sub3A_718 = arith.constant 1 : i32
          %sub3A_719 = arith.subi %div3A_698, %sub3A_718 : i32
          %select_n3A_720 = arith.select %and3A_717, %sub3A_719, %div3A_698 : i32
          %jit3A_721 = arith.constant 10 : i32
          %eq3A_722 = arith.constant 0 : i32
          %eq3A_723 = arith.cmpi eq, %jit3A_721, %eq3A_722 : i32
          %jit3A_724 = arith.constant 1 : i32
          %select_n3A_725 = arith.select %eq3A_723, %jit3A_724, %jit3A_721 : i32
          %rem3A_726 = arith.remsi %add3A_696, %select_n3A_725 : i32
          %ne3A_727 = arith.constant 0 : i32
          %ne3A_728 = arith.cmpi ne, %rem3A_726, %ne3A_727 : i32
          %lt3A_729 = arith.constant 0 : i32
          %lt3A_730 = arith.cmpi slt, %rem3A_726, %lt3A_729 : i32
          %lt3A_731 = arith.constant 0 : i32
          %lt3A_732 = arith.cmpi slt, %select_n3A_725, %lt3A_731 : i32
          %ne3A_733 = arith.xori %lt3A_730, %lt3A_732 : i1
          %and3A_734 = arith.andi %ne3A_733, %ne3A_728 : i1
          %add3A_735 = arith.addi %rem3A_726, %select_n3A_725 : i32
          %select_n3A_736 = arith.select %and3A_734, %add3A_735, %rem3A_726 : i32
          %mul3A_737 = arith.constant 128 : i32
          %mul3A_738 = arith.muli %and3A_677, %mul3A_737 : i32
          %dma_start3A_739 = arith.constant 0 : i32
          %dma_start3A_740 = tpu.memref_slice %arg2[%select_n3A_720, %select_n3A_736, %dma_start3A_739, %mul3A_738] : memref<10x10x96x4096xf32, #tpu.memory_space<hbm>> -> memref<1x1x96x128xf32, #tpu.memory_space<hbm>>
          %dma_start3A_741 = tpu.memref_squeeze %dma_start3A_740 : memref<1x1x96x128xf32, #tpu.memory_space<hbm>> -> memref<96x128xf32, #tpu.memory_space<hbm>>
          %dma_start3A_742 = arith.constant 0 : i32
          %dma_start3A_743 = tpu.memref_slice %arg2[%select_n3A_720, %select_n3A_736, %dma_start3A_742, %mul3A_738] : memref<10x10x96x4096xf32, #tpu.memory_space<hbm>> -> memref<1x1x96x128xf32, #tpu.memory_space<hbm>>
          %dma_start3A_744 = tpu.memref_squeeze %dma_start3A_743 : memref<1x1x96x128xf32, #tpu.memory_space<hbm>> -> memref<96x128xf32, #tpu.memory_space<hbm>>
          tpu.enqueue_dma source(%dma_start3A_744 : memref<96x128xf32, #tpu.memory_space<hbm>>) target(%arg7 : memref<96x128xf32, #tpu.memory_space<vmem>>) target_semaphore(%arg15 : memref<!tpu.dma_semaphore, #tpu.memory_space<semaphore_mem>>)
        } else {
        }
        %ge3A_552 = arith.constant 2 : i32
        %ge3A_553 = arith.cmpi sge, %add3A_472, %ge3A_552 : i32
        %convert_element_type3A_554 = arith.extui %ge3A_553 : i1 to i32
        %cond3A_555 = arith.constant 0 : i32
        %cond3A_556 = arith.cmpi ne, %convert_element_type3A_554, %cond3A_555 : i32
        scf.if %cond3A_556 {
          %dma_wait3A_667 = arith.constant 96 : i32
          %dma_wait3A_668 = arith.constant 0 : i32
          %dma_wait3A_669 = tpu.memref_slice %arg4[%add3A_477, %dma_wait3A_667, %dma_wait3A_668] : memref<92x178x4096xf32, #tpu.memory_space<hbm>> -> memref<1x82x128xf32, #tpu.memory_space<hbm>>
          %dma_wait3A_670 = tpu.memref_squeeze %dma_wait3A_669 : memref<1x82x128xf32, #tpu.memory_space<hbm>> -> memref<82x128xf32, #tpu.memory_space<hbm>>
          %dma_wait3A_671 = arith.constant 96 : i32
          %dma_wait3A_672 = arith.constant 0 : i32
          %dma_wait3A_673 = tpu.memref_slice %arg4[%add3A_477, %dma_wait3A_671, %dma_wait3A_672] : memref<92x178x4096xf32, #tpu.memory_space<hbm>> -> memref<1x82x128xf32, #tpu.memory_space<hbm>>
          %dma_wait3A_674 = tpu.memref_squeeze %dma_wait3A_673 : memref<1x82x128xf32, #tpu.memory_space<hbm>> -> memref<82x128xf32, #tpu.memory_space<hbm>>
          tpu.wait_dma2 semaphore(%arg23 : memref<!tpu.dma_semaphore, #tpu.memory_space<semaphore_mem>>) src(%arg11 : memref<82x128xf32, #tpu.memory_space<vmem>>) dst(%dma_wait3A_674 : memref<82x128xf32, #tpu.memory_space<hbm>>)
          %get3A_675 = arith.constant 0 : index
          %get3A_676 = tpu.vector_load %arg13[%get3A_675] {strides = array<i32>} : memref<128xi32, #tpu.memory_space<vmem>>, vector<16xi32>,
          %add3A_677 = arith.constant 0 : i32
          %add3A_678 = vector.broadcast %add3A_677 : i32 to vector<16xi32>
          %add3A_679 = arith.addi %iota3A, %add3A_678 : vector<16xi32>
          tpu.vector_store_idx %arg11[%get3A_676, %add3A_679], %broadcast_in_dim3A_13 : memref<82x128xf32, #tpu.memory_space<vmem>>[vector<16xi32>, vector<16xi32>], vector<16xf32>,
          %get3A_680 = arith.constant 16 : index
          %get3A_681 = tpu.vector_load %arg13[%get3A_680] {strides = array<i32>} : memref<128xi32, #tpu.memory_space<vmem>>, vector<16xi32>,
          %add3A_682 = arith.constant 16 : i32
          %add3A_683 = vector.broadcast %add3A_682 : i32 to vector<16xi32>
          %add3A_684 = arith.addi %iota3A, %add3A_683 : vector<16xi32>
          tpu.vector_store_idx %arg11[%get3A_681, %add3A_684], %broadcast_in_dim3A_13 : memref<82x128xf32, #tpu.memory_space<vmem>>[vector<16xi32>, vector<16xi32>], vector<16xf32>,
          %get3A_685 = arith.constant 32 : index
          %get3A_686 = tpu.vector_load %arg13[%get3A_685] {strides = array<i32>} : memref<128xi32, #tpu.memory_space<vmem>>, vector<16xi32>,
          %add3A_687 = arith.constant 32 : i32
          %add3A_688 = vector.broadcast %add3A_687 : i32 to vector<16xi32>
          %add3A_689 = arith.addi %iota3A, %add3A_688 : vector<16xi32>
          tpu.vector_store_idx %arg11[%get3A_686, %add3A_689], %broadcast_in_dim3A_13 : memref<82x128xf32, #tpu.memory_space<vmem>>[vector<16xi32>, vector<16xi32>], vector<16xf32>,
          %get3A_690 = arith.constant 48 : index
          %get3A_691 = tpu.vector_load %arg13[%get3A_690] {strides = array<i32>} : memref<128xi32, #tpu.memory_space<vmem>>, vector<16xi32>,
          %add3A_692 = arith.constant 48 : i32
          %add3A_693 = vector.broadcast %add3A_692 : i32 to vector<16xi32>
          %add3A_694 = arith.addi %iota3A, %add3A_693 : vector<16xi32>
          tpu.vector_store_idx %arg11[%get3A_691, %add3A_694], %broadcast_in_dim3A_13 : memref<82x128xf32, #tpu.memory_space<vmem>>[vector<16xi32>, vector<16xi32>], vector<16xf32>,
          %get3A_695 = arith.constant 64 : index
          %get3A_696 = tpu.vector_load %arg13[%get3A_695] {strides = array<i32>} : memref<128xi32, #tpu.memory_space<vmem>>, vector<16xi32>,
          %add3A_697 = arith.constant 64 : i32
          %add3A_698 = vector.broadcast %add3A_697 : i32 to vector<16xi32>
          %add3A_699 = arith.addi %iota3A, %add3A_698 : vector<16xi32>
          tpu.vector_store_idx %arg11[%get3A_696, %add3A_699], %broadcast_in_dim3A_13 : memref<82x128xf32, #tpu.memory_space<vmem>>[vector<16xi32>, vector<16xi32>], vector<16xf32>,
          %get3A_700 = arith.constant 80 : index
          %get3A_701 = tpu.vector_load %arg13[%get3A_700] {strides = array<i32>} : memref<128xi32, #tpu.memory_space<vmem>>, vector<16xi32>,
          %add3A_702 = arith.constant 80 : i32
          %add3A_703 = vector.broadcast %add3A_702 : i32 to vector<16xi32>
          %add3A_704 = arith.addi %iota3A, %add3A_703 : vector<16xi32>
          tpu.vector_store_idx %arg11[%get3A_701, %add3A_704], %broadcast_in_dim3A_13 : memref<82x128xf32, #tpu.memory_space<vmem>>[vector<16xi32>, vector<16xi32>], vector<16xf32>,
          %get3A_705 = arith.constant 96 : index
          %get3A_706 = tpu.vector_load %arg13[%get3A_705] {strides = array<i32>} : memref<128xi32, #tpu.memory_space<vmem>>, vector<16xi32>,
          %add3A_707 = arith.constant 96 : i32
          %add3A_708 = vector.broadcast %add3A_707 : i32 to vector<16xi32>
          %add3A_709 = arith.addi %iota3A, %add3A_708 : vector<16xi32>
          tpu.vector_store_idx %arg11[%get3A_706, %add3A_709], %broadcast_in_dim3A_13 : memref<82x128xf32, #tpu.memory_space<vmem>>[vector<16xi32>, vector<16xi32>], vector<16xf32>,
          %get3A_710 = arith.constant 112 : index
          %get3A_711 = tpu.vector_load %arg13[%get3A_710] {strides = array<i32>} : memref<128xi32, #tpu.memory_space<vmem>>, vector<16xi32>,
          %add3A_712 = arith.constant 112 : i32
          %add3A_713 = vector.broadcast %add3A_712 : i32 to vector<16xi32>
          %add3A_714 = arith.addi %iota3A, %add3A_713 : vector<16xi32>
          tpu.vector_store_idx %arg11[%get3A_711, %add3A_714], %broadcast_in_dim3A_13 : memref<82x128xf32, #tpu.memory_space<vmem>>[vector<16xi32>, vector<16xi32>], vector<16xf32>,
        } else {
        }
        %mul3A_557 = arith.constant 128 : i32
        %mul3A_558 = arith.muli %and3A_476, %mul3A_557 : i32
        %add3A_559 = arith.constant 0 : i32
        %add3A_560 = arith.addi %mul3A_558, %add3A_559 : i32
        %get3A = arith.index_cast %add3A_560 : i32 to index
        %get3A_561 = tpu.vector_load %arg5[%get3A] {strides = array<i32>} : memref<4096xi32, #tpu.memory_space<vmem>>, vector<16xi32>,
        %swap3A = arith.constant 0 : index
        %swap3A_562 = tpu.vector_load %arg13[%swap3A] {strides = array<i32>} : memref<128xi32, #tpu.memory_space<vmem>>, vector<16xi32>,
        tpu.vector_store %arg13[%swap3A], %get3A_561 {strides = array<i32>} : memref<128xi32, #tpu.memory_space<vmem>>, vector<16xi32>,
        %add3A_563 = arith.constant 0 : i32
        %add3A_564 = vector.broadcast %add3A_563 : i32 to vector<16xi32>
        %add3A_565 = arith.addi %iota3A, %add3A_564 : vector<16xi32>
        tpu.vector_store_idx %arg11[%get3A_561, %add3A_565], %broadcast_in_dim3A_15 : memref<82x128xf32, #tpu.memory_space<vmem>>[vector<16xi32>, vector<16xi32>], vector<16xf32>,
        %mul3A_566 = arith.constant 128 : i32
        %mul3A_567 = arith.muli %and3A_476, %mul3A_566 : i32
        %add3A_568 = arith.constant 16 : i32
        %add3A_569 = arith.addi %mul3A_567, %add3A_568 : i32
        %get3A_570 = arith.index_cast %add3A_569 : i32 to index
        %get3A_571 = tpu.vector_load %arg5[%get3A_570] {strides = array<i32>} : memref<4096xi32, #tpu.memory_space<vmem>>, vector<16xi32>,
        %swap3A_572 = arith.constant 16 : index
        %swap3A_573 = tpu.vector_load %arg13[%swap3A_572] {strides = array<i32>} : memref<128xi32, #tpu.memory_space<vmem>>, vector<16xi32>,
        tpu.vector_store %arg13[%swap3A_572], %get3A_571 {strides = array<i32>} : memref<128xi32, #tpu.memory_space<vmem>>, vector<16xi32>,
        %add3A_574 = arith.constant 16 : i32
        %add3A_575 = vector.broadcast %add3A_574 : i32 to vector<16xi32>
        %add3A_576 = arith.addi %iota3A, %add3A_575 : vector<16xi32>
        tpu.vector_store_idx %arg11[%get3A_571, %add3A_576], %broadcast_in_dim3A_15 : memref<82x128xf32, #tpu.memory_space<vmem>>[vector<16xi32>, vector<16xi32>], vector<16xf32>,
        %mul3A_577 = arith.constant 128 : i32
        %mul3A_578 = arith.muli %and3A_476, %mul3A_577 : i32
        %add3A_579 = arith.constant 32 : i32
        %add3A_580 = arith.addi %mul3A_578, %add3A_579 : i32
        %get3A_581 = arith.index_cast %add3A_580 : i32 to index
        %get3A_582 = tpu.vector_load %arg5[%get3A_581] {strides = array<i32>} : memref<4096xi32, #tpu.memory_space<vmem>>, vector<16xi32>,
        %swap3A_583 = arith.constant 32 : index
        %swap3A_584 = tpu.vector_load %arg13[%swap3A_583] {strides = array<i32>} : memref<128xi32, #tpu.memory_space<vmem>>, vector<16xi32>,
        tpu.vector_store %arg13[%swap3A_583], %get3A_582 {strides = array<i32>} : memref<128xi32, #tpu.memory_space<vmem>>, vector<16xi32>,
        %add3A_585 = arith.constant 32 : i32
        %add3A_586 = vector.broadcast %add3A_585 : i32 to vector<16xi32>
        %add3A_587 = arith.addi %iota3A, %add3A_586 : vector<16xi32>
        tpu.vector_store_idx %arg11[%get3A_582, %add3A_587], %broadcast_in_dim3A_15 : memref<82x128xf32, #tpu.memory_space<vmem>>[vector<16xi32>, vector<16xi32>], vector<16xf32>,
        %mul3A_588 = arith.constant 128 : i32
        %mul3A_589 = arith.muli %and3A_476, %mul3A_588 : i32
        %add3A_590 = arith.constant 48 : i32
        %add3A_591 = arith.addi %mul3A_589, %add3A_590 : i32
        %get3A_592 = arith.index_cast %add3A_591 : i32 to index
        %get3A_593 = tpu.vector_load %arg5[%get3A_592] {strides = array<i32>} : memref<4096xi32, #tpu.memory_space<vmem>>, vector<16xi32>,
        %swap3A_594 = arith.constant 48 : index
        %swap3A_595 = tpu.vector_load %arg13[%swap3A_594] {strides = array<i32>} : memref<128xi32, #tpu.memory_space<vmem>>, vector<16xi32>,
        tpu.vector_store %arg13[%swap3A_594], %get3A_593 {strides = array<i32>} : memref<128xi32, #tpu.memory_space<vmem>>, vector<16xi32>,
        %add3A_596 = arith.constant 48 : i32
        %add3A_597 = vector.broadcast %add3A_596 : i32 to vector<16xi32>
        %add3A_598 = arith.addi %iota3A, %add3A_597 : vector<16xi32>
        tpu.vector_store_idx %arg11[%get3A_593, %add3A_598], %broadcast_in_dim3A_15 : memref<82x128xf32, #tpu.memory_space<vmem>>[vector<16xi32>, vector<16xi32>], vector<16xf32>,
        %mul3A_599 = arith.constant 128 : i32
        %mul3A_600 = arith.muli %and3A_476, %mul3A_599 : i32
        %add3A_601 = arith.constant 64 : i32
        %add3A_602 = arith.addi %mul3A_600, %add3A_601 : i32
        %get3A_603 = arith.index_cast %add3A_602 : i32 to index
        %get3A_604 = tpu.vector_load %arg5[%get3A_603] {strides = array<i32>} : memref<4096xi32, #tpu.memory_space<vmem>>, vector<16xi32>,
        %swap3A_605 = arith.constant 64 : index
        %swap3A_606 = tpu.vector_load %arg13[%swap3A_605] {strides = array<i32>} : memref<128xi32, #tpu.memory_space<vmem>>, vector<16xi32>,
        tpu.vector_store %arg13[%swap3A_605], %get3A_604 {strides = array<i32>} : memref<128xi32, #tpu.memory_space<vmem>>, vector<16xi32>,
        %add3A_607 = arith.constant 64 : i32
        %add3A_608 = vector.broadcast %add3A_607 : i32 to vector<16xi32>
        %add3A_609 = arith.addi %iota3A, %add3A_608 : vector<16xi32>
        tpu.vector_store_idx %arg11[%get3A_604, %add3A_609], %broadcast_in_dim3A_15 : memref<82x128xf32, #tpu.memory_space<vmem>>[vector<16xi32>, vector<16xi32>], vector<16xf32>,
        %mul3A_610 = arith.constant 128 : i32
        %mul3A_611 = arith.muli %and3A_476, %mul3A_610 : i32
        %add3A_612 = arith.constant 80 : i32
        %add3A_613 = arith.addi %mul3A_611, %add3A_612 : i32
        %get3A_614 = arith.index_cast %add3A_613 : i32 to index
        %get3A_615 = tpu.vector_load %arg5[%get3A_614] {strides = array<i32>} : memref<4096xi32, #tpu.memory_space<vmem>>, vector<16xi32>,
        %swap3A_616 = arith.constant 80 : index
        %swap3A_617 = tpu.vector_load %arg13[%swap3A_616] {strides = array<i32>} : memref<128xi32, #tpu.memory_space<vmem>>, vector<16xi32>,
        tpu.vector_store %arg13[%swap3A_616], %get3A_615 {strides = array<i32>} : memref<128xi32, #tpu.memory_space<vmem>>, vector<16xi32>,
        %add3A_618 = arith.constant 80 : i32
        %add3A_619 = vector.broadcast %add3A_618 : i32 to vector<16xi32>
        %add3A_620 = arith.addi %iota3A, %add3A_619 : vector<16xi32>
        tpu.vector_store_idx %arg11[%get3A_615, %add3A_620], %broadcast_in_dim3A_15 : memref<82x128xf32, #tpu.memory_space<vmem>>[vector<16xi32>, vector<16xi32>], vector<16xf32>,
        %mul3A_621 = arith.constant 128 : i32
        %mul3A_622 = arith.muli %and3A_476, %mul3A_621 : i32
        %add3A_623 = arith.constant 96 : i32
        %add3A_624 = arith.addi %mul3A_622, %add3A_623 : i32
        %get3A_625 = arith.index_cast %add3A_624 : i32 to index
        %get3A_626 = tpu.vector_load %arg5[%get3A_625] {strides = array<i32>} : memref<4096xi32, #tpu.memory_space<vmem>>, vector<16xi32>,
        %swap3A_627 = arith.constant 96 : index
        %swap3A_628 = tpu.vector_load %arg13[%swap3A_627] {strides = array<i32>} : memref<128xi32, #tpu.memory_space<vmem>>, vector<16xi32>,
        tpu.vector_store %arg13[%swap3A_627], %get3A_626 {strides = array<i32>} : memref<128xi32, #tpu.memory_space<vmem>>, vector<16xi32>,
        %add3A_629 = arith.constant 96 : i32
        %add3A_630 = vector.broadcast %add3A_629 : i32 to vector<16xi32>
        %add3A_631 = arith.addi %iota3A, %add3A_630 : vector<16xi32>
        tpu.vector_store_idx %arg11[%get3A_626, %add3A_631], %broadcast_in_dim3A_15 : memref<82x128xf32, #tpu.memory_space<vmem>>[vector<16xi32>, vector<16xi32>], vector<16xf32>,
        %mul3A_632 = arith.constant 128 : i32
        %mul3A_633 = arith.muli %and3A_476, %mul3A_632 : i32
        %add3A_634 = arith.constant 112 : i32
        %add3A_635 = arith.addi %mul3A_633, %add3A_634 : i32
        %get3A_636 = arith.index_cast %add3A_635 : i32 to index
        %get3A_637 = tpu.vector_load %arg5[%get3A_636] {strides = array<i32>} : memref<4096xi32, #tpu.memory_space<vmem>>, vector<16xi32>,
        %swap3A_638 = arith.constant 112 : index
        %swap3A_639 = tpu.vector_load %arg13[%swap3A_638] {strides = array<i32>} : memref<128xi32, #tpu.memory_space<vmem>>, vector<16xi32>,
        tpu.vector_store %arg13[%swap3A_638], %get3A_637 {strides = array<i32>} : memref<128xi32, #tpu.memory_space<vmem>>, vector<16xi32>,
        %add3A_640 = arith.constant 112 : i32
        %add3A_641 = vector.broadcast %add3A_640 : i32 to vector<16xi32>
        %add3A_642 = arith.addi %iota3A, %add3A_641 : vector<16xi32>
        tpu.vector_store_idx %arg11[%get3A_637, %add3A_642], %broadcast_in_dim3A_15 : memref<82x128xf32, #tpu.memory_space<vmem>>[vector<16xi32>, vector<16xi32>], vector<16xf32>,
        %mul3A_643 = arith.constant 128 : i32
        %mul3A_644 = arith.muli %and3A_476, %mul3A_643 : i32
        %dma_start3A_645 = arith.constant 96 : i32
        %dma_start3A_646 = tpu.memref_slice %arg4[%add3A_477, %dma_start3A_645, %mul3A_644] : memref<92x178x4096xf32, #tpu.memory_space<hbm>> -> memref<1x82x128xf32, #tpu.memory_space<hbm>>
        %dma_start3A_647 = tpu.memref_squeeze %dma_start3A_646 : memref<1x82x128xf32, #tpu.memory_space<hbm>> -> memref<82x128xf32, #tpu.memory_space<hbm>>
        %dma_start3A_648 = arith.constant 96 : i32
        %dma_start3A_649 = tpu.memref_slice %arg4[%add3A_477, %dma_start3A_648, %mul3A_644] : memref<92x178x4096xf32, #tpu.memory_space<hbm>> -> memref<1x82x128xf32, #tpu.memory_space<hbm>>
        %dma_start3A_650 = tpu.memref_squeeze %dma_start3A_649 : memref<1x82x128xf32, #tpu.memory_space<hbm>> -> memref<82x128xf32, #tpu.memory_space<hbm>>
        tpu.enqueue_dma source(%arg11 : memref<82x128xf32, #tpu.memory_space<vmem>>) target(%dma_start3A_650 : memref<82x128xf32, #tpu.memory_space<hbm>>) target_semaphore(%arg23 : memref<!tpu.dma_semaphore, #tpu.memory_space<semaphore_mem>>)
        %mul3A_651 = arith.constant 128 : i32
        %mul3A_652 = arith.muli %and3A_476, %mul3A_651 : i32
        %dma_wait3A_653 = arith.constant 0 : i32
        %dma_wait3A_654 = tpu.memref_slice %arg2[%select_n3A_519, %select_n3A_535, %dma_wait3A_653, %mul3A_652] : memref<10x10x96x4096xf32, #tpu.memory_space<hbm>> -> memref<1x1x96x128xf32, #tpu.memory_space<hbm>>
        %dma_wait3A_655 = tpu.memref_squeeze %dma_wait3A_654 : memref<1x1x96x128xf32, #tpu.memory_space<hbm>> -> memref<96x128xf32, #tpu.memory_space<hbm>>
        %dma_wait3A_656 = arith.constant 0 : i32
        %dma_wait3A_657 = tpu.memref_slice %arg2[%select_n3A_519, %select_n3A_535, %dma_wait3A_656, %mul3A_652] : memref<10x10x96x4096xf32, #tpu.memory_space<hbm>> -> memref<1x1x96x128xf32, #tpu.memory_space<hbm>>
        %dma_wait3A_658 = tpu.memref_squeeze %dma_wait3A_657 : memref<1x1x96x128xf32, #tpu.memory_space<hbm>> -> memref<96x128xf32, #tpu.memory_space<hbm>>
        tpu.wait_dma2 semaphore(%arg17 : memref<!tpu.dma_semaphore, #tpu.memory_space<semaphore_mem>>) src(%dma_wait3A_658 : memref<96x128xf32, #tpu.memory_space<hbm>>) dst(%arg9 : memref<96x128xf32, #tpu.memory_space<vmem>>)
        %mul3A_659 = arith.constant 128 : i32
        %mul3A_660 = arith.muli %and3A_476, %mul3A_659 : i32
        %dma_start3A_661 = arith.constant 0 : i32
        %dma_start3A_662 = tpu.memref_slice %arg4[%add3A_477, %dma_start3A_661, %mul3A_660] : memref<92x178x4096xf32, #tpu.memory_space<hbm>> -> memref<1x96x128xf32, #tpu.memory_space<hbm>>
        %dma_start3A_663 = tpu.memref_squeeze %dma_start3A_662 : memref<1x96x128xf32, #tpu.memory_space<hbm>> -> memref<96x128xf32, #tpu.memory_space<hbm>>
        %dma_start3A_664 = arith.constant 0 : i32
        %dma_start3A_665 = tpu.memref_slice %arg4[%add3A_477, %dma_start3A_664, %mul3A_660] : memref<92x178x4096xf32, #tpu.memory_space<hbm>> -> memref<1x96x128xf32, #tpu.memory_space<hbm>>
        %dma_start3A_666 = tpu.memref_squeeze %dma_start3A_665 : memref<1x96x128xf32, #tpu.memory_space<hbm>> -> memref<96x128xf32, #tpu.memory_space<hbm>>
        tpu.enqueue_dma source(%arg9 : memref<96x128xf32, #tpu.memory_space<vmem>>) target(%dma_start3A_666 : memref<96x128xf32, #tpu.memory_space<hbm>>) target_semaphore(%arg21 : memref<!tpu.dma_semaphore, #tpu.memory_space<semaphore_mem>>)
      } else {
      }
      %while3A_540 = arith.constant 0 : i32
      scf.yield %while3A_540 : i32
    }
    %dma_wait3A = arith.constant 0 : i32
    %dma_wait3A_202 = arith.constant 0 : i32
    %dma_wait3A_203 = arith.constant 0 : i32
    %dma_wait3A_204 = tpu.memref_slice %arg4[%dma_wait3A, %dma_wait3A_202, %dma_wait3A_203] : memref<92x178x4096xf32, #tpu.memory_space<hbm>> -> memref<1x96x128xf32, #tpu.memory_space<hbm>>
    %dma_wait3A_205 = tpu.memref_squeeze %dma_wait3A_204 : memref<1x96x128xf32, #tpu.memory_space<hbm>> -> memref<96x128xf32, #tpu.memory_space<hbm>>
    %dma_wait3A_206 = arith.constant 0 : i32
    %dma_wait3A_207 = arith.constant 0 : i32
    %dma_wait3A_208 = tpu.memref_slice %arg4[%dma_wait3A, %dma_wait3A_206, %dma_wait3A_207] : memref<92x178x4096xf32, #tpu.memory_space<hbm>> -> memref<1x96x128xf32, #tpu.memory_space<hbm>>
    %dma_wait3A_209 = tpu.memref_squeeze %dma_wait3A_208 : memref<1x96x128xf32, #tpu.memory_space<hbm>> -> memref<96x128xf32, #tpu.memory_space<hbm>>
    tpu.wait_dma2 semaphore(%arg18 : memref<!tpu.dma_semaphore, #tpu.memory_space<semaphore_mem>>) src(%arg6 : memref<96x128xf32, #tpu.memory_space<vmem>>) dst(%dma_wait3A_209 : memref<96x128xf32, #tpu.memory_space<hbm>>)
    %dma_wait3A_210 = arith.constant 0 : i32
    %dma_wait3A_211 = arith.constant 0 : i32
    %dma_wait3A_212 = arith.constant 0 : i32
    %dma_wait3A_213 = tpu.memref_slice %arg4[%dma_wait3A_210, %dma_wait3A_211, %dma_wait3A_212] : memref<92x178x4096xf32, #tpu.memory_space<hbm>> -> memref<1x96x128xf32, #tpu.memory_space<hbm>>
    %dma_wait3A_214 = tpu.memref_squeeze %dma_wait3A_213 : memref<1x96x128xf32, #tpu.memory_space<hbm>> -> memref<96x128xf32, #tpu.memory_space<hbm>>
    %dma_wait3A_215 = arith.constant 0 : i32
    %dma_wait3A_216 = arith.constant 0 : i32
    %dma_wait3A_217 = tpu.memref_slice %arg4[%dma_wait3A_210, %dma_wait3A_215, %dma_wait3A_216] : memref<92x178x4096xf32, #tpu.memory_space<hbm>> -> memref<1x96x128xf32, #tpu.memory_space<hbm>>
    %dma_wait3A_218 = tpu.memref_squeeze %dma_wait3A_217 : memref<1x96x128xf32, #tpu.memory_space<hbm>> -> memref<96x128xf32, #tpu.memory_space<hbm>>
    tpu.wait_dma2 semaphore(%arg19 : memref<!tpu.dma_semaphore, #tpu.memory_space<semaphore_mem>>) src(%arg7 : memref<96x128xf32, #tpu.memory_space<vmem>>) dst(%dma_wait3A_218 : memref<96x128xf32, #tpu.memory_space<hbm>>)
    %dma_wait3A_219 = arith.constant 0 : i32
    %dma_wait3A_220 = arith.constant 0 : i32
    %dma_wait3A_221 = arith.constant 0 : i32
    %dma_wait3A_222 = tpu.memref_slice %arg4[%dma_wait3A_219, %dma_wait3A_220, %dma_wait3A_221] : memref<92x178x4096xf32, #tpu.memory_space<hbm>> -> memref<1x96x128xf32, #tpu.memory_space<hbm>>
    %dma_wait3A_223 = tpu.memref_squeeze %dma_wait3A_222 : memref<1x96x128xf32, #tpu.memory_space<hbm>> -> memref<96x128xf32, #tpu.memory_space<hbm>>
    %dma_wait3A_224 = arith.constant 0 : i32
    %dma_wait3A_225 = arith.constant 0 : i32
    %dma_wait3A_226 = tpu.memref_slice %arg4[%dma_wait3A_219, %dma_wait3A_224, %dma_wait3A_225] : memref<92x178x4096xf32, #tpu.memory_space<hbm>> -> memref<1x96x128xf32, #tpu.memory_space<hbm>>
    %dma_wait3A_227 = tpu.memref_squeeze %dma_wait3A_226 : memref<1x96x128xf32, #tpu.memory_space<hbm>> -> memref<96x128xf32, #tpu.memory_space<hbm>>
    tpu.wait_dma2 semaphore(%arg20 : memref<!tpu.dma_semaphore, #tpu.memory_space<semaphore_mem>>) src(%arg8 : memref<96x128xf32, #tpu.memory_space<vmem>>) dst(%dma_wait3A_227 : memref<96x128xf32, #tpu.memory_space<hbm>>)
    %dma_wait3A_228 = arith.constant 0 : i32
    %dma_wait3A_229 = arith.constant 0 : i32
    %dma_wait3A_230 = arith.constant 0 : i32
    %dma_wait3A_231 = tpu.memref_slice %arg4[%dma_wait3A_228, %dma_wait3A_229, %dma_wait3A_230] : memref<92x178x4096xf32, #tpu.memory_space<hbm>> -> memref<1x96x128xf32, #tpu.memory_space<hbm>>
    %dma_wait3A_232 = tpu.memref_squeeze %dma_wait3A_231 : memref<1x96x128xf32, #tpu.memory_space<hbm>> -> memref<96x128xf32, #tpu.memory_space<hbm>>
    %dma_wait3A_233 = arith.constant 0 : i32
    %dma_wait3A_234 = arith.constant 0 : i32
    %dma_wait3A_235 = tpu.memref_slice %arg4[%dma_wait3A_228, %dma_wait3A_233, %dma_wait3A_234] : memref<92x178x4096xf32, #tpu.memory_space<hbm>> -> memref<1x96x128xf32, #tpu.memory_space<hbm>>
    %dma_wait3A_236 = tpu.memref_squeeze %dma_wait3A_235 : memref<1x96x128xf32, #tpu.memory_space<hbm>> -> memref<96x128xf32, #tpu.memory_space<hbm>>
    tpu.wait_dma2 semaphore(%arg21 : memref<!tpu.dma_semaphore, #tpu.memory_space<semaphore_mem>>) src(%arg9 : memref<96x128xf32, #tpu.memory_space<vmem>>) dst(%dma_wait3A_236 : memref<96x128xf32, #tpu.memory_space<hbm>>)
    %dma_wait3A_237 = arith.constant 0 : i32
    %dma_wait3A_238 = arith.constant 96 : i32
    %dma_wait3A_239 = arith.constant 0 : i32
    %dma_wait3A_240 = tpu.memref_slice %arg4[%dma_wait3A_237, %dma_wait3A_238, %dma_wait3A_239] : memref<92x178x4096xf32, #tpu.memory_space<hbm>> -> memref<1x82x128xf32, #tpu.memory_space<hbm>>
    %dma_wait3A_241 = tpu.memref_squeeze %dma_wait3A_240 : memref<1x82x128xf32, #tpu.memory_space<hbm>> -> memref<82x128xf32, #tpu.memory_space<hbm>>
    %dma_wait3A_242 = arith.constant 96 : i32
    %dma_wait3A_243 = arith.constant 0 : i32
    %dma_wait3A_244 = tpu.memref_slice %arg4[%dma_wait3A_237, %dma_wait3A_242, %dma_wait3A_243] : memref<92x178x4096xf32, #tpu.memory_space<hbm>> -> memref<1x82x128xf32, #tpu.memory_space<hbm>>
    %dma_wait3A_245 = tpu.memref_squeeze %dma_wait3A_244 : memref<1x82x128xf32, #tpu.memory_space<hbm>> -> memref<82x128xf32, #tpu.memory_space<hbm>>
    tpu.wait_dma2 semaphore(%arg22 : memref<!tpu.dma_semaphore, #tpu.memory_space<semaphore_mem>>) src(%arg10 : memref<82x128xf32, #tpu.memory_space<vmem>>) dst(%dma_wait3A_245 : memref<82x128xf32, #tpu.memory_space<hbm>>)
    %dma_wait3A_246 = arith.constant 0 : i32
    %dma_wait3A_247 = arith.constant 96 : i32
    %dma_wait3A_248 = arith.constant 0 : i32
    %dma_wait3A_249 = tpu.memref_slice %arg4[%dma_wait3A_246, %dma_wait3A_247, %dma_wait3A_248] : memref<92x178x4096xf32, #tpu.memory_space<hbm>> -> memref<1x82x128xf32, #tpu.memory_space<hbm>>
    %dma_wait3A_250 = tpu.memref_squeeze %dma_wait3A_249 : memref<1x82x128xf32, #tpu.memory_space<hbm>> -> memref<82x128xf32, #tpu.memory_space<hbm>>
    %dma_wait3A_251 = arith.constant 96 : i32
    %dma_wait3A_252 = arith.constant 0 : i32
    %dma_wait3A_253 = tpu.memref_slice %arg4[%dma_wait3A_246, %dma_wait3A_251, %dma_wait3A_252] : memref<92x178x4096xf32, #tpu.memory_space<hbm>> -> memref<1x82x128xf32, #tpu.memory_space<hbm>>
    %dma_wait3A_254 = tpu.memref_squeeze %dma_wait3A_253 : memref<1x82x128xf32, #tpu.memory_space<hbm>> -> memref<82x128xf32, #tpu.memory_space<hbm>>
    tpu.wait_dma2 semaphore(%arg23 : memref<!tpu.dma_semaphore, #tpu.memory_space<semaphore_mem>>) src(%arg11 : memref<82x128xf32, #tpu.memory_space<vmem>>) dst(%dma_wait3A_254 : memref<82x128xf32, #tpu.memory_space<hbm>>)
    return
  }
}

</mosaic_0001>

<sc_bundles>
// kernel: kernel.3.cloned.1.call-start
scs
__scs_entry_jumppad:
0x0: {  	(pc) =	sbr.rel $0x88, $3  }
0x1: {  	(tag) =	ssettag $0x0;
	lr =	simm.s32 $0x1  }
0x2: {  	[smem:$0x3F9F] =	sst lr;
	_ =	strace $0xD0000000  }
0x3: {  	_ = 	snop  }
0x4: {  	_ = 	snop  }
0x5: {  	_ = 	snop  }
0x6: {  	_ = 	snop  }
0x7: {  	_ = 	snop  }
__scs_overlays_trampoline_lowered:
0x8: {  	[smem:$0x3FAE] =	sst s0  }
0x9: {  	[smem:$0x3FAF] =	sst s1  }
0xa: {  	[smem:$0x3FB0] =	sst s2  }
0xb: {  	[smem:$0x3FB1] =	sst s3  }
0xc: {  	[smem:$0x3FB2] =	sst s4  }
0xd: {  	[smem:$0x3FB3] =	sst s5  }
0xe: {  	[smem:$0x3FB4] =	sst s6  }
0xf: {  	[smem:$0x3FB5] =	sst s7  }
0x10: {  	[smem:$0x3FB6] =	sst s8  }
0x11: {  	[smem:$0x3FB7] =	sst s9;
	s0 =	simm.s32 @!p0 $0x0  }
0x12: {  	s1 =	sld [smem:$0x3F9D];
	s0 =	simm.s32 @p0 $0x1  }
0x13: {  	[smem:$0x3FB8] =	sst s0;
	s0 =	simm.s32 @!p1 $0x0  }
0x14: {  	s2 =	sld [smem:$0x3F9C];
	s0 =	simm.s32 @p1 $0x1  }
0x15: {  	[smem:$0x3FB9] =	sst s0;
	s0 =	simm.s32 @!p2 $0x0  }
0x16: {  	s3 =	sld [smem:$0x3FDB];
	s0 =	simm.s32 @p2 $0x1  }
0x17: {  	s4 =	simm.s32 $0x1BF5;
	[smem:$0x3FBB] =	sst s0  }
0x18: {  	s0 =	sld [smem:$0x3F9E];
	_ =	swait.ge [sflag:s4], $0x0  }
0x19: {  	s7 =	sld [smem:$0x3F9F]  }
0x1a: {  	s8 =	sadd.s32 $0xFFFFE003, lr  }
0x1b: {  	s9 =	sadd.s32 $0xFFFFFEF7, lr;
	s5 =	simm.s32 $0xFFFFFFFF;
	p2 =	slt.u32 s8, $0xFFFFF086  }
0x1c: {  	p1 =	slt.u32 s9, $0xF7A;
	s5 =	simm.s32 @!p2 $0x0  }
0x1d: {  	s5 =	simm.s32 @p1 $0x1;
	p0 =	seq.s32 s7, s2  }
0x1e: {  	s7 =	smul.u32 @!p0 $0xF7A, s2;
	p2 =	seq.s32 @!p0 s5, $0x0  }
0x1f: {  	s9 =	smul.u32 $0xF7A, s1;
	s8 =	simm.s32 @!p0 $0x1BF5;
	p2 =	por !p2, p0  }
0x20: {  	[sflag:s8] =	ssyncset.s32 @!p0 $0xFFFFF086;
	s6 =	sadd.s32 @!p0 s3, s7;
	s7 =	simm.s32 @!p0 $0x108  }
0x21: {  	s3 =	sadd.s32 s3, s9;
	s6 =	sadd.s32 @!p0 $0x88, s6;
	s7 =	simm.s32 @p2 $0x1082  }
0x22: {  	[simem:s7], [sflag:s8] =	dma.local @!p0 [hbm:s6], $0xF7A  }
0x23: {  	s9 =	sor.u32 $0xD0000000, s2;
	s6 =	simm.s32 $0x108;
	_ =	swait.ge @!p0 [sflag:s8], $0x0  }
0x24: {  	s3 =	sadd.s32 $0x88, s3;
	s6 =	simm.s32 @!p1 $0x1082;
	[sflag:s4] =	ssyncset.s32 $0xFFFFF086  }
0x25: {  	[simem:s6], [sflag:s4] =	dma.local [hbm:s3], $0xF7A  }
0x26: {  	[smem:$0x3F9F] =	sst s1;
	(tag) =	ssettag s2;
	_ =	strace s9  }
0x27: {  	s1 =	sld [smem:$0x3FAF]  }
0x28: {  	s2 =	sld [smem:$0x3FB0]  }
0x29: {  	s4 =	sld [smem:$0x3FB2]  }
0x2a: {  	p0 =	seq.s32 s5, $0x0;
	s5 =	sld [smem:$0x3FB3]  }
0x2b: {  	s6 =	sld [smem:$0x3FB4]  }
0x2c: {  	s7 =	sld [smem:$0x3FB5]  }
0x2d: {  	s3 =	simm.s32 $0x108;
	s8 =	sld [smem:$0x3FB6]  }
0x2e: {  	s3 =	simm.s32 @!p0 $0x1082;
	s9 =	sld [smem:$0x3FB7]  }
0x2f: {  	lr =	sadd.s32 s0, s3;
	s0 =	sld [smem:$0x3FAE]  }
0x30: {  	s3 =	sld [smem:$0x3FB1]  }
0x31: {  	[smem:$0x3FBA] =	sst s10  }
0x32: {  	s10 =	sld [smem:$0x3FB8];
	_ =	sdelay $0x3  }
0x33: {  	p0 =	seq.s32 s10, $0x1;
	s10 =	sld [smem:$0x3FBA];
	_ =	sdelay $0x3  }
0x34: {  	[smem:$0x3FBA] =	sst s10  }
0x35: {  	s10 =	sld [smem:$0x3FB9];
	_ =	sdelay $0x3  }
0x36: {  	p1 =	seq.s32 s10, $0x1;
	s10 =	sld [smem:$0x3FBA];
	_ =	sdelay $0x3  }
0x37: {  	[smem:$0x3FBA] =	sst s10  }
0x38: {  	s10 =	sld [smem:$0x3FBB]  }
0x39: {  	_ = 	snop;
	(pc) =	sbr.ind lr, $3  }
0x3a: {  	_ = 	snop  }
0x3b: {  	_ = 	snop  }
0x3c: {  	p2 =	seq.s32 s10, $0x1;
	s10 =	sld [smem:$0x3FBA]  }
0x3d: {  	_ =	shalt  }
0x3e: {  	_ =	shalt  }
0x3f: {  	_ =	shalt  }
0x40: {  	_ =	shalt  }
0x41: {  	_ =	shalt  }
0x42: {  	_ =	shalt  }
0x43: {  	_ =	shalt  }
0x44: {  	_ =	shalt  }
0x45: {  	_ =	shalt  }
0x46: {  	_ =	shalt  }
0x47: {  	_ =	shalt  }
0x48: {  	_ =	shalt  }
0x49: {  	_ =	shalt  }
0x4a: {  	_ =	shalt  }
0x4b: {  	_ =	shalt  }
0x4c: {  	_ =	shalt  }
0x4d: {  	_ =	shalt  }
0x4e: {  	_ =	shalt  }
0x4f: {  	_ =	shalt  }
0x50: {  	_ =	shalt  }
0x51: {  	_ =	shalt  }
0x52: {  	_ =	shalt  }
0x53: {  	_ =	shalt  }
0x54: {  	_ =	shalt  }
0x55: {  	_ =	shalt  }
0x56: {  	_ =	shalt  }
0x57: {  	_ =	shalt  }
0x58: {  	_ =	shalt  }
0x59: {  	_ =	shalt  }
0x5a: {  	_ =	shalt  }
0x5b: {  	_ =	shalt  }
0x5c: {  	_ =	shalt  }
0x5d: {  	_ =	shalt  }
0x5e: {  	_ =	shalt  }
0x5f: {  	_ =	shalt  }
0x60: {  	_ =	shalt  }
0x61: {  	_ =	shalt  }
0x62: {  	_ =	shalt  }
0x63: {  	_ =	shalt  }
0x64: {  	_ =	shalt  }
0x65: {  	_ =	shalt  }
0x66: {  	_ =	shalt  }
0x67: {  	_ =	shalt  }
0x68: {  	_ =	shalt  }
0x69: {  	_ =	shalt  }
0x6a: {  	_ =	shalt  }
0x6b: {  	_ =	shalt  }
0x6c: {  	_ =	shalt  }
0x6d: {  	_ =	shalt  }
0x6e: {  	_ =	shalt  }
0x6f: {  	_ =	shalt  }
0x70: {  	_ =	shalt  }
0x71: {  	_ =	shalt  }
0x72: {  	_ =	shalt  }
0x73: {  	_ =	shalt  }
0x74: {  	_ =	shalt  }
0x75: {  	_ =	shalt  }
0x76: {  	_ =	shalt  }
0x77: {  	_ =	shalt  }
0x78: {  	_ =	shalt  }
0x79: {  	_ =	shalt  }
0x7a: {  	_ =	shalt  }
0x7b: {  	_ =	shalt  }
0x7c: {  	_ =	shalt  }
0x7d: {  	_ =	shalt  }
0x7e: {  	_ =	shalt  }
0x7f: {  	_ =	shalt  }
0x80: {  	_ =	shalt  }
0x81: {  	_ =	shalt  }
0x82: {  	_ =	shalt  }
0x83: {  	_ =	shalt  }
0x84: {  	_ =	shalt  }
0x85: {  	_ =	shalt  }
0x86: {  	_ =	shalt  }
0x87: {  	_ =	shalt  }
.Lfunc_end0:
.L_simem_size_0:
called_computation_lowered:
.L_overlay_start_0:
0x88: {  	s2 =	sld [smem:$0x3FD9]  }
0x89: {  	s3 =	sld [smem:$0x3FFE];
	_ =	sdelay $0x1  }
0x8a: {  	s1 =	srdreg.scid  }
0x8b: {  	s0 =	sand.u32 $0x1, s1  }
0x8c: {  	s18 =	sshll.u32 s0, $0xA;
	s2 =	sadd.s32 s3, s2  }
0x8d: {  	s2 =	sadd.s32 s2, s18  }
0x8e: {  	[smem:$0x3FC6] =	sst s2  }
0x8f: {  	_ = 	snop  }
0x90: {  	s2 =	sld [smem:$0x3FC9]  }
0x91: {  	s19 =	sld [smem:$0x3FC8]  }
0x92: {  	s4 =	sld [smem:$0x3FD0];
	(tm) =	ssettm $0x1  }
0x93: {  	s5 =	sld [smem:$0x3FFB];
	_ =	sdelay $0x3  }
0x94: {  	_ =	strace s5  }
0x95: {  	s5 =	sld [smem:$0x3FFC];
	_ =	sdelay $0x3  }
0x96: {  	_ =	strace s5  }
0x97: {  	s5 =	sld [smem:$0x3FFD];
	_ =	sdelay $0x3  }
0x98: {  	_ =	strace s5  }
0x99: {  	_ =	strace $0x8FFFFFFF  }
0x9a: {  	s20 =	sld [smem:$0x3FDB];
	_ =	sdelay $0x1  }
0x9b: {  	s6 =	simm.s32 $_scs_section_size  }
0x9c: {  	s7 =	simm.s32 $_size__tile_overlayer_lowered;
	s8 =	simm.s32 $_tile_overlayer_lowered  }
0x9d: {  	s23 =	simm.s32 $0x1BFF;
	s22 =	sshll.u32 s8, $0x1;
	s5 =	sadd.s32 s6, s20  }
0x9e: {  	s9 =	simm.s32 $0x0;
	s21 =	sshll.u32 s7, $0x1;
	s7 =	sadd.s32 s22, s5  }
0x9f: {  	[timem:s9], [sflag:s23] =	dma.local [hbm:s7], s21  }
0xa0: {  	_ =	swait.ge [sflag:s23], s21  }
0xa1: {  	s6 =	ssub.s32 $0x0, s21;
	[sflag:s23] =	ssyncset.done $0x0  }
0xa2: {  	[sflag:s23] =	ssyncadd.s32 s6;
	_ =	sdelay $0x1  }
0xa3: {  	s24 =	simm.s32 $0x1B8B  }
0xa4: {  	_ =	swait.ge [sflag:s24], $0x1  }
0xa5: {  	[sflag:s24] =	ssyncset.done $0x0  }
0xa6: {  	s25 =	simm.s32 $0x1B8E;
	[sflag:s24] =	ssyncadd.s32 $0xFFFFFFFF  }
0xa7: {  	s26 =	simm.s32 $execute0_lowered;
	[smem:$0x3FD2] =	sst s25  }
0xa8: {  	s6 =	sshll.u32 s26, $0x1;
	_ =	strace $0x80000046;
	[dreg:$0x1] =	wrdreg $0xFFFFFFFF  }
0xa9: {  	s28 =	simm.s32 $_size_execute0_lowered;
	s5 =	sadd.s32 s5, s6;
	[dreg:$0x0] =	wrdreg $0x0  }
0xaa: {  	s6 =	sshll.u32 s28, $0x1;
	[dreg:$0x2] =	wrdreg s5  }
0xab: {  	[dreg:$0x3] =	wrdreg s6  }
0xac: {  	[dreg:$0x4] =	wrdreg $0xC0  }
0xad: {  	_ =	task [dreg:s9], $0x5FFFF  }
0xae: {  	[dreg:$0x1] =	wrdreg $0xFFFFFFFF  }
0xaf: {  	[dreg:$0x0] =	wrdreg $0x60  }
0xb0: {  	[dreg:$0x2] =	wrdreg s2  }
0xb1: {  	[dreg:$0x3] =	wrdreg s19  }
0xb2: {  	[dreg:$0x4] =	wrdreg s4  }
0xb3: {  	[dreg:$0x5] =	wrdreg $0x9  }
0xb4: {  	_ =	task.clear_ibuf [dreg:s9], $0x6FFFF;
	_ =	strace $0x90000046  }
0xb5: {  	s29 =	simm.s32 $0x9;
	_ =	strace $0x80000048  }
0xb6: {  	_ =	swait.ge [sflag:s29], $0x1  }
0xb7: {  	[sflag:s29] =	ssyncadd.s32 $0xFFFFFFFF  }
0xb8: {  	_ =	strace $0x90000048  }
0xb9: {  	_ =	sfence  }
0xba: {  	s30 =	sld [smem:$0x0];
	_ =	sdelay $0x2  }
0xbb: {  	s31 =	sshll.u32 s1, $0xD;
	s1 =	sshrl.u32 s1, $0x2  }
0xbc: {  	s3 =	sand.u32 $0x4000, s31;
	s1 =	sadd.s32 s1, s30  }
0xbd: {  	s0 =	sor.u32 s3, s0;
	s1 =	sshll.u32 s1, $0x11  }
0xbe: {  	s0 =	sor.u32 s1, s0  }
0xbf: {  	s0 =	sadd.s32 $0x8F2B, s0  }
0xc0: {  	[sflag:s0] =	ssyncadd.remote.s32 $0x1  }
0xc1: {  	_ =	sfence.sel $0xFFFF  }
0xc2: {  	[dreg:$0x0] =	wrdreg $0xFFFFFFFF;
	(pc) =	sbr.abs _section_cstart, $3  }
0xc3: {  	[dreg:$0x1] =	wrdreg $0xFFFFFFFF  }
0xc4: {  	_ =	task.clear_ibuf [dreg:s9], $0x2FFFF;
	_ =	strace $0x9FFFFFFF  }
0xc5: {  	(tm) =	ssettm $0x7FFFFFFF  }
tec
execute0_lowered:
.L_overlay_start_1:
0x0: {  	(tag) =	ssettag $0x1  }
0x1: {  	s0 =	srdreg.scid;
	s3 =	stileid.u32  }
0x2: {  	s0 =	sand.u32 $0x1, s0;
	s1 =	sshll.u32 s3, $0x1  }
0x3: {  	s1 =	sor.u32 s0, s1  }
0x4: {  	s2 =	smul.u32 $0x3, s1;
	s1 =	sshll.u32 s1, $0x1  }
0x5: {  	p0 =	slt.u32 s3, $0xE;
	s1 =	sadd.s32 $0x1C, s1  }
0x6: {  	s3 =	simm.s32 $0x1;
	s1 =	smov.u32 @p0 s2  }
0x7: {  	s2 =	simm.s32 $0x1;
	p1 =	sgt.u32 s1, $0x29;
	p2 =	sgt.u32 s1, $0x2B  }
0x8: {  	s2 =	simm.s32 @!p1 $0x0;
	s3 =	simm.s32 @!p2 $0x0  }
0x9: {  	p1 =	sgt.u32 s1, $0x2F;
	s2 =	sadd.s32 s3, s2;
	s3 =	simm.s32 $0x1  }
0xa: {  	s4 =	simm.s32 $0x1;
	s3 =	simm.s32 @!p1 $0x0;
	p1 =	sgt.u32 s1, $0x31  }
0xb: {  	s4 =	simm.s32 @!p1 $0x0;
	s2 =	sadd.s32 s3, s2  }
0xc: {  	s2 =	sadd.s32 s4, s2  }
0xd: {  	s2 =	sshll.u32 s2, $0x1  }
0xe: {  	s2 =	sadd.s32 s1, s2  }
0xf: {  	s31 =	sand.u32 $0xFF, s2  }
0x10: {  	s9 =	simm.s32 $0x1;
	s13 =	simm.s32 $0xD000;
	s3 =	smul.u32 $0xCD, s31  }
0x11: {  	s14 =	simm.s32 $0xFC00;
	s15 =	simm.s32 $0x400;
	s16 =	simm.s32 $0x8000  }
0x12: {  	s17 =	simm.s32 $0x1000;
	s18 =	simm.s32 $0x4000;
	s6 =	sshrl.u32 s3, $0xB  }
0x13: {  	s19 =	simm.s32 $0xF800;
	s20 =	simm.s32 $0x12400;
	s5 =	smul.u32 $0xA, s6  }
0x14: {  	s21 =	simm.s32 $0x2;
	s22 =	simm.s32 $0x9;
	s23 =	simm.s32 $0x3  }
0x15: {  	s25 =	simm.s32 $0xA;
	s0 =	ssub.s32 $0x2, s0;
	s2 =	ssub.s32 s2, s5  }
0x16: {  	s8 =	sshrl.u32 s0, $0x1;
	s7 =	smul.u32 $0x3C0000, s6;
	s2 =	sand.u32 $0xFF, s2  }
0x17: {  	s26 =	simm.s32 $0x4;
	s0 =	ssub.s32 s0, s8;
	s2 =	smul.u32 $0x60000, s2  }
0x18: {  	s0 =	smax.u32 s0, $0x1;
	s3 =	rddreg [dreg:$0x0];
	s6 =	simm.s32 $0x0  }
.Ltmp0:
0x19: {  	[smem:$0x7FF] =	sst s6;
	s2 =	sadd.s32 s2, s7;
	(pc) =	sbr.rel .LBB2_1-.Ltmp0, $4  }
0x1a: {  	v0 =	vlaneseq.u32;
	s5 =	rddreg [dreg:$0x2];
	_ =	strace $0x80000047;
	s2 =	sshrl.u32 s2, $0x3  }
0x1b: {  	v1 =	vimm.f32 $0.0e+00;
	v9 =	vimm.f32 $1.000000000e+00;
	v2 =	vor.u32 $0x10, v0;
	[dreg:$0x6] =	wrdreg s0;
	s7 =	simm.s32 $0x60;
	s2 =	sadd.s32 s3, s2  }
0x1c: {  	v3 =	vor.u32 $0x20, v0;
	v4 =	vor.u32 $0x30, v0;
	v5 =	vor.u32 $0x40, v0;
	s7 =	simm.s32 @!p0 $0x40;
	[dreg:$0x4] =	wrdreg s2;
	s2 =	sadd.s32 $0x80, s2  }
0x1d: {  	v6 =	vor.u32 $0x50, v0;
	v7 =	vor.u32 $0x60, v0;
	v8 =	vor.u32 $0x70, v0;
	s12 =	sshll.u32 s7, $0x7;
	[dreg:$0x5] =	wrdreg s2;
	s2 =	simm.s32 $0x0  }
.LBB2_15:
0x1e: {  	s0 =	simm.s32 $0x5  }
0x1f: {  	_ =	swait.ge [sflag:s0], $0x3000  }
0x20: {  	[sflag:s0] =	ssyncset.done $0x0  }
0x21: {  	s28 =	simm.s32 $0x6;
	[sflag:s0] =	ssyncadd.s32 $0xFFFFD000  }
0x22: {  	_ =	swait.ge [sflag:s28], $0x3000  }
0x23: {  	[sflag:s28] =	ssyncset.done $0x0  }
0x24: {  	s29 =	simm.s32 $0x7;
	[sflag:s28] =	ssyncadd.s32 $0xFFFFD000  }
0x25: {  	_ =	swait.ge [sflag:s29], $0x3000  }
0x26: {  	[sflag:s29] =	ssyncset.done $0x0  }
0x27: {  	s30 =	simm.s32 $0x8;
	[sflag:s29] =	ssyncadd.s32 $0xFFFFD000  }
0x28: {  	_ =	swait.ge [sflag:s30], $0x3000  }
0x29: {  	[sflag:s30] =	ssyncset.done $0x0  }
0x2a: {  	[sflag:s30] =	ssyncadd.s32 $0xFFFFD000  }
0x2b: {  	_ =	swait.ge [sflag:s22], $0x2900  }
0x2c: {  	[sflag:s22] =	ssyncset.done $0x0  }
0x2d: {  	[sflag:s22] =	ssyncadd.s32 $0xFFFFD700  }
0x2e: {  	_ =	swait.ge [sflag:s25], $0x2900  }
0x2f: {  	s2 =	rddreg [dreg:$0x7]  }
0x30: {  	s31 =	rddreg [dreg:$0x6];
	s2 =	sadd.s32 $0x1, s2  }
0x31: {  	p0 =	sne.s32 s2, s31  }
.Ltmp1:
0x32: {  	_ = 	snop;
	(pc) =	sbr.rel @!p0 .LBB2_16-.Ltmp1, $3  }
0x33: {  	_ =	sdelay $0x1  }
0x34: {  	[sflag:s25] =	ssyncset.done $0x0  }
0x35: {  	[sflag:s25] =	ssyncadd.s32 $0xFFFFD700  }
.LBB2_1:
0x36: {  	s8 =	simm.s32 $0x0  }
0x37: {  	v12 =	vor.u32 s8, v0;
	_ =	sdelay $0x1  }
0x38: {  	v15 =	vor.u32 s8, v2  }
0x39: {  	v13 =	vor.u32 s8, v3  }
0x3a: {  	v11 =	vor.u32 s8, v4  }
0x3b: {  	[tilespmem:v12+s13+$0x0] =	vst.idx.msk $0xffff, v1;
	v12 =	vor.u32 s8, v5  }
0x3c: {  	v14 =	vor.u32 s8, v6  }
0x3d: {  	[dreg:$0x7] =	wrdreg s2;
	s2 =	simm.s32 $0x1;
	v10 =	vor.u32 s8, v8;
	[tilespmem:v15+s13+$0x0] =	vst.idx.msk $0xffff, v1;
	v15 =	vor.u32 s8, v7  }
.LBB2_2:
0x3e: {  	s8 =	sshll.u32 s2, $0x7;
	p0 =	sne.s32 s2, $0x51;
	s2 =	sadd.s32 $0x1, s2;
	[tilespmem:v13+s13+$0x0] =	vst.idx.msk $0xffff, v1  }
0x3f: {  	v16 =	vor.u32 s8, v0;
	v17 =	vor.u32 s8, v8;
	[tilespmem:v11+s13+$0x0] =	vst.idx.msk $0xffff, v1  }
0x40: {  	v18 =	vor.u32 s8, v2;
	[tilespmem:v12+s13+$0x0] =	vst.idx.msk $0xffff, v1  }
.Ltmp2:
0x41: {  	v13 =	vor.u32 s8, v3;
	[tilespmem:v14+s13+$0x0] =	vst.idx.msk $0xffff, v1;
	(pc) =	sbr.rel @p0 .LBB2_2-.Ltmp2, $4  }
0x42: {  	v11 =	vor.u32 s8, v4;
	[tilespmem:v15+s13+$0x0] =	vst.idx.msk $0xffff, v1  }
0x43: {  	v12 =	vor.u32 s8, v5;
	[tilespmem:v10+s13+$0x0] =	vst.idx.msk $0xffff, v1;
	v10 =	vmov v17  }
0x44: {  	v14 =	vor.u32 s8, v6;
	[tilespmem:v16+s13+$0x0] =	vst.idx.msk $0xffff, v1  }
0x45: {  	v15 =	vor.u32 s8, v7;
	[tilespmem:v18+s13+$0x0] =	vst.idx.msk $0xffff, v1  }
0x46: {  	_ =	sdelay $0x3  }
0x47: {  	[tilespmem:v13+s13+$0x0] =	vst.idx.msk $0xffff, v1;
	s8 =	simm.s32 $0x0  }
0x48: {  	[tilespmem:v11+s13+$0x0] =	vst.idx.msk $0xffff, v1;
	v13 =	vor.u32 s8, v0  }
0x49: {  	[tilespmem:v12+s13+$0x0] =	vst.idx.msk $0xffff, v1  }
0x4a: {  	v16 =	vor.u32 s8, v2;
	[tilespmem:v14+s13+$0x0] =	vst.idx.msk $0xffff, v1  }
0x4b: {  	v12 =	vor.u32 s8, v3;
	[tilespmem:v15+s13+$0x0] =	vst.idx.msk $0xffff, v1  }
0x4c: {  	v11 =	vor.u32 s8, v4;
	[tilespmem:v10+s13+$0x0] =	vst.idx.msk $0xffff, v1  }
0x4d: {  	[tilespmem:v13+s14+$0x0] =	vst.idx.msk $0xffff, v1;
	v13 =	vor.u32 s8, v5  }
0x4e: {  	v14 =	vor.u32 s8, v6  }
0x4f: {  	s2 =	simm.s32 $0x1;
	v15 =	vor.u32 s8, v7;
	v10 =	vor.u32 s8, v8;
	[tilespmem:v16+s14+$0x0] =	vst.idx.msk $0xffff, v1  }
.LBB2_4:
0x50: {  	s8 =	sshll.u32 s2, $0x7;
	p0 =	sne.s32 s2, $0x51;
	s2 =	sadd.s32 $0x1, s2;
	[tilespmem:v12+s14+$0x0] =	vst.idx.msk $0xffff, v1  }
0x51: {  	v16 =	vor.u32 s8, v0;
	v17 =	vor.u32 s8, v8;
	[tilespmem:v11+s14+$0x0] =	vst.idx.msk $0xffff, v1  }
0x52: {  	v18 =	vor.u32 s8, v2;
	[tilespmem:v13+s14+$0x0] =	vst.idx.msk $0xffff, v1  }
.Ltmp3:
0x53: {  	v12 =	vor.u32 s8, v3;
	[tilespmem:v14+s14+$0x0] =	vst.idx.msk $0xffff, v1;
	(pc) =	sbr.rel @p0 .LBB2_4-.Ltmp3, $4  }
0x54: {  	v11 =	vor.u32 s8, v4;
	[tilespmem:v15+s14+$0x0] =	vst.idx.msk $0xffff, v1  }
0x55: {  	v13 =	vor.u32 s8, v5;
	[tilespmem:v10+s14+$0x0] =	vst.idx.msk $0xffff, v1;
	v10 =	vmov v17  }
0x56: {  	v14 =	vor.u32 s8, v6;
	[tilespmem:v16+s14+$0x0] =	vst.idx.msk $0xffff, v1  }
0x57: {  	v15 =	vor.u32 s8, v7;
	[tilespmem:v18+s14+$0x0] =	vst.idx.msk $0xffff, v1  }
0x58: {  	_ =	sdelay $0x3  }
0x59: {  	[tilespmem:v12+s14+$0x0] =	vst.idx.msk $0xffff, v1  }
0x5a: {  	[tilespmem:v11+s14+$0x0] =	vst.idx.msk $0xffff, v1  }
0x5b: {  	[tilespmem:v13+s14+$0x0] =	vst.idx.msk $0xffff, v1  }
0x5c: {  	[tilespmem:v14+s14+$0x0] =	vst.idx.msk $0xffff, v1  }
.Ltmp4:
0x5d: {  	s0 =	rddreg [dreg:$0x4];
	[tilespmem:v15+s14+$0x0] =	vst.idx.msk $0xffff, v1;
	(pc) =	sbr.rel .LBB2_6-.Ltmp4, $4  }
0x5e: {  	s31 =	rddreg [dreg:$0x5];
	[tilespmem:v10+s14+$0x0] =	vst.idx.msk $0xffff, v1  }
0x5f: {  	[tilespmem:s17], [sflag:$0x1] =	stream.strided.gather [hbm4b:s0+s15], $0x3000, s16, s15, $0x38;
	[tilespmem:$0x12900] =	vst v63  }
0x60: {  	s10 =	simm.s32 $0x0;
	s11 =	simm.s32 $0x2;
	s8 =	simm.s32 $0x1400  }
0x61: {  	[tilespmem:s18], [sflag:$0x2] =	stream.strided.gather [hbm4b:s31+s15], $0x3000, s16, s15, $0x38;
	[tilespmem:$0x12900] =	vst v63  }
.LBB2_14:
0x62: {  	s10 =	sadd.s32 $0x200, s10  }
0x63: {  	p0 =	sne.s32 s12, s10  }
.Ltmp5:
0x64: {  	_ = 	snop;
	(pc) =	sbr.rel @!p0 .LBB2_15-.Ltmp5, $2  }
0x65: {  	_ =	sdelay $0x2  }
0x66: {  	s11 =	sadd.s32 $0x4, s11;
	s8 =	sadd.s32 $0x1000, s8  }
.LBB2_6:
0x67: {  	s2 =	sadd.s32 $0xFFFFFFFE, s11  }
0x68: {  	s29 =	sshrl.u32 s2, $0x5  }
0x69: {  	s30 =	simm.s32 $0x1;
	s29 =	sadd.s32 s1, s29  }
0x6a: {  	s31 =	simm.s32 $0x1;
	p0 =	sgt.u32 s29, $0x29;
	p1 =	sgt.u32 s29, $0x2B  }
0x6b: {  	s30 =	simm.s32 @!p0 $0x0;
	s31 =	simm.s32 @!p1 $0x0  }
0x6c: {  	p0 =	sgt.u32 s29, $0x2F;
	s30 =	sadd.s32 s31, s30;
	s31 =	simm.s32 $0x1  }
0x6d: {  	s0 =	simm.s32 $0x1;
	s31 =	simm.s32 @!p0 $0x0;
	p0 =	sgt.u32 s29, $0x31  }
0x6e: {  	s30 =	sadd.s32 s31, s30;
	s0 =	simm.s32 @!p0 $0x0  }
0x6f: {  	s0 =	sadd.s32 s0, s30  }
0x70: {  	s0 =	sshll.u32 s0, $0x1  }
0x71: {  	s0 =	sadd.s32 s29, s0  }
0x72: {  	p0 =	sge.u32 s2, s7;
	s30 =	smulhi.u32 $0x1999999A, s0  }
.Ltmp6:
0x73: {  	_ = 	snop;
	(pc) =	sbr.rel @p0 .LBB2_8-.Ltmp6, $3  }
0x74: {  	_ = 	snop  }
0x75: {  	s31 =	smul.u32 $0xA, s30;
	_ =	sdelay $0x1  }
0x76: {  	s31 =	ssub.s32 s0, s31  }
0x77: {  	s2 =	sand.u32 $0x1C, s2  }
0x78: {  	p0 =	sne.s32 s2, $0x0  }
0x79: {  	s0 =	sshll.u32 @!p0 s31, $0xC  }
0x7a: {  	s4 =	sshll.u32 @!p0 s30, $0x10;
	s24 =	sshll.u32 @!p0 s31, $0x7;
	s0 =	sand.u32 @!p0 $0x8000, s0  }
0x7b: {  	s0 =	sor.u32 @!p0 s4, s0;
	s4 =	sand.u32 @!p0 $0x380, s24  }
0x7c: {  	s0 =	sor.u32 @!p0 s4, s0  }
0x7d: {  	s28 =	simm.s32 @!p0 $0x0;
	s4 =	rddreg [dreg:$0x1];
	s0 =	sshrl.u32 @!p0 s0, $0x3  }
0x7e: {  	s24 =	simm.s32 @!p0 $0x400;
	s0 =	sadd.s32 @!p0 s4, s0;
	s4 =	simm.s32 @!p0 $0x80  }
0x7f: {  	[tilespmem:s28], [sflag:$0xB] =	stream.strided.gather @!p0 [hbm4b:s0+s4], $0x1000, s24, s4, $0x38;
	[tilespmem:$0x12900] =	vst v63  }
0x80: {  	s0 =	simm.s32 @!p0 $0xB  }
0x81: {  	p1 =	sge.u32 s11, s7;
	_ =	swait.ge @!p0 [sflag:s0], $0x1000  }
0x82: {  	p2 =	seq.s32 @!p1 s11, $0x2;
	s4 =	smul.u32 @!p1 $0x3C0000, s30;
	[sflag:s0] =	ssyncset.done @!p0 $0x0  }
0x83: {  	s24 =	smul.u32 @!p1 $0x60000, s31;
	[sflag:s0] =	ssyncadd.s32 @!p0 $0xFFFFF000;
	p0 =	por p2, p1  }
0x84: {  	s0 =	sadd.s32 @!p1 $0xFFFFF400, s8;
	s28 =	simm.s32 @!p0 $0x7  }
0x85: {  	s4 =	sadd.s32 @!p1 s24, s4;
	s0 =	sand.u32 @!p1 $0x7800, s0;
	_ =	swait.ge @!p0 [sflag:s28], $0x3000  }
0x86: {  	s24 =	simm.s32 @!p1 $0x8000;
	s0 =	sor.u32 @!p1 s0, s4;
	[sflag:s28] =	ssyncset.done @!p0 $0x0  }
0x87: {  	s4 =	simm.s32 @!p1 $0x400;
	s0 =	sshrl.u32 @!p1 s0, $0x3;
	[sflag:s28] =	ssyncadd.s32 @!p0 $0xFFFFD000  }
0x88: {  	s0 =	sadd.s32 @!p1 s3, s0;
	s28 =	simm.s32 @!p1 $0x7000;
	p0 =	seq.s32 s11, $0x2  }
0x89: {  	[tilespmem:s28], [sflag:$0x3] =	stream.strided.gather @!p1 [hbm4b:s0+s4], $0x3000, s24, s4, $0x38;
	[tilespmem:$0x12900] =	vst v63  }
0x8a: {  	s0 =	simm.s32 @!p0 $0x9  }
0x8b: {  	_ =	swait.ge @!p0 [sflag:s0], $0x2900  }
0x8c: {  	[sflag:s0] =	ssyncset.done @!p0 $0x0  }
0x8d: {  	[sflag:s0] =	ssyncadd.s32 @!p0 $0xFFFFD700  }
0x8e: {  	v10 =	vld @!p0 [tilespmem:$0x12800];
	_ =	sdelay $0x4  }
0x8f: {  	v11 =	vlaneseq.u32 @!p0;
	v10 =	vshll.u32 @!p0 v10, $0x7  }
0x90: {  	v10 =	vor.u32 @!p0 v11, v10;
	_ =	sdelay $0x3  }
0x91: {  	v12 =	vimm.f32 @!p0 $0.0e+00;
	s0 =	simm.s32 @!p0 $0xD000  }
0x92: {  	[tilespmem:v10+s0+$0x0] =	vst.idx.msk @!p0 $0xffff, v12  }
0x93: {  	v10 =	vld @!p0 [tilespmem:$0x12810];
	_ =	sdelay $0x4  }
0x94: {  	v13 =	vor.u32 @!p0 $0x10, v11;
	v10 =	vshll.u32 @!p0 v10, $0x7  }
0x95: {  	v10 =	vor.u32 @!p0 v13, v10;
	_ =	sdelay $0x4  }
0x96: {  	[tilespmem:v10+s0+$0x0] =	vst.idx.msk @!p0 $0xffff, v12  }
0x97: {  	v10 =	vld @!p0 [tilespmem:$0x12820];
	_ =	sdelay $0x4  }
0x98: {  	v13 =	vor.u32 @!p0 $0x20, v11;
	v10 =	vshll.u32 @!p0 v10, $0x7  }
0x99: {  	v10 =	vor.u32 @!p0 v13, v10;
	_ =	sdelay $0x4  }
0x9a: {  	[tilespmem:v10+s0+$0x0] =	vst.idx.msk @!p0 $0xffff, v12  }
0x9b: {  	v10 =	vld @!p0 [tilespmem:$0x12830];
	_ =	sdelay $0x4  }
0x9c: {  	v13 =	vor.u32 @!p0 $0x30, v11;
	v10 =	vshll.u32 @!p0 v10, $0x7  }
0x9d: {  	v10 =	vor.u32 @!p0 v13, v10;
	_ =	sdelay $0x4  }
0x9e: {  	[tilespmem:v10+s0+$0x0] =	vst.idx.msk @!p0 $0xffff, v12  }
0x9f: {  	v10 =	vld @!p0 [tilespmem:$0x12840];
	_ =	sdelay $0x4  }
0xa0: {  	v13 =	vor.u32 @!p0 $0x40, v11;
	v10 =	vshll.u32 @!p0 v10, $0x7  }
0xa1: {  	v10 =	vor.u32 @!p0 v13, v10;
	_ =	sdelay $0x4  }
0xa2: {  	[tilespmem:v10+s0+$0x0] =	vst.idx.msk @!p0 $0xffff, v12  }
0xa3: {  	v10 =	vld @!p0 [tilespmem:$0x12850];
	_ =	sdelay $0x4  }
0xa4: {  	v13 =	vor.u32 @!p0 $0x50, v11;
	v10 =	vshll.u32 @!p0 v10, $0x7  }
0xa5: {  	v10 =	vor.u32 @!p0 v13, v10;
	_ =	sdelay $0x4  }
0xa6: {  	[tilespmem:v10+s0+$0x0] =	vst.idx.msk @!p0 $0xffff, v12  }
0xa7: {  	v10 =	vld @!p0 [tilespmem:$0x12860];
	_ =	sdelay $0x4  }
0xa8: {  	v13 =	vor.u32 @!p0 $0x60, v11;
	v10 =	vshll.u32 @!p0 v10, $0x7  }
0xa9: {  	v10 =	vor.u32 @!p0 v13, v10;
	_ =	sdelay $0x4  }
0xaa: {  	[tilespmem:v10+s0+$0x0] =	vst.idx.msk @!p0 $0xffff, v12  }
0xab: {  	v10 =	vld @!p0 [tilespmem:$0x12870];
	_ =	sdelay $0x4  }
0xac: {  	v11 =	vor.u32 @!p0 $0x70, v11;
	v10 =	vshll.u32 @!p0 v10, $0x7  }
0xad: {  	v10 =	vor.u32 @!p0 v11, v10;
	_ =	sdelay $0x4  }
0xae: {  	s24 =	sshll.u32 s2, $0x7;
	[tilespmem:v10+s0+$0x0] =	vst.idx.msk @!p0 $0xffff, v12  }
0xaf: {  	v10 =	vld [tilespmem:s24+$0x0];
	_ =	sdelay $0x4  }
0xb0: {  	v11 =	vshll.u32 v10, $0x7  }
0xb1: {  	v11 =	vor.u32 v0, v11;
	_ =	sdelay $0x3  }
0xb2: {  	[tilespmem:$0x12800] =	vst v10  }
0xb3: {  	[tilespmem:v11+s13+$0x0] =	vst.idx.msk $0xffff, v9  }
0xb4: {  	v10 =	vld [tilespmem:s24+$0x10];
	_ =	sdelay $0x4  }
0xb5: {  	v11 =	vshll.u32 v10, $0x7  }
0xb6: {  	v11 =	vor.u32 v2, v11;
	_ =	sdelay $0x3  }
0xb7: {  	[tilespmem:$0x12810] =	vst v10  }
0xb8: {  	[tilespmem:v11+s13+$0x0] =	vst.idx.msk $0xffff, v9  }
0xb9: {  	v10 =	vld [tilespmem:s24+$0x20];
	_ =	sdelay $0x4  }
0xba: {  	v11 =	vshll.u32 v10, $0x7  }
0xbb: {  	v11 =	vor.u32 v3, v11;
	_ =	sdelay $0x3  }
0xbc: {  	[tilespmem:$0x12820] =	vst v10  }
0xbd: {  	[tilespmem:v11+s13+$0x0] =	vst.idx.msk $0xffff, v9  }
0xbe: {  	v10 =	vld [tilespmem:s24+$0x30];
	_ =	sdelay $0x4  }
0xbf: {  	v11 =	vshll.u32 v10, $0x7  }
0xc0: {  	v11 =	vor.u32 v4, v11;
	_ =	sdelay $0x3  }
0xc1: {  	[tilespmem:$0x12830] =	vst v10  }
0xc2: {  	[tilespmem:v11+s13+$0x0] =	vst.idx.msk $0xffff, v9  }
0xc3: {  	v10 =	vld [tilespmem:s24+$0x40];
	_ =	sdelay $0x4  }
0xc4: {  	v11 =	vshll.u32 v10, $0x7  }
0xc5: {  	v11 =	vor.u32 v5, v11;
	_ =	sdelay $0x3  }
0xc6: {  	[tilespmem:$0x12840] =	vst v10  }
0xc7: {  	[tilespmem:v11+s13+$0x0] =	vst.idx.msk $0xffff, v9  }
0xc8: {  	v10 =	vld [tilespmem:s24+$0x50];
	_ =	sdelay $0x4  }
0xc9: {  	v11 =	vshll.u32 v10, $0x7  }
0xca: {  	v11 =	vor.u32 v6, v11;
	_ =	sdelay $0x3  }
0xcb: {  	[tilespmem:$0x12850] =	vst v10  }
0xcc: {  	[tilespmem:v11+s13+$0x0] =	vst.idx.msk $0xffff, v9  }
0xcd: {  	v10 =	vld [tilespmem:s24+$0x60];
	_ =	sdelay $0x4  }
0xce: {  	v11 =	vshll.u32 v10, $0x7  }
0xcf: {  	v11 =	vor.u32 v7, v11;
	_ =	sdelay $0x3  }
0xd0: {  	[tilespmem:$0x12860] =	vst v10  }
0xd1: {  	[tilespmem:v11+s13+$0x0] =	vst.idx.msk $0xffff, v9  }
0xd2: {  	v10 =	vld [tilespmem:s24+$0x70];
	_ =	sdelay $0x4  }
0xd3: {  	v11 =	vshll.u32 v10, $0x7  }
0xd4: {  	s28 =	smul.u32 $0xB8000, s29;
	v11 =	vor.u32 v8, v11  }
0xd5: {  	s2 =	sshll.u32 s2, $0xA  }
0xd6: {  	s0 =	sor.u32 s2, s28  }
0xd7: {  	s2 =	sadd.s32 $0x60000, s0  }
0xd8: {  	s2 =	sshrl.u32 s2, $0x3;
	[tilespmem:$0x12870] =	vst v10  }
0xd9: {  	s2 =	sadd.s32 s5, s2;
	[tilespmem:v11+s13+$0x0] =	vst.idx.msk $0xffff, v9  }
0xda: {  	[hbm4b:s2+s15] =	stream.strided.scatter [tilespmem:s13], [sflag:$0x9], $0x2800, s16, s15, $0x38;
	[tilespmem:$0x12900] =	vst v63  }
0xdb: {  	s2 =	sadd.s32 $0xA000, s2  }
0xdc: {  	[hbm4b:s2+s6] =	stream.linear.scatter [tilespmem:s19], [sflag:$0x9], $0x100, $0x38;
	[tilespmem:$0x12900] =	vst v63  }
0xdd: {  	_ =	swait.ge [sflag:s9], $0x3000  }
0xde: {  	s0 =	sshrl.u32 s0, $0x3;
	[sflag:s9] =	ssyncset.done $0x0  }
0xdf: {  	s0 =	sadd.s32 s5, s0;
	[sflag:s9] =	ssyncadd.s32 $0xFFFFD000  }
0xe0: {  	[hbm4b:s0+s15] =	stream.strided.scatter [tilespmem:s17], [sflag:$0x5], $0x3000, s16, s15, $0x38;
	[tilespmem:$0x12900] =	vst v63  }
.LBB2_8:
0xe1: {  	s0 =	sadd.s32 $0xFFFFFFFF, s11  }
0xe2: {  	p1 =	sge.u32 s0, s7  }
.Ltmp7:
0xe3: {  	_ = 	snop;
	(pc) =	sbr.rel @p1 .LBB2_10-.Ltmp7, $3  }
0xe4: {  	_ =	sdelay $0x1  }
0xe5: {  	s28 =	sadd.s32 $0x1, s11  }
0xe6: {  	p0 =	sge.u32 s28, s7  }
0xe7: {  	s0 =	smul.u32 @!p0 $0x3C0000, s30;
	p1 =	seq.s32 @!p0 s11, $0x2  }
0xe8: {  	s2 =	smul.u32 @!p0 $0x60000, s31;
	p1 =	por p1, p0  }
0xe9: {  	s4 =	sadd.s32 @!p0 $0xFFFFF800, s8;
	s24 =	simm.s32 @!p1 $0x8  }
0xea: {  	s0 =	sadd.s32 @!p0 s2, s0;
	s2 =	sand.u32 @!p0 $0x7C00, s4;
	_ =	swait.ge @!p1 [sflag:s24], $0x3000  }
0xeb: {  	s4 =	simm.s32 @!p0 $0x8000;
	s0 =	sor.u32 @!p0 s2, s0;
	[sflag:s24] =	ssyncset.done @!p1 $0x0  }
0xec: {  	s2 =	simm.s32 @!p0 $0x400;
	s0 =	sshrl.u32 @!p0 s0, $0x3;
	[sflag:s24] =	ssyncadd.s32 @!p1 $0xFFFFD000  }
0xed: {  	s0 =	sadd.s32 @!p0 s3, s0;
	s24 =	simm.s32 @!p0 $0xA000;
	p1 =	seq.s32 s11, $0x2  }
0xee: {  	[tilespmem:s24], [sflag:$0x4] =	stream.strided.gather @!p0 [hbm4b:s0+s2], $0x3000, s4, s2, $0x38;
	[tilespmem:$0x12900] =	vst v63  }
0xef: {  	s0 =	simm.s32 @!p1 $0xA  }
0xf0: {  	_ =	swait.ge @!p1 [sflag:s0], $0x2900  }
0xf1: {  	[sflag:s0] =	ssyncset.done @!p1 $0x0  }
0xf2: {  	[sflag:s0] =	ssyncadd.s32 @!p1 $0xFFFFD700  }
0xf3: {  	v10 =	vld @!p1 [tilespmem:$0x12880];
	_ =	sdelay $0x4  }
0xf4: {  	v11 =	vlaneseq.u32 @!p1;
	v10 =	vshll.u32 @!p1 v10, $0x7  }
0xf5: {  	v10 =	vor.u32 @!p1 v11, v10;
	_ =	sdelay $0x3  }
0xf6: {  	v12 =	vimm.f32 @!p1 $0.0e+00;
	s0 =	simm.s32 @!p1 $0xFC00  }
0xf7: {  	[tilespmem:v10+s0+$0x0] =	vst.idx.msk @!p1 $0xffff, v12  }
0xf8: {  	v10 =	vld @!p1 [tilespmem:$0x12890];
	_ =	sdelay $0x4  }
0xf9: {  	v13 =	vor.u32 @!p1 $0x10, v11;
	v10 =	vshll.u32 @!p1 v10, $0x7  }
0xfa: {  	v10 =	vor.u32 @!p1 v13, v10;
	_ =	sdelay $0x4  }
0xfb: {  	[tilespmem:v10+s0+$0x0] =	vst.idx.msk @!p1 $0xffff, v12  }
0xfc: {  	v10 =	vld @!p1 [tilespmem:$0x128A0];
	_ =	sdelay $0x4  }
0xfd: {  	v13 =	vor.u32 @!p1 $0x20, v11;
	v10 =	vshll.u32 @!p1 v10, $0x7  }
0xfe: {  	v10 =	vor.u32 @!p1 v13, v10;
	_ =	sdelay $0x4  }
0xff: {  	[tilespmem:v10+s0+$0x0] =	vst.idx.msk @!p1 $0xffff, v12  }
0x100: {  	v10 =	vld @!p1 [tilespmem:$0x128B0];
	_ =	sdelay $0x4  }
0x101: {  	v13 =	vor.u32 @!p1 $0x30, v11;
	v10 =	vshll.u32 @!p1 v10, $0x7  }
0x102: {  	v10 =	vor.u32 @!p1 v13, v10;
	_ =	sdelay $0x4  }
0x103: {  	[tilespmem:v10+s0+$0x0] =	vst.idx.msk @!p1 $0xffff, v12  }
0x104: {  	v10 =	vld @!p1 [tilespmem:$0x128C0];
	_ =	sdelay $0x4  }
0x105: {  	v13 =	vor.u32 @!p1 $0x40, v11;
	v10 =	vshll.u32 @!p1 v10, $0x7  }
0x106: {  	v10 =	vor.u32 @!p1 v13, v10;
	_ =	sdelay $0x4  }
0x107: {  	[tilespmem:v10+s0+$0x0] =	vst.idx.msk @!p1 $0xffff, v12  }
0x108: {  	v10 =	vld @!p1 [tilespmem:$0x128D0];
	_ =	sdelay $0x4  }
0x109: {  	v13 =	vor.u32 @!p1 $0x50, v11;
	v10 =	vshll.u32 @!p1 v10, $0x7  }
0x10a: {  	v10 =	vor.u32 @!p1 v13, v10;
	_ =	sdelay $0x4  }
0x10b: {  	[tilespmem:v10+s0+$0x0] =	vst.idx.msk @!p1 $0xffff, v12  }
0x10c: {  	v10 =	vld @!p1 [tilespmem:$0x128E0];
	_ =	sdelay $0x4  }
0x10d: {  	v13 =	vor.u32 @!p1 $0x60, v11;
	v10 =	vshll.u32 @!p1 v10, $0x7  }
0x10e: {  	v10 =	vor.u32 @!p1 v13, v10;
	_ =	sdelay $0x4  }
0x10f: {  	[tilespmem:v10+s0+$0x0] =	vst.idx.msk @!p1 $0xffff, v12  }
0x110: {  	v10 =	vld @!p1 [tilespmem:$0x128F0];
	_ =	sdelay $0x4  }
0x111: {  	v11 =	vor.u32 @!p1 $0x70, v11;
	v10 =	vshll.u32 @!p1 v10, $0x7  }
0x112: {  	v10 =	vor.u32 @!p1 v11, v10;
	_ =	sdelay $0x3  }
0x113: {  	s24 =	sadd.s32 $0x80, s10  }
0x114: {  	s28 =	sand.u32 $0xE80, s24;
	[tilespmem:v10+s0+$0x0] =	vst.idx.msk @!p1 $0xffff, v12  }
0x115: {  	v10 =	vld [tilespmem:s28+$0x0];
	_ =	sdelay $0x4  }
0x116: {  	v11 =	vshll.u32 v10, $0x7  }
0x117: {  	v11 =	vor.u32 v0, v11;
	_ =	sdelay $0x3  }
0x118: {  	[tilespmem:$0x12880] =	vst v10  }
0x119: {  	[tilespmem:v11+s14+$0x0] =	vst.idx.msk $0xffff, v9  }
0x11a: {  	v10 =	vld [tilespmem:s28+$0x10];
	_ =	sdelay $0x4  }
0x11b: {  	v11 =	vshll.u32 v10, $0x7  }
0x11c: {  	v11 =	vor.u32 v2, v11;
	_ =	sdelay $0x3  }
0x11d: {  	[tilespmem:$0x12890] =	vst v10  }
0x11e: {  	[tilespmem:v11+s14+$0x0] =	vst.idx.msk $0xffff, v9  }
0x11f: {  	v10 =	vld [tilespmem:s28+$0x20];
	_ =	sdelay $0x4  }
0x120: {  	v11 =	vshll.u32 v10, $0x7  }
0x121: {  	v11 =	vor.u32 v3, v11;
	_ =	sdelay $0x3  }
0x122: {  	[tilespmem:$0x128A0] =	vst v10  }
0x123: {  	[tilespmem:v11+s14+$0x0] =	vst.idx.msk $0xffff, v9  }
0x124: {  	v10 =	vld [tilespmem:s28+$0x30];
	_ =	sdelay $0x4  }
0x125: {  	v11 =	vshll.u32 v10, $0x7  }
0x126: {  	v11 =	vor.u32 v4, v11;
	_ =	sdelay $0x3  }
0x127: {  	[tilespmem:$0x128B0] =	vst v10  }
0x128: {  	[tilespmem:v11+s14+$0x0] =	vst.idx.msk $0xffff, v9  }
0x129: {  	v10 =	vld [tilespmem:s28+$0x40];
	_ =	sdelay $0x4  }
0x12a: {  	v11 =	vshll.u32 v10, $0x7  }
0x12b: {  	v11 =	vor.u32 v5, v11;
	_ =	sdelay $0x3  }
0x12c: {  	[tilespmem:$0x128C0] =	vst v10  }
0x12d: {  	[tilespmem:v11+s14+$0x0] =	vst.idx.msk $0xffff, v9  }
0x12e: {  	v10 =	vld [tilespmem:s28+$0x50];
	_ =	sdelay $0x4  }
0x12f: {  	v11 =	vshll.u32 v10, $0x7  }
0x130: {  	v11 =	vor.u32 v6, v11;
	_ =	sdelay $0x3  }
0x131: {  	[tilespmem:$0x128D0] =	vst v10  }
0x132: {  	[tilespmem:v11+s14+$0x0] =	vst.idx.msk $0xffff, v9  }
0x133: {  	v10 =	vld [tilespmem:s28+$0x60];
	_ =	sdelay $0x4  }
0x134: {  	v11 =	vshll.u32 v10, $0x7  }
0x135: {  	v11 =	vor.u32 v7, v11;
	_ =	sdelay $0x3  }
0x136: {  	[tilespmem:$0x128E0] =	vst v10  }
0x137: {  	[tilespmem:v11+s14+$0x0] =	vst.idx.msk $0xffff, v9  }
0x138: {  	v10 =	vld [tilespmem:s28+$0x70];
	_ =	sdelay $0x4  }
0x139: {  	v11 =	vshll.u32 v10, $0x7  }
0x13a: {  	v11 =	vor.u32 v8, v11  }
0x13b: {  	s30 =	smul.u32 $0xB8000, s29;
	_ =	sdelay $0x1  }
0x13c: {  	s31 =	sadd.s32 $0x60000, s30  }
0x13d: {  	s4 =	sshrl.u32 s31, $0x3;
	s0 =	sadd.s32 s5, s28;
	[tilespmem:$0x128F0] =	vst v10  }
0x13e: {  	s4 =	sadd.s32 s4, s0;
	[tilespmem:v11+s14+$0x0] =	vst.idx.msk $0xffff, v9  }
0x13f: {  	[hbm4b:s4+s15] =	stream.strided.scatter [tilespmem:s14], [sflag:$0xA], $0x2800, s16, s15, $0x38;
	[tilespmem:$0x12900] =	vst v63  }
0x140: {  	s4 =	sadd.s32 $0xA000, s4  }
0x141: {  	[hbm4b:s4+s6] =	stream.linear.scatter [tilespmem:s20], [sflag:$0xA], $0x100, $0x38;
	[tilespmem:$0x12900] =	vst v63  }
0x142: {  	_ =	swait.ge [sflag:s21], $0x3000  }
0x143: {  	s2 =	sshrl.u32 s30, $0x3;
	[sflag:s21] =	ssyncset.done $0x0  }
0x144: {  	s0 =	sadd.s32 s2, s0;
	[sflag:s21] =	ssyncadd.s32 $0xFFFFD000  }
0x145: {  	[hbm4b:s0+s15] =	stream.strided.scatter [tilespmem:s18], [sflag:$0x6], $0x3000, s16, s15, $0x38;
	[tilespmem:$0x12900] =	vst v63  }
.LBB2_10:
0x146: {  	p1 =	sge.u32 s11, s7  }
.Ltmp8:
0x147: {  	_ = 	snop;
	(pc) =	sbr.rel @p1 .LBB2_12-.Ltmp8, $1  }
0x148: {  	_ =	sdelay $0x3  }
0x149: {  	s0 =	sadd.s32 $0x2, s11  }
0x14a: {  	p1 =	sge.u32 s0, s7  }
0x14b: {  	s0 =	sshrl.u32 @!p1 s0, $0x5  }
0x14c: {  	s0 =	sadd.s32 @!p1 s1, s0  }
0x14d: {  	p2 =	sgt.u32 @!p1 s0, $0x29  }
0x14e: {  	s2 =	simm.s32 @!p1 $0x1;
	p3 =	sgt.u32 @!p1 s0, $0x2B;
	p2 =	por !p2, p1  }
0x14f: {  	s2 =	simm.s32 @p2 $0x0;
	p2 =	por !p3, p1;
	p3 =	sgt.u32 @!p1 s0, $0x2F  }
0x150: {  	s4 =	simm.s32 @!p1 $0x1;
	s24 =	simm.s32 @!p1 $0x1;
	p3 =	por !p3, p1  }
0x151: {  	s4 =	simm.s32 @p2 $0x0;
	p2 =	sgt.u32 @!p1 s0, $0x31;
	s24 =	simm.s32 @p3 $0x0  }
0x152: {  	s2 =	sadd.s32 @!p1 s4, s2;
	s4 =	simm.s32 @!p1 $0x1;
	p2 =	por !p2, p1  }
0x153: {  	s2 =	sadd.s32 @!p1 s24, s2;
	s4 =	simm.s32 @p2 $0x0  }
0x154: {  	s2 =	sadd.s32 @!p1 s4, s2  }
0x155: {  	s2 =	sshll.u32 @!p1 s2, $0x1  }
0x156: {  	s0 =	sadd.s32 @!p1 s0, s2  }
0x157: {  	s2 =	smulhi.u32 @!p1 $0x1999999A, s0;
	_ =	sdelay $0x1  }
0x158: {  	s4 =	smul.u32 @!p1 $0xA, s2;
	_ =	sdelay $0x1  }
0x159: {  	s2 =	smul.u32 @!p1 $0x3C0000, s2;
	s0 =	ssub.s32 @!p1 s0, s4  }
0x15a: {  	s0 =	smul.u32 @!p1 $0x60000, s0  }
0x15b: {  	s24 =	simm.s32 @!p1 $0x5;
	s4 =	sadd.s32 @!p1 $0xFFFFFC00, s8  }
0x15c: {  	_ =	swait.ge @!p1 [sflag:s24], $0x3000;
	s0 =	sadd.s32 @!p1 s0, s2;
	s2 =	sand.u32 @!p1 $0x7000, s4  }
0x15d: {  	[sflag:s24] =	ssyncset.done @!p1 $0x0;
	s0 =	sor.u32 @!p1 s2, s0  }
0x15e: {  	[sflag:s24] =	ssyncadd.s32 @!p1 $0xFFFFD000;
	s24 =	simm.s32 @!p1 $0x1000;
	s0 =	sshrl.u32 @!p1 s0, $0x3  }
0x15f: {  	s4 =	simm.s32 @!p1 $0x8000;
	s2 =	simm.s32 @!p1 $0x400;
	s0 =	sadd.s32 @!p1 s3, s0  }
0x160: {  	[tilespmem:s24], [sflag:$0x1] =	stream.strided.gather @!p1 [hbm4b:s0+s2], $0x3000, s4, s2, $0x38;
	[tilespmem:$0x12900] =	vst v63  }
0x161: {  	_ =	swait.ge [sflag:s22], $0x2900  }
0x162: {  	[sflag:s22] =	ssyncset.done $0x0  }
0x163: {  	[sflag:s22] =	ssyncadd.s32 $0xFFFFD700  }
0x164: {  	v10 =	vld [tilespmem:$0x12800];
	_ =	sdelay $0x4  }
0x165: {  	v10 =	vshll.u32 v10, $0x7  }
0x166: {  	v10 =	vor.u32 v0, v10;
	_ =	sdelay $0x4  }
0x167: {  	[tilespmem:v10+s13+$0x0] =	vst.idx.msk $0xffff, v1  }
0x168: {  	v10 =	vld [tilespmem:$0x12810];
	_ =	sdelay $0x4  }
0x169: {  	v10 =	vshll.u32 v10, $0x7  }
0x16a: {  	v10 =	vor.u32 v2, v10;
	_ =	sdelay $0x4  }
0x16b: {  	[tilespmem:v10+s13+$0x0] =	vst.idx.msk $0xffff, v1  }
0x16c: {  	v10 =	vld [tilespmem:$0x12820];
	_ =	sdelay $0x4  }
0x16d: {  	v10 =	vshll.u32 v10, $0x7  }
0x16e: {  	v10 =	vor.u32 v3, v10;
	_ =	sdelay $0x4  }
0x16f: {  	[tilespmem:v10+s13+$0x0] =	vst.idx.msk $0xffff, v1  }
0x170: {  	v10 =	vld [tilespmem:$0x12830];
	_ =	sdelay $0x4  }
0x171: {  	v10 =	vshll.u32 v10, $0x7  }
0x172: {  	v10 =	vor.u32 v4, v10;
	_ =	sdelay $0x4  }
0x173: {  	[tilespmem:v10+s13+$0x0] =	vst.idx.msk $0xffff, v1  }
0x174: {  	v10 =	vld [tilespmem:$0x12840];
	_ =	sdelay $0x4  }
0x175: {  	v10 =	vshll.u32 v10, $0x7  }
0x176: {  	v10 =	vor.u32 v5, v10;
	_ =	sdelay $0x4  }
0x177: {  	[tilespmem:v10+s13+$0x0] =	vst.idx.msk $0xffff, v1  }
0x178: {  	v10 =	vld [tilespmem:$0x12850];
	_ =	sdelay $0x4  }
0x179: {  	v10 =	vshll.u32 v10, $0x7  }
0x17a: {  	v10 =	vor.u32 v6, v10;
	_ =	sdelay $0x4  }
0x17b: {  	[tilespmem:v10+s13+$0x0] =	vst.idx.msk $0xffff, v1  }
0x17c: {  	v10 =	vld [tilespmem:$0x12860];
	_ =	sdelay $0x4  }
0x17d: {  	v10 =	vshll.u32 v10, $0x7  }
0x17e: {  	v10 =	vor.u32 v7, v10;
	_ =	sdelay $0x4  }
0x17f: {  	[tilespmem:v10+s13+$0x0] =	vst.idx.msk $0xffff, v1  }
0x180: {  	v10 =	vld [tilespmem:$0x12870];
	_ =	sdelay $0x4  }
0x181: {  	v10 =	vshll.u32 v10, $0x7  }
0x182: {  	v10 =	vor.u32 v8, v10;
	_ =	sdelay $0x3  }
0x183: {  	s24 =	sadd.s32 $0x100, s10  }
0x184: {  	s0 =	sand.u32 $0xF00, s24;
	[tilespmem:v10+s13+$0x0] =	vst.idx.msk $0xffff, v1  }
0x185: {  	v10 =	vld [tilespmem:s0+$0x0];
	_ =	sdelay $0x4  }
0x186: {  	v11 =	vshll.u32 v10, $0x7  }
0x187: {  	v11 =	vor.u32 v0, v11;
	_ =	sdelay $0x3  }
0x188: {  	[tilespmem:$0x12800] =	vst v10  }
0x189: {  	[tilespmem:v11+s13+$0x0] =	vst.idx.msk $0xffff, v9  }
0x18a: {  	v10 =	vld [tilespmem:s0+$0x10];
	_ =	sdelay $0x4  }
0x18b: {  	v11 =	vshll.u32 v10, $0x7  }
0x18c: {  	v11 =	vor.u32 v2, v11;
	_ =	sdelay $0x3  }
0x18d: {  	[tilespmem:$0x12810] =	vst v10  }
0x18e: {  	[tilespmem:v11+s13+$0x0] =	vst.idx.msk $0xffff, v9  }
0x18f: {  	v10 =	vld [tilespmem:s0+$0x20];
	_ =	sdelay $0x4  }
0x190: {  	v11 =	vshll.u32 v10, $0x7  }
0x191: {  	v11 =	vor.u32 v3, v11;
	_ =	sdelay $0x3  }
0x192: {  	[tilespmem:$0x12820] =	vst v10  }
0x193: {  	[tilespmem:v11+s13+$0x0] =	vst.idx.msk $0xffff, v9  }
0x194: {  	v10 =	vld [tilespmem:s0+$0x30];
	_ =	sdelay $0x4  }
0x195: {  	v11 =	vshll.u32 v10, $0x7  }
0x196: {  	v11 =	vor.u32 v4, v11;
	_ =	sdelay $0x3  }
0x197: {  	[tilespmem:$0x12830] =	vst v10  }
0x198: {  	[tilespmem:v11+s13+$0x0] =	vst.idx.msk $0xffff, v9  }
0x199: {  	v10 =	vld [tilespmem:s0+$0x40];
	_ =	sdelay $0x4  }
0x19a: {  	v11 =	vshll.u32 v10, $0x7  }
0x19b: {  	v11 =	vor.u32 v5, v11;
	_ =	sdelay $0x3  }
0x19c: {  	[tilespmem:$0x12840] =	vst v10  }
0x19d: {  	[tilespmem:v11+s13+$0x0] =	vst.idx.msk $0xffff, v9  }
0x19e: {  	v10 =	vld [tilespmem:s0+$0x50];
	_ =	sdelay $0x4  }
0x19f: {  	v11 =	vshll.u32 v10, $0x7  }
0x1a0: {  	v11 =	vor.u32 v6, v11;
	_ =	sdelay $0x3  }
0x1a1: {  	[tilespmem:$0x12850] =	vst v10  }
0x1a2: {  	[tilespmem:v11+s13+$0x0] =	vst.idx.msk $0xffff, v9  }
0x1a3: {  	v10 =	vld [tilespmem:s0+$0x60];
	_ =	sdelay $0x4  }
0x1a4: {  	v11 =	vshll.u32 v10, $0x7  }
0x1a5: {  	v11 =	vor.u32 v7, v11;
	_ =	sdelay $0x3  }
0x1a6: {  	[tilespmem:$0x12860] =	vst v10  }
0x1a7: {  	[tilespmem:v11+s13+$0x0] =	vst.idx.msk $0xffff, v9  }
0x1a8: {  	v10 =	vld [tilespmem:s0+$0x70];
	_ =	sdelay $0x4  }
0x1a9: {  	v11 =	vshll.u32 v10, $0x7  }
0x1aa: {  	v11 =	vor.u32 v8, v11  }
0x1ab: {  	s28 =	smul.u32 $0xB8000, s29;
	_ =	sdelay $0x1  }
0x1ac: {  	s30 =	sadd.s32 $0x60000, s28  }
0x1ad: {  	s4 =	sshrl.u32 s30, $0x3;
	s0 =	sadd.s32 s5, s0;
	[tilespmem:$0x12870] =	vst v10  }
0x1ae: {  	s4 =	sadd.s32 s4, s0;
	[tilespmem:v11+s13+$0x0] =	vst.idx.msk $0xffff, v9  }
0x1af: {  	[hbm4b:s4+s15] =	stream.strided.scatter [tilespmem:s13], [sflag:$0x9], $0x2800, s16, s15, $0x38;
	[tilespmem:$0x12900] =	vst v63  }
0x1b0: {  	s4 =	sadd.s32 $0xA000, s4  }
0x1b1: {  	[hbm4b:s4+s6] =	stream.linear.scatter [tilespmem:s19], [sflag:$0x9], $0x100, $0x38;
	[tilespmem:$0x12900] =	vst v63  }
0x1b2: {  	_ =	swait.ge [sflag:s23], $0x3000  }
0x1b3: {  	s2 =	sshrl.u32 s28, $0x3;
	[sflag:s23] =	ssyncset.done $0x0  }
0x1b4: {  	s31 =	simm.s32 $0x7000;
	s0 =	sadd.s32 s2, s0;
	[sflag:s23] =	ssyncadd.s32 $0xFFFFD000  }
0x1b5: {  	[hbm4b:s0+s15] =	stream.strided.scatter [tilespmem:s31], [sflag:$0x7], $0x3000, s16, s15, $0x38;
	[tilespmem:$0x12900] =	vst v63  }
.LBB2_12:
.Ltmp9:
0x1b6: {  	(pc) =	sbr.rel @p0 .LBB2_14-.Ltmp9, $1  }
0x1b7: {  	_ =	sdelay $0x3  }
0x1b8: {  	s0 =	sadd.s32 $0x3, s11  }
0x1b9: {  	p0 =	sge.u32 s0, s7  }
0x1ba: {  	s0 =	sshrl.u32 @!p0 s0, $0x5  }
0x1bb: {  	s0 =	sadd.s32 @!p0 s1, s0  }
0x1bc: {  	p1 =	sgt.u32 @!p0 s0, $0x29  }
0x1bd: {  	s2 =	simm.s32 @!p0 $0x1;
	p2 =	sgt.u32 @!p0 s0, $0x2B;
	p1 =	por !p1, p0  }
0x1be: {  	s2 =	simm.s32 @p1 $0x0;
	p1 =	por !p2, p0;
	p2 =	sgt.u32 @!p0 s0, $0x2F  }
0x1bf: {  	s4 =	simm.s32 @!p0 $0x1;
	s24 =	simm.s32 @!p0 $0x1;
	p2 =	por !p2, p0  }
0x1c0: {  	s4 =	simm.s32 @p1 $0x0;
	p1 =	sgt.u32 @!p0 s0, $0x31;
	s24 =	simm.s32 @p2 $0x0  }
0x1c1: {  	s2 =	sadd.s32 @!p0 s4, s2;
	s4 =	simm.s32 @!p0 $0x1;
	p1 =	por !p1, p0  }
0x1c2: {  	s2 =	sadd.s32 @!p0 s24, s2;
	s4 =	simm.s32 @p1 $0x0  }
0x1c3: {  	s2 =	sadd.s32 @!p0 s4, s2  }
0x1c4: {  	s2 =	sshll.u32 @!p0 s2, $0x1  }
0x1c5: {  	s0 =	sadd.s32 @!p0 s0, s2  }
0x1c6: {  	s2 =	smulhi.u32 @!p0 $0x1999999A, s0;
	_ =	sdelay $0x1  }
0x1c7: {  	s4 =	smul.u32 @!p0 $0xA, s2;
	_ =	sdelay $0x1  }
0x1c8: {  	s2 =	smul.u32 @!p0 $0x3C0000, s2;
	s0 =	ssub.s32 @!p0 s0, s4  }
0x1c9: {  	s0 =	smul.u32 @!p0 $0x60000, s0  }
0x1ca: {  	s4 =	simm.s32 @!p0 $0x6  }
0x1cb: {  	_ =	swait.ge @!p0 [sflag:s4], $0x3000;
	s0 =	sadd.s32 @!p0 s0, s2;
	s2 =	sand.u32 @!p0 $0x7400, s8  }
0x1cc: {  	[sflag:s4] =	ssyncset.done @!p0 $0x0;
	s0 =	sor.u32 @!p0 s2, s0  }
0x1cd: {  	s24 =	simm.s32 @!p0 $0x4000;
	[sflag:s4] =	ssyncadd.s32 @!p0 $0xFFFFD000;
	s0 =	sshrl.u32 @!p0 s0, $0x3  }
0x1ce: {  	s4 =	simm.s32 @!p0 $0x8000;
	s2 =	simm.s32 @!p0 $0x400;
	s0 =	sadd.s32 @!p0 s3, s0  }
0x1cf: {  	[tilespmem:s24], [sflag:$0x2] =	stream.strided.gather @!p0 [hbm4b:s0+s2], $0x3000, s4, s2, $0x38;
	[tilespmem:$0x12900] =	vst v63  }
0x1d0: {  	_ =	swait.ge [sflag:s25], $0x2900  }
0x1d1: {  	[sflag:s25] =	ssyncset.done $0x0  }
0x1d2: {  	[sflag:s25] =	ssyncadd.s32 $0xFFFFD700  }
0x1d3: {  	v10 =	vld [tilespmem:$0x12880];
	_ =	sdelay $0x4  }
0x1d4: {  	v10 =	vshll.u32 v10, $0x7  }
0x1d5: {  	v10 =	vor.u32 v0, v10;
	_ =	sdelay $0x4  }
0x1d6: {  	[tilespmem:v10+s14+$0x0] =	vst.idx.msk $0xffff, v1  }
0x1d7: {  	v10 =	vld [tilespmem:$0x12890];
	_ =	sdelay $0x4  }
0x1d8: {  	v10 =	vshll.u32 v10, $0x7  }
0x1d9: {  	v10 =	vor.u32 v2, v10;
	_ =	sdelay $0x4  }
0x1da: {  	[tilespmem:v10+s14+$0x0] =	vst.idx.msk $0xffff, v1  }
0x1db: {  	v10 =	vld [tilespmem:$0x128A0];
	_ =	sdelay $0x4  }
0x1dc: {  	v10 =	vshll.u32 v10, $0x7  }
0x1dd: {  	v10 =	vor.u32 v3, v10;
	_ =	sdelay $0x4  }
0x1de: {  	[tilespmem:v10+s14+$0x0] =	vst.idx.msk $0xffff, v1  }
0x1df: {  	v10 =	vld [tilespmem:$0x128B0];
	_ =	sdelay $0x4  }
0x1e0: {  	v10 =	vshll.u32 v10, $0x7  }
0x1e1: {  	v10 =	vor.u32 v4, v10;
	_ =	sdelay $0x4  }
0x1e2: {  	[tilespmem:v10+s14+$0x0] =	vst.idx.msk $0xffff, v1  }
0x1e3: {  	v10 =	vld [tilespmem:$0x128C0];
	_ =	sdelay $0x4  }
0x1e4: {  	v10 =	vshll.u32 v10, $0x7  }
0x1e5: {  	v10 =	vor.u32 v5, v10;
	_ =	sdelay $0x4  }
0x1e6: {  	[tilespmem:v10+s14+$0x0] =	vst.idx.msk $0xffff, v1  }
0x1e7: {  	v10 =	vld [tilespmem:$0x128D0];
	_ =	sdelay $0x4  }
0x1e8: {  	v10 =	vshll.u32 v10, $0x7  }
0x1e9: {  	v10 =	vor.u32 v6, v10;
	_ =	sdelay $0x4  }
0x1ea: {  	[tilespmem:v10+s14+$0x0] =	vst.idx.msk $0xffff, v1  }
0x1eb: {  	v10 =	vld [tilespmem:$0x128E0];
	_ =	sdelay $0x4  }
0x1ec: {  	v10 =	vshll.u32 v10, $0x7  }
0x1ed: {  	v10 =	vor.u32 v7, v10;
	_ =	sdelay $0x4  }
0x1ee: {  	[tilespmem:v10+s14+$0x0] =	vst.idx.msk $0xffff, v1  }
0x1ef: {  	v10 =	vld [tilespmem:$0x128F0];
	_ =	sdelay $0x4  }
0x1f0: {  	v10 =	vshll.u32 v10, $0x7  }
0x1f1: {  	v10 =	vor.u32 v8, v10;
	_ =	sdelay $0x3  }
0x1f2: {  	s28 =	sadd.s32 $0x180, s10  }
0x1f3: {  	s0 =	sand.u32 $0xF80, s28;
	[tilespmem:v10+s14+$0x0] =	vst.idx.msk $0xffff, v1  }
0x1f4: {  	v10 =	vld [tilespmem:s0+$0x0];
	_ =	sdelay $0x4  }
0x1f5: {  	v11 =	vshll.u32 v10, $0x7  }
0x1f6: {  	v11 =	vor.u32 v0, v11;
	_ =	sdelay $0x3  }
0x1f7: {  	[tilespmem:$0x12880] =	vst v10  }
0x1f8: {  	[tilespmem:v11+s14+$0x0] =	vst.idx.msk $0xffff, v9  }
0x1f9: {  	v10 =	vld [tilespmem:s0+$0x10];
	_ =	sdelay $0x4  }
0x1fa: {  	v11 =	vshll.u32 v10, $0x7  }
0x1fb: {  	v11 =	vor.u32 v2, v11;
	_ =	sdelay $0x3  }
0x1fc: {  	[tilespmem:$0x12890] =	vst v10  }
0x1fd: {  	[tilespmem:v11+s14+$0x0] =	vst.idx.msk $0xffff, v9  }
0x1fe: {  	v10 =	vld [tilespmem:s0+$0x20];
	_ =	sdelay $0x4  }
0x1ff: {  	v11 =	vshll.u32 v10, $0x7  }
0x200: {  	v11 =	vor.u32 v3, v11;
	_ =	sdelay $0x3  }
0x201: {  	[tilespmem:$0x128A0] =	vst v10  }
0x202: {  	[tilespmem:v11+s14+$0x0] =	vst.idx.msk $0xffff, v9  }
0x203: {  	v10 =	vld [tilespmem:s0+$0x30];
	_ =	sdelay $0x4  }
0x204: {  	v11 =	vshll.u32 v10, $0x7  }
0x205: {  	v11 =	vor.u32 v4, v11;
	_ =	sdelay $0x3  }
0x206: {  	[tilespmem:$0x128B0] =	vst v10  }
0x207: {  	[tilespmem:v11+s14+$0x0] =	vst.idx.msk $0xffff, v9  }
0x208: {  	v10 =	vld [tilespmem:s0+$0x40];
	_ =	sdelay $0x4  }
0x209: {  	v11 =	vshll.u32 v10, $0x7  }
0x20a: {  	v11 =	vor.u32 v5, v11;
	_ =	sdelay $0x3  }
0x20b: {  	[tilespmem:$0x128C0] =	vst v10  }
0x20c: {  	[tilespmem:v11+s14+$0x0] =	vst.idx.msk $0xffff, v9  }
0x20d: {  	v10 =	vld [tilespmem:s0+$0x50];
	_ =	sdelay $0x4  }
0x20e: {  	v11 =	vshll.u32 v10, $0x7  }
0x20f: {  	v11 =	vor.u32 v6, v11;
	_ =	sdelay $0x3  }
0x210: {  	[tilespmem:$0x128D0] =	vst v10  }
0x211: {  	[tilespmem:v11+s14+$0x0] =	vst.idx.msk $0xffff, v9  }
0x212: {  	v10 =	vld [tilespmem:s0+$0x60];
	_ =	sdelay $0x4  }
0x213: {  	v11 =	vshll.u32 v10, $0x7  }
0x214: {  	v11 =	vor.u32 v7, v11;
	_ =	sdelay $0x3  }
0x215: {  	[tilespmem:$0x128E0] =	vst v10  }
0x216: {  	[tilespmem:v11+s14+$0x0] =	vst.idx.msk $0xffff, v9  }
0x217: {  	v10 =	vld [tilespmem:s0+$0x70];
	_ =	sdelay $0x4  }
0x218: {  	v11 =	vshll.u32 v10, $0x7  }
0x219: {  	v11 =	vor.u32 v8, v11  }
0x21a: {  	s29 =	smul.u32 $0xB8000, s29;
	_ =	sdelay $0x1  }
0x21b: {  	s30 =	sadd.s32 $0x60000, s29  }
0x21c: {  	s4 =	sshrl.u32 s30, $0x3;
	s0 =	sadd.s32 s5, s0;
	[tilespmem:$0x128F0] =	vst v10  }
0x21d: {  	s4 =	sadd.s32 s4, s0;
	[tilespmem:v11+s14+$0x0] =	vst.idx.msk $0xffff, v9  }
0x21e: {  	[hbm4b:s4+s15] =	stream.strided.scatter [tilespmem:s14], [sflag:$0xA], $0x2800, s16, s15, $0x38;
	[tilespmem:$0x12900] =	vst v63  }
0x21f: {  	s4 =	sadd.s32 $0xA000, s4  }
0x220: {  	[hbm4b:s4+s6] =	stream.linear.scatter [tilespmem:s20], [sflag:$0xA], $0x100, $0x38;
	[tilespmem:$0x12900] =	vst v63  }
.Ltmp10:
0x221: {  	_ = 	snop;
	(pc) =	sbr.rel .LBB2_14-.Ltmp10, $4  }
0x222: {  	_ =	swait.ge [sflag:s26], $0x3000  }
0x223: {  	s2 =	sshrl.u32 s29, $0x3;
	[sflag:s26] =	ssyncset.done $0x0  }
0x224: {  	s31 =	simm.s32 $0xA000;
	s0 =	sadd.s32 s2, s0;
	[sflag:s26] =	ssyncadd.s32 $0xFFFFD000  }
0x225: {  	[hbm4b:s0+s15] =	stream.strided.scatter [tilespmem:s31], [sflag:$0x8], $0x3000, s16, s15, $0x38;
	[tilespmem:$0x12900] =	vst v63  }
.LBB2_16:
0x226: {  	_ =	sfence.sel $0x180000  }
0x227: {  	[bflag:$0x0] =	sbarrier.arrive $0xFFFF  }
0x228: {  	_ =	strace $0x90000047  }
0x229: {  	s0 =	stileid.u32;
	[bflag:$0x2] =	sbarrier.arrive $0xFFFF  }
0x22a: {  	p0 =	sne.s32 s0, $0x0;
	s0 =	rddreg [dreg:$0x3]  }
0x22b: {  	s0 =	sadd.s32 @!p0 $0x100000, s0  }
0x22c: {  	[sflag:s0] =	ssyncadd.tile.s32 @!p0 $0x1;
	_ =	shalt  }
.Lfunc_end2:
_tile_overlayer_lowered:
.L_overlay_start_2:
0x22d: {  	(tag) =	ssettag $0x2  }
0x22e: {  	s0 =	rddreg [dreg:$0x0];
	s2 =	stileid.u32  }
0x22f: {  	s1 =	rddreg [dreg:$0x1];
	p0 =	sne.s32 s2, $0x0  }
0x230: {  	s3 =	rddreg [dreg:$0x2];
	[bflag:$0x3] =	sbarrier.arrive $0xFFFF;
	s2 =	simm.s32 @!p0 $0x1C0B  }
0x231: {  	[timem:s3], [sflag:s2] =	dma.local @!p0 [hbm:s0], s1  }
0x232: {  	s0 =	simm.s32 @!p0 $0xB  }
0x233: {  	_ =	swait.ge @!p0 [sflag:s0], s1  }
0x234: {  	s1 =	ssub.s32 @!p0 $0x0, s1;
	[sflag:s0] =	ssyncset.done @!p0 $0x0  }
0x235: {  	[sflag:s0] =	ssyncadd.s32 @!p0 s1  }
0x236: {  	[bflag:$0x3] =	sbarrier.arrive $0xFFFF  }
0x237: {  	_ =	shalt  }

</sc_bundles>
